<compile_context>
chip_gen: v7x
topology: tpu7x:2x2x1
jax: 0.10.2.dev20260603
libtpu: 0.0.44.dev20260713+nightly
codegen_flags: <defaults>
</compile_context>

<pallas_src>
import functools

import jax
import jax.numpy as jnp
from jax import lax
from jax.experimental import pallas as pl
from jax.experimental.pallas import tpu as pltpu
from jax.experimental.pallas import tpu_sc as plsc

N = 10000
E = 320000
D = 128
H = 128
L = 3
C = 10
G = 64

NC = 2
NS = 16
NW = NC * NS
EPW = E // NW
CH = 80
CB = EPW // CH
NPH = 5
CPP = CB // NPH
NP = 10240
RPS = NP // NS


def _sc_agg_body(x_hbm, ei_hbm, zeros_hbm, out_hbm,
                 idx_v, rows_v, sem0, sem1, agg_sh):
    c = lax.axis_index("c")
    s = lax.axis_index("s")
    w = s * NC + c
    sems = (sem0, sem1)

    def load_phase(ph, parity):
        pltpu.sync_copy(ei_hbm.at[w].at[ph], idx_v.at[parity])

    def gather(parity, cc, buf, sm):
        pltpu.async_copy(x_hbm.at[idx_v.at[parity].at[0].at[cc]],
                         rows_v.at[buf], sm)

    def wait_one(sm):
        pltpu.make_async_copy(x_hbm.at[idx_v.at[0].at[0].at[0]],
                              rows_v.at[0], sm).wait()

    def scatter(parity, cc, buf):
        pltpu.sync_copy(rows_v.at[buf], agg_sh.at[idx_v.at[parity].at[1].at[cc]],
                        add=True)

    load_phase(0, 0)
    pltpu.sync_copy(zeros_hbm, agg_sh.at[pl.ds(s * RPS, RPS)])
    plsc.subcore_barrier()

    gather(0, 0, 0, sems[0])
    gather(0, 1, 1, sems[1])
    for ph in range(NPH):
        pb = ph & 1
        sA = ph & 1
        sB = 1 - sA
        if ph + 1 < NPH:
            load_phase(ph + 1, (ph + 1) & 1)

        def inner(t, carry, pb=pb, sA=sA, sB=sB):
            cc = 2 * t
            wait_one(sems[sA])
            scatter(pb, cc, sA)
            gather(pb, cc + 2, sA, sems[sA])
            wait_one(sems[sB])
            scatter(pb, cc + 1, sB)
            gather(pb, cc + 3, sB, sems[sB])
            return carry

        lax.fori_loop(0, (CPP - 3) // 2, inner, 0)
        npb = (ph + 1) & 1
        wait_one(sems[sA])
        scatter(pb, CPP - 3, sA)
        gather(pb, CPP - 1, sA, sems[sA])
        wait_one(sems[sB])
        scatter(pb, CPP - 2, sB)
        if ph + 1 < NPH:
            gather(npb, 0, sB, sems[sB])
        wait_one(sems[sA])
        scatter(pb, CPP - 1, sA)
        if ph + 1 < NPH:
            gather(npb, 1, sA, sems[sA])

    plsc.subcore_barrier()
    pltpu.sync_copy(agg_sh.at[pl.ds(s * RPS, RPS)], out_hbm.at[c, s])


@functools.cache
def _sc_agg():
    return pl.kernel(
        _sc_agg_body,
        out_type=jax.ShapeDtypeStruct((NC, NS, RPS, D), jnp.float32),
        mesh=plsc.VectorSubcoreMesh(core_axis_name="c", subcore_axis_name="s",
                                    num_cores=NC, num_subcores=NS),
        scratch_types=[
            pltpu.VMEM((2, 2, CPP, CH), jnp.int32),
            pltpu.VMEM((2, CH, D), jnp.float32),
            pltpu.SemaphoreType.DMA,
            pltpu.SemaphoreType.DMA,
            pltpu.VMEM_SHARED((NP, D), jnp.float32),
        ],
    )

NB = 5
BLK = N // NB


def _tc_body(x_ref, agg_ref, bat_ref, w1_ref, b1_ref, w2_ref, b2_ref,
             l1w_ref, l1b_ref, l2w_ref, l2b_ref, emb_ref, z_ref, acc_ref):
    i = pl.program_id(0)

    @pl.when(i == 0)
    def _init():
        acc_ref[...] = jnp.zeros_like(acc_ref)

    h = x_ref[...] + agg_ref[0] + agg_ref[1]
    gids = lax.broadcasted_iota(jnp.int32, (BLK, G), 1).astype(jnp.float32)
    onehot = (bat_ref[...] == gids).astype(jnp.float32)
    for l in range(L):
        t = jnp.dot(h, w1_ref[l], preferred_element_type=jnp.float32)
        t = jnp.maximum(t + b1_ref[l, 0], 0.0)
        e = jnp.dot(t, w2_ref[l], preferred_element_type=jnp.float32)
        e = jnp.maximum(e + b2_ref[l, 0], 0.0)
        if l == L - 1:
            emb_ref[...] = e
        pooled = lax.dot_general(onehot, e, (((0,), (0,)), ((), ())),
                                 preferred_element_type=jnp.float32)
        acc_ref[:, l * H:(l + 1) * H] += pooled

    @pl.when(i == NB - 1)
    def _head():
        hc = acc_ref[...]
        zz = jnp.dot(hc, l1w_ref[...], preferred_element_type=jnp.float32)
        zz = jnp.maximum(zz + l1b_ref[0], 0.0)
        lg = jnp.dot(zz, l2w_ref[...], preferred_element_type=jnp.float32)
        lg = lg + l2b_ref[0]
        mx = jnp.max(lg, axis=1, keepdims=True)
        lse = jnp.log(jnp.sum(jnp.exp(lg - mx), axis=1, keepdims=True)) + mx
        z_ref[...] = lg - lse


_tc_call = pl.pallas_call(
    _tc_body,
    grid=(NB,),
    in_specs=[
        pl.BlockSpec((BLK, D), lambda i: (i, 0)),
        pl.BlockSpec((NC, BLK, D), lambda i: (0, i, 0)),
        pl.BlockSpec((BLK, 1), lambda i: (i, 0)),
        pl.BlockSpec((L, D, H), lambda i: (0, 0, 0)),
        pl.BlockSpec((L, 8, H), lambda i: (0, 0, 0)),
        pl.BlockSpec((L, H, H), lambda i: (0, 0, 0)),
        pl.BlockSpec((L, 8, H), lambda i: (0, 0, 0)),
        pl.BlockSpec((L * H, L * H), lambda i: (0, 0)),
        pl.BlockSpec((8, L * H), lambda i: (0, 0)),
        pl.BlockSpec((L * H, C), lambda i: (0, 0)),
        pl.BlockSpec((8, C), lambda i: (0, 0)),
    ],
    out_specs=[
        pl.BlockSpec((BLK, D), lambda i: (i, 0)),
        pl.BlockSpec((G, C), lambda i: (0, 0)),
    ],
    out_shape=[
        jax.ShapeDtypeStruct((N, D), jnp.float32),
        jax.ShapeDtypeStruct((G, C), jnp.float32),
    ],
    scratch_shapes=[pltpu.VMEM((G, L * H), jnp.float32)],
    compiler_params=pltpu.CompilerParams(
        dimension_semantics=("arbitrary",)),
)


def _pad8(v2d):
    return jnp.zeros((8, v2d.shape[1]), v2d.dtype).at[0].set(v2d[0])


def kernel(x, edge_index, batch, params):
    ei = edge_index.reshape(2, NW, NPH, CPP, CH).transpose(1, 2, 0, 3, 4)
    zeros = jnp.zeros((RPS, D), jnp.float32)
    aggs = _sc_agg()(x, ei, zeros).reshape(NC, NP, D)

    w1s, b1s, w2s, b2s = [], [], [], []
    for p in params["layers"]:
        scale = p["bn_gamma"] * lax.rsqrt(p["bn_var"] + 1e-5)
        w1s.append(p["w1"] * scale[None, :])
        b1s.append((p["b1"] - p["bn_mean"]) * scale + p["bn_beta"])
        w2s.append(p["w2"])
        b2s.append(p["b2"])
    w1 = jnp.stack(w1s)
    b1 = jnp.stack([jnp.zeros((8, H), jnp.float32).at[0].set(b) for b in b1s])
    w2 = jnp.stack(w2s)
    b2 = jnp.stack([jnp.zeros((8, H), jnp.float32).at[0].set(b) for b in b2s])
    l1b = _pad8(params["lin1_b"][None, :])
    l2b = _pad8(params["lin2_b"][None, :])
    batf = batch.astype(jnp.float32).reshape(N, 1)

    emb, z = _tc_call(x, aggs, batf, w1, b1, w2, b2,
                      params["lin1_w"], l1b, params["lin2_w"], l2b)
    return (emb, z)

# --- scband reference (transcript-rebuilt; emitter-appended) ---
"""Pipeline reference for scband-ginmodel-20547123544327 (READ-ONLY COPY).

The authoritative reference and input builder live on the scoring server;
editing this copy changes nothing except your own understanding.
"""

import jax, jax.numpy as jnp
import numpy as np

N = 10000
E = 320000
D = 128
H = 128
L = 3
C = 10
G = 64


def _layer_params(key):
    k1, k2, k3, k4 = jax.random.split(key, 4)
    return {
        "w1": jax.random.normal(k1, (D, H), dtype=jnp.float32) * 0.05,
        "b1": jnp.zeros((H,), dtype=jnp.float32),
        "bn_gamma": jnp.ones((H,), dtype=jnp.float32),
        "bn_beta": jnp.zeros((H,), dtype=jnp.float32),
        "bn_mean": jnp.zeros((H,), dtype=jnp.float32),
        "bn_var": jnp.ones((H,), dtype=jnp.float32),
        "w2": jax.random.normal(k2, (H, H), dtype=jnp.float32) * 0.05,
        "b2": jnp.zeros((H,), dtype=jnp.float32),
    }


def setup_inputs(seed: int = 0) -> dict:
    key = jax.random.key(seed)
    ks = jax.random.split(key, 8)
    x = jax.random.normal(ks[0], (N, D), dtype=jnp.float32)
    edge_index = jax.random.randint(ks[1], (2, E), 0, N, dtype=jnp.int32)
    batch = jnp.sort(jax.random.randint(ks[2], (N,), 0, G, dtype=jnp.int32))
    lkeys = jax.random.split(ks[3], L)
    params = {
        "layers": [_layer_params(lkeys[i]) for i in range(L)],
        "lin1_w": jax.random.normal(ks[4], (H * L, H * L), dtype=jnp.float32) * 0.05,
        "lin1_b": jnp.zeros((H * L,), dtype=jnp.float32),
        "lin2_w": jax.random.normal(ks[5], (H * L, C), dtype=jnp.float32) * 0.05,
        "lin2_b": jnp.zeros((C,), dtype=jnp.float32),
    }
    return {"x": x, "edge_index": edge_index, "batch": batch, "params": params}


def _gin_layer(x, agg, p):
    # GINConv with eps=0: nn((1+eps)*x + sum_{j in N(i)} x_j)
    h = x + agg
    h = h @ p["w1"] + p["b1"]
    # BatchNorm1d in eval mode (running stats)
    h = (h - p["bn_mean"]) / jnp.sqrt(p["bn_var"] + 1e-5) * p["bn_gamma"] + p["bn_beta"]
    h = jax.nn.relu(h)
    h = h @ p["w2"] + p["b2"]
    h = jax.nn.relu(h)
    return h


def reference(x, edge_index, batch, params):
    src = edge_index[0]
    dst = edge_index[1]
    # message passing: scatter-add source features into destination nodes
    agg = jax.ops.segment_sum(x[src], dst, num_segments=N)
    node_embeddings = [_gin_layer(x, agg, p) for p in params["layers"]]
    # global_add_pool per graph
    pooled = [jax.ops.segment_sum(e, batch, num_segments=G) for e in node_embeddings]
    h = jnp.concatenate(pooled, axis=1)
    z = h @ params["lin1_w"] + params["lin1_b"]
    z = jax.nn.relu(z)
    # dropout p=0.2 is identity in eval mode
    z = z @ params["lin2_w"] + params["lin2_b"]
    z = jax.nn.log_softmax(z, axis=1)
    return (node_embeddings[-1], z)

if __name__ == "__main__":
    import jax
    _d = setup_inputs()
    print(jax.jit(kernel)(*tuple(_d.values())))

</pallas_src>

<mosaic_0001>
#map = affine_map<(d0, d1) -> (0, 0)>
#map1 = affine_map<(d0, d1) -> (0, 0, 0, 0, 0)>
#map2 = affine_map<(d0, d1) -> (0, 0, 0, 0)>
module attributes {stable_mosaic.version = 14 : i64} {
  func.func @_sc_agg_body(%arg0: i32, %arg1: i32, %arg2: memref<10000x128xf32, #tpu.memory_space<hbm>>, %arg3: memref<32x5x2x25x80xi32, #tpu.memory_space<hbm>>, %arg4: memref<640x128xf32, #tpu.memory_space<hbm>>, %arg5: memref<2x16x640x128xf32, #tpu.memory_space<hbm>>, %arg6: memref<2x2x25x80xi32, #tpu.memory_space<vmem>>, %arg7: memref<2x80x128xf32, #tpu.memory_space<vmem>>, %arg8: memref<!tpu.dma_semaphore, #tpu.memory_space<semaphore_mem>>, %arg9: memref<!tpu.dma_semaphore, #tpu.memory_space<semaphore_mem>>, %arg10: memref<10240x128xf32, #tpu.memory_space<vmem_shared>>) attributes {dimension_semantics = [#tpu.dimension_semantics<core_parallel>, #tpu.dimension_semantics<subcore_parallel>], iteration_bounds = array<i64: 2, 16>, scalar_prefetch = 0 : i64, scratch_operands = 5 : i64, tpu.core_type = #tpu.core_type<sc_vector_subcore>, window_params = [{transform_indices = #map}, {transform_indices = #map1}, {transform_indices = #map}, {transform_indices = #map2}]} {
    %mul3A = arith.constant 2 : i32
    %mul3A_0 = arith.muli %arg1, %mul3A : i32
    %add3A = arith.addi %mul3A_0, %arg0 : i32
    %run_scoped3A = arith.constant 0 : i32
    %run_scoped3A_1 = arith.constant 0 : i32
    "tpu.region"() ({
      %run_scoped3A_792 = tpu.sem_alloc : memref<!tpu.dma_semaphore, #tpu.memory_space<semaphore_mem>>
      %dma_start3A_793 = arith.constant 0 : i32
      %dma_start3A_794 = arith.constant 0 : i32
      %dma_start3A_795 = arith.constant 0 : i32
      %dma_start3A_796 = tpu.memref_slice %arg6[%run_scoped3A_1, %dma_start3A_793, %dma_start3A_794, %dma_start3A_795] : memref<2x2x25x80xi32, #tpu.memory_space<vmem>> -> memref<1x2x25x80xi32, #tpu.memory_space<vmem>>
      %dma_start3A_797 = tpu.memref_squeeze %dma_start3A_796 : memref<1x2x25x80xi32, #tpu.memory_space<vmem>> -> memref<2x25x80xi32, #tpu.memory_space<vmem>>
      %dma_start3A_798 = arith.constant 0 : i32
      %dma_start3A_799 = arith.constant 0 : i32
      %dma_start3A_800 = arith.constant 0 : i32
      %dma_start3A_801 = arith.constant 0 : i32
      %dma_start3A_802 = tpu.memref_slice %arg3[%add3A, %dma_start3A_798, %dma_start3A_799, %dma_start3A_800, %dma_start3A_801] : memref<32x5x2x25x80xi32, #tpu.memory_space<hbm>> -> memref<1x5x2x25x80xi32, #tpu.memory_space<hbm>>
      %dma_start3A_803 = tpu.memref_squeeze %dma_start3A_802 : memref<1x5x2x25x80xi32, #tpu.memory_space<hbm>> -> memref<5x2x25x80xi32, #tpu.memory_space<hbm>>
      %dma_start3A_804 = arith.constant 0 : i32
      %dma_start3A_805 = arith.constant 0 : i32
      %dma_start3A_806 = arith.constant 0 : i32
      %dma_start3A_807 = tpu.memref_slice %dma_start3A_803[%run_scoped3A, %dma_start3A_804, %dma_start3A_805, %dma_start3A_806] : memref<5x2x25x80xi32, #tpu.memory_space<hbm>> -> memref<1x2x25x80xi32, #tpu.memory_space<hbm>>
      %dma_start3A_808 = tpu.memref_squeeze %dma_start3A_807 : memref<1x2x25x80xi32, #tpu.memory_space<hbm>> -> memref<2x25x80xi32, #tpu.memory_space<hbm>>
      %dma_start3A_809 = arith.constant 0 : i32
      %dma_start3A_810 = arith.constant 0 : i32
      %dma_start3A_811 = arith.constant 0 : i32
      %dma_start3A_812 = tpu.memref_slice %arg6[%run_scoped3A_1, %dma_start3A_809, %dma_start3A_810, %dma_start3A_811] : memref<2x2x25x80xi32, #tpu.memory_space<vmem>> -> memref<1x2x25x80xi32, #tpu.memory_space<vmem>>
      %dma_start3A_813 = tpu.memref_squeeze %dma_start3A_812 : memref<1x2x25x80xi32, #tpu.memory_space<vmem>> -> memref<2x25x80xi32, #tpu.memory_space<vmem>>
      %dma_start3A_814 = arith.constant 0 : i32
      %dma_start3A_815 = arith.constant 0 : i32
      %dma_start3A_816 = arith.constant 0 : i32
      %dma_start3A_817 = arith.constant 0 : i32
      %dma_start3A_818 = tpu.memref_slice %arg3[%add3A, %dma_start3A_814, %dma_start3A_815, %dma_start3A_816, %dma_start3A_817] : memref<32x5x2x25x80xi32, #tpu.memory_space<hbm>> -> memref<1x5x2x25x80xi32, #tpu.memory_space<hbm>>
      %dma_start3A_819 = tpu.memref_squeeze %dma_start3A_818 : memref<1x5x2x25x80xi32, #tpu.memory_space<hbm>> -> memref<5x2x25x80xi32, #tpu.memory_space<hbm>>
      %dma_start3A_820 = arith.constant 0 : i32
      %dma_start3A_821 = arith.constant 0 : i32
      %dma_start3A_822 = arith.constant 0 : i32
      %dma_start3A_823 = tpu.memref_slice %dma_start3A_819[%run_scoped3A, %dma_start3A_820, %dma_start3A_821, %dma_start3A_822] : memref<5x2x25x80xi32, #tpu.memory_space<hbm>> -> memref<1x2x25x80xi32, #tpu.memory_space<hbm>>
      %dma_start3A_824 = tpu.memref_squeeze %dma_start3A_823 : memref<1x2x25x80xi32, #tpu.memory_space<hbm>> -> memref<2x25x80xi32, #tpu.memory_space<hbm>>
      tpu.enqueue_dma source(%dma_start3A_824 : memref<2x25x80xi32, #tpu.memory_space<hbm>>) target(%dma_start3A_813 : memref<2x25x80xi32, #tpu.memory_space<vmem>>) target_semaphore(%run_scoped3A_792 : memref<!tpu.dma_semaphore, #tpu.memory_space<semaphore_mem>>)
      %dma_wait3A_825 = arith.constant 0 : i32
      %dma_wait3A_826 = arith.constant 0 : i32
      %dma_wait3A_827 = arith.constant 0 : i32
      %dma_wait3A_828 = tpu.memref_slice %arg6[%run_scoped3A_1, %dma_wait3A_825, %dma_wait3A_826, %dma_wait3A_827] : memref<2x2x25x80xi32, #tpu.memory_space<vmem>> -> memref<1x2x25x80xi32, #tpu.memory_space<vmem>>
      %dma_wait3A_829 = tpu.memref_squeeze %dma_wait3A_828 : memref<1x2x25x80xi32, #tpu.memory_space<vmem>> -> memref<2x25x80xi32, #tpu.memory_space<vmem>>
      %dma_wait3A_830 = arith.constant 0 : i32
      %dma_wait3A_831 = arith.constant 0 : i32
      %dma_wait3A_832 = arith.constant 0 : i32
      %dma_wait3A_833 = arith.constant 0 : i32
      %dma_wait3A_834 = tpu.memref_slice %arg3[%add3A, %dma_wait3A_830, %dma_wait3A_831, %dma_wait3A_832, %dma_wait3A_833] : memref<32x5x2x25x80xi32, #tpu.memory_space<hbm>> -> memref<1x5x2x25x80xi32, #tpu.memory_space<hbm>>
      %dma_wait3A_835 = tpu.memref_squeeze %dma_wait3A_834 : memref<1x5x2x25x80xi32, #tpu.memory_space<hbm>> -> memref<5x2x25x80xi32, #tpu.memory_space<hbm>>
      %dma_wait3A_836 = arith.constant 0 : i32
      %dma_wait3A_837 = arith.constant 0 : i32
      %dma_wait3A_838 = arith.constant 0 : i32
      %dma_wait3A_839 = tpu.memref_slice %dma_wait3A_835[%run_scoped3A, %dma_wait3A_836, %dma_wait3A_837, %dma_wait3A_838] : memref<5x2x25x80xi32, #tpu.memory_space<hbm>> -> memref<1x2x25x80xi32, #tpu.memory_space<hbm>>
      %dma_wait3A_840 = tpu.memref_squeeze %dma_wait3A_839 : memref<1x2x25x80xi32, #tpu.memory_space<hbm>> -> memref<2x25x80xi32, #tpu.memory_space<hbm>>
      %dma_wait3A_841 = arith.constant 0 : i32
      %dma_wait3A_842 = arith.constant 0 : i32
      %dma_wait3A_843 = arith.constant 0 : i32
      %dma_wait3A_844 = tpu.memref_slice %arg6[%run_scoped3A_1, %dma_wait3A_841, %dma_wait3A_842, %dma_wait3A_843] : memref<2x2x25x80xi32, #tpu.memory_space<vmem>> -> memref<1x2x25x80xi32, #tpu.memory_space<vmem>>
      %dma_wait3A_845 = tpu.memref_squeeze %dma_wait3A_844 : memref<1x2x25x80xi32, #tpu.memory_space<vmem>> -> memref<2x25x80xi32, #tpu.memory_space<vmem>>
      %dma_wait3A_846 = arith.constant 0 : i32
      %dma_wait3A_847 = arith.constant 0 : i32
      %dma_wait3A_848 = arith.constant 0 : i32
      %dma_wait3A_849 = arith.constant 0 : i32
      %dma_wait3A_850 = tpu.memref_slice %arg3[%add3A, %dma_wait3A_846, %dma_wait3A_847, %dma_wait3A_848, %dma_wait3A_849] : memref<32x5x2x25x80xi32, #tpu.memory_space<hbm>> -> memref<1x5x2x25x80xi32, #tpu.memory_space<hbm>>
      %dma_wait3A_851 = tpu.memref_squeeze %dma_wait3A_850 : memref<1x5x2x25x80xi32, #tpu.memory_space<hbm>> -> memref<5x2x25x80xi32, #tpu.memory_space<hbm>>
      %dma_wait3A_852 = arith.constant 0 : i32
      %dma_wait3A_853 = arith.constant 0 : i32
      %dma_wait3A_854 = arith.constant 0 : i32
      %dma_wait3A_855 = tpu.memref_slice %dma_wait3A_851[%run_scoped3A, %dma_wait3A_852, %dma_wait3A_853, %dma_wait3A_854] : memref<5x2x25x80xi32, #tpu.memory_space<hbm>> -> memref<1x2x25x80xi32, #tpu.memory_space<hbm>>
      %dma_wait3A_856 = tpu.memref_squeeze %dma_wait3A_855 : memref<1x2x25x80xi32, #tpu.memory_space<hbm>> -> memref<2x25x80xi32, #tpu.memory_space<hbm>>
      tpu.wait_dma2 semaphore(%run_scoped3A_792 : memref<!tpu.dma_semaphore, #tpu.memory_space<semaphore_mem>>) src(%dma_wait3A_856 : memref<2x25x80xi32, #tpu.memory_space<hbm>>) dst(%dma_wait3A_845 : memref<2x25x80xi32, #tpu.memory_space<vmem>>)
      tpu.yield
    }) : () -> ()
    %mul3A_2 = arith.constant 640 : i32
    %mul3A_3 = arith.muli %arg1, %mul3A_2 : i32
    "tpu.region"() ({
      %run_scoped3A_792 = tpu.sem_alloc : memref<!tpu.dma_semaphore, #tpu.memory_space<semaphore_mem>>
      %dma_start3A_793 = arith.constant 0 : i32
      %dma_start3A_794 = tpu.memref_slice %arg10[%mul3A_3, %dma_start3A_793] : memref<10240x128xf32, #tpu.memory_space<vmem_shared>> -> memref<640x128xf32, #tpu.memory_space<vmem_shared>>
      tpu.enqueue_dma source(%arg4 : memref<640x128xf32, #tpu.memory_space<hbm>>) target(%dma_start3A_794 : memref<640x128xf32, #tpu.memory_space<vmem_shared>>) target_semaphore(%run_scoped3A_792 : memref<!tpu.dma_semaphore, #tpu.memory_space<semaphore_mem>>)
      %dma_wait3A_795 = arith.constant 0 : i32
      %dma_wait3A_796 = tpu.memref_slice %arg10[%mul3A_3, %dma_wait3A_795] : memref<10240x128xf32, #tpu.memory_space<vmem_shared>> -> memref<640x128xf32, #tpu.memory_space<vmem_shared>>
      tpu.wait_dma2 semaphore(%run_scoped3A_792 : memref<!tpu.dma_semaphore, #tpu.memory_space<semaphore_mem>>) src(%arg4 : memref<640x128xf32, #tpu.memory_space<hbm>>) dst(%dma_wait3A_796 : memref<640x128xf32, #tpu.memory_space<vmem_shared>>)
      tpu.yield
    }) : () -> ()
    %barrier3A = arith.constant 0 : index
    tpu.barrier barrier_id(%barrier3A)
    %dma_start3A = arith.constant 0 : i32
    %dma_start3A_4 = arith.constant 0 : i32
    %dma_start3A_5 = arith.constant 0 : i32
    %dma_start3A_6 = arith.constant 0 : i32
    %dma_start3A_7 = arith.constant 0 : i32
    %dma_start3A_8 = arith.constant 0 : i32
    %dma_start3A_9 = tpu.memref_slice %arg7[%dma_start3A_6, %dma_start3A_7, %dma_start3A_8] : memref<2x80x128xf32, #tpu.memory_space<vmem>> -> memref<1x80x128xf32, #tpu.memory_space<vmem>>
    %dma_start3A_10 = tpu.memref_squeeze %dma_start3A_9 : memref<1x80x128xf32, #tpu.memory_space<vmem>> -> memref<80x128xf32, #tpu.memory_space<vmem>>
    %dma_start3A_11 = arith.constant 0 : i32
    %dma_start3A_12 = arith.constant 0 : i32
    %dma_start3A_13 = arith.constant 0 : i32
    %dma_start3A_14 = tpu.memref_slice %arg6[%dma_start3A, %dma_start3A_11, %dma_start3A_12, %dma_start3A_13] : memref<2x2x25x80xi32, #tpu.memory_space<vmem>> -> memref<1x2x25x80xi32, #tpu.memory_space<vmem>>
    %dma_start3A_15 = tpu.memref_squeeze %dma_start3A_14 : memref<1x2x25x80xi32, #tpu.memory_space<vmem>> -> memref<2x25x80xi32, #tpu.memory_space<vmem>>
    %dma_start3A_16 = arith.constant 0 : i32
    %dma_start3A_17 = arith.constant 0 : i32
    %dma_start3A_18 = tpu.memref_slice %dma_start3A_15[%dma_start3A_4, %dma_start3A_16, %dma_start3A_17] : memref<2x25x80xi32, #tpu.memory_space<vmem>> -> memref<1x25x80xi32, #tpu.memory_space<vmem>>
    %dma_start3A_19 = tpu.memref_squeeze %dma_start3A_18 : memref<1x25x80xi32, #tpu.memory_space<vmem>> -> memref<25x80xi32, #tpu.memory_space<vmem>>
    %dma_start3A_20 = arith.constant 0 : i32
    %dma_start3A_21 = tpu.memref_slice %dma_start3A_19[%dma_start3A_5, %dma_start3A_20] : memref<25x80xi32, #tpu.memory_space<vmem>> -> memref<1x80xi32, #tpu.memory_space<vmem>>
    %dma_start3A_22 = tpu.memref_squeeze %dma_start3A_21 : memref<1x80xi32, #tpu.memory_space<vmem>> -> memref<80xi32, #tpu.memory_space<vmem>>
    %dma_start3A_23 = arith.constant 0 : i32
    %dma_start3A_24 = arith.constant 0 : i32
    %dma_start3A_25 = tpu.memref_slice %arg2[%dma_start3A_23, %dma_start3A_24] : memref<10000x128xf32, #tpu.memory_space<hbm>> -> memref<10000x128xf32, #tpu.memory_space<hbm>>
    tpu.enqueue_indirect_dma source(%dma_start3A_25 : memref<10000x128xf32, #tpu.memory_space<hbm>>) target(%dma_start3A_10 : memref<80x128xf32, #tpu.memory_space<vmem>>) offsets(%dma_start3A_22 : memref<80xi32, #tpu.memory_space<vmem>>) semaphore(%arg8 : memref<!tpu.dma_semaphore, #tpu.memory_space<semaphore_mem>>)
    %dma_start3A_26 = arith.constant 0 : i32
    %dma_start3A_27 = arith.constant 0 : i32
    %dma_start3A_28 = arith.constant 1 : i32
    %dma_start3A_29 = arith.constant 1 : i32
    %dma_start3A_30 = arith.constant 0 : i32
    %dma_start3A_31 = arith.constant 0 : i32
    %dma_start3A_32 = tpu.memref_slice %arg7[%dma_start3A_29, %dma_start3A_30, %dma_start3A_31] : memref<2x80x128xf32, #tpu.memory_space<vmem>> -> memref<1x80x128xf32, #tpu.memory_space<vmem>>
    %dma_start3A_33 = tpu.memref_squeeze %dma_start3A_32 : memref<1x80x128xf32, #tpu.memory_space<vmem>> -> memref<80x128xf32, #tpu.memory_space<vmem>>
    %dma_start3A_34 = arith.constant 0 : i32
    %dma_start3A_35 = arith.constant 0 : i32
    %dma_start3A_36 = arith.constant 0 : i32
    %dma_start3A_37 = tpu.memref_slice %arg6[%dma_start3A_26, %dma_start3A_34, %dma_start3A_35, %dma_start3A_36] : memref<2x2x25x80xi32, #tpu.memory_space<vmem>> -> memref<1x2x25x80xi32, #tpu.memory_space<vmem>>
    %dma_start3A_38 = tpu.memref_squeeze %dma_start3A_37 : memref<1x2x25x80xi32, #tpu.memory_space<vmem>> -> memref<2x25x80xi32, #tpu.memory_space<vmem>>
    %dma_start3A_39 = arith.constant 0 : i32
    %dma_start3A_40 = arith.constant 0 : i32
    %dma_start3A_41 = tpu.memref_slice %dma_start3A_38[%dma_start3A_27, %dma_start3A_39, %dma_start3A_40] : memref<2x25x80xi32, #tpu.memory_space<vmem>> -> memref<1x25x80xi32, #tpu.memory_space<vmem>>
    %dma_start3A_42 = tpu.memref_squeeze %dma_start3A_41 : memref<1x25x80xi32, #tpu.memory_space<vmem>> -> memref<25x80xi32, #tpu.memory_space<vmem>>
    %dma_start3A_43 = arith.constant 0 : i32
    %dma_start3A_44 = tpu.memref_slice %dma_start3A_42[%dma_start3A_28, %dma_start3A_43] : memref<25x80xi32, #tpu.memory_space<vmem>> -> memref<1x80xi32, #tpu.memory_space<vmem>>
    %dma_start3A_45 = tpu.memref_squeeze %dma_start3A_44 : memref<1x80xi32, #tpu.memory_space<vmem>> -> memref<80xi32, #tpu.memory_space<vmem>>
    %dma_start3A_46 = arith.constant 0 : i32
    %dma_start3A_47 = arith.constant 0 : i32
    %dma_start3A_48 = tpu.memref_slice %arg2[%dma_start3A_46, %dma_start3A_47] : memref<10000x128xf32, #tpu.memory_space<hbm>> -> memref<10000x128xf32, #tpu.memory_space<hbm>>
    tpu.enqueue_indirect_dma source(%dma_start3A_48 : memref<10000x128xf32, #tpu.memory_space<hbm>>) target(%dma_start3A_33 : memref<80x128xf32, #tpu.memory_space<vmem>>) offsets(%dma_start3A_45 : memref<80xi32, #tpu.memory_space<vmem>>) semaphore(%arg9 : memref<!tpu.dma_semaphore, #tpu.memory_space<semaphore_mem>>)
    %run_scoped3A_49 = arith.constant 1 : i32
    %run_scoped3A_50 = arith.constant 1 : i32
    "tpu.region"() ({
      %run_scoped3A_792 = tpu.sem_alloc : memref<!tpu.dma_semaphore, #tpu.memory_space<semaphore_mem>>
      %dma_start3A_793 = arith.constant 0 : i32
      %dma_start3A_794 = arith.constant 0 : i32
      %dma_start3A_795 = arith.constant 0 : i32
      %dma_start3A_796 = tpu.memref_slice %arg6[%run_scoped3A_50, %dma_start3A_793, %dma_start3A_794, %dma_start3A_795] : memref<2x2x25x80xi32, #tpu.memory_space<vmem>> -> memref<1x2x25x80xi32, #tpu.memory_space<vmem>>
      %dma_start3A_797 = tpu.memref_squeeze %dma_start3A_796 : memref<1x2x25x80xi32, #tpu.memory_space<vmem>> -> memref<2x25x80xi32, #tpu.memory_space<vmem>>
      %dma_start3A_798 = arith.constant 0 : i32
      %dma_start3A_799 = arith.constant 0 : i32
      %dma_start3A_800 = arith.constant 0 : i32
      %dma_start3A_801 = arith.constant 0 : i32
      %dma_start3A_802 = tpu.memref_slice %arg3[%add3A, %dma_start3A_798, %dma_start3A_799, %dma_start3A_800, %dma_start3A_801] : memref<32x5x2x25x80xi32, #tpu.memory_space<hbm>> -> memref<1x5x2x25x80xi32, #tpu.memory_space<hbm>>
      %dma_start3A_803 = tpu.memref_squeeze %dma_start3A_802 : memref<1x5x2x25x80xi32, #tpu.memory_space<hbm>> -> memref<5x2x25x80xi32, #tpu.memory_space<hbm>>
      %dma_start3A_804 = arith.constant 0 : i32
      %dma_start3A_805 = arith.constant 0 : i32
      %dma_start3A_806 = arith.constant 0 : i32
      %dma_start3A_807 = tpu.memref_slice %dma_start3A_803[%run_scoped3A_49, %dma_start3A_804, %dma_start3A_805, %dma_start3A_806] : memref<5x2x25x80xi32, #tpu.memory_space<hbm>> -> memref<1x2x25x80xi32, #tpu.memory_space<hbm>>
      %dma_start3A_808 = tpu.memref_squeeze %dma_start3A_807 : memref<1x2x25x80xi32, #tpu.memory_space<hbm>> -> memref<2x25x80xi32, #tpu.memory_space<hbm>>
      %dma_start3A_809 = arith.constant 0 : i32
      %dma_start3A_810 = arith.constant 0 : i32
      %dma_start3A_811 = arith.constant 0 : i32
      %dma_start3A_812 = tpu.memref_slice %arg6[%run_scoped3A_50, %dma_start3A_809, %dma_start3A_810, %dma_start3A_811] : memref<2x2x25x80xi32, #tpu.memory_space<vmem>> -> memref<1x2x25x80xi32, #tpu.memory_space<vmem>>
      %dma_start3A_813 = tpu.memref_squeeze %dma_start3A_812 : memref<1x2x25x80xi32, #tpu.memory_space<vmem>> -> memref<2x25x80xi32, #tpu.memory_space<vmem>>
      %dma_start3A_814 = arith.constant 0 : i32
      %dma_start3A_815 = arith.constant 0 : i32
      %dma_start3A_816 = arith.constant 0 : i32
      %dma_start3A_817 = arith.constant 0 : i32
      %dma_start3A_818 = tpu.memref_slice %arg3[%add3A, %dma_start3A_814, %dma_start3A_815, %dma_start3A_816, %dma_start3A_817] : memref<32x5x2x25x80xi32, #tpu.memory_space<hbm>> -> memref<1x5x2x25x80xi32, #tpu.memory_space<hbm>>
      %dma_start3A_819 = tpu.memref_squeeze %dma_start3A_818 : memref<1x5x2x25x80xi32, #tpu.memory_space<hbm>> -> memref<5x2x25x80xi32, #tpu.memory_space<hbm>>
      %dma_start3A_820 = arith.constant 0 : i32
      %dma_start3A_821 = arith.constant 0 : i32
      %dma_start3A_822 = arith.constant 0 : i32
      %dma_start3A_823 = tpu.memref_slice %dma_start3A_819[%run_scoped3A_49, %dma_start3A_820, %dma_start3A_821, %dma_start3A_822] : memref<5x2x25x80xi32, #tpu.memory_space<hbm>> -> memref<1x2x25x80xi32, #tpu.memory_space<hbm>>
      %dma_start3A_824 = tpu.memref_squeeze %dma_start3A_823 : memref<1x2x25x80xi32, #tpu.memory_space<hbm>> -> memref<2x25x80xi32, #tpu.memory_space<hbm>>
      tpu.enqueue_dma source(%dma_start3A_824 : memref<2x25x80xi32, #tpu.memory_space<hbm>>) target(%dma_start3A_813 : memref<2x25x80xi32, #tpu.memory_space<vmem>>) target_semaphore(%run_scoped3A_792 : memref<!tpu.dma_semaphore, #tpu.memory_space<semaphore_mem>>)
      %dma_wait3A_825 = arith.constant 0 : i32
      %dma_wait3A_826 = arith.constant 0 : i32
      %dma_wait3A_827 = arith.constant 0 : i32
      %dma_wait3A_828 = tpu.memref_slice %arg6[%run_scoped3A_50, %dma_wait3A_825, %dma_wait3A_826, %dma_wait3A_827] : memref<2x2x25x80xi32, #tpu.memory_space<vmem>> -> memref<1x2x25x80xi32, #tpu.memory_space<vmem>>
      %dma_wait3A_829 = tpu.memref_squeeze %dma_wait3A_828 : memref<1x2x25x80xi32, #tpu.memory_space<vmem>> -> memref<2x25x80xi32, #tpu.memory_space<vmem>>
      %dma_wait3A_830 = arith.constant 0 : i32
      %dma_wait3A_831 = arith.constant 0 : i32
      %dma_wait3A_832 = arith.constant 0 : i32
      %dma_wait3A_833 = arith.constant 0 : i32
      %dma_wait3A_834 = tpu.memref_slice %arg3[%add3A, %dma_wait3A_830, %dma_wait3A_831, %dma_wait3A_832, %dma_wait3A_833] : memref<32x5x2x25x80xi32, #tpu.memory_space<hbm>> -> memref<1x5x2x25x80xi32, #tpu.memory_space<hbm>>
      %dma_wait3A_835 = tpu.memref_squeeze %dma_wait3A_834 : memref<1x5x2x25x80xi32, #tpu.memory_space<hbm>> -> memref<5x2x25x80xi32, #tpu.memory_space<hbm>>
      %dma_wait3A_836 = arith.constant 0 : i32
      %dma_wait3A_837 = arith.constant 0 : i32
      %dma_wait3A_838 = arith.constant 0 : i32
      %dma_wait3A_839 = tpu.memref_slice %dma_wait3A_835[%run_scoped3A_49, %dma_wait3A_836, %dma_wait3A_837, %dma_wait3A_838] : memref<5x2x25x80xi32, #tpu.memory_space<hbm>> -> memref<1x2x25x80xi32, #tpu.memory_space<hbm>>
      %dma_wait3A_840 = tpu.memref_squeeze %dma_wait3A_839 : memref<1x2x25x80xi32, #tpu.memory_space<hbm>> -> memref<2x25x80xi32, #tpu.memory_space<hbm>>
      %dma_wait3A_841 = arith.constant 0 : i32
      %dma_wait3A_842 = arith.constant 0 : i32
      %dma_wait3A_843 = arith.constant 0 : i32
      %dma_wait3A_844 = tpu.memref_slice %arg6[%run_scoped3A_50, %dma_wait3A_841, %dma_wait3A_842, %dma_wait3A_843] : memref<2x2x25x80xi32, #tpu.memory_space<vmem>> -> memref<1x2x25x80xi32, #tpu.memory_space<vmem>>
      %dma_wait3A_845 = tpu.memref_squeeze %dma_wait3A_844 : memref<1x2x25x80xi32, #tpu.memory_space<vmem>> -> memref<2x25x80xi32, #tpu.memory_space<vmem>>
      %dma_wait3A_846 = arith.constant 0 : i32
      %dma_wait3A_847 = arith.constant 0 : i32
      %dma_wait3A_848 = arith.constant 0 : i32
      %dma_wait3A_849 = arith.constant 0 : i32
      %dma_wait3A_850 = tpu.memref_slice %arg3[%add3A, %dma_wait3A_846, %dma_wait3A_847, %dma_wait3A_848, %dma_wait3A_849] : memref<32x5x2x25x80xi32, #tpu.memory_space<hbm>> -> memref<1x5x2x25x80xi32, #tpu.memory_space<hbm>>
      %dma_wait3A_851 = tpu.memref_squeeze %dma_wait3A_850 : memref<1x5x2x25x80xi32, #tpu.memory_space<hbm>> -> memref<5x2x25x80xi32, #tpu.memory_space<hbm>>
      %dma_wait3A_852 = arith.constant 0 : i32
      %dma_wait3A_853 = arith.constant 0 : i32
      %dma_wait3A_854 = arith.constant 0 : i32
      %dma_wait3A_855 = tpu.memref_slice %dma_wait3A_851[%run_scoped3A_49, %dma_wait3A_852, %dma_wait3A_853, %dma_wait3A_854] : memref<5x2x25x80xi32, #tpu.memory_space<hbm>> -> memref<1x2x25x80xi32, #tpu.memory_space<hbm>>
      %dma_wait3A_856 = tpu.memref_squeeze %dma_wait3A_855 : memref<1x2x25x80xi32, #tpu.memory_space<hbm>> -> memref<2x25x80xi32, #tpu.memory_space<hbm>>
      tpu.wait_dma2 semaphore(%run_scoped3A_792 : memref<!tpu.dma_semaphore, #tpu.memory_space<semaphore_mem>>) src(%dma_wait3A_856 : memref<2x25x80xi32, #tpu.memory_space<hbm>>) dst(%dma_wait3A_845 : memref<2x25x80xi32, #tpu.memory_space<vmem>>)
      tpu.yield
    }) : () -> ()
    %scan3A = arith.constant 0 : i32
    %scan3A_51 = arith.constant 0 : i32
    %scan3A_52 = arith.constant 11 : i32
    %scan3A_53 = arith.addi %scan3A_51, %scan3A_52 : i32
    %scan3A_54 = arith.constant 1 : i32
    scf.for %scan3A_792 = %scan3A_51 to %scan3A_53 step %scan3A_54  : i32 {
      %mul3A_793 = arith.constant 2 : i32
      %mul3A_794 = arith.muli %mul3A_793, %scan3A_792 : i32
      %dma_wait3A_795 = arith.constant 0 : i32
      %dma_wait3A_796 = arith.constant 0 : i32
      %dma_wait3A_797 = arith.constant 0 : i32
      %dma_wait3A_798 = arith.constant 0 : i32
      %dma_wait3A_799 = arith.constant 0 : i32
      %dma_wait3A_800 = arith.constant 0 : i32
      %dma_wait3A_801 = tpu.memref_slice %arg7[%dma_wait3A_798, %dma_wait3A_799, %dma_wait3A_800] : memref<2x80x128xf32, #tpu.memory_space<vmem>> -> memref<1x80x128xf32, #tpu.memory_space<vmem>>
      %dma_wait3A_802 = tpu.memref_squeeze %dma_wait3A_801 : memref<1x80x128xf32, #tpu.memory_space<vmem>> -> memref<80x128xf32, #tpu.memory_space<vmem>>
      %dma_wait3A_803 = arith.constant 0 : i32
      %dma_wait3A_804 = arith.constant 0 : i32
      %dma_wait3A_805 = arith.constant 0 : i32
      %dma_wait3A_806 = tpu.memref_slice %arg6[%dma_wait3A_795, %dma_wait3A_803, %dma_wait3A_804, %dma_wait3A_805] : memref<2x2x25x80xi32, #tpu.memory_space<vmem>> -> memref<1x2x25x80xi32, #tpu.memory_space<vmem>>
      %dma_wait3A_807 = tpu.memref_squeeze %dma_wait3A_806 : memref<1x2x25x80xi32, #tpu.memory_space<vmem>> -> memref<2x25x80xi32, #tpu.memory_space<vmem>>
      %dma_wait3A_808 = arith.constant 0 : i32
      %dma_wait3A_809 = arith.constant 0 : i32
      %dma_wait3A_810 = tpu.memref_slice %dma_wait3A_807[%dma_wait3A_796, %dma_wait3A_808, %dma_wait3A_809] : memref<2x25x80xi32, #tpu.memory_space<vmem>> -> memref<1x25x80xi32, #tpu.memory_space<vmem>>
      %dma_wait3A_811 = tpu.memref_squeeze %dma_wait3A_810 : memref<1x25x80xi32, #tpu.memory_space<vmem>> -> memref<25x80xi32, #tpu.memory_space<vmem>>
      %dma_wait3A_812 = arith.constant 0 : i32
      %dma_wait3A_813 = tpu.memref_slice %dma_wait3A_811[%dma_wait3A_797, %dma_wait3A_812] : memref<25x80xi32, #tpu.memory_space<vmem>> -> memref<1x80xi32, #tpu.memory_space<vmem>>
      %dma_wait3A_814 = tpu.memref_squeeze %dma_wait3A_813 : memref<1x80xi32, #tpu.memory_space<vmem>> -> memref<80xi32, #tpu.memory_space<vmem>>
      %dma_wait3A_815 = arith.constant 0 : i32
      %dma_wait3A_816 = arith.constant 0 : i32
      %dma_wait3A_817 = tpu.memref_slice %arg2[%dma_wait3A_815, %dma_wait3A_816] : memref<10000x128xf32, #tpu.memory_space<hbm>> -> memref<10000x128xf32, #tpu.memory_space<hbm>>
      tpu.wait_indirect_dma semaphore(%arg8 : memref<!tpu.dma_semaphore, #tpu.memory_space<semaphore_mem>>) src(%dma_wait3A_817 : memref<10000x128xf32, #tpu.memory_space<hbm>>) dst(%dma_wait3A_802 : memref<80x128xf32, #tpu.memory_space<vmem>>)
      %run_scoped3A_818 = arith.constant 0 : i32
      %run_scoped3A_819 = arith.constant 0 : i32
      %run_scoped3A_820 = arith.constant 1 : i32
      "tpu.region"() ({
        %run_scoped3A_897 = tpu.sem_alloc : memref<!tpu.dma_semaphore, #tpu.memory_space<semaphore_mem>>
        %dma_start3A_898 = arith.constant 0 : i32
        %dma_start3A_899 = arith.constant 0 : i32
        %dma_start3A_900 = tpu.memref_slice %arg7[%run_scoped3A_818, %dma_start3A_898, %dma_start3A_899] : memref<2x80x128xf32, #tpu.memory_space<vmem>> -> memref<1x80x128xf32, #tpu.memory_space<vmem>>
        %dma_start3A_901 = tpu.memref_squeeze %dma_start3A_900 : memref<1x80x128xf32, #tpu.memory_space<vmem>> -> memref<80x128xf32, #tpu.memory_space<vmem>>
        %dma_start3A_902 = arith.constant 0 : i32
        %dma_start3A_903 = arith.constant 0 : i32
        %dma_start3A_904 = arith.constant 0 : i32
        %dma_start3A_905 = tpu.memref_slice %arg6[%run_scoped3A_819, %dma_start3A_902, %dma_start3A_903, %dma_start3A_904] : memref<2x2x25x80xi32, #tpu.memory_space<vmem>> -> memref<1x2x25x80xi32, #tpu.memory_space<vmem>>
        %dma_start3A_906 = tpu.memref_squeeze %dma_start3A_905 : memref<1x2x25x80xi32, #tpu.memory_space<vmem>> -> memref<2x25x80xi32, #tpu.memory_space<vmem>>
        %dma_start3A_907 = arith.constant 0 : i32
        %dma_start3A_908 = arith.constant 0 : i32
        %dma_start3A_909 = tpu.memref_slice %dma_start3A_906[%run_scoped3A_820, %dma_start3A_907, %dma_start3A_908] : memref<2x25x80xi32, #tpu.memory_space<vmem>> -> memref<1x25x80xi32, #tpu.memory_space<vmem>>
        %dma_start3A_910 = tpu.memref_squeeze %dma_start3A_909 : memref<1x25x80xi32, #tpu.memory_space<vmem>> -> memref<25x80xi32, #tpu.memory_space<vmem>>
        %dma_start3A_911 = arith.constant 0 : i32
        %dma_start3A_912 = tpu.memref_slice %dma_start3A_910[%mul3A_794, %dma_start3A_911] : memref<25x80xi32, #tpu.memory_space<vmem>> -> memref<1x80xi32, #tpu.memory_space<vmem>>
        %dma_start3A_913 = tpu.memref_squeeze %dma_start3A_912 : memref<1x80xi32, #tpu.memory_space<vmem>> -> memref<80xi32, #tpu.memory_space<vmem>>
        %dma_start3A_914 = arith.constant 0 : i32
        %dma_start3A_915 = arith.constant 0 : i32
        %dma_start3A_916 = tpu.memref_slice %arg10[%dma_start3A_914, %dma_start3A_915] : memref<10240x128xf32, #tpu.memory_space<vmem_shared>> -> memref<10240x128xf32, #tpu.memory_space<vmem_shared>>
        tpu.enqueue_indirect_dma source(%dma_start3A_901 : memref<80x128xf32, #tpu.memory_space<vmem>>) target(%dma_start3A_916 : memref<10240x128xf32, #tpu.memory_space<vmem_shared>>) offsets(%dma_start3A_913 : memref<80xi32, #tpu.memory_space<vmem>>) semaphore(%run_scoped3A_897 : memref<!tpu.dma_semaphore, #tpu.memory_space<semaphore_mem>>) {add = true}
        %dma_wait3A_917 = arith.constant 0 : i32
        %dma_wait3A_918 = arith.constant 0 : i32
        %dma_wait3A_919 = tpu.memref_slice %arg7[%run_scoped3A_818, %dma_wait3A_917, %dma_wait3A_918] : memref<2x80x128xf32, #tpu.memory_space<vmem>> -> memref<1x80x128xf32, #tpu.memory_space<vmem>>
        %dma_wait3A_920 = tpu.memref_squeeze %dma_wait3A_919 : memref<1x80x128xf32, #tpu.memory_space<vmem>> -> memref<80x128xf32, #tpu.memory_space<vmem>>
        %dma_wait3A_921 = arith.constant 0 : i32
        %dma_wait3A_922 = arith.constant 0 : i32
        %dma_wait3A_923 = arith.constant 0 : i32
        %dma_wait3A_924 = tpu.memref_slice %arg6[%run_scoped3A_819, %dma_wait3A_921, %dma_wait3A_922, %dma_wait3A_923] : memref<2x2x25x80xi32, #tpu.memory_space<vmem>> -> memref<1x2x25x80xi32, #tpu.memory_space<vmem>>
        %dma_wait3A_925 = tpu.memref_squeeze %dma_wait3A_924 : memref<1x2x25x80xi32, #tpu.memory_space<vmem>> -> memref<2x25x80xi32, #tpu.memory_space<vmem>>
        %dma_wait3A_926 = arith.constant 0 : i32
        %dma_wait3A_927 = arith.constant 0 : i32
        %dma_wait3A_928 = tpu.memref_slice %dma_wait3A_925[%run_scoped3A_820, %dma_wait3A_926, %dma_wait3A_927] : memref<2x25x80xi32, #tpu.memory_space<vmem>> -> memref<1x25x80xi32, #tpu.memory_space<vmem>>
        %dma_wait3A_929 = tpu.memref_squeeze %dma_wait3A_928 : memref<1x25x80xi32, #tpu.memory_space<vmem>> -> memref<25x80xi32, #tpu.memory_space<vmem>>
        %dma_wait3A_930 = arith.constant 0 : i32
        %dma_wait3A_931 = tpu.memref_slice %dma_wait3A_929[%mul3A_794, %dma_wait3A_930] : memref<25x80xi32, #tpu.memory_space<vmem>> -> memref<1x80xi32, #tpu.memory_space<vmem>>
        %dma_wait3A_932 = tpu.memref_squeeze %dma_wait3A_931 : memref<1x80xi32, #tpu.memory_space<vmem>> -> memref<80xi32, #tpu.memory_space<vmem>>
        %dma_wait3A_933 = arith.constant 0 : i32
        %dma_wait3A_934 = arith.constant 0 : i32
        %dma_wait3A_935 = tpu.memref_slice %arg10[%dma_wait3A_933, %dma_wait3A_934] : memref<10240x128xf32, #tpu.memory_space<vmem_shared>> -> memref<10240x128xf32, #tpu.memory_space<vmem_shared>>
        tpu.wait_indirect_dma semaphore(%run_scoped3A_897 : memref<!tpu.dma_semaphore, #tpu.memory_space<semaphore_mem>>) src(%dma_wait3A_920 : memref<80x128xf32, #tpu.memory_space<vmem>>) dst(%dma_wait3A_935 : memref<10240x128xf32, #tpu.memory_space<vmem_shared>>)
        tpu.yield
      }) : () -> ()
      %add3A_821 = arith.constant 2 : i32
      %add3A_822 = arith.addi %mul3A_794, %add3A_821 : i32
      %dma_start3A_823 = arith.constant 0 : i32
      %dma_start3A_824 = arith.constant 0 : i32
      %dma_start3A_825 = arith.constant 0 : i32
      %dma_start3A_826 = arith.constant 0 : i32
      %dma_start3A_827 = arith.constant 0 : i32
      %dma_start3A_828 = tpu.memref_slice %arg7[%dma_start3A_825, %dma_start3A_826, %dma_start3A_827] : memref<2x80x128xf32, #tpu.memory_space<vmem>> -> memref<1x80x128xf32, #tpu.memory_space<vmem>>
      %dma_start3A_829 = tpu.memref_squeeze %dma_start3A_828 : memref<1x80x128xf32, #tpu.memory_space<vmem>> -> memref<80x128xf32, #tpu.memory_space<vmem>>
      %dma_start3A_830 = arith.constant 0 : i32
      %dma_start3A_831 = arith.constant 0 : i32
      %dma_start3A_832 = arith.constant 0 : i32
      %dma_start3A_833 = tpu.memref_slice %arg6[%dma_start3A_823, %dma_start3A_830, %dma_start3A_831, %dma_start3A_832] : memref<2x2x25x80xi32, #tpu.memory_space<vmem>> -> memref<1x2x25x80xi32, #tpu.memory_space<vmem>>
      %dma_start3A_834 = tpu.memref_squeeze %dma_start3A_833 : memref<1x2x25x80xi32, #tpu.memory_space<vmem>> -> memref<2x25x80xi32, #tpu.memory_space<vmem>>
      %dma_start3A_835 = arith.constant 0 : i32
      %dma_start3A_836 = arith.constant 0 : i32
      %dma_start3A_837 = tpu.memref_slice %dma_start3A_834[%dma_start3A_824, %dma_start3A_835, %dma_start3A_836] : memref<2x25x80xi32, #tpu.memory_space<vmem>> -> memref<1x25x80xi32, #tpu.memory_space<vmem>>
      %dma_start3A_838 = tpu.memref_squeeze %dma_start3A_837 : memref<1x25x80xi32, #tpu.memory_space<vmem>> -> memref<25x80xi32, #tpu.memory_space<vmem>>
      %dma_start3A_839 = arith.constant 0 : i32
      %dma_start3A_840 = tpu.memref_slice %dma_start3A_838[%add3A_822, %dma_start3A_839] : memref<25x80xi32, #tpu.memory_space<vmem>> -> memref<1x80xi32, #tpu.memory_space<vmem>>
      %dma_start3A_841 = tpu.memref_squeeze %dma_start3A_840 : memref<1x80xi32, #tpu.memory_space<vmem>> -> memref<80xi32, #tpu.memory_space<vmem>>
      %dma_start3A_842 = arith.constant 0 : i32
      %dma_start3A_843 = arith.constant 0 : i32
      %dma_start3A_844 = tpu.memref_slice %arg2[%dma_start3A_842, %dma_start3A_843] : memref<10000x128xf32, #tpu.memory_space<hbm>> -> memref<10000x128xf32, #tpu.memory_space<hbm>>
      tpu.enqueue_indirect_dma source(%dma_start3A_844 : memref<10000x128xf32, #tpu.memory_space<hbm>>) target(%dma_start3A_829 : memref<80x128xf32, #tpu.memory_space<vmem>>) offsets(%dma_start3A_841 : memref<80xi32, #tpu.memory_space<vmem>>) semaphore(%arg8 : memref<!tpu.dma_semaphore, #tpu.memory_space<semaphore_mem>>)
      %dma_wait3A_845 = arith.constant 0 : i32
      %dma_wait3A_846 = arith.constant 0 : i32
      %dma_wait3A_847 = arith.constant 0 : i32
      %dma_wait3A_848 = arith.constant 0 : i32
      %dma_wait3A_849 = arith.constant 0 : i32
      %dma_wait3A_850 = arith.constant 0 : i32
      %dma_wait3A_851 = tpu.memref_slice %arg7[%dma_wait3A_848, %dma_wait3A_849, %dma_wait3A_850] : memref<2x80x128xf32, #tpu.memory_space<vmem>> -> memref<1x80x128xf32, #tpu.memory_space<vmem>>
      %dma_wait3A_852 = tpu.memref_squeeze %dma_wait3A_851 : memref<1x80x128xf32, #tpu.memory_space<vmem>> -> memref<80x128xf32, #tpu.memory_space<vmem>>
      %dma_wait3A_853 = arith.constant 0 : i32
      %dma_wait3A_854 = arith.constant 0 : i32
      %dma_wait3A_855 = arith.constant 0 : i32
      %dma_wait3A_856 = tpu.memref_slice %arg6[%dma_wait3A_845, %dma_wait3A_853, %dma_wait3A_854, %dma_wait3A_855] : memref<2x2x25x80xi32, #tpu.memory_space<vmem>> -> memref<1x2x25x80xi32, #tpu.memory_space<vmem>>
      %dma_wait3A_857 = tpu.memref_squeeze %dma_wait3A_856 : memref<1x2x25x80xi32, #tpu.memory_space<vmem>> -> memref<2x25x80xi32, #tpu.memory_space<vmem>>
      %dma_wait3A_858 = arith.constant 0 : i32
      %dma_wait3A_859 = arith.constant 0 : i32
      %dma_wait3A_860 = tpu.memref_slice %dma_wait3A_857[%dma_wait3A_846, %dma_wait3A_858, %dma_wait3A_859] : memref<2x25x80xi32, #tpu.memory_space<vmem>> -> memref<1x25x80xi32, #tpu.memory_space<vmem>>
      %dma_wait3A_861 = tpu.memref_squeeze %dma_wait3A_860 : memref<1x25x80xi32, #tpu.memory_space<vmem>> -> memref<25x80xi32, #tpu.memory_space<vmem>>
      %dma_wait3A_862 = arith.constant 0 : i32
      %dma_wait3A_863 = tpu.memref_slice %dma_wait3A_861[%dma_wait3A_847, %dma_wait3A_862] : memref<25x80xi32, #tpu.memory_space<vmem>> -> memref<1x80xi32, #tpu.memory_space<vmem>>
      %dma_wait3A_864 = tpu.memref_squeeze %dma_wait3A_863 : memref<1x80xi32, #tpu.memory_space<vmem>> -> memref<80xi32, #tpu.memory_space<vmem>>
      %dma_wait3A_865 = arith.constant 0 : i32
      %dma_wait3A_866 = arith.constant 0 : i32
      %dma_wait3A_867 = tpu.memref_slice %arg2[%dma_wait3A_865, %dma_wait3A_866] : memref<10000x128xf32, #tpu.memory_space<hbm>> -> memref<10000x128xf32, #tpu.memory_space<hbm>>
      tpu.wait_indirect_dma semaphore(%arg9 : memref<!tpu.dma_semaphore, #tpu.memory_space<semaphore_mem>>) src(%dma_wait3A_867 : memref<10000x128xf32, #tpu.memory_space<hbm>>) dst(%dma_wait3A_852 : memref<80x128xf32, #tpu.memory_space<vmem>>)
      %add3A_868 = arith.constant 1 : i32
      %add3A_869 = arith.addi %mul3A_794, %add3A_868 : i32
      %run_scoped3A_870 = arith.constant 1 : i32
      %run_scoped3A_871 = arith.constant 0 : i32
      %run_scoped3A_872 = arith.constant 1 : i32
      "tpu.region"() ({
        %run_scoped3A_897 = tpu.sem_alloc : memref<!tpu.dma_semaphore, #tpu.memory_space<semaphore_mem>>
        %dma_start3A_898 = arith.constant 0 : i32
        %dma_start3A_899 = arith.constant 0 : i32
        %dma_start3A_900 = tpu.memref_slice %arg7[%run_scoped3A_870, %dma_start3A_898, %dma_start3A_899] : memref<2x80x128xf32, #tpu.memory_space<vmem>> -> memref<1x80x128xf32, #tpu.memory_space<vmem>>
        %dma_start3A_901 = tpu.memref_squeeze %dma_start3A_900 : memref<1x80x128xf32, #tpu.memory_space<vmem>> -> memref<80x128xf32, #tpu.memory_space<vmem>>
        %dma_start3A_902 = arith.constant 0 : i32
        %dma_start3A_903 = arith.constant 0 : i32
        %dma_start3A_904 = arith.constant 0 : i32
        %dma_start3A_905 = tpu.memref_slice %arg6[%run_scoped3A_871, %dma_start3A_902, %dma_start3A_903, %dma_start3A_904] : memref<2x2x25x80xi32, #tpu.memory_space<vmem>> -> memref<1x2x25x80xi32, #tpu.memory_space<vmem>>
        %dma_start3A_906 = tpu.memref_squeeze %dma_start3A_905 : memref<1x2x25x80xi32, #tpu.memory_space<vmem>> -> memref<2x25x80xi32, #tpu.memory_space<vmem>>
        %dma_start3A_907 = arith.constant 0 : i32
        %dma_start3A_908 = arith.constant 0 : i32
        %dma_start3A_909 = tpu.memref_slice %dma_start3A_906[%run_scoped3A_872, %dma_start3A_907, %dma_start3A_908] : memref<2x25x80xi32, #tpu.memory_space<vmem>> -> memref<1x25x80xi32, #tpu.memory_space<vmem>>
        %dma_start3A_910 = tpu.memref_squeeze %dma_start3A_909 : memref<1x25x80xi32, #tpu.memory_space<vmem>> -> memref<25x80xi32, #tpu.memory_space<vmem>>
        %dma_start3A_911 = arith.constant 0 : i32
        %dma_start3A_912 = tpu.memref_slice %dma_start3A_910[%add3A_869, %dma_start3A_911] : memref<25x80xi32, #tpu.memory_space<vmem>> -> memref<1x80xi32, #tpu.memory_space<vmem>>
        %dma_start3A_913 = tpu.memref_squeeze %dma_start3A_912 : memref<1x80xi32, #tpu.memory_space<vmem>> -> memref<80xi32, #tpu.memory_space<vmem>>
        %dma_start3A_914 = arith.constant 0 : i32
        %dma_start3A_915 = arith.constant 0 : i32
        %dma_start3A_916 = tpu.memref_slice %arg10[%dma_start3A_914, %dma_start3A_915] : memref<10240x128xf32, #tpu.memory_space<vmem_shared>> -> memref<10240x128xf32, #tpu.memory_space<vmem_shared>>
        tpu.enqueue_indirect_dma source(%dma_start3A_901 : memref<80x128xf32, #tpu.memory_space<vmem>>) target(%dma_start3A_916 : memref<10240x128xf32, #tpu.memory_space<vmem_shared>>) offsets(%dma_start3A_913 : memref<80xi32, #tpu.memory_space<vmem>>) semaphore(%run_scoped3A_897 : memref<!tpu.dma_semaphore, #tpu.memory_space<semaphore_mem>>) {add = true}
        %dma_wait3A_917 = arith.constant 0 : i32
        %dma_wait3A_918 = arith.constant 0 : i32
        %dma_wait3A_919 = tpu.memref_slice %arg7[%run_scoped3A_870, %dma_wait3A_917, %dma_wait3A_918] : memref<2x80x128xf32, #tpu.memory_space<vmem>> -> memref<1x80x128xf32, #tpu.memory_space<vmem>>
        %dma_wait3A_920 = tpu.memref_squeeze %dma_wait3A_919 : memref<1x80x128xf32, #tpu.memory_space<vmem>> -> memref<80x128xf32, #tpu.memory_space<vmem>>
        %dma_wait3A_921 = arith.constant 0 : i32
        %dma_wait3A_922 = arith.constant 0 : i32
        %dma_wait3A_923 = arith.constant 0 : i32
        %dma_wait3A_924 = tpu.memref_slice %arg6[%run_scoped3A_871, %dma_wait3A_921, %dma_wait3A_922, %dma_wait3A_923] : memref<2x2x25x80xi32, #tpu.memory_space<vmem>> -> memref<1x2x25x80xi32, #tpu.memory_space<vmem>>
        %dma_wait3A_925 = tpu.memref_squeeze %dma_wait3A_924 : memref<1x2x25x80xi32, #tpu.memory_space<vmem>> -> memref<2x25x80xi32, #tpu.memory_space<vmem>>
        %dma_wait3A_926 = arith.constant 0 : i32
        %dma_wait3A_927 = arith.constant 0 : i32
        %dma_wait3A_928 = tpu.memref_slice %dma_wait3A_925[%run_scoped3A_872, %dma_wait3A_926, %dma_wait3A_927] : memref<2x25x80xi32, #tpu.memory_space<vmem>> -> memref<1x25x80xi32, #tpu.memory_space<vmem>>
        %dma_wait3A_929 = tpu.memref_squeeze %dma_wait3A_928 : memref<1x25x80xi32, #tpu.memory_space<vmem>> -> memref<25x80xi32, #tpu.memory_space<vmem>>
        %dma_wait3A_930 = arith.constant 0 : i32
        %dma_wait3A_931 = tpu.memref_slice %dma_wait3A_929[%add3A_869, %dma_wait3A_930] : memref<25x80xi32, #tpu.memory_space<vmem>> -> memref<1x80xi32, #tpu.memory_space<vmem>>
        %dma_wait3A_932 = tpu.memref_squeeze %dma_wait3A_931 : memref<1x80xi32, #tpu.memory_space<vmem>> -> memref<80xi32, #tpu.memory_space<vmem>>
        %dma_wait3A_933 = arith.constant 0 : i32
        %dma_wait3A_934 = arith.constant 0 : i32
        %dma_wait3A_935 = tpu.memref_slice %arg10[%dma_wait3A_933, %dma_wait3A_934] : memref<10240x128xf32, #tpu.memory_space<vmem_shared>> -> memref<10240x128xf32, #tpu.memory_space<vmem_shared>>
        tpu.wait_indirect_dma semaphore(%run_scoped3A_897 : memref<!tpu.dma_semaphore, #tpu.memory_space<semaphore_mem>>) src(%dma_wait3A_920 : memref<80x128xf32, #tpu.memory_space<vmem>>) dst(%dma_wait3A_935 : memref<10240x128xf32, #tpu.memory_space<vmem_shared>>)
        tpu.yield
      }) : () -> ()
      %add3A_873 = arith.constant 3 : i32
      %add3A_874 = arith.addi %mul3A_794, %add3A_873 : i32
      %dma_start3A_875 = arith.constant 0 : i32
      %dma_start3A_876 = arith.constant 0 : i32
      %dma_start3A_877 = arith.constant 1 : i32
      %dma_start3A_878 = arith.constant 0 : i32
      %dma_start3A_879 = arith.constant 0 : i32
      %dma_start3A_880 = tpu.memref_slice %arg7[%dma_start3A_877, %dma_start3A_878, %dma_start3A_879] : memref<2x80x128xf32, #tpu.memory_space<vmem>> -> memref<1x80x128xf32, #tpu.memory_space<vmem>>
      %dma_start3A_881 = tpu.memref_squeeze %dma_start3A_880 : memref<1x80x128xf32, #tpu.memory_space<vmem>> -> memref<80x128xf32, #tpu.memory_space<vmem>>
      %dma_start3A_882 = arith.constant 0 : i32
      %dma_start3A_883 = arith.constant 0 : i32
      %dma_start3A_884 = arith.constant 0 : i32
      %dma_start3A_885 = tpu.memref_slice %arg6[%dma_start3A_875, %dma_start3A_882, %dma_start3A_883, %dma_start3A_884] : memref<2x2x25x80xi32, #tpu.memory_space<vmem>> -> memref<1x2x25x80xi32, #tpu.memory_space<vmem>>
      %dma_start3A_886 = tpu.memref_squeeze %dma_start3A_885 : memref<1x2x25x80xi32, #tpu.memory_space<vmem>> -> memref<2x25x80xi32, #tpu.memory_space<vmem>>
      %dma_start3A_887 = arith.constant 0 : i32
      %dma_start3A_888 = arith.constant 0 : i32
      %dma_start3A_889 = tpu.memref_slice %dma_start3A_886[%dma_start3A_876, %dma_start3A_887, %dma_start3A_888] : memref<2x25x80xi32, #tpu.memory_space<vmem>> -> memref<1x25x80xi32, #tpu.memory_space<vmem>>
      %dma_start3A_890 = tpu.memref_squeeze %dma_start3A_889 : memref<1x25x80xi32, #tpu.memory_space<vmem>> -> memref<25x80xi32, #tpu.memory_space<vmem>>
      %dma_start3A_891 = arith.constant 0 : i32
      %dma_start3A_892 = tpu.memref_slice %dma_start3A_890[%add3A_874, %dma_start3A_891] : memref<25x80xi32, #tpu.memory_space<vmem>> -> memref<1x80xi32, #tpu.memory_space<vmem>>
      %dma_start3A_893 = tpu.memref_squeeze %dma_start3A_892 : memref<1x80xi32, #tpu.memory_space<vmem>> -> memref<80xi32, #tpu.memory_space<vmem>>
      %dma_start3A_894 = arith.constant 0 : i32
      %dma_start3A_895 = arith.constant 0 : i32
      %dma_start3A_896 = tpu.memref_slice %arg2[%dma_start3A_894, %dma_start3A_895] : memref<10000x128xf32, #tpu.memory_space<hbm>> -> memref<10000x128xf32, #tpu.memory_space<hbm>>
      tpu.enqueue_indirect_dma source(%dma_start3A_896 : memref<10000x128xf32, #tpu.memory_space<hbm>>) target(%dma_start3A_881 : memref<80x128xf32, #tpu.memory_space<vmem>>) offsets(%dma_start3A_893 : memref<80xi32, #tpu.memory_space<vmem>>) semaphore(%arg9 : memref<!tpu.dma_semaphore, #tpu.memory_space<semaphore_mem>>)
    }
    %scan3A_55 = arith.constant 11 : i32
    %dma_wait3A = arith.constant 0 : i32
    %dma_wait3A_56 = arith.constant 0 : i32
    %dma_wait3A_57 = arith.constant 0 : i32
    %dma_wait3A_58 = arith.constant 0 : i32
    %dma_wait3A_59 = arith.constant 0 : i32
    %dma_wait3A_60 = arith.constant 0 : i32
    %dma_wait3A_61 = tpu.memref_slice %arg7[%dma_wait3A_58, %dma_wait3A_59, %dma_wait3A_60] : memref<2x80x128xf32, #tpu.memory_space<vmem>> -> memref<1x80x128xf32, #tpu.memory_space<vmem>>
    %dma_wait3A_62 = tpu.memref_squeeze %dma_wait3A_61 : memref<1x80x128xf32, #tpu.memory_space<vmem>> -> memref<80x128xf32, #tpu.memory_space<vmem>>
    %dma_wait3A_63 = arith.constant 0 : i32
    %dma_wait3A_64 = arith.constant 0 : i32
    %dma_wait3A_65 = arith.constant 0 : i32
    %dma_wait3A_66 = tpu.memref_slice %arg6[%dma_wait3A, %dma_wait3A_63, %dma_wait3A_64, %dma_wait3A_65] : memref<2x2x25x80xi32, #tpu.memory_space<vmem>> -> memref<1x2x25x80xi32, #tpu.memory_space<vmem>>
    %dma_wait3A_67 = tpu.memref_squeeze %dma_wait3A_66 : memref<1x2x25x80xi32, #tpu.memory_space<vmem>> -> memref<2x25x80xi32, #tpu.memory_space<vmem>>
    %dma_wait3A_68 = arith.constant 0 : i32
    %dma_wait3A_69 = arith.constant 0 : i32
    %dma_wait3A_70 = tpu.memref_slice %dma_wait3A_67[%dma_wait3A_56, %dma_wait3A_68, %dma_wait3A_69] : memref<2x25x80xi32, #tpu.memory_space<vmem>> -> memref<1x25x80xi32, #tpu.memory_space<vmem>>
    %dma_wait3A_71 = tpu.memref_squeeze %dma_wait3A_70 : memref<1x25x80xi32, #tpu.memory_space<vmem>> -> memref<25x80xi32, #tpu.memory_space<vmem>>
    %dma_wait3A_72 = arith.constant 0 : i32
    %dma_wait3A_73 = tpu.memref_slice %dma_wait3A_71[%dma_wait3A_57, %dma_wait3A_72] : memref<25x80xi32, #tpu.memory_space<vmem>> -> memref<1x80xi32, #tpu.memory_space<vmem>>
    %dma_wait3A_74 = tpu.memref_squeeze %dma_wait3A_73 : memref<1x80xi32, #tpu.memory_space<vmem>> -> memref<80xi32, #tpu.memory_space<vmem>>
    %dma_wait3A_75 = arith.constant 0 : i32
    %dma_wait3A_76 = arith.constant 0 : i32
    %dma_wait3A_77 = tpu.memref_slice %arg2[%dma_wait3A_75, %dma_wait3A_76] : memref<10000x128xf32, #tpu.memory_space<hbm>> -> memref<10000x128xf32, #tpu.memory_space<hbm>>
    tpu.wait_indirect_dma semaphore(%arg8 : memref<!tpu.dma_semaphore, #tpu.memory_space<semaphore_mem>>) src(%dma_wait3A_77 : memref<10000x128xf32, #tpu.memory_space<hbm>>) dst(%dma_wait3A_62 : memref<80x128xf32, #tpu.memory_space<vmem>>)
    %run_scoped3A_78 = arith.constant 0 : i32
    %run_scoped3A_79 = arith.constant 0 : i32
    %run_scoped3A_80 = arith.constant 1 : i32
    %run_scoped3A_81 = arith.constant 22 : i32
    "tpu.region"() ({
      %run_scoped3A_792 = tpu.sem_alloc : memref<!tpu.dma_semaphore, #tpu.memory_space<semaphore_mem>>
      %dma_start3A_793 = arith.constant 0 : i32
      %dma_start3A_794 = arith.constant 0 : i32
      %dma_start3A_795 = tpu.memref_slice %arg7[%run_scoped3A_78, %dma_start3A_793, %dma_start3A_794] : memref<2x80x128xf32, #tpu.memory_space<vmem>> -> memref<1x80x128xf32, #tpu.memory_space<vmem>>
      %dma_start3A_796 = tpu.memref_squeeze %dma_start3A_795 : memref<1x80x128xf32, #tpu.memory_space<vmem>> -> memref<80x128xf32, #tpu.memory_space<vmem>>
      %dma_start3A_797 = arith.constant 0 : i32
      %dma_start3A_798 = arith.constant 0 : i32
      %dma_start3A_799 = arith.constant 0 : i32
      %dma_start3A_800 = tpu.memref_slice %arg6[%run_scoped3A_79, %dma_start3A_797, %dma_start3A_798, %dma_start3A_799] : memref<2x2x25x80xi32, #tpu.memory_space<vmem>> -> memref<1x2x25x80xi32, #tpu.memory_space<vmem>>
      %dma_start3A_801 = tpu.memref_squeeze %dma_start3A_800 : memref<1x2x25x80xi32, #tpu.memory_space<vmem>> -> memref<2x25x80xi32, #tpu.memory_space<vmem>>
      %dma_start3A_802 = arith.constant 0 : i32
      %dma_start3A_803 = arith.constant 0 : i32
      %dma_start3A_804 = tpu.memref_slice %dma_start3A_801[%run_scoped3A_80, %dma_start3A_802, %dma_start3A_803] : memref<2x25x80xi32, #tpu.memory_space<vmem>> -> memref<1x25x80xi32, #tpu.memory_space<vmem>>
      %dma_start3A_805 = tpu.memref_squeeze %dma_start3A_804 : memref<1x25x80xi32, #tpu.memory_space<vmem>> -> memref<25x80xi32, #tpu.memory_space<vmem>>
      %dma_start3A_806 = arith.constant 0 : i32
      %dma_start3A_807 = tpu.memref_slice %dma_start3A_805[%run_scoped3A_81, %dma_start3A_806] : memref<25x80xi32, #tpu.memory_space<vmem>> -> memref<1x80xi32, #tpu.memory_space<vmem>>
      %dma_start3A_808 = tpu.memref_squeeze %dma_start3A_807 : memref<1x80xi32, #tpu.memory_space<vmem>> -> memref<80xi32, #tpu.memory_space<vmem>>
      %dma_start3A_809 = arith.constant 0 : i32
      %dma_start3A_810 = arith.constant 0 : i32
      %dma_start3A_811 = tpu.memref_slice %arg10[%dma_start3A_809, %dma_start3A_810] : memref<10240x128xf32, #tpu.memory_space<vmem_shared>> -> memref<10240x128xf32, #tpu.memory_space<vmem_shared>>
      tpu.enqueue_indirect_dma source(%dma_start3A_796 : memref<80x128xf32, #tpu.memory_space<vmem>>) target(%dma_start3A_811 : memref<10240x128xf32, #tpu.memory_space<vmem_shared>>) offsets(%dma_start3A_808 : memref<80xi32, #tpu.memory_space<vmem>>) semaphore(%run_scoped3A_792 : memref<!tpu.dma_semaphore, #tpu.memory_space<semaphore_mem>>) {add = true}
      %dma_wait3A_812 = arith.constant 0 : i32
      %dma_wait3A_813 = arith.constant 0 : i32
      %dma_wait3A_814 = tpu.memref_slice %arg7[%run_scoped3A_78, %dma_wait3A_812, %dma_wait3A_813] : memref<2x80x128xf32, #tpu.memory_space<vmem>> -> memref<1x80x128xf32, #tpu.memory_space<vmem>>
      %dma_wait3A_815 = tpu.memref_squeeze %dma_wait3A_814 : memref<1x80x128xf32, #tpu.memory_space<vmem>> -> memref<80x128xf32, #tpu.memory_space<vmem>>
      %dma_wait3A_816 = arith.constant 0 : i32
      %dma_wait3A_817 = arith.constant 0 : i32
      %dma_wait3A_818 = arith.constant 0 : i32
      %dma_wait3A_819 = tpu.memref_slice %arg6[%run_scoped3A_79, %dma_wait3A_816, %dma_wait3A_817, %dma_wait3A_818] : memref<2x2x25x80xi32, #tpu.memory_space<vmem>> -> memref<1x2x25x80xi32, #tpu.memory_space<vmem>>
      %dma_wait3A_820 = tpu.memref_squeeze %dma_wait3A_819 : memref<1x2x25x80xi32, #tpu.memory_space<vmem>> -> memref<2x25x80xi32, #tpu.memory_space<vmem>>
      %dma_wait3A_821 = arith.constant 0 : i32
      %dma_wait3A_822 = arith.constant 0 : i32
      %dma_wait3A_823 = tpu.memref_slice %dma_wait3A_820[%run_scoped3A_80, %dma_wait3A_821, %dma_wait3A_822] : memref<2x25x80xi32, #tpu.memory_space<vmem>> -> memref<1x25x80xi32, #tpu.memory_space<vmem>>
      %dma_wait3A_824 = tpu.memref_squeeze %dma_wait3A_823 : memref<1x25x80xi32, #tpu.memory_space<vmem>> -> memref<25x80xi32, #tpu.memory_space<vmem>>
      %dma_wait3A_825 = arith.constant 0 : i32
      %dma_wait3A_826 = tpu.memref_slice %dma_wait3A_824[%run_scoped3A_81, %dma_wait3A_825] : memref<25x80xi32, #tpu.memory_space<vmem>> -> memref<1x80xi32, #tpu.memory_space<vmem>>
      %dma_wait3A_827 = tpu.memref_squeeze %dma_wait3A_826 : memref<1x80xi32, #tpu.memory_space<vmem>> -> memref<80xi32, #tpu.memory_space<vmem>>
      %dma_wait3A_828 = arith.constant 0 : i32
      %dma_wait3A_829 = arith.constant 0 : i32
      %dma_wait3A_830 = tpu.memref_slice %arg10[%dma_wait3A_828, %dma_wait3A_829] : memref<10240x128xf32, #tpu.memory_space<vmem_shared>> -> memref<10240x128xf32, #tpu.memory_space<vmem_shared>>
      tpu.wait_indirect_dma semaphore(%run_scoped3A_792 : memref<!tpu.dma_semaphore, #tpu.memory_space<semaphore_mem>>) src(%dma_wait3A_815 : memref<80x128xf32, #tpu.memory_space<vmem>>) dst(%dma_wait3A_830 : memref<10240x128xf32, #tpu.memory_space<vmem_shared>>)
      tpu.yield
    }) : () -> ()
    %dma_start3A_82 = arith.constant 0 : i32
    %dma_start3A_83 = arith.constant 0 : i32
    %dma_start3A_84 = arith.constant 24 : i32
    %dma_start3A_85 = arith.constant 0 : i32
    %dma_start3A_86 = arith.constant 0 : i32
    %dma_start3A_87 = arith.constant 0 : i32
    %dma_start3A_88 = tpu.memref_slice %arg7[%dma_start3A_85, %dma_start3A_86, %dma_start3A_87] : memref<2x80x128xf32, #tpu.memory_space<vmem>> -> memref<1x80x128xf32, #tpu.memory_space<vmem>>
    %dma_start3A_89 = tpu.memref_squeeze %dma_start3A_88 : memref<1x80x128xf32, #tpu.memory_space<vmem>> -> memref<80x128xf32, #tpu.memory_space<vmem>>
    %dma_start3A_90 = arith.constant 0 : i32
    %dma_start3A_91 = arith.constant 0 : i32
    %dma_start3A_92 = arith.constant 0 : i32
    %dma_start3A_93 = tpu.memref_slice %arg6[%dma_start3A_82, %dma_start3A_90, %dma_start3A_91, %dma_start3A_92] : memref<2x2x25x80xi32, #tpu.memory_space<vmem>> -> memref<1x2x25x80xi32, #tpu.memory_space<vmem>>
    %dma_start3A_94 = tpu.memref_squeeze %dma_start3A_93 : memref<1x2x25x80xi32, #tpu.memory_space<vmem>> -> memref<2x25x80xi32, #tpu.memory_space<vmem>>
    %dma_start3A_95 = arith.constant 0 : i32
    %dma_start3A_96 = arith.constant 0 : i32
    %dma_start3A_97 = tpu.memref_slice %dma_start3A_94[%dma_start3A_83, %dma_start3A_95, %dma_start3A_96] : memref<2x25x80xi32, #tpu.memory_space<vmem>> -> memref<1x25x80xi32, #tpu.memory_space<vmem>>
    %dma_start3A_98 = tpu.memref_squeeze %dma_start3A_97 : memref<1x25x80xi32, #tpu.memory_space<vmem>> -> memref<25x80xi32, #tpu.memory_space<vmem>>
    %dma_start3A_99 = arith.constant 0 : i32
    %dma_start3A_100 = tpu.memref_slice %dma_start3A_98[%dma_start3A_84, %dma_start3A_99] : memref<25x80xi32, #tpu.memory_space<vmem>> -> memref<1x80xi32, #tpu.memory_space<vmem>>
    %dma_start3A_101 = tpu.memref_squeeze %dma_start3A_100 : memref<1x80xi32, #tpu.memory_space<vmem>> -> memref<80xi32, #tpu.memory_space<vmem>>
    %dma_start3A_102 = arith.constant 0 : i32
    %dma_start3A_103 = arith.constant 0 : i32
    %dma_start3A_104 = tpu.memref_slice %arg2[%dma_start3A_102, %dma_start3A_103] : memref<10000x128xf32, #tpu.memory_space<hbm>> -> memref<10000x128xf32, #tpu.memory_space<hbm>>
    tpu.enqueue_indirect_dma source(%dma_start3A_104 : memref<10000x128xf32, #tpu.memory_space<hbm>>) target(%dma_start3A_89 : memref<80x128xf32, #tpu.memory_space<vmem>>) offsets(%dma_start3A_101 : memref<80xi32, #tpu.memory_space<vmem>>) semaphore(%arg8 : memref<!tpu.dma_semaphore, #tpu.memory_space<semaphore_mem>>)
    %dma_wait3A_105 = arith.constant 0 : i32
    %dma_wait3A_106 = arith.constant 0 : i32
    %dma_wait3A_107 = arith.constant 0 : i32
    %dma_wait3A_108 = arith.constant 0 : i32
    %dma_wait3A_109 = arith.constant 0 : i32
    %dma_wait3A_110 = arith.constant 0 : i32
    %dma_wait3A_111 = tpu.memref_slice %arg7[%dma_wait3A_108, %dma_wait3A_109, %dma_wait3A_110] : memref<2x80x128xf32, #tpu.memory_space<vmem>> -> memref<1x80x128xf32, #tpu.memory_space<vmem>>
    %dma_wait3A_112 = tpu.memref_squeeze %dma_wait3A_111 : memref<1x80x128xf32, #tpu.memory_space<vmem>> -> memref<80x128xf32, #tpu.memory_space<vmem>>
    %dma_wait3A_113 = arith.constant 0 : i32
    %dma_wait3A_114 = arith.constant 0 : i32
    %dma_wait3A_115 = arith.constant 0 : i32
    %dma_wait3A_116 = tpu.memref_slice %arg6[%dma_wait3A_105, %dma_wait3A_113, %dma_wait3A_114, %dma_wait3A_115] : memref<2x2x25x80xi32, #tpu.memory_space<vmem>> -> memref<1x2x25x80xi32, #tpu.memory_space<vmem>>
    %dma_wait3A_117 = tpu.memref_squeeze %dma_wait3A_116 : memref<1x2x25x80xi32, #tpu.memory_space<vmem>> -> memref<2x25x80xi32, #tpu.memory_space<vmem>>
    %dma_wait3A_118 = arith.constant 0 : i32
    %dma_wait3A_119 = arith.constant 0 : i32
    %dma_wait3A_120 = tpu.memref_slice %dma_wait3A_117[%dma_wait3A_106, %dma_wait3A_118, %dma_wait3A_119] : memref<2x25x80xi32, #tpu.memory_space<vmem>> -> memref<1x25x80xi32, #tpu.memory_space<vmem>>
    %dma_wait3A_121 = tpu.memref_squeeze %dma_wait3A_120 : memref<1x25x80xi32, #tpu.memory_space<vmem>> -> memref<25x80xi32, #tpu.memory_space<vmem>>
    %dma_wait3A_122 = arith.constant 0 : i32
    %dma_wait3A_123 = tpu.memref_slice %dma_wait3A_121[%dma_wait3A_107, %dma_wait3A_122] : memref<25x80xi32, #tpu.memory_space<vmem>> -> memref<1x80xi32, #tpu.memory_space<vmem>>
    %dma_wait3A_124 = tpu.memref_squeeze %dma_wait3A_123 : memref<1x80xi32, #tpu.memory_space<vmem>> -> memref<80xi32, #tpu.memory_space<vmem>>
    %dma_wait3A_125 = arith.constant 0 : i32
    %dma_wait3A_126 = arith.constant 0 : i32
    %dma_wait3A_127 = tpu.memref_slice %arg2[%dma_wait3A_125, %dma_wait3A_126] : memref<10000x128xf32, #tpu.memory_space<hbm>> -> memref<10000x128xf32, #tpu.memory_space<hbm>>
    tpu.wait_indirect_dma semaphore(%arg9 : memref<!tpu.dma_semaphore, #tpu.memory_space<semaphore_mem>>) src(%dma_wait3A_127 : memref<10000x128xf32, #tpu.memory_space<hbm>>) dst(%dma_wait3A_112 : memref<80x128xf32, #tpu.memory_space<vmem>>)
    %run_scoped3A_128 = arith.constant 1 : i32
    %run_scoped3A_129 = arith.constant 0 : i32
    %run_scoped3A_130 = arith.constant 1 : i32
    %run_scoped3A_131 = arith.constant 23 : i32
    "tpu.region"() ({
      %run_scoped3A_792 = tpu.sem_alloc : memref<!tpu.dma_semaphore, #tpu.memory_space<semaphore_mem>>
      %dma_start3A_793 = arith.constant 0 : i32
      %dma_start3A_794 = arith.constant 0 : i32
      %dma_start3A_795 = tpu.memref_slice %arg7[%run_scoped3A_128, %dma_start3A_793, %dma_start3A_794] : memref<2x80x128xf32, #tpu.memory_space<vmem>> -> memref<1x80x128xf32, #tpu.memory_space<vmem>>
      %dma_start3A_796 = tpu.memref_squeeze %dma_start3A_795 : memref<1x80x128xf32, #tpu.memory_space<vmem>> -> memref<80x128xf32, #tpu.memory_space<vmem>>
      %dma_start3A_797 = arith.constant 0 : i32
      %dma_start3A_798 = arith.constant 0 : i32
      %dma_start3A_799 = arith.constant 0 : i32
      %dma_start3A_800 = tpu.memref_slice %arg6[%run_scoped3A_129, %dma_start3A_797, %dma_start3A_798, %dma_start3A_799] : memref<2x2x25x80xi32, #tpu.memory_space<vmem>> -> memref<1x2x25x80xi32, #tpu.memory_space<vmem>>
      %dma_start3A_801 = tpu.memref_squeeze %dma_start3A_800 : memref<1x2x25x80xi32, #tpu.memory_space<vmem>> -> memref<2x25x80xi32, #tpu.memory_space<vmem>>
      %dma_start3A_802 = arith.constant 0 : i32
      %dma_start3A_803 = arith.constant 0 : i32
      %dma_start3A_804 = tpu.memref_slice %dma_start3A_801[%run_scoped3A_130, %dma_start3A_802, %dma_start3A_803] : memref<2x25x80xi32, #tpu.memory_space<vmem>> -> memref<1x25x80xi32, #tpu.memory_space<vmem>>
      %dma_start3A_805 = tpu.memref_squeeze %dma_start3A_804 : memref<1x25x80xi32, #tpu.memory_space<vmem>> -> memref<25x80xi32, #tpu.memory_space<vmem>>
      %dma_start3A_806 = arith.constant 0 : i32
      %dma_start3A_807 = tpu.memref_slice %dma_start3A_805[%run_scoped3A_131, %dma_start3A_806] : memref<25x80xi32, #tpu.memory_space<vmem>> -> memref<1x80xi32, #tpu.memory_space<vmem>>
      %dma_start3A_808 = tpu.memref_squeeze %dma_start3A_807 : memref<1x80xi32, #tpu.memory_space<vmem>> -> memref<80xi32, #tpu.memory_space<vmem>>
      %dma_start3A_809 = arith.constant 0 : i32
      %dma_start3A_810 = arith.constant 0 : i32
      %dma_start3A_811 = tpu.memref_slice %arg10[%dma_start3A_809, %dma_start3A_810] : memref<10240x128xf32, #tpu.memory_space<vmem_shared>> -> memref<10240x128xf32, #tpu.memory_space<vmem_shared>>
      tpu.enqueue_indirect_dma source(%dma_start3A_796 : memref<80x128xf32, #tpu.memory_space<vmem>>) target(%dma_start3A_811 : memref<10240x128xf32, #tpu.memory_space<vmem_shared>>) offsets(%dma_start3A_808 : memref<80xi32, #tpu.memory_space<vmem>>) semaphore(%run_scoped3A_792 : memref<!tpu.dma_semaphore, #tpu.memory_space<semaphore_mem>>) {add = true}
      %dma_wait3A_812 = arith.constant 0 : i32
      %dma_wait3A_813 = arith.constant 0 : i32
      %dma_wait3A_814 = tpu.memref_slice %arg7[%run_scoped3A_128, %dma_wait3A_812, %dma_wait3A_813] : memref<2x80x128xf32, #tpu.memory_space<vmem>> -> memref<1x80x128xf32, #tpu.memory_space<vmem>>
      %dma_wait3A_815 = tpu.memref_squeeze %dma_wait3A_814 : memref<1x80x128xf32, #tpu.memory_space<vmem>> -> memref<80x128xf32, #tpu.memory_space<vmem>>
      %dma_wait3A_816 = arith.constant 0 : i32
      %dma_wait3A_817 = arith.constant 0 : i32
      %dma_wait3A_818 = arith.constant 0 : i32
      %dma_wait3A_819 = tpu.memref_slice %arg6[%run_scoped3A_129, %dma_wait3A_816, %dma_wait3A_817, %dma_wait3A_818] : memref<2x2x25x80xi32, #tpu.memory_space<vmem>> -> memref<1x2x25x80xi32, #tpu.memory_space<vmem>>
      %dma_wait3A_820 = tpu.memref_squeeze %dma_wait3A_819 : memref<1x2x25x80xi32, #tpu.memory_space<vmem>> -> memref<2x25x80xi32, #tpu.memory_space<vmem>>
      %dma_wait3A_821 = arith.constant 0 : i32
      %dma_wait3A_822 = arith.constant 0 : i32
      %dma_wait3A_823 = tpu.memref_slice %dma_wait3A_820[%run_scoped3A_130, %dma_wait3A_821, %dma_wait3A_822] : memref<2x25x80xi32, #tpu.memory_space<vmem>> -> memref<1x25x80xi32, #tpu.memory_space<vmem>>
      %dma_wait3A_824 = tpu.memref_squeeze %dma_wait3A_823 : memref<1x25x80xi32, #tpu.memory_space<vmem>> -> memref<25x80xi32, #tpu.memory_space<vmem>>
      %dma_wait3A_825 = arith.constant 0 : i32
      %dma_wait3A_826 = tpu.memref_slice %dma_wait3A_824[%run_scoped3A_131, %dma_wait3A_825] : memref<25x80xi32, #tpu.memory_space<vmem>> -> memref<1x80xi32, #tpu.memory_space<vmem>>
      %dma_wait3A_827 = tpu.memref_squeeze %dma_wait3A_826 : memref<1x80xi32, #tpu.memory_space<vmem>> -> memref<80xi32, #tpu.memory_space<vmem>>
      %dma_wait3A_828 = arith.constant 0 : i32
      %dma_wait3A_829 = arith.constant 0 : i32
      %dma_wait3A_830 = tpu.memref_slice %arg10[%dma_wait3A_828, %dma_wait3A_829] : memref<10240x128xf32, #tpu.memory_space<vmem_shared>> -> memref<10240x128xf32, #tpu.memory_space<vmem_shared>>
      tpu.wait_indirect_dma semaphore(%run_scoped3A_792 : memref<!tpu.dma_semaphore, #tpu.memory_space<semaphore_mem>>) src(%dma_wait3A_815 : memref<80x128xf32, #tpu.memory_space<vmem>>) dst(%dma_wait3A_830 : memref<10240x128xf32, #tpu.memory_space<vmem_shared>>)
      tpu.yield
    }) : () -> ()
    %dma_start3A_132 = arith.constant 1 : i32
    %dma_start3A_133 = arith.constant 0 : i32
    %dma_start3A_134 = arith.constant 0 : i32
    %dma_start3A_135 = arith.constant 1 : i32
    %dma_start3A_136 = arith.constant 0 : i32
    %dma_start3A_137 = arith.constant 0 : i32
    %dma_start3A_138 = tpu.memref_slice %arg7[%dma_start3A_135, %dma_start3A_136, %dma_start3A_137] : memref<2x80x128xf32, #tpu.memory_space<vmem>> -> memref<1x80x128xf32, #tpu.memory_space<vmem>>
    %dma_start3A_139 = tpu.memref_squeeze %dma_start3A_138 : memref<1x80x128xf32, #tpu.memory_space<vmem>> -> memref<80x128xf32, #tpu.memory_space<vmem>>
    %dma_start3A_140 = arith.constant 0 : i32
    %dma_start3A_141 = arith.constant 0 : i32
    %dma_start3A_142 = arith.constant 0 : i32
    %dma_start3A_143 = tpu.memref_slice %arg6[%dma_start3A_132, %dma_start3A_140, %dma_start3A_141, %dma_start3A_142] : memref<2x2x25x80xi32, #tpu.memory_space<vmem>> -> memref<1x2x25x80xi32, #tpu.memory_space<vmem>>
    %dma_start3A_144 = tpu.memref_squeeze %dma_start3A_143 : memref<1x2x25x80xi32, #tpu.memory_space<vmem>> -> memref<2x25x80xi32, #tpu.memory_space<vmem>>
    %dma_start3A_145 = arith.constant 0 : i32
    %dma_start3A_146 = arith.constant 0 : i32
    %dma_start3A_147 = tpu.memref_slice %dma_start3A_144[%dma_start3A_133, %dma_start3A_145, %dma_start3A_146] : memref<2x25x80xi32, #tpu.memory_space<vmem>> -> memref<1x25x80xi32, #tpu.memory_space<vmem>>
    %dma_start3A_148 = tpu.memref_squeeze %dma_start3A_147 : memref<1x25x80xi32, #tpu.memory_space<vmem>> -> memref<25x80xi32, #tpu.memory_space<vmem>>
    %dma_start3A_149 = arith.constant 0 : i32
    %dma_start3A_150 = tpu.memref_slice %dma_start3A_148[%dma_start3A_134, %dma_start3A_149] : memref<25x80xi32, #tpu.memory_space<vmem>> -> memref<1x80xi32, #tpu.memory_space<vmem>>
    %dma_start3A_151 = tpu.memref_squeeze %dma_start3A_150 : memref<1x80xi32, #tpu.memory_space<vmem>> -> memref<80xi32, #tpu.memory_space<vmem>>
    %dma_start3A_152 = arith.constant 0 : i32
    %dma_start3A_153 = arith.constant 0 : i32
    %dma_start3A_154 = tpu.memref_slice %arg2[%dma_start3A_152, %dma_start3A_153] : memref<10000x128xf32, #tpu.memory_space<hbm>> -> memref<10000x128xf32, #tpu.memory_space<hbm>>
    tpu.enqueue_indirect_dma source(%dma_start3A_154 : memref<10000x128xf32, #tpu.memory_space<hbm>>) target(%dma_start3A_139 : memref<80x128xf32, #tpu.memory_space<vmem>>) offsets(%dma_start3A_151 : memref<80xi32, #tpu.memory_space<vmem>>) semaphore(%arg9 : memref<!tpu.dma_semaphore, #tpu.memory_space<semaphore_mem>>)
    %dma_wait3A_155 = arith.constant 0 : i32
    %dma_wait3A_156 = arith.constant 0 : i32
    %dma_wait3A_157 = arith.constant 0 : i32
    %dma_wait3A_158 = arith.constant 0 : i32
    %dma_wait3A_159 = arith.constant 0 : i32
    %dma_wait3A_160 = arith.constant 0 : i32
    %dma_wait3A_161 = tpu.memref_slice %arg7[%dma_wait3A_158, %dma_wait3A_159, %dma_wait3A_160] : memref<2x80x128xf32, #tpu.memory_space<vmem>> -> memref<1x80x128xf32, #tpu.memory_space<vmem>>
    %dma_wait3A_162 = tpu.memref_squeeze %dma_wait3A_161 : memref<1x80x128xf32, #tpu.memory_space<vmem>> -> memref<80x128xf32, #tpu.memory_space<vmem>>
    %dma_wait3A_163 = arith.constant 0 : i32
    %dma_wait3A_164 = arith.constant 0 : i32
    %dma_wait3A_165 = arith.constant 0 : i32
    %dma_wait3A_166 = tpu.memref_slice %arg6[%dma_wait3A_155, %dma_wait3A_163, %dma_wait3A_164, %dma_wait3A_165] : memref<2x2x25x80xi32, #tpu.memory_space<vmem>> -> memref<1x2x25x80xi32, #tpu.memory_space<vmem>>
    %dma_wait3A_167 = tpu.memref_squeeze %dma_wait3A_166 : memref<1x2x25x80xi32, #tpu.memory_space<vmem>> -> memref<2x25x80xi32, #tpu.memory_space<vmem>>
    %dma_wait3A_168 = arith.constant 0 : i32
    %dma_wait3A_169 = arith.constant 0 : i32
    %dma_wait3A_170 = tpu.memref_slice %dma_wait3A_167[%dma_wait3A_156, %dma_wait3A_168, %dma_wait3A_169] : memref<2x25x80xi32, #tpu.memory_space<vmem>> -> memref<1x25x80xi32, #tpu.memory_space<vmem>>
    %dma_wait3A_171 = tpu.memref_squeeze %dma_wait3A_170 : memref<1x25x80xi32, #tpu.memory_space<vmem>> -> memref<25x80xi32, #tpu.memory_space<vmem>>
    %dma_wait3A_172 = arith.constant 0 : i32
    %dma_wait3A_173 = tpu.memref_slice %dma_wait3A_171[%dma_wait3A_157, %dma_wait3A_172] : memref<25x80xi32, #tpu.memory_space<vmem>> -> memref<1x80xi32, #tpu.memory_space<vmem>>
    %dma_wait3A_174 = tpu.memref_squeeze %dma_wait3A_173 : memref<1x80xi32, #tpu.memory_space<vmem>> -> memref<80xi32, #tpu.memory_space<vmem>>
    %dma_wait3A_175 = arith.constant 0 : i32
    %dma_wait3A_176 = arith.constant 0 : i32
    %dma_wait3A_177 = tpu.memref_slice %arg2[%dma_wait3A_175, %dma_wait3A_176] : memref<10000x128xf32, #tpu.memory_space<hbm>> -> memref<10000x128xf32, #tpu.memory_space<hbm>>
    tpu.wait_indirect_dma semaphore(%arg8 : memref<!tpu.dma_semaphore, #tpu.memory_space<semaphore_mem>>) src(%dma_wait3A_177 : memref<10000x128xf32, #tpu.memory_space<hbm>>) dst(%dma_wait3A_162 : memref<80x128xf32, #tpu.memory_space<vmem>>)
    %run_scoped3A_178 = arith.constant 0 : i32
    %run_scoped3A_179 = arith.constant 0 : i32
    %run_scoped3A_180 = arith.constant 1 : i32
    %run_scoped3A_181 = arith.constant 24 : i32
    "tpu.region"() ({
      %run_scoped3A_792 = tpu.sem_alloc : memref<!tpu.dma_semaphore, #tpu.memory_space<semaphore_mem>>
      %dma_start3A_793 = arith.constant 0 : i32
      %dma_start3A_794 = arith.constant 0 : i32
      %dma_start3A_795 = tpu.memref_slice %arg7[%run_scoped3A_178, %dma_start3A_793, %dma_start3A_794] : memref<2x80x128xf32, #tpu.memory_space<vmem>> -> memref<1x80x128xf32, #tpu.memory_space<vmem>>
      %dma_start3A_796 = tpu.memref_squeeze %dma_start3A_795 : memref<1x80x128xf32, #tpu.memory_space<vmem>> -> memref<80x128xf32, #tpu.memory_space<vmem>>
      %dma_start3A_797 = arith.constant 0 : i32
      %dma_start3A_798 = arith.constant 0 : i32
      %dma_start3A_799 = arith.constant 0 : i32
      %dma_start3A_800 = tpu.memref_slice %arg6[%run_scoped3A_179, %dma_start3A_797, %dma_start3A_798, %dma_start3A_799] : memref<2x2x25x80xi32, #tpu.memory_space<vmem>> -> memref<1x2x25x80xi32, #tpu.memory_space<vmem>>
      %dma_start3A_801 = tpu.memref_squeeze %dma_start3A_800 : memref<1x2x25x80xi32, #tpu.memory_space<vmem>> -> memref<2x25x80xi32, #tpu.memory_space<vmem>>
      %dma_start3A_802 = arith.constant 0 : i32
      %dma_start3A_803 = arith.constant 0 : i32
      %dma_start3A_804 = tpu.memref_slice %dma_start3A_801[%run_scoped3A_180, %dma_start3A_802, %dma_start3A_803] : memref<2x25x80xi32, #tpu.memory_space<vmem>> -> memref<1x25x80xi32, #tpu.memory_space<vmem>>
      %dma_start3A_805 = tpu.memref_squeeze %dma_start3A_804 : memref<1x25x80xi32, #tpu.memory_space<vmem>> -> memref<25x80xi32, #tpu.memory_space<vmem>>
      %dma_start3A_806 = arith.constant 0 : i32
      %dma_start3A_807 = tpu.memref_slice %dma_start3A_805[%run_scoped3A_181, %dma_start3A_806] : memref<25x80xi32, #tpu.memory_space<vmem>> -> memref<1x80xi32, #tpu.memory_space<vmem>>
      %dma_start3A_808 = tpu.memref_squeeze %dma_start3A_807 : memref<1x80xi32, #tpu.memory_space<vmem>> -> memref<80xi32, #tpu.memory_space<vmem>>
      %dma_start3A_809 = arith.constant 0 : i32
      %dma_start3A_810 = arith.constant 0 : i32
      %dma_start3A_811 = tpu.memref_slice %arg10[%dma_start3A_809, %dma_start3A_810] : memref<10240x128xf32, #tpu.memory_space<vmem_shared>> -> memref<10240x128xf32, #tpu.memory_space<vmem_shared>>
      tpu.enqueue_indirect_dma source(%dma_start3A_796 : memref<80x128xf32, #tpu.memory_space<vmem>>) target(%dma_start3A_811 : memref<10240x128xf32, #tpu.memory_space<vmem_shared>>) offsets(%dma_start3A_808 : memref<80xi32, #tpu.memory_space<vmem>>) semaphore(%run_scoped3A_792 : memref<!tpu.dma_semaphore, #tpu.memory_space<semaphore_mem>>) {add = true}
      %dma_wait3A_812 = arith.constant 0 : i32
      %dma_wait3A_813 = arith.constant 0 : i32
      %dma_wait3A_814 = tpu.memref_slice %arg7[%run_scoped3A_178, %dma_wait3A_812, %dma_wait3A_813] : memref<2x80x128xf32, #tpu.memory_space<vmem>> -> memref<1x80x128xf32, #tpu.memory_space<vmem>>
      %dma_wait3A_815 = tpu.memref_squeeze %dma_wait3A_814 : memref<1x80x128xf32, #tpu.memory_space<vmem>> -> memref<80x128xf32, #tpu.memory_space<vmem>>
      %dma_wait3A_816 = arith.constant 0 : i32
      %dma_wait3A_817 = arith.constant 0 : i32
      %dma_wait3A_818 = arith.constant 0 : i32
      %dma_wait3A_819 = tpu.memref_slice %arg6[%run_scoped3A_179, %dma_wait3A_816, %dma_wait3A_817, %dma_wait3A_818] : memref<2x2x25x80xi32, #tpu.memory_space<vmem>> -> memref<1x2x25x80xi32, #tpu.memory_space<vmem>>
      %dma_wait3A_820 = tpu.memref_squeeze %dma_wait3A_819 : memref<1x2x25x80xi32, #tpu.memory_space<vmem>> -> memref<2x25x80xi32, #tpu.memory_space<vmem>>
      %dma_wait3A_821 = arith.constant 0 : i32
      %dma_wait3A_822 = arith.constant 0 : i32
      %dma_wait3A_823 = tpu.memref_slice %dma_wait3A_820[%run_scoped3A_180, %dma_wait3A_821, %dma_wait3A_822] : memref<2x25x80xi32, #tpu.memory_space<vmem>> -> memref<1x25x80xi32, #tpu.memory_space<vmem>>
      %dma_wait3A_824 = tpu.memref_squeeze %dma_wait3A_823 : memref<1x25x80xi32, #tpu.memory_space<vmem>> -> memref<25x80xi32, #tpu.memory_space<vmem>>
      %dma_wait3A_825 = arith.constant 0 : i32
      %dma_wait3A_826 = tpu.memref_slice %dma_wait3A_824[%run_scoped3A_181, %dma_wait3A_825] : memref<25x80xi32, #tpu.memory_space<vmem>> -> memref<1x80xi32, #tpu.memory_space<vmem>>
      %dma_wait3A_827 = tpu.memref_squeeze %dma_wait3A_826 : memref<1x80xi32, #tpu.memory_space<vmem>> -> memref<80xi32, #tpu.memory_space<vmem>>
      %dma_wait3A_828 = arith.constant 0 : i32
      %dma_wait3A_829 = arith.constant 0 : i32
      %dma_wait3A_830 = tpu.memref_slice %arg10[%dma_wait3A_828, %dma_wait3A_829] : memref<10240x128xf32, #tpu.memory_space<vmem_shared>> -> memref<10240x128xf32, #tpu.memory_space<vmem_shared>>
      tpu.wait_indirect_dma semaphore(%run_scoped3A_792 : memref<!tpu.dma_semaphore, #tpu.memory_space<semaphore_mem>>) src(%dma_wait3A_815 : memref<80x128xf32, #tpu.memory_space<vmem>>) dst(%dma_wait3A_830 : memref<10240x128xf32, #tpu.memory_space<vmem_shared>>)
      tpu.yield
    }) : () -> ()
    %dma_start3A_182 = arith.constant 1 : i32
    %dma_start3A_183 = arith.constant 0 : i32
    %dma_start3A_184 = arith.constant 1 : i32
    %dma_start3A_185 = arith.constant 0 : i32
    %dma_start3A_186 = arith.constant 0 : i32
    %dma_start3A_187 = arith.constant 0 : i32
    %dma_start3A_188 = tpu.memref_slice %arg7[%dma_start3A_185, %dma_start3A_186, %dma_start3A_187] : memref<2x80x128xf32, #tpu.memory_space<vmem>> -> memref<1x80x128xf32, #tpu.memory_space<vmem>>
    %dma_start3A_189 = tpu.memref_squeeze %dma_start3A_188 : memref<1x80x128xf32, #tpu.memory_space<vmem>> -> memref<80x128xf32, #tpu.memory_space<vmem>>
    %dma_start3A_190 = arith.constant 0 : i32
    %dma_start3A_191 = arith.constant 0 : i32
    %dma_start3A_192 = arith.constant 0 : i32
    %dma_start3A_193 = tpu.memref_slice %arg6[%dma_start3A_182, %dma_start3A_190, %dma_start3A_191, %dma_start3A_192] : memref<2x2x25x80xi32, #tpu.memory_space<vmem>> -> memref<1x2x25x80xi32, #tpu.memory_space<vmem>>
    %dma_start3A_194 = tpu.memref_squeeze %dma_start3A_193 : memref<1x2x25x80xi32, #tpu.memory_space<vmem>> -> memref<2x25x80xi32, #tpu.memory_space<vmem>>
    %dma_start3A_195 = arith.constant 0 : i32
    %dma_start3A_196 = arith.constant 0 : i32
    %dma_start3A_197 = tpu.memref_slice %dma_start3A_194[%dma_start3A_183, %dma_start3A_195, %dma_start3A_196] : memref<2x25x80xi32, #tpu.memory_space<vmem>> -> memref<1x25x80xi32, #tpu.memory_space<vmem>>
    %dma_start3A_198 = tpu.memref_squeeze %dma_start3A_197 : memref<1x25x80xi32, #tpu.memory_space<vmem>> -> memref<25x80xi32, #tpu.memory_space<vmem>>
    %dma_start3A_199 = arith.constant 0 : i32
    %dma_start3A_200 = tpu.memref_slice %dma_start3A_198[%dma_start3A_184, %dma_start3A_199] : memref<25x80xi32, #tpu.memory_space<vmem>> -> memref<1x80xi32, #tpu.memory_space<vmem>>
    %dma_start3A_201 = tpu.memref_squeeze %dma_start3A_200 : memref<1x80xi32, #tpu.memory_space<vmem>> -> memref<80xi32, #tpu.memory_space<vmem>>
    %dma_start3A_202 = arith.constant 0 : i32
    %dma_start3A_203 = arith.constant 0 : i32
    %dma_start3A_204 = tpu.memref_slice %arg2[%dma_start3A_202, %dma_start3A_203] : memref<10000x128xf32, #tpu.memory_space<hbm>> -> memref<10000x128xf32, #tpu.memory_space<hbm>>
    tpu.enqueue_indirect_dma source(%dma_start3A_204 : memref<10000x128xf32, #tpu.memory_space<hbm>>) target(%dma_start3A_189 : memref<80x128xf32, #tpu.memory_space<vmem>>) offsets(%dma_start3A_201 : memref<80xi32, #tpu.memory_space<vmem>>) semaphore(%arg8 : memref<!tpu.dma_semaphore, #tpu.memory_space<semaphore_mem>>)
    %run_scoped3A_205 = arith.constant 2 : i32
    %run_scoped3A_206 = arith.constant 0 : i32
    "tpu.region"() ({
      %run_scoped3A_792 = tpu.sem_alloc : memref<!tpu.dma_semaphore, #tpu.memory_space<semaphore_mem>>
      %dma_start3A_793 = arith.constant 0 : i32
      %dma_start3A_794 = arith.constant 0 : i32
      %dma_start3A_795 = arith.constant 0 : i32
      %dma_start3A_796 = tpu.memref_slice %arg6[%run_scoped3A_206, %dma_start3A_793, %dma_start3A_794, %dma_start3A_795] : memref<2x2x25x80xi32, #tpu.memory_space<vmem>> -> memref<1x2x25x80xi32, #tpu.memory_space<vmem>>
      %dma_start3A_797 = tpu.memref_squeeze %dma_start3A_796 : memref<1x2x25x80xi32, #tpu.memory_space<vmem>> -> memref<2x25x80xi32, #tpu.memory_space<vmem>>
      %dma_start3A_798 = arith.constant 0 : i32
      %dma_start3A_799 = arith.constant 0 : i32
      %dma_start3A_800 = arith.constant 0 : i32
      %dma_start3A_801 = arith.constant 0 : i32
      %dma_start3A_802 = tpu.memref_slice %arg3[%add3A, %dma_start3A_798, %dma_start3A_799, %dma_start3A_800, %dma_start3A_801] : memref<32x5x2x25x80xi32, #tpu.memory_space<hbm>> -> memref<1x5x2x25x80xi32, #tpu.memory_space<hbm>>
      %dma_start3A_803 = tpu.memref_squeeze %dma_start3A_802 : memref<1x5x2x25x80xi32, #tpu.memory_space<hbm>> -> memref<5x2x25x80xi32, #tpu.memory_space<hbm>>
      %dma_start3A_804 = arith.constant 0 : i32
      %dma_start3A_805 = arith.constant 0 : i32
      %dma_start3A_806 = arith.constant 0 : i32
      %dma_start3A_807 = tpu.memref_slice %dma_start3A_803[%run_scoped3A_205, %dma_start3A_804, %dma_start3A_805, %dma_start3A_806] : memref<5x2x25x80xi32, #tpu.memory_space<hbm>> -> memref<1x2x25x80xi32, #tpu.memory_space<hbm>>
      %dma_start3A_808 = tpu.memref_squeeze %dma_start3A_807 : memref<1x2x25x80xi32, #tpu.memory_space<hbm>> -> memref<2x25x80xi32, #tpu.memory_space<hbm>>
      %dma_start3A_809 = arith.constant 0 : i32
      %dma_start3A_810 = arith.constant 0 : i32
      %dma_start3A_811 = arith.constant 0 : i32
      %dma_start3A_812 = tpu.memref_slice %arg6[%run_scoped3A_206, %dma_start3A_809, %dma_start3A_810, %dma_start3A_811] : memref<2x2x25x80xi32, #tpu.memory_space<vmem>> -> memref<1x2x25x80xi32, #tpu.memory_space<vmem>>
      %dma_start3A_813 = tpu.memref_squeeze %dma_start3A_812 : memref<1x2x25x80xi32, #tpu.memory_space<vmem>> -> memref<2x25x80xi32, #tpu.memory_space<vmem>>
      %dma_start3A_814 = arith.constant 0 : i32
      %dma_start3A_815 = arith.constant 0 : i32
      %dma_start3A_816 = arith.constant 0 : i32
      %dma_start3A_817 = arith.constant 0 : i32
      %dma_start3A_818 = tpu.memref_slice %arg3[%add3A, %dma_start3A_814, %dma_start3A_815, %dma_start3A_816, %dma_start3A_817] : memref<32x5x2x25x80xi32, #tpu.memory_space<hbm>> -> memref<1x5x2x25x80xi32, #tpu.memory_space<hbm>>
      %dma_start3A_819 = tpu.memref_squeeze %dma_start3A_818 : memref<1x5x2x25x80xi32, #tpu.memory_space<hbm>> -> memref<5x2x25x80xi32, #tpu.memory_space<hbm>>
      %dma_start3A_820 = arith.constant 0 : i32
      %dma_start3A_821 = arith.constant 0 : i32
      %dma_start3A_822 = arith.constant 0 : i32
      %dma_start3A_823 = tpu.memref_slice %dma_start3A_819[%run_scoped3A_205, %dma_start3A_820, %dma_start3A_821, %dma_start3A_822] : memref<5x2x25x80xi32, #tpu.memory_space<hbm>> -> memref<1x2x25x80xi32, #tpu.memory_space<hbm>>
      %dma_start3A_824 = tpu.memref_squeeze %dma_start3A_823 : memref<1x2x25x80xi32, #tpu.memory_space<hbm>> -> memref<2x25x80xi32, #tpu.memory_space<hbm>>
      tpu.enqueue_dma source(%dma_start3A_824 : memref<2x25x80xi32, #tpu.memory_space<hbm>>) target(%dma_start3A_813 : memref<2x25x80xi32, #tpu.memory_space<vmem>>) target_semaphore(%run_scoped3A_792 : memref<!tpu.dma_semaphore, #tpu.memory_space<semaphore_mem>>)
      %dma_wait3A_825 = arith.constant 0 : i32
      %dma_wait3A_826 = arith.constant 0 : i32
      %dma_wait3A_827 = arith.constant 0 : i32
      %dma_wait3A_828 = tpu.memref_slice %arg6[%run_scoped3A_206, %dma_wait3A_825, %dma_wait3A_826, %dma_wait3A_827] : memref<2x2x25x80xi32, #tpu.memory_space<vmem>> -> memref<1x2x25x80xi32, #tpu.memory_space<vmem>>
      %dma_wait3A_829 = tpu.memref_squeeze %dma_wait3A_828 : memref<1x2x25x80xi32, #tpu.memory_space<vmem>> -> memref<2x25x80xi32, #tpu.memory_space<vmem>>
      %dma_wait3A_830 = arith.constant 0 : i32
      %dma_wait3A_831 = arith.constant 0 : i32
      %dma_wait3A_832 = arith.constant 0 : i32
      %dma_wait3A_833 = arith.constant 0 : i32
      %dma_wait3A_834 = tpu.memref_slice %arg3[%add3A, %dma_wait3A_830, %dma_wait3A_831, %dma_wait3A_832, %dma_wait3A_833] : memref<32x5x2x25x80xi32, #tpu.memory_space<hbm>> -> memref<1x5x2x25x80xi32, #tpu.memory_space<hbm>>
      %dma_wait3A_835 = tpu.memref_squeeze %dma_wait3A_834 : memref<1x5x2x25x80xi32, #tpu.memory_space<hbm>> -> memref<5x2x25x80xi32, #tpu.memory_space<hbm>>
      %dma_wait3A_836 = arith.constant 0 : i32
      %dma_wait3A_837 = arith.constant 0 : i32
      %dma_wait3A_838 = arith.constant 0 : i32
      %dma_wait3A_839 = tpu.memref_slice %dma_wait3A_835[%run_scoped3A_205, %dma_wait3A_836, %dma_wait3A_837, %dma_wait3A_838] : memref<5x2x25x80xi32, #tpu.memory_space<hbm>> -> memref<1x2x25x80xi32, #tpu.memory_space<hbm>>
      %dma_wait3A_840 = tpu.memref_squeeze %dma_wait3A_839 : memref<1x2x25x80xi32, #tpu.memory_space<hbm>> -> memref<2x25x80xi32, #tpu.memory_space<hbm>>
      %dma_wait3A_841 = arith.constant 0 : i32
      %dma_wait3A_842 = arith.constant 0 : i32
      %dma_wait3A_843 = arith.constant 0 : i32
      %dma_wait3A_844 = tpu.memref_slice %arg6[%run_scoped3A_206, %dma_wait3A_841, %dma_wait3A_842, %dma_wait3A_843] : memref<2x2x25x80xi32, #tpu.memory_space<vmem>> -> memref<1x2x25x80xi32, #tpu.memory_space<vmem>>
      %dma_wait3A_845 = tpu.memref_squeeze %dma_wait3A_844 : memref<1x2x25x80xi32, #tpu.memory_space<vmem>> -> memref<2x25x80xi32, #tpu.memory_space<vmem>>
      %dma_wait3A_846 = arith.constant 0 : i32
      %dma_wait3A_847 = arith.constant 0 : i32
      %dma_wait3A_848 = arith.constant 0 : i32
      %dma_wait3A_849 = arith.constant 0 : i32
      %dma_wait3A_850 = tpu.memref_slice %arg3[%add3A, %dma_wait3A_846, %dma_wait3A_847, %dma_wait3A_848, %dma_wait3A_849] : memref<32x5x2x25x80xi32, #tpu.memory_space<hbm>> -> memref<1x5x2x25x80xi32, #tpu.memory_space<hbm>>
      %dma_wait3A_851 = tpu.memref_squeeze %dma_wait3A_850 : memref<1x5x2x25x80xi32, #tpu.memory_space<hbm>> -> memref<5x2x25x80xi32, #tpu.memory_space<hbm>>
      %dma_wait3A_852 = arith.constant 0 : i32
      %dma_wait3A_853 = arith.constant 0 : i32
      %dma_wait3A_854 = arith.constant 0 : i32
      %dma_wait3A_855 = tpu.memref_slice %dma_wait3A_851[%run_scoped3A_205, %dma_wait3A_852, %dma_wait3A_853, %dma_wait3A_854] : memref<5x2x25x80xi32, #tpu.memory_space<hbm>> -> memref<1x2x25x80xi32, #tpu.memory_space<hbm>>
      %dma_wait3A_856 = tpu.memref_squeeze %dma_wait3A_855 : memref<1x2x25x80xi32, #tpu.memory_space<hbm>> -> memref<2x25x80xi32, #tpu.memory_space<hbm>>
      tpu.wait_dma2 semaphore(%run_scoped3A_792 : memref<!tpu.dma_semaphore, #tpu.memory_space<semaphore_mem>>) src(%dma_wait3A_856 : memref<2x25x80xi32, #tpu.memory_space<hbm>>) dst(%dma_wait3A_845 : memref<2x25x80xi32, #tpu.memory_space<vmem>>)
      tpu.yield
    }) : () -> ()
    %scan3A_207 = arith.constant 0 : i32
    %scan3A_208 = arith.constant 0 : i32
    %scan3A_209 = arith.constant 11 : i32
    %scan3A_210 = arith.addi %scan3A_208, %scan3A_209 : i32
    %scan3A_211 = arith.constant 1 : i32
    scf.for %scan3A_792 = %scan3A_208 to %scan3A_210 step %scan3A_211  : i32 {
      %mul3A_793 = arith.constant 2 : i32
      %mul3A_794 = arith.muli %mul3A_793, %scan3A_792 : i32
      %dma_wait3A_795 = arith.constant 0 : i32
      %dma_wait3A_796 = arith.constant 0 : i32
      %dma_wait3A_797 = arith.constant 0 : i32
      %dma_wait3A_798 = arith.constant 0 : i32
      %dma_wait3A_799 = arith.constant 0 : i32
      %dma_wait3A_800 = arith.constant 0 : i32
      %dma_wait3A_801 = tpu.memref_slice %arg7[%dma_wait3A_798, %dma_wait3A_799, %dma_wait3A_800] : memref<2x80x128xf32, #tpu.memory_space<vmem>> -> memref<1x80x128xf32, #tpu.memory_space<vmem>>
      %dma_wait3A_802 = tpu.memref_squeeze %dma_wait3A_801 : memref<1x80x128xf32, #tpu.memory_space<vmem>> -> memref<80x128xf32, #tpu.memory_space<vmem>>
      %dma_wait3A_803 = arith.constant 0 : i32
      %dma_wait3A_804 = arith.constant 0 : i32
      %dma_wait3A_805 = arith.constant 0 : i32
      %dma_wait3A_806 = tpu.memref_slice %arg6[%dma_wait3A_795, %dma_wait3A_803, %dma_wait3A_804, %dma_wait3A_805] : memref<2x2x25x80xi32, #tpu.memory_space<vmem>> -> memref<1x2x25x80xi32, #tpu.memory_space<vmem>>
      %dma_wait3A_807 = tpu.memref_squeeze %dma_wait3A_806 : memref<1x2x25x80xi32, #tpu.memory_space<vmem>> -> memref<2x25x80xi32, #tpu.memory_space<vmem>>
      %dma_wait3A_808 = arith.constant 0 : i32
      %dma_wait3A_809 = arith.constant 0 : i32
      %dma_wait3A_810 = tpu.memref_slice %dma_wait3A_807[%dma_wait3A_796, %dma_wait3A_808, %dma_wait3A_809] : memref<2x25x80xi32, #tpu.memory_space<vmem>> -> memref<1x25x80xi32, #tpu.memory_space<vmem>>
      %dma_wait3A_811 = tpu.memref_squeeze %dma_wait3A_810 : memref<1x25x80xi32, #tpu.memory_space<vmem>> -> memref<25x80xi32, #tpu.memory_space<vmem>>
      %dma_wait3A_812 = arith.constant 0 : i32
      %dma_wait3A_813 = tpu.memref_slice %dma_wait3A_811[%dma_wait3A_797, %dma_wait3A_812] : memref<25x80xi32, #tpu.memory_space<vmem>> -> memref<1x80xi32, #tpu.memory_space<vmem>>
      %dma_wait3A_814 = tpu.memref_squeeze %dma_wait3A_813 : memref<1x80xi32, #tpu.memory_space<vmem>> -> memref<80xi32, #tpu.memory_space<vmem>>
      %dma_wait3A_815 = arith.constant 0 : i32
      %dma_wait3A_816 = arith.constant 0 : i32
      %dma_wait3A_817 = tpu.memref_slice %arg2[%dma_wait3A_815, %dma_wait3A_816] : memref<10000x128xf32, #tpu.memory_space<hbm>> -> memref<10000x128xf32, #tpu.memory_space<hbm>>
      tpu.wait_indirect_dma semaphore(%arg9 : memref<!tpu.dma_semaphore, #tpu.memory_space<semaphore_mem>>) src(%dma_wait3A_817 : memref<10000x128xf32, #tpu.memory_space<hbm>>) dst(%dma_wait3A_802 : memref<80x128xf32, #tpu.memory_space<vmem>>)
      %run_scoped3A_818 = arith.constant 1 : i32
      %run_scoped3A_819 = arith.constant 1 : i32
      %run_scoped3A_820 = arith.constant 1 : i32
      "tpu.region"() ({
        %run_scoped3A_897 = tpu.sem_alloc : memref<!tpu.dma_semaphore, #tpu.memory_space<semaphore_mem>>
        %dma_start3A_898 = arith.constant 0 : i32
        %dma_start3A_899 = arith.constant 0 : i32
        %dma_start3A_900 = tpu.memref_slice %arg7[%run_scoped3A_818, %dma_start3A_898, %dma_start3A_899] : memref<2x80x128xf32, #tpu.memory_space<vmem>> -> memref<1x80x128xf32, #tpu.memory_space<vmem>>
        %dma_start3A_901 = tpu.memref_squeeze %dma_start3A_900 : memref<1x80x128xf32, #tpu.memory_space<vmem>> -> memref<80x128xf32, #tpu.memory_space<vmem>>
        %dma_start3A_902 = arith.constant 0 : i32
        %dma_start3A_903 = arith.constant 0 : i32
        %dma_start3A_904 = arith.constant 0 : i32
        %dma_start3A_905 = tpu.memref_slice %arg6[%run_scoped3A_819, %dma_start3A_902, %dma_start3A_903, %dma_start3A_904] : memref<2x2x25x80xi32, #tpu.memory_space<vmem>> -> memref<1x2x25x80xi32, #tpu.memory_space<vmem>>
        %dma_start3A_906 = tpu.memref_squeeze %dma_start3A_905 : memref<1x2x25x80xi32, #tpu.memory_space<vmem>> -> memref<2x25x80xi32, #tpu.memory_space<vmem>>
        %dma_start3A_907 = arith.constant 0 : i32
        %dma_start3A_908 = arith.constant 0 : i32
        %dma_start3A_909 = tpu.memref_slice %dma_start3A_906[%run_scoped3A_820, %dma_start3A_907, %dma_start3A_908] : memref<2x25x80xi32, #tpu.memory_space<vmem>> -> memref<1x25x80xi32, #tpu.memory_space<vmem>>
        %dma_start3A_910 = tpu.memref_squeeze %dma_start3A_909 : memref<1x25x80xi32, #tpu.memory_space<vmem>> -> memref<25x80xi32, #tpu.memory_space<vmem>>
        %dma_start3A_911 = arith.constant 0 : i32
        %dma_start3A_912 = tpu.memref_slice %dma_start3A_910[%mul3A_794, %dma_start3A_911] : memref<25x80xi32, #tpu.memory_space<vmem>> -> memref<1x80xi32, #tpu.memory_space<vmem>>
        %dma_start3A_913 = tpu.memref_squeeze %dma_start3A_912 : memref<1x80xi32, #tpu.memory_space<vmem>> -> memref<80xi32, #tpu.memory_space<vmem>>
        %dma_start3A_914 = arith.constant 0 : i32
        %dma_start3A_915 = arith.constant 0 : i32
        %dma_start3A_916 = tpu.memref_slice %arg10[%dma_start3A_914, %dma_start3A_915] : memref<10240x128xf32, #tpu.memory_space<vmem_shared>> -> memref<10240x128xf32, #tpu.memory_space<vmem_shared>>
        tpu.enqueue_indirect_dma source(%dma_start3A_901 : memref<80x128xf32, #tpu.memory_space<vmem>>) target(%dma_start3A_916 : memref<10240x128xf32, #tpu.memory_space<vmem_shared>>) offsets(%dma_start3A_913 : memref<80xi32, #tpu.memory_space<vmem>>) semaphore(%run_scoped3A_897 : memref<!tpu.dma_semaphore, #tpu.memory_space<semaphore_mem>>) {add = true}
        %dma_wait3A_917 = arith.constant 0 : i32
        %dma_wait3A_918 = arith.constant 0 : i32
        %dma_wait3A_919 = tpu.memref_slice %arg7[%run_scoped3A_818, %dma_wait3A_917, %dma_wait3A_918] : memref<2x80x128xf32, #tpu.memory_space<vmem>> -> memref<1x80x128xf32, #tpu.memory_space<vmem>>
        %dma_wait3A_920 = tpu.memref_squeeze %dma_wait3A_919 : memref<1x80x128xf32, #tpu.memory_space<vmem>> -> memref<80x128xf32, #tpu.memory_space<vmem>>
        %dma_wait3A_921 = arith.constant 0 : i32
        %dma_wait3A_922 = arith.constant 0 : i32
        %dma_wait3A_923 = arith.constant 0 : i32
        %dma_wait3A_924 = tpu.memref_slice %arg6[%run_scoped3A_819, %dma_wait3A_921, %dma_wait3A_922, %dma_wait3A_923] : memref<2x2x25x80xi32, #tpu.memory_space<vmem>> -> memref<1x2x25x80xi32, #tpu.memory_space<vmem>>
        %dma_wait3A_925 = tpu.memref_squeeze %dma_wait3A_924 : memref<1x2x25x80xi32, #tpu.memory_space<vmem>> -> memref<2x25x80xi32, #tpu.memory_space<vmem>>
        %dma_wait3A_926 = arith.constant 0 : i32
        %dma_wait3A_927 = arith.constant 0 : i32
        %dma_wait3A_928 = tpu.memref_slice %dma_wait3A_925[%run_scoped3A_820, %dma_wait3A_926, %dma_wait3A_927] : memref<2x25x80xi32, #tpu.memory_space<vmem>> -> memref<1x25x80xi32, #tpu.memory_space<vmem>>
        %dma_wait3A_929 = tpu.memref_squeeze %dma_wait3A_928 : memref<1x25x80xi32, #tpu.memory_space<vmem>> -> memref<25x80xi32, #tpu.memory_space<vmem>>
        %dma_wait3A_930 = arith.constant 0 : i32
        %dma_wait3A_931 = tpu.memref_slice %dma_wait3A_929[%mul3A_794, %dma_wait3A_930] : memref<25x80xi32, #tpu.memory_space<vmem>> -> memref<1x80xi32, #tpu.memory_space<vmem>>
        %dma_wait3A_932 = tpu.memref_squeeze %dma_wait3A_931 : memref<1x80xi32, #tpu.memory_space<vmem>> -> memref<80xi32, #tpu.memory_space<vmem>>
        %dma_wait3A_933 = arith.constant 0 : i32
        %dma_wait3A_934 = arith.constant 0 : i32
        %dma_wait3A_935 = tpu.memref_slice %arg10[%dma_wait3A_933, %dma_wait3A_934] : memref<10240x128xf32, #tpu.memory_space<vmem_shared>> -> memref<10240x128xf32, #tpu.memory_space<vmem_shared>>
        tpu.wait_indirect_dma semaphore(%run_scoped3A_897 : memref<!tpu.dma_semaphore, #tpu.memory_space<semaphore_mem>>) src(%dma_wait3A_920 : memref<80x128xf32, #tpu.memory_space<vmem>>) dst(%dma_wait3A_935 : memref<10240x128xf32, #tpu.memory_space<vmem_shared>>)
        tpu.yield
      }) : () -> ()
      %add3A_821 = arith.constant 2 : i32
      %add3A_822 = arith.addi %mul3A_794, %add3A_821 : i32
      %dma_start3A_823 = arith.constant 1 : i32
      %dma_start3A_824 = arith.constant 0 : i32
      %dma_start3A_825 = arith.constant 1 : i32
      %dma_start3A_826 = arith.constant 0 : i32
      %dma_start3A_827 = arith.constant 0 : i32
      %dma_start3A_828 = tpu.memref_slice %arg7[%dma_start3A_825, %dma_start3A_826, %dma_start3A_827] : memref<2x80x128xf32, #tpu.memory_space<vmem>> -> memref<1x80x128xf32, #tpu.memory_space<vmem>>
      %dma_start3A_829 = tpu.memref_squeeze %dma_start3A_828 : memref<1x80x128xf32, #tpu.memory_space<vmem>> -> memref<80x128xf32, #tpu.memory_space<vmem>>
      %dma_start3A_830 = arith.constant 0 : i32
      %dma_start3A_831 = arith.constant 0 : i32
      %dma_start3A_832 = arith.constant 0 : i32
      %dma_start3A_833 = tpu.memref_slice %arg6[%dma_start3A_823, %dma_start3A_830, %dma_start3A_831, %dma_start3A_832] : memref<2x2x25x80xi32, #tpu.memory_space<vmem>> -> memref<1x2x25x80xi32, #tpu.memory_space<vmem>>
      %dma_start3A_834 = tpu.memref_squeeze %dma_start3A_833 : memref<1x2x25x80xi32, #tpu.memory_space<vmem>> -> memref<2x25x80xi32, #tpu.memory_space<vmem>>
      %dma_start3A_835 = arith.constant 0 : i32
      %dma_start3A_836 = arith.constant 0 : i32
      %dma_start3A_837 = tpu.memref_slice %dma_start3A_834[%dma_start3A_824, %dma_start3A_835, %dma_start3A_836] : memref<2x25x80xi32, #tpu.memory_space<vmem>> -> memref<1x25x80xi32, #tpu.memory_space<vmem>>
      %dma_start3A_838 = tpu.memref_squeeze %dma_start3A_837 : memref<1x25x80xi32, #tpu.memory_space<vmem>> -> memref<25x80xi32, #tpu.memory_space<vmem>>
      %dma_start3A_839 = arith.constant 0 : i32
      %dma_start3A_840 = tpu.memref_slice %dma_start3A_838[%add3A_822, %dma_start3A_839] : memref<25x80xi32, #tpu.memory_space<vmem>> -> memref<1x80xi32, #tpu.memory_space<vmem>>
      %dma_start3A_841 = tpu.memref_squeeze %dma_start3A_840 : memref<1x80xi32, #tpu.memory_space<vmem>> -> memref<80xi32, #tpu.memory_space<vmem>>
      %dma_start3A_842 = arith.constant 0 : i32
      %dma_start3A_843 = arith.constant 0 : i32
      %dma_start3A_844 = tpu.memref_slice %arg2[%dma_start3A_842, %dma_start3A_843] : memref<10000x128xf32, #tpu.memory_space<hbm>> -> memref<10000x128xf32, #tpu.memory_space<hbm>>
      tpu.enqueue_indirect_dma source(%dma_start3A_844 : memref<10000x128xf32, #tpu.memory_space<hbm>>) target(%dma_start3A_829 : memref<80x128xf32, #tpu.memory_space<vmem>>) offsets(%dma_start3A_841 : memref<80xi32, #tpu.memory_space<vmem>>) semaphore(%arg9 : memref<!tpu.dma_semaphore, #tpu.memory_space<semaphore_mem>>)
      %dma_wait3A_845 = arith.constant 0 : i32
      %dma_wait3A_846 = arith.constant 0 : i32
      %dma_wait3A_847 = arith.constant 0 : i32
      %dma_wait3A_848 = arith.constant 0 : i32
      %dma_wait3A_849 = arith.constant 0 : i32
      %dma_wait3A_850 = arith.constant 0 : i32
      %dma_wait3A_851 = tpu.memref_slice %arg7[%dma_wait3A_848, %dma_wait3A_849, %dma_wait3A_850] : memref<2x80x128xf32, #tpu.memory_space<vmem>> -> memref<1x80x128xf32, #tpu.memory_space<vmem>>
      %dma_wait3A_852 = tpu.memref_squeeze %dma_wait3A_851 : memref<1x80x128xf32, #tpu.memory_space<vmem>> -> memref<80x128xf32, #tpu.memory_space<vmem>>
      %dma_wait3A_853 = arith.constant 0 : i32
      %dma_wait3A_854 = arith.constant 0 : i32
      %dma_wait3A_855 = arith.constant 0 : i32
      %dma_wait3A_856 = tpu.memref_slice %arg6[%dma_wait3A_845, %dma_wait3A_853, %dma_wait3A_854, %dma_wait3A_855] : memref<2x2x25x80xi32, #tpu.memory_space<vmem>> -> memref<1x2x25x80xi32, #tpu.memory_space<vmem>>
      %dma_wait3A_857 = tpu.memref_squeeze %dma_wait3A_856 : memref<1x2x25x80xi32, #tpu.memory_space<vmem>> -> memref<2x25x80xi32, #tpu.memory_space<vmem>>
      %dma_wait3A_858 = arith.constant 0 : i32
      %dma_wait3A_859 = arith.constant 0 : i32
      %dma_wait3A_860 = tpu.memref_slice %dma_wait3A_857[%dma_wait3A_846, %dma_wait3A_858, %dma_wait3A_859] : memref<2x25x80xi32, #tpu.memory_space<vmem>> -> memref<1x25x80xi32, #tpu.memory_space<vmem>>
      %dma_wait3A_861 = tpu.memref_squeeze %dma_wait3A_860 : memref<1x25x80xi32, #tpu.memory_space<vmem>> -> memref<25x80xi32, #tpu.memory_space<vmem>>
      %dma_wait3A_862 = arith.constant 0 : i32
      %dma_wait3A_863 = tpu.memref_slice %dma_wait3A_861[%dma_wait3A_847, %dma_wait3A_862] : memref<25x80xi32, #tpu.memory_space<vmem>> -> memref<1x80xi32, #tpu.memory_space<vmem>>
      %dma_wait3A_864 = tpu.memref_squeeze %dma_wait3A_863 : memref<1x80xi32, #tpu.memory_space<vmem>> -> memref<80xi32, #tpu.memory_space<vmem>>
      %dma_wait3A_865 = arith.constant 0 : i32
      %dma_wait3A_866 = arith.constant 0 : i32
      %dma_wait3A_867 = tpu.memref_slice %arg2[%dma_wait3A_865, %dma_wait3A_866] : memref<10000x128xf32, #tpu.memory_space<hbm>> -> memref<10000x128xf32, #tpu.memory_space<hbm>>
      tpu.wait_indirect_dma semaphore(%arg8 : memref<!tpu.dma_semaphore, #tpu.memory_space<semaphore_mem>>) src(%dma_wait3A_867 : memref<10000x128xf32, #tpu.memory_space<hbm>>) dst(%dma_wait3A_852 : memref<80x128xf32, #tpu.memory_space<vmem>>)
      %add3A_868 = arith.constant 1 : i32
      %add3A_869 = arith.addi %mul3A_794, %add3A_868 : i32
      %run_scoped3A_870 = arith.constant 0 : i32
      %run_scoped3A_871 = arith.constant 1 : i32
      %run_scoped3A_872 = arith.constant 1 : i32
      "tpu.region"() ({
        %run_scoped3A_897 = tpu.sem_alloc : memref<!tpu.dma_semaphore, #tpu.memory_space<semaphore_mem>>
        %dma_start3A_898 = arith.constant 0 : i32
        %dma_start3A_899 = arith.constant 0 : i32
        %dma_start3A_900 = tpu.memref_slice %arg7[%run_scoped3A_870, %dma_start3A_898, %dma_start3A_899] : memref<2x80x128xf32, #tpu.memory_space<vmem>> -> memref<1x80x128xf32, #tpu.memory_space<vmem>>
        %dma_start3A_901 = tpu.memref_squeeze %dma_start3A_900 : memref<1x80x128xf32, #tpu.memory_space<vmem>> -> memref<80x128xf32, #tpu.memory_space<vmem>>
        %dma_start3A_902 = arith.constant 0 : i32
        %dma_start3A_903 = arith.constant 0 : i32
        %dma_start3A_904 = arith.constant 0 : i32
        %dma_start3A_905 = tpu.memref_slice %arg6[%run_scoped3A_871, %dma_start3A_902, %dma_start3A_903, %dma_start3A_904] : memref<2x2x25x80xi32, #tpu.memory_space<vmem>> -> memref<1x2x25x80xi32, #tpu.memory_space<vmem>>
        %dma_start3A_906 = tpu.memref_squeeze %dma_start3A_905 : memref<1x2x25x80xi32, #tpu.memory_space<vmem>> -> memref<2x25x80xi32, #tpu.memory_space<vmem>>
        %dma_start3A_907 = arith.constant 0 : i32
        %dma_start3A_908 = arith.constant 0 : i32
        %dma_start3A_909 = tpu.memref_slice %dma_start3A_906[%run_scoped3A_872, %dma_start3A_907, %dma_start3A_908] : memref<2x25x80xi32, #tpu.memory_space<vmem>> -> memref<1x25x80xi32, #tpu.memory_space<vmem>>
        %dma_start3A_910 = tpu.memref_squeeze %dma_start3A_909 : memref<1x25x80xi32, #tpu.memory_space<vmem>> -> memref<25x80xi32, #tpu.memory_space<vmem>>
        %dma_start3A_911 = arith.constant 0 : i32
        %dma_start3A_912 = tpu.memref_slice %dma_start3A_910[%add3A_869, %dma_start3A_911] : memref<25x80xi32, #tpu.memory_space<vmem>> -> memref<1x80xi32, #tpu.memory_space<vmem>>
        %dma_start3A_913 = tpu.memref_squeeze %dma_start3A_912 : memref<1x80xi32, #tpu.memory_space<vmem>> -> memref<80xi32, #tpu.memory_space<vmem>>
        %dma_start3A_914 = arith.constant 0 : i32
        %dma_start3A_915 = arith.constant 0 : i32
        %dma_start3A_916 = tpu.memref_slice %arg10[%dma_start3A_914, %dma_start3A_915] : memref<10240x128xf32, #tpu.memory_space<vmem_shared>> -> memref<10240x128xf32, #tpu.memory_space<vmem_shared>>
        tpu.enqueue_indirect_dma source(%dma_start3A_901 : memref<80x128xf32, #tpu.memory_space<vmem>>) target(%dma_start3A_916 : memref<10240x128xf32, #tpu.memory_space<vmem_shared>>) offsets(%dma_start3A_913 : memref<80xi32, #tpu.memory_space<vmem>>) semaphore(%run_scoped3A_897 : memref<!tpu.dma_semaphore, #tpu.memory_space<semaphore_mem>>) {add = true}
        %dma_wait3A_917 = arith.constant 0 : i32
        %dma_wait3A_918 = arith.constant 0 : i32
        %dma_wait3A_919 = tpu.memref_slice %arg7[%run_scoped3A_870, %dma_wait3A_917, %dma_wait3A_918] : memref<2x80x128xf32, #tpu.memory_space<vmem>> -> memref<1x80x128xf32, #tpu.memory_space<vmem>>
        %dma_wait3A_920 = tpu.memref_squeeze %dma_wait3A_919 : memref<1x80x128xf32, #tpu.memory_space<vmem>> -> memref<80x128xf32, #tpu.memory_space<vmem>>
        %dma_wait3A_921 = arith.constant 0 : i32
        %dma_wait3A_922 = arith.constant 0 : i32
        %dma_wait3A_923 = arith.constant 0 : i32
        %dma_wait3A_924 = tpu.memref_slice %arg6[%run_scoped3A_871, %dma_wait3A_921, %dma_wait3A_922, %dma_wait3A_923] : memref<2x2x25x80xi32, #tpu.memory_space<vmem>> -> memref<1x2x25x80xi32, #tpu.memory_space<vmem>>
        %dma_wait3A_925 = tpu.memref_squeeze %dma_wait3A_924 : memref<1x2x25x80xi32, #tpu.memory_space<vmem>> -> memref<2x25x80xi32, #tpu.memory_space<vmem>>
        %dma_wait3A_926 = arith.constant 0 : i32
        %dma_wait3A_927 = arith.constant 0 : i32
        %dma_wait3A_928 = tpu.memref_slice %dma_wait3A_925[%run_scoped3A_872, %dma_wait3A_926, %dma_wait3A_927] : memref<2x25x80xi32, #tpu.memory_space<vmem>> -> memref<1x25x80xi32, #tpu.memory_space<vmem>>
        %dma_wait3A_929 = tpu.memref_squeeze %dma_wait3A_928 : memref<1x25x80xi32, #tpu.memory_space<vmem>> -> memref<25x80xi32, #tpu.memory_space<vmem>>
        %dma_wait3A_930 = arith.constant 0 : i32
        %dma_wait3A_931 = tpu.memref_slice %dma_wait3A_929[%add3A_869, %dma_wait3A_930] : memref<25x80xi32, #tpu.memory_space<vmem>> -> memref<1x80xi32, #tpu.memory_space<vmem>>
        %dma_wait3A_932 = tpu.memref_squeeze %dma_wait3A_931 : memref<1x80xi32, #tpu.memory_space<vmem>> -> memref<80xi32, #tpu.memory_space<vmem>>
        %dma_wait3A_933 = arith.constant 0 : i32
        %dma_wait3A_934 = arith.constant 0 : i32
        %dma_wait3A_935 = tpu.memref_slice %arg10[%dma_wait3A_933, %dma_wait3A_934] : memref<10240x128xf32, #tpu.memory_space<vmem_shared>> -> memref<10240x128xf32, #tpu.memory_space<vmem_shared>>
        tpu.wait_indirect_dma semaphore(%run_scoped3A_897 : memref<!tpu.dma_semaphore, #tpu.memory_space<semaphore_mem>>) src(%dma_wait3A_920 : memref<80x128xf32, #tpu.memory_space<vmem>>) dst(%dma_wait3A_935 : memref<10240x128xf32, #tpu.memory_space<vmem_shared>>)
        tpu.yield
      }) : () -> ()
      %add3A_873 = arith.constant 3 : i32
      %add3A_874 = arith.addi %mul3A_794, %add3A_873 : i32
      %dma_start3A_875 = arith.constant 1 : i32
      %dma_start3A_876 = arith.constant 0 : i32
      %dma_start3A_877 = arith.constant 0 : i32
      %dma_start3A_878 = arith.constant 0 : i32
      %dma_start3A_879 = arith.constant 0 : i32
      %dma_start3A_880 = tpu.memref_slice %arg7[%dma_start3A_877, %dma_start3A_878, %dma_start3A_879] : memref<2x80x128xf32, #tpu.memory_space<vmem>> -> memref<1x80x128xf32, #tpu.memory_space<vmem>>
      %dma_start3A_881 = tpu.memref_squeeze %dma_start3A_880 : memref<1x80x128xf32, #tpu.memory_space<vmem>> -> memref<80x128xf32, #tpu.memory_space<vmem>>
      %dma_start3A_882 = arith.constant 0 : i32
      %dma_start3A_883 = arith.constant 0 : i32
      %dma_start3A_884 = arith.constant 0 : i32
      %dma_start3A_885 = tpu.memref_slice %arg6[%dma_start3A_875, %dma_start3A_882, %dma_start3A_883, %dma_start3A_884] : memref<2x2x25x80xi32, #tpu.memory_space<vmem>> -> memref<1x2x25x80xi32, #tpu.memory_space<vmem>>
      %dma_start3A_886 = tpu.memref_squeeze %dma_start3A_885 : memref<1x2x25x80xi32, #tpu.memory_space<vmem>> -> memref<2x25x80xi32, #tpu.memory_space<vmem>>
      %dma_start3A_887 = arith.constant 0 : i32
      %dma_start3A_888 = arith.constant 0 : i32
      %dma_start3A_889 = tpu.memref_slice %dma_start3A_886[%dma_start3A_876, %dma_start3A_887, %dma_start3A_888] : memref<2x25x80xi32, #tpu.memory_space<vmem>> -> memref<1x25x80xi32, #tpu.memory_space<vmem>>
      %dma_start3A_890 = tpu.memref_squeeze %dma_start3A_889 : memref<1x25x80xi32, #tpu.memory_space<vmem>> -> memref<25x80xi32, #tpu.memory_space<vmem>>
      %dma_start3A_891 = arith.constant 0 : i32
      %dma_start3A_892 = tpu.memref_slice %dma_start3A_890[%add3A_874, %dma_start3A_891] : memref<25x80xi32, #tpu.memory_space<vmem>> -> memref<1x80xi32, #tpu.memory_space<vmem>>
      %dma_start3A_893 = tpu.memref_squeeze %dma_start3A_892 : memref<1x80xi32, #tpu.memory_space<vmem>> -> memref<80xi32, #tpu.memory_space<vmem>>
      %dma_start3A_894 = arith.constant 0 : i32
      %dma_start3A_895 = arith.constant 0 : i32
      %dma_start3A_896 = tpu.memref_slice %arg2[%dma_start3A_894, %dma_start3A_895] : memref<10000x128xf32, #tpu.memory_space<hbm>> -> memref<10000x128xf32, #tpu.memory_space<hbm>>
      tpu.enqueue_indirect_dma source(%dma_start3A_896 : memref<10000x128xf32, #tpu.memory_space<hbm>>) target(%dma_start3A_881 : memref<80x128xf32, #tpu.memory_space<vmem>>) offsets(%dma_start3A_893 : memref<80xi32, #tpu.memory_space<vmem>>) semaphore(%arg8 : memref<!tpu.dma_semaphore, #tpu.memory_space<semaphore_mem>>)
    }
    %scan3A_212 = arith.constant 11 : i32
    %dma_wait3A_213 = arith.constant 0 : i32
    %dma_wait3A_214 = arith.constant 0 : i32
    %dma_wait3A_215 = arith.constant 0 : i32
    %dma_wait3A_216 = arith.constant 0 : i32
    %dma_wait3A_217 = arith.constant 0 : i32
    %dma_wait3A_218 = arith.constant 0 : i32
    %dma_wait3A_219 = tpu.memref_slice %arg7[%dma_wait3A_216, %dma_wait3A_217, %dma_wait3A_218] : memref<2x80x128xf32, #tpu.memory_space<vmem>> -> memref<1x80x128xf32, #tpu.memory_space<vmem>>
    %dma_wait3A_220 = tpu.memref_squeeze %dma_wait3A_219 : memref<1x80x128xf32, #tpu.memory_space<vmem>> -> memref<80x128xf32, #tpu.memory_space<vmem>>
    %dma_wait3A_221 = arith.constant 0 : i32
    %dma_wait3A_222 = arith.constant 0 : i32
    %dma_wait3A_223 = arith.constant 0 : i32
    %dma_wait3A_224 = tpu.memref_slice %arg6[%dma_wait3A_213, %dma_wait3A_221, %dma_wait3A_222, %dma_wait3A_223] : memref<2x2x25x80xi32, #tpu.memory_space<vmem>> -> memref<1x2x25x80xi32, #tpu.memory_space<vmem>>
    %dma_wait3A_225 = tpu.memref_squeeze %dma_wait3A_224 : memref<1x2x25x80xi32, #tpu.memory_space<vmem>> -> memref<2x25x80xi32, #tpu.memory_space<vmem>>
    %dma_wait3A_226 = arith.constant 0 : i32
    %dma_wait3A_227 = arith.constant 0 : i32
    %dma_wait3A_228 = tpu.memref_slice %dma_wait3A_225[%dma_wait3A_214, %dma_wait3A_226, %dma_wait3A_227] : memref<2x25x80xi32, #tpu.memory_space<vmem>> -> memref<1x25x80xi32, #tpu.memory_space<vmem>>
    %dma_wait3A_229 = tpu.memref_squeeze %dma_wait3A_228 : memref<1x25x80xi32, #tpu.memory_space<vmem>> -> memref<25x80xi32, #tpu.memory_space<vmem>>
    %dma_wait3A_230 = arith.constant 0 : i32
    %dma_wait3A_231 = tpu.memref_slice %dma_wait3A_229[%dma_wait3A_215, %dma_wait3A_230] : memref<25x80xi32, #tpu.memory_space<vmem>> -> memref<1x80xi32, #tpu.memory_space<vmem>>
    %dma_wait3A_232 = tpu.memref_squeeze %dma_wait3A_231 : memref<1x80xi32, #tpu.memory_space<vmem>> -> memref<80xi32, #tpu.memory_space<vmem>>
    %dma_wait3A_233 = arith.constant 0 : i32
    %dma_wait3A_234 = arith.constant 0 : i32
    %dma_wait3A_235 = tpu.memref_slice %arg2[%dma_wait3A_233, %dma_wait3A_234] : memref<10000x128xf32, #tpu.memory_space<hbm>> -> memref<10000x128xf32, #tpu.memory_space<hbm>>
    tpu.wait_indirect_dma semaphore(%arg9 : memref<!tpu.dma_semaphore, #tpu.memory_space<semaphore_mem>>) src(%dma_wait3A_235 : memref<10000x128xf32, #tpu.memory_space<hbm>>) dst(%dma_wait3A_220 : memref<80x128xf32, #tpu.memory_space<vmem>>)
    %run_scoped3A_236 = arith.constant 1 : i32
    %run_scoped3A_237 = arith.constant 1 : i32
    %run_scoped3A_238 = arith.constant 1 : i32
    %run_scoped3A_239 = arith.constant 22 : i32
    "tpu.region"() ({
      %run_scoped3A_792 = tpu.sem_alloc : memref<!tpu.dma_semaphore, #tpu.memory_space<semaphore_mem>>
      %dma_start3A_793 = arith.constant 0 : i32
      %dma_start3A_794 = arith.constant 0 : i32
      %dma_start3A_795 = tpu.memref_slice %arg7[%run_scoped3A_236, %dma_start3A_793, %dma_start3A_794] : memref<2x80x128xf32, #tpu.memory_space<vmem>> -> memref<1x80x128xf32, #tpu.memory_space<vmem>>
      %dma_start3A_796 = tpu.memref_squeeze %dma_start3A_795 : memref<1x80x128xf32, #tpu.memory_space<vmem>> -> memref<80x128xf32, #tpu.memory_space<vmem>>
      %dma_start3A_797 = arith.constant 0 : i32
      %dma_start3A_798 = arith.constant 0 : i32
      %dma_start3A_799 = arith.constant 0 : i32
      %dma_start3A_800 = tpu.memref_slice %arg6[%run_scoped3A_237, %dma_start3A_797, %dma_start3A_798, %dma_start3A_799] : memref<2x2x25x80xi32, #tpu.memory_space<vmem>> -> memref<1x2x25x80xi32, #tpu.memory_space<vmem>>
      %dma_start3A_801 = tpu.memref_squeeze %dma_start3A_800 : memref<1x2x25x80xi32, #tpu.memory_space<vmem>> -> memref<2x25x80xi32, #tpu.memory_space<vmem>>
      %dma_start3A_802 = arith.constant 0 : i32
      %dma_start3A_803 = arith.constant 0 : i32
      %dma_start3A_804 = tpu.memref_slice %dma_start3A_801[%run_scoped3A_238, %dma_start3A_802, %dma_start3A_803] : memref<2x25x80xi32, #tpu.memory_space<vmem>> -> memref<1x25x80xi32, #tpu.memory_space<vmem>>
      %dma_start3A_805 = tpu.memref_squeeze %dma_start3A_804 : memref<1x25x80xi32, #tpu.memory_space<vmem>> -> memref<25x80xi32, #tpu.memory_space<vmem>>
      %dma_start3A_806 = arith.constant 0 : i32
      %dma_start3A_807 = tpu.memref_slice %dma_start3A_805[%run_scoped3A_239, %dma_start3A_806] : memref<25x80xi32, #tpu.memory_space<vmem>> -> memref<1x80xi32, #tpu.memory_space<vmem>>
      %dma_start3A_808 = tpu.memref_squeeze %dma_start3A_807 : memref<1x80xi32, #tpu.memory_space<vmem>> -> memref<80xi32, #tpu.memory_space<vmem>>
      %dma_start3A_809 = arith.constant 0 : i32
      %dma_start3A_810 = arith.constant 0 : i32
      %dma_start3A_811 = tpu.memref_slice %arg10[%dma_start3A_809, %dma_start3A_810] : memref<10240x128xf32, #tpu.memory_space<vmem_shared>> -> memref<10240x128xf32, #tpu.memory_space<vmem_shared>>
      tpu.enqueue_indirect_dma source(%dma_start3A_796 : memref<80x128xf32, #tpu.memory_space<vmem>>) target(%dma_start3A_811 : memref<10240x128xf32, #tpu.memory_space<vmem_shared>>) offsets(%dma_start3A_808 : memref<80xi32, #tpu.memory_space<vmem>>) semaphore(%run_scoped3A_792 : memref<!tpu.dma_semaphore, #tpu.memory_space<semaphore_mem>>) {add = true}
      %dma_wait3A_812 = arith.constant 0 : i32
      %dma_wait3A_813 = arith.constant 0 : i32
      %dma_wait3A_814 = tpu.memref_slice %arg7[%run_scoped3A_236, %dma_wait3A_812, %dma_wait3A_813] : memref<2x80x128xf32, #tpu.memory_space<vmem>> -> memref<1x80x128xf32, #tpu.memory_space<vmem>>
      %dma_wait3A_815 = tpu.memref_squeeze %dma_wait3A_814 : memref<1x80x128xf32, #tpu.memory_space<vmem>> -> memref<80x128xf32, #tpu.memory_space<vmem>>
      %dma_wait3A_816 = arith.constant 0 : i32
      %dma_wait3A_817 = arith.constant 0 : i32
      %dma_wait3A_818 = arith.constant 0 : i32
      %dma_wait3A_819 = tpu.memref_slice %arg6[%run_scoped3A_237, %dma_wait3A_816, %dma_wait3A_817, %dma_wait3A_818] : memref<2x2x25x80xi32, #tpu.memory_space<vmem>> -> memref<1x2x25x80xi32, #tpu.memory_space<vmem>>
      %dma_wait3A_820 = tpu.memref_squeeze %dma_wait3A_819 : memref<1x2x25x80xi32, #tpu.memory_space<vmem>> -> memref<2x25x80xi32, #tpu.memory_space<vmem>>
      %dma_wait3A_821 = arith.constant 0 : i32
      %dma_wait3A_822 = arith.constant 0 : i32
      %dma_wait3A_823 = tpu.memref_slice %dma_wait3A_820[%run_scoped3A_238, %dma_wait3A_821, %dma_wait3A_822] : memref<2x25x80xi32, #tpu.memory_space<vmem>> -> memref<1x25x80xi32, #tpu.memory_space<vmem>>
      %dma_wait3A_824 = tpu.memref_squeeze %dma_wait3A_823 : memref<1x25x80xi32, #tpu.memory_space<vmem>> -> memref<25x80xi32, #tpu.memory_space<vmem>>
      %dma_wait3A_825 = arith.constant 0 : i32
      %dma_wait3A_826 = tpu.memref_slice %dma_wait3A_824[%run_scoped3A_239, %dma_wait3A_825] : memref<25x80xi32, #tpu.memory_space<vmem>> -> memref<1x80xi32, #tpu.memory_space<vmem>>
      %dma_wait3A_827 = tpu.memref_squeeze %dma_wait3A_826 : memref<1x80xi32, #tpu.memory_space<vmem>> -> memref<80xi32, #tpu.memory_space<vmem>>
      %dma_wait3A_828 = arith.constant 0 : i32
      %dma_wait3A_829 = arith.constant 0 : i32
      %dma_wait3A_830 = tpu.memref_slice %arg10[%dma_wait3A_828, %dma_wait3A_829] : memref<10240x128xf32, #tpu.memory_space<vmem_shared>> -> memref<10240x128xf32, #tpu.memory_space<vmem_shared>>
      tpu.wait_indirect_dma semaphore(%run_scoped3A_792 : memref<!tpu.dma_semaphore, #tpu.memory_space<semaphore_mem>>) src(%dma_wait3A_815 : memref<80x128xf32, #tpu.memory_space<vmem>>) dst(%dma_wait3A_830 : memref<10240x128xf32, #tpu.memory_space<vmem_shared>>)
      tpu.yield
    }) : () -> ()
    %dma_start3A_240 = arith.constant 1 : i32
    %dma_start3A_241 = arith.constant 0 : i32
    %dma_start3A_242 = arith.constant 24 : i32
    %dma_start3A_243 = arith.constant 1 : i32
    %dma_start3A_244 = arith.constant 0 : i32
    %dma_start3A_245 = arith.constant 0 : i32
    %dma_start3A_246 = tpu.memref_slice %arg7[%dma_start3A_243, %dma_start3A_244, %dma_start3A_245] : memref<2x80x128xf32, #tpu.memory_space<vmem>> -> memref<1x80x128xf32, #tpu.memory_space<vmem>>
    %dma_start3A_247 = tpu.memref_squeeze %dma_start3A_246 : memref<1x80x128xf32, #tpu.memory_space<vmem>> -> memref<80x128xf32, #tpu.memory_space<vmem>>
    %dma_start3A_248 = arith.constant 0 : i32
    %dma_start3A_249 = arith.constant 0 : i32
    %dma_start3A_250 = arith.constant 0 : i32
    %dma_start3A_251 = tpu.memref_slice %arg6[%dma_start3A_240, %dma_start3A_248, %dma_start3A_249, %dma_start3A_250] : memref<2x2x25x80xi32, #tpu.memory_space<vmem>> -> memref<1x2x25x80xi32, #tpu.memory_space<vmem>>
    %dma_start3A_252 = tpu.memref_squeeze %dma_start3A_251 : memref<1x2x25x80xi32, #tpu.memory_space<vmem>> -> memref<2x25x80xi32, #tpu.memory_space<vmem>>
    %dma_start3A_253 = arith.constant 0 : i32
    %dma_start3A_254 = arith.constant 0 : i32
    %dma_start3A_255 = tpu.memref_slice %dma_start3A_252[%dma_start3A_241, %dma_start3A_253, %dma_start3A_254] : memref<2x25x80xi32, #tpu.memory_space<vmem>> -> memref<1x25x80xi32, #tpu.memory_space<vmem>>
    %dma_start3A_256 = tpu.memref_squeeze %dma_start3A_255 : memref<1x25x80xi32, #tpu.memory_space<vmem>> -> memref<25x80xi32, #tpu.memory_space<vmem>>
    %dma_start3A_257 = arith.constant 0 : i32
    %dma_start3A_258 = tpu.memref_slice %dma_start3A_256[%dma_start3A_242, %dma_start3A_257] : memref<25x80xi32, #tpu.memory_space<vmem>> -> memref<1x80xi32, #tpu.memory_space<vmem>>
    %dma_start3A_259 = tpu.memref_squeeze %dma_start3A_258 : memref<1x80xi32, #tpu.memory_space<vmem>> -> memref<80xi32, #tpu.memory_space<vmem>>
    %dma_start3A_260 = arith.constant 0 : i32
    %dma_start3A_261 = arith.constant 0 : i32
    %dma_start3A_262 = tpu.memref_slice %arg2[%dma_start3A_260, %dma_start3A_261] : memref<10000x128xf32, #tpu.memory_space<hbm>> -> memref<10000x128xf32, #tpu.memory_space<hbm>>
    tpu.enqueue_indirect_dma source(%dma_start3A_262 : memref<10000x128xf32, #tpu.memory_space<hbm>>) target(%dma_start3A_247 : memref<80x128xf32, #tpu.memory_space<vmem>>) offsets(%dma_start3A_259 : memref<80xi32, #tpu.memory_space<vmem>>) semaphore(%arg9 : memref<!tpu.dma_semaphore, #tpu.memory_space<semaphore_mem>>)
    %dma_wait3A_263 = arith.constant 0 : i32
    %dma_wait3A_264 = arith.constant 0 : i32
    %dma_wait3A_265 = arith.constant 0 : i32
    %dma_wait3A_266 = arith.constant 0 : i32
    %dma_wait3A_267 = arith.constant 0 : i32
    %dma_wait3A_268 = arith.constant 0 : i32
    %dma_wait3A_269 = tpu.memref_slice %arg7[%dma_wait3A_266, %dma_wait3A_267, %dma_wait3A_268] : memref<2x80x128xf32, #tpu.memory_space<vmem>> -> memref<1x80x128xf32, #tpu.memory_space<vmem>>
    %dma_wait3A_270 = tpu.memref_squeeze %dma_wait3A_269 : memref<1x80x128xf32, #tpu.memory_space<vmem>> -> memref<80x128xf32, #tpu.memory_space<vmem>>
    %dma_wait3A_271 = arith.constant 0 : i32
    %dma_wait3A_272 = arith.constant 0 : i32
    %dma_wait3A_273 = arith.constant 0 : i32
    %dma_wait3A_274 = tpu.memref_slice %arg6[%dma_wait3A_263, %dma_wait3A_271, %dma_wait3A_272, %dma_wait3A_273] : memref<2x2x25x80xi32, #tpu.memory_space<vmem>> -> memref<1x2x25x80xi32, #tpu.memory_space<vmem>>
    %dma_wait3A_275 = tpu.memref_squeeze %dma_wait3A_274 : memref<1x2x25x80xi32, #tpu.memory_space<vmem>> -> memref<2x25x80xi32, #tpu.memory_space<vmem>>
    %dma_wait3A_276 = arith.constant 0 : i32
    %dma_wait3A_277 = arith.constant 0 : i32
    %dma_wait3A_278 = tpu.memref_slice %dma_wait3A_275[%dma_wait3A_264, %dma_wait3A_276, %dma_wait3A_277] : memref<2x25x80xi32, #tpu.memory_space<vmem>> -> memref<1x25x80xi32, #tpu.memory_space<vmem>>
    %dma_wait3A_279 = tpu.memref_squeeze %dma_wait3A_278 : memref<1x25x80xi32, #tpu.memory_space<vmem>> -> memref<25x80xi32, #tpu.memory_space<vmem>>
    %dma_wait3A_280 = arith.constant 0 : i32
    %dma_wait3A_281 = tpu.memref_slice %dma_wait3A_279[%dma_wait3A_265, %dma_wait3A_280] : memref<25x80xi32, #tpu.memory_space<vmem>> -> memref<1x80xi32, #tpu.memory_space<vmem>>
    %dma_wait3A_282 = tpu.memref_squeeze %dma_wait3A_281 : memref<1x80xi32, #tpu.memory_space<vmem>> -> memref<80xi32, #tpu.memory_space<vmem>>
    %dma_wait3A_283 = arith.constant 0 : i32
    %dma_wait3A_284 = arith.constant 0 : i32
    %dma_wait3A_285 = tpu.memref_slice %arg2[%dma_wait3A_283, %dma_wait3A_284] : memref<10000x128xf32, #tpu.memory_space<hbm>> -> memref<10000x128xf32, #tpu.memory_space<hbm>>
    tpu.wait_indirect_dma semaphore(%arg8 : memref<!tpu.dma_semaphore, #tpu.memory_space<semaphore_mem>>) src(%dma_wait3A_285 : memref<10000x128xf32, #tpu.memory_space<hbm>>) dst(%dma_wait3A_270 : memref<80x128xf32, #tpu.memory_space<vmem>>)
    %run_scoped3A_286 = arith.constant 0 : i32
    %run_scoped3A_287 = arith.constant 1 : i32
    %run_scoped3A_288 = arith.constant 1 : i32
    %run_scoped3A_289 = arith.constant 23 : i32
    "tpu.region"() ({
      %run_scoped3A_792 = tpu.sem_alloc : memref<!tpu.dma_semaphore, #tpu.memory_space<semaphore_mem>>
      %dma_start3A_793 = arith.constant 0 : i32
      %dma_start3A_794 = arith.constant 0 : i32
      %dma_start3A_795 = tpu.memref_slice %arg7[%run_scoped3A_286, %dma_start3A_793, %dma_start3A_794] : memref<2x80x128xf32, #tpu.memory_space<vmem>> -> memref<1x80x128xf32, #tpu.memory_space<vmem>>
      %dma_start3A_796 = tpu.memref_squeeze %dma_start3A_795 : memref<1x80x128xf32, #tpu.memory_space<vmem>> -> memref<80x128xf32, #tpu.memory_space<vmem>>
      %dma_start3A_797 = arith.constant 0 : i32
      %dma_start3A_798 = arith.constant 0 : i32
      %dma_start3A_799 = arith.constant 0 : i32
      %dma_start3A_800 = tpu.memref_slice %arg6[%run_scoped3A_287, %dma_start3A_797, %dma_start3A_798, %dma_start3A_799] : memref<2x2x25x80xi32, #tpu.memory_space<vmem>> -> memref<1x2x25x80xi32, #tpu.memory_space<vmem>>
      %dma_start3A_801 = tpu.memref_squeeze %dma_start3A_800 : memref<1x2x25x80xi32, #tpu.memory_space<vmem>> -> memref<2x25x80xi32, #tpu.memory_space<vmem>>
      %dma_start3A_802 = arith.constant 0 : i32
      %dma_start3A_803 = arith.constant 0 : i32
      %dma_start3A_804 = tpu.memref_slice %dma_start3A_801[%run_scoped3A_288, %dma_start3A_802, %dma_start3A_803] : memref<2x25x80xi32, #tpu.memory_space<vmem>> -> memref<1x25x80xi32, #tpu.memory_space<vmem>>
      %dma_start3A_805 = tpu.memref_squeeze %dma_start3A_804 : memref<1x25x80xi32, #tpu.memory_space<vmem>> -> memref<25x80xi32, #tpu.memory_space<vmem>>
      %dma_start3A_806 = arith.constant 0 : i32
      %dma_start3A_807 = tpu.memref_slice %dma_start3A_805[%run_scoped3A_289, %dma_start3A_806] : memref<25x80xi32, #tpu.memory_space<vmem>> -> memref<1x80xi32, #tpu.memory_space<vmem>>
      %dma_start3A_808 = tpu.memref_squeeze %dma_start3A_807 : memref<1x80xi32, #tpu.memory_space<vmem>> -> memref<80xi32, #tpu.memory_space<vmem>>
      %dma_start3A_809 = arith.constant 0 : i32
      %dma_start3A_810 = arith.constant 0 : i32
      %dma_start3A_811 = tpu.memref_slice %arg10[%dma_start3A_809, %dma_start3A_810] : memref<10240x128xf32, #tpu.memory_space<vmem_shared>> -> memref<10240x128xf32, #tpu.memory_space<vmem_shared>>
      tpu.enqueue_indirect_dma source(%dma_start3A_796 : memref<80x128xf32, #tpu.memory_space<vmem>>) target(%dma_start3A_811 : memref<10240x128xf32, #tpu.memory_space<vmem_shared>>) offsets(%dma_start3A_808 : memref<80xi32, #tpu.memory_space<vmem>>) semaphore(%run_scoped3A_792 : memref<!tpu.dma_semaphore, #tpu.memory_space<semaphore_mem>>) {add = true}
      %dma_wait3A_812 = arith.constant 0 : i32
      %dma_wait3A_813 = arith.constant 0 : i32
      %dma_wait3A_814 = tpu.memref_slice %arg7[%run_scoped3A_286, %dma_wait3A_812, %dma_wait3A_813] : memref<2x80x128xf32, #tpu.memory_space<vmem>> -> memref<1x80x128xf32, #tpu.memory_space<vmem>>
      %dma_wait3A_815 = tpu.memref_squeeze %dma_wait3A_814 : memref<1x80x128xf32, #tpu.memory_space<vmem>> -> memref<80x128xf32, #tpu.memory_space<vmem>>
      %dma_wait3A_816 = arith.constant 0 : i32
      %dma_wait3A_817 = arith.constant 0 : i32
      %dma_wait3A_818 = arith.constant 0 : i32
      %dma_wait3A_819 = tpu.memref_slice %arg6[%run_scoped3A_287, %dma_wait3A_816, %dma_wait3A_817, %dma_wait3A_818] : memref<2x2x25x80xi32, #tpu.memory_space<vmem>> -> memref<1x2x25x80xi32, #tpu.memory_space<vmem>>
      %dma_wait3A_820 = tpu.memref_squeeze %dma_wait3A_819 : memref<1x2x25x80xi32, #tpu.memory_space<vmem>> -> memref<2x25x80xi32, #tpu.memory_space<vmem>>
      %dma_wait3A_821 = arith.constant 0 : i32
      %dma_wait3A_822 = arith.constant 0 : i32
      %dma_wait3A_823 = tpu.memref_slice %dma_wait3A_820[%run_scoped3A_288, %dma_wait3A_821, %dma_wait3A_822] : memref<2x25x80xi32, #tpu.memory_space<vmem>> -> memref<1x25x80xi32, #tpu.memory_space<vmem>>
      %dma_wait3A_824 = tpu.memref_squeeze %dma_wait3A_823 : memref<1x25x80xi32, #tpu.memory_space<vmem>> -> memref<25x80xi32, #tpu.memory_space<vmem>>
      %dma_wait3A_825 = arith.constant 0 : i32
      %dma_wait3A_826 = tpu.memref_slice %dma_wait3A_824[%run_scoped3A_289, %dma_wait3A_825] : memref<25x80xi32, #tpu.memory_space<vmem>> -> memref<1x80xi32, #tpu.memory_space<vmem>>
      %dma_wait3A_827 = tpu.memref_squeeze %dma_wait3A_826 : memref<1x80xi32, #tpu.memory_space<vmem>> -> memref<80xi32, #tpu.memory_space<vmem>>
      %dma_wait3A_828 = arith.constant 0 : i32
      %dma_wait3A_829 = arith.constant 0 : i32
      %dma_wait3A_830 = tpu.memref_slice %arg10[%dma_wait3A_828, %dma_wait3A_829] : memref<10240x128xf32, #tpu.memory_space<vmem_shared>> -> memref<10240x128xf32, #tpu.memory_space<vmem_shared>>
      tpu.wait_indirect_dma semaphore(%run_scoped3A_792 : memref<!tpu.dma_semaphore, #tpu.memory_space<semaphore_mem>>) src(%dma_wait3A_815 : memref<80x128xf32, #tpu.memory_space<vmem>>) dst(%dma_wait3A_830 : memref<10240x128xf32, #tpu.memory_space<vmem_shared>>)
      tpu.yield
    }) : () -> ()
    %dma_start3A_290 = arith.constant 0 : i32
    %dma_start3A_291 = arith.constant 0 : i32
    %dma_start3A_292 = arith.constant 0 : i32
    %dma_start3A_293 = arith.constant 0 : i32
    %dma_start3A_294 = arith.constant 0 : i32
    %dma_start3A_295 = arith.constant 0 : i32
    %dma_start3A_296 = tpu.memref_slice %arg7[%dma_start3A_293, %dma_start3A_294, %dma_start3A_295] : memref<2x80x128xf32, #tpu.memory_space<vmem>> -> memref<1x80x128xf32, #tpu.memory_space<vmem>>
    %dma_start3A_297 = tpu.memref_squeeze %dma_start3A_296 : memref<1x80x128xf32, #tpu.memory_space<vmem>> -> memref<80x128xf32, #tpu.memory_space<vmem>>
    %dma_start3A_298 = arith.constant 0 : i32
    %dma_start3A_299 = arith.constant 0 : i32
    %dma_start3A_300 = arith.constant 0 : i32
    %dma_start3A_301 = tpu.memref_slice %arg6[%dma_start3A_290, %dma_start3A_298, %dma_start3A_299, %dma_start3A_300] : memref<2x2x25x80xi32, #tpu.memory_space<vmem>> -> memref<1x2x25x80xi32, #tpu.memory_space<vmem>>
    %dma_start3A_302 = tpu.memref_squeeze %dma_start3A_301 : memref<1x2x25x80xi32, #tpu.memory_space<vmem>> -> memref<2x25x80xi32, #tpu.memory_space<vmem>>
    %dma_start3A_303 = arith.constant 0 : i32
    %dma_start3A_304 = arith.constant 0 : i32
    %dma_start3A_305 = tpu.memref_slice %dma_start3A_302[%dma_start3A_291, %dma_start3A_303, %dma_start3A_304] : memref<2x25x80xi32, #tpu.memory_space<vmem>> -> memref<1x25x80xi32, #tpu.memory_space<vmem>>
    %dma_start3A_306 = tpu.memref_squeeze %dma_start3A_305 : memref<1x25x80xi32, #tpu.memory_space<vmem>> -> memref<25x80xi32, #tpu.memory_space<vmem>>
    %dma_start3A_307 = arith.constant 0 : i32
    %dma_start3A_308 = tpu.memref_slice %dma_start3A_306[%dma_start3A_292, %dma_start3A_307] : memref<25x80xi32, #tpu.memory_space<vmem>> -> memref<1x80xi32, #tpu.memory_space<vmem>>
    %dma_start3A_309 = tpu.memref_squeeze %dma_start3A_308 : memref<1x80xi32, #tpu.memory_space<vmem>> -> memref<80xi32, #tpu.memory_space<vmem>>
    %dma_start3A_310 = arith.constant 0 : i32
    %dma_start3A_311 = arith.constant 0 : i32
    %dma_start3A_312 = tpu.memref_slice %arg2[%dma_start3A_310, %dma_start3A_311] : memref<10000x128xf32, #tpu.memory_space<hbm>> -> memref<10000x128xf32, #tpu.memory_space<hbm>>
    tpu.enqueue_indirect_dma source(%dma_start3A_312 : memref<10000x128xf32, #tpu.memory_space<hbm>>) target(%dma_start3A_297 : memref<80x128xf32, #tpu.memory_space<vmem>>) offsets(%dma_start3A_309 : memref<80xi32, #tpu.memory_space<vmem>>) semaphore(%arg8 : memref<!tpu.dma_semaphore, #tpu.memory_space<semaphore_mem>>)
    %dma_wait3A_313 = arith.constant 0 : i32
    %dma_wait3A_314 = arith.constant 0 : i32
    %dma_wait3A_315 = arith.constant 0 : i32
    %dma_wait3A_316 = arith.constant 0 : i32
    %dma_wait3A_317 = arith.constant 0 : i32
    %dma_wait3A_318 = arith.constant 0 : i32
    %dma_wait3A_319 = tpu.memref_slice %arg7[%dma_wait3A_316, %dma_wait3A_317, %dma_wait3A_318] : memref<2x80x128xf32, #tpu.memory_space<vmem>> -> memref<1x80x128xf32, #tpu.memory_space<vmem>>
    %dma_wait3A_320 = tpu.memref_squeeze %dma_wait3A_319 : memref<1x80x128xf32, #tpu.memory_space<vmem>> -> memref<80x128xf32, #tpu.memory_space<vmem>>
    %dma_wait3A_321 = arith.constant 0 : i32
    %dma_wait3A_322 = arith.constant 0 : i32
    %dma_wait3A_323 = arith.constant 0 : i32
    %dma_wait3A_324 = tpu.memref_slice %arg6[%dma_wait3A_313, %dma_wait3A_321, %dma_wait3A_322, %dma_wait3A_323] : memref<2x2x25x80xi32, #tpu.memory_space<vmem>> -> memref<1x2x25x80xi32, #tpu.memory_space<vmem>>
    %dma_wait3A_325 = tpu.memref_squeeze %dma_wait3A_324 : memref<1x2x25x80xi32, #tpu.memory_space<vmem>> -> memref<2x25x80xi32, #tpu.memory_space<vmem>>
    %dma_wait3A_326 = arith.constant 0 : i32
    %dma_wait3A_327 = arith.constant 0 : i32
    %dma_wait3A_328 = tpu.memref_slice %dma_wait3A_325[%dma_wait3A_314, %dma_wait3A_326, %dma_wait3A_327] : memref<2x25x80xi32, #tpu.memory_space<vmem>> -> memref<1x25x80xi32, #tpu.memory_space<vmem>>
    %dma_wait3A_329 = tpu.memref_squeeze %dma_wait3A_328 : memref<1x25x80xi32, #tpu.memory_space<vmem>> -> memref<25x80xi32, #tpu.memory_space<vmem>>
    %dma_wait3A_330 = arith.constant 0 : i32
    %dma_wait3A_331 = tpu.memref_slice %dma_wait3A_329[%dma_wait3A_315, %dma_wait3A_330] : memref<25x80xi32, #tpu.memory_space<vmem>> -> memref<1x80xi32, #tpu.memory_space<vmem>>
    %dma_wait3A_332 = tpu.memref_squeeze %dma_wait3A_331 : memref<1x80xi32, #tpu.memory_space<vmem>> -> memref<80xi32, #tpu.memory_space<vmem>>
    %dma_wait3A_333 = arith.constant 0 : i32
    %dma_wait3A_334 = arith.constant 0 : i32
    %dma_wait3A_335 = tpu.memref_slice %arg2[%dma_wait3A_333, %dma_wait3A_334] : memref<10000x128xf32, #tpu.memory_space<hbm>> -> memref<10000x128xf32, #tpu.memory_space<hbm>>
    tpu.wait_indirect_dma semaphore(%arg9 : memref<!tpu.dma_semaphore, #tpu.memory_space<semaphore_mem>>) src(%dma_wait3A_335 : memref<10000x128xf32, #tpu.memory_space<hbm>>) dst(%dma_wait3A_320 : memref<80x128xf32, #tpu.memory_space<vmem>>)
    %run_scoped3A_336 = arith.constant 1 : i32
    %run_scoped3A_337 = arith.constant 1 : i32
    %run_scoped3A_338 = arith.constant 1 : i32
    %run_scoped3A_339 = arith.constant 24 : i32
    "tpu.region"() ({
      %run_scoped3A_792 = tpu.sem_alloc : memref<!tpu.dma_semaphore, #tpu.memory_space<semaphore_mem>>
      %dma_start3A_793 = arith.constant 0 : i32
      %dma_start3A_794 = arith.constant 0 : i32
      %dma_start3A_795 = tpu.memref_slice %arg7[%run_scoped3A_336, %dma_start3A_793, %dma_start3A_794] : memref<2x80x128xf32, #tpu.memory_space<vmem>> -> memref<1x80x128xf32, #tpu.memory_space<vmem>>
      %dma_start3A_796 = tpu.memref_squeeze %dma_start3A_795 : memref<1x80x128xf32, #tpu.memory_space<vmem>> -> memref<80x128xf32, #tpu.memory_space<vmem>>
      %dma_start3A_797 = arith.constant 0 : i32
      %dma_start3A_798 = arith.constant 0 : i32
      %dma_start3A_799 = arith.constant 0 : i32
      %dma_start3A_800 = tpu.memref_slice %arg6[%run_scoped3A_337, %dma_start3A_797, %dma_start3A_798, %dma_start3A_799] : memref<2x2x25x80xi32, #tpu.memory_space<vmem>> -> memref<1x2x25x80xi32, #tpu.memory_space<vmem>>
      %dma_start3A_801 = tpu.memref_squeeze %dma_start3A_800 : memref<1x2x25x80xi32, #tpu.memory_space<vmem>> -> memref<2x25x80xi32, #tpu.memory_space<vmem>>
      %dma_start3A_802 = arith.constant 0 : i32
      %dma_start3A_803 = arith.constant 0 : i32
      %dma_start3A_804 = tpu.memref_slice %dma_start3A_801[%run_scoped3A_338, %dma_start3A_802, %dma_start3A_803] : memref<2x25x80xi32, #tpu.memory_space<vmem>> -> memref<1x25x80xi32, #tpu.memory_space<vmem>>
      %dma_start3A_805 = tpu.memref_squeeze %dma_start3A_804 : memref<1x25x80xi32, #tpu.memory_space<vmem>> -> memref<25x80xi32, #tpu.memory_space<vmem>>
      %dma_start3A_806 = arith.constant 0 : i32
      %dma_start3A_807 = tpu.memref_slice %dma_start3A_805[%run_scoped3A_339, %dma_start3A_806] : memref<25x80xi32, #tpu.memory_space<vmem>> -> memref<1x80xi32, #tpu.memory_space<vmem>>
      %dma_start3A_808 = tpu.memref_squeeze %dma_start3A_807 : memref<1x80xi32, #tpu.memory_space<vmem>> -> memref<80xi32, #tpu.memory_space<vmem>>
      %dma_start3A_809 = arith.constant 0 : i32
      %dma_start3A_810 = arith.constant 0 : i32
      %dma_start3A_811 = tpu.memref_slice %arg10[%dma_start3A_809, %dma_start3A_810] : memref<10240x128xf32, #tpu.memory_space<vmem_shared>> -> memref<10240x128xf32, #tpu.memory_space<vmem_shared>>
      tpu.enqueue_indirect_dma source(%dma_start3A_796 : memref<80x128xf32, #tpu.memory_space<vmem>>) target(%dma_start3A_811 : memref<10240x128xf32, #tpu.memory_space<vmem_shared>>) offsets(%dma_start3A_808 : memref<80xi32, #tpu.memory_space<vmem>>) semaphore(%run_scoped3A_792 : memref<!tpu.dma_semaphore, #tpu.memory_space<semaphore_mem>>) {add = true}
      %dma_wait3A_812 = arith.constant 0 : i32
      %dma_wait3A_813 = arith.constant 0 : i32
      %dma_wait3A_814 = tpu.memref_slice %arg7[%run_scoped3A_336, %dma_wait3A_812, %dma_wait3A_813] : memref<2x80x128xf32, #tpu.memory_space<vmem>> -> memref<1x80x128xf32, #tpu.memory_space<vmem>>
      %dma_wait3A_815 = tpu.memref_squeeze %dma_wait3A_814 : memref<1x80x128xf32, #tpu.memory_space<vmem>> -> memref<80x128xf32, #tpu.memory_space<vmem>>
      %dma_wait3A_816 = arith.constant 0 : i32
      %dma_wait3A_817 = arith.constant 0 : i32
      %dma_wait3A_818 = arith.constant 0 : i32
      %dma_wait3A_819 = tpu.memref_slice %arg6[%run_scoped3A_337, %dma_wait3A_816, %dma_wait3A_817, %dma_wait3A_818] : memref<2x2x25x80xi32, #tpu.memory_space<vmem>> -> memref<1x2x25x80xi32, #tpu.memory_space<vmem>>
      %dma_wait3A_820 = tpu.memref_squeeze %dma_wait3A_819 : memref<1x2x25x80xi32, #tpu.memory_space<vmem>> -> memref<2x25x80xi32, #tpu.memory_space<vmem>>
      %dma_wait3A_821 = arith.constant 0 : i32
      %dma_wait3A_822 = arith.constant 0 : i32
      %dma_wait3A_823 = tpu.memref_slice %dma_wait3A_820[%run_scoped3A_338, %dma_wait3A_821, %dma_wait3A_822] : memref<2x25x80xi32, #tpu.memory_space<vmem>> -> memref<1x25x80xi32, #tpu.memory_space<vmem>>
      %dma_wait3A_824 = tpu.memref_squeeze %dma_wait3A_823 : memref<1x25x80xi32, #tpu.memory_space<vmem>> -> memref<25x80xi32, #tpu.memory_space<vmem>>
      %dma_wait3A_825 = arith.constant 0 : i32
      %dma_wait3A_826 = tpu.memref_slice %dma_wait3A_824[%run_scoped3A_339, %dma_wait3A_825] : memref<25x80xi32, #tpu.memory_space<vmem>> -> memref<1x80xi32, #tpu.memory_space<vmem>>
      %dma_wait3A_827 = tpu.memref_squeeze %dma_wait3A_826 : memref<1x80xi32, #tpu.memory_space<vmem>> -> memref<80xi32, #tpu.memory_space<vmem>>
      %dma_wait3A_828 = arith.constant 0 : i32
      %dma_wait3A_829 = arith.constant 0 : i32
      %dma_wait3A_830 = tpu.memref_slice %arg10[%dma_wait3A_828, %dma_wait3A_829] : memref<10240x128xf32, #tpu.memory_space<vmem_shared>> -> memref<10240x128xf32, #tpu.memory_space<vmem_shared>>
      tpu.wait_indirect_dma semaphore(%run_scoped3A_792 : memref<!tpu.dma_semaphore, #tpu.memory_space<semaphore_mem>>) src(%dma_wait3A_815 : memref<80x128xf32, #tpu.memory_space<vmem>>) dst(%dma_wait3A_830 : memref<10240x128xf32, #tpu.memory_space<vmem_shared>>)
      tpu.yield
    }) : () -> ()
    %dma_start3A_340 = arith.constant 0 : i32
    %dma_start3A_341 = arith.constant 0 : i32
    %dma_start3A_342 = arith.constant 1 : i32
    %dma_start3A_343 = arith.constant 1 : i32
    %dma_start3A_344 = arith.constant 0 : i32
    %dma_start3A_345 = arith.constant 0 : i32
    %dma_start3A_346 = tpu.memref_slice %arg7[%dma_start3A_343, %dma_start3A_344, %dma_start3A_345] : memref<2x80x128xf32, #tpu.memory_space<vmem>> -> memref<1x80x128xf32, #tpu.memory_space<vmem>>
    %dma_start3A_347 = tpu.memref_squeeze %dma_start3A_346 : memref<1x80x128xf32, #tpu.memory_space<vmem>> -> memref<80x128xf32, #tpu.memory_space<vmem>>
    %dma_start3A_348 = arith.constant 0 : i32
    %dma_start3A_349 = arith.constant 0 : i32
    %dma_start3A_350 = arith.constant 0 : i32
    %dma_start3A_351 = tpu.memref_slice %arg6[%dma_start3A_340, %dma_start3A_348, %dma_start3A_349, %dma_start3A_350] : memref<2x2x25x80xi32, #tpu.memory_space<vmem>> -> memref<1x2x25x80xi32, #tpu.memory_space<vmem>>
    %dma_start3A_352 = tpu.memref_squeeze %dma_start3A_351 : memref<1x2x25x80xi32, #tpu.memory_space<vmem>> -> memref<2x25x80xi32, #tpu.memory_space<vmem>>
    %dma_start3A_353 = arith.constant 0 : i32
    %dma_start3A_354 = arith.constant 0 : i32
    %dma_start3A_355 = tpu.memref_slice %dma_start3A_352[%dma_start3A_341, %dma_start3A_353, %dma_start3A_354] : memref<2x25x80xi32, #tpu.memory_space<vmem>> -> memref<1x25x80xi32, #tpu.memory_space<vmem>>
    %dma_start3A_356 = tpu.memref_squeeze %dma_start3A_355 : memref<1x25x80xi32, #tpu.memory_space<vmem>> -> memref<25x80xi32, #tpu.memory_space<vmem>>
    %dma_start3A_357 = arith.constant 0 : i32
    %dma_start3A_358 = tpu.memref_slice %dma_start3A_356[%dma_start3A_342, %dma_start3A_357] : memref<25x80xi32, #tpu.memory_space<vmem>> -> memref<1x80xi32, #tpu.memory_space<vmem>>
    %dma_start3A_359 = tpu.memref_squeeze %dma_start3A_358 : memref<1x80xi32, #tpu.memory_space<vmem>> -> memref<80xi32, #tpu.memory_space<vmem>>
    %dma_start3A_360 = arith.constant 0 : i32
    %dma_start3A_361 = arith.constant 0 : i32
    %dma_start3A_362 = tpu.memref_slice %arg2[%dma_start3A_360, %dma_start3A_361] : memref<10000x128xf32, #tpu.memory_space<hbm>> -> memref<10000x128xf32, #tpu.memory_space<hbm>>
    tpu.enqueue_indirect_dma source(%dma_start3A_362 : memref<10000x128xf32, #tpu.memory_space<hbm>>) target(%dma_start3A_347 : memref<80x128xf32, #tpu.memory_space<vmem>>) offsets(%dma_start3A_359 : memref<80xi32, #tpu.memory_space<vmem>>) semaphore(%arg9 : memref<!tpu.dma_semaphore, #tpu.memory_space<semaphore_mem>>)
    %run_scoped3A_363 = arith.constant 3 : i32
    %run_scoped3A_364 = arith.constant 1 : i32
    "tpu.region"() ({
      %run_scoped3A_792 = tpu.sem_alloc : memref<!tpu.dma_semaphore, #tpu.memory_space<semaphore_mem>>
      %dma_start3A_793 = arith.constant 0 : i32
      %dma_start3A_794 = arith.constant 0 : i32
      %dma_start3A_795 = arith.constant 0 : i32
      %dma_start3A_796 = tpu.memref_slice %arg6[%run_scoped3A_364, %dma_start3A_793, %dma_start3A_794, %dma_start3A_795] : memref<2x2x25x80xi32, #tpu.memory_space<vmem>> -> memref<1x2x25x80xi32, #tpu.memory_space<vmem>>
      %dma_start3A_797 = tpu.memref_squeeze %dma_start3A_796 : memref<1x2x25x80xi32, #tpu.memory_space<vmem>> -> memref<2x25x80xi32, #tpu.memory_space<vmem>>
      %dma_start3A_798 = arith.constant 0 : i32
      %dma_start3A_799 = arith.constant 0 : i32
      %dma_start3A_800 = arith.constant 0 : i32
      %dma_start3A_801 = arith.constant 0 : i32
      %dma_start3A_802 = tpu.memref_slice %arg3[%add3A, %dma_start3A_798, %dma_start3A_799, %dma_start3A_800, %dma_start3A_801] : memref<32x5x2x25x80xi32, #tpu.memory_space<hbm>> -> memref<1x5x2x25x80xi32, #tpu.memory_space<hbm>>
      %dma_start3A_803 = tpu.memref_squeeze %dma_start3A_802 : memref<1x5x2x25x80xi32, #tpu.memory_space<hbm>> -> memref<5x2x25x80xi32, #tpu.memory_space<hbm>>
      %dma_start3A_804 = arith.constant 0 : i32
      %dma_start3A_805 = arith.constant 0 : i32
      %dma_start3A_806 = arith.constant 0 : i32
      %dma_start3A_807 = tpu.memref_slice %dma_start3A_803[%run_scoped3A_363, %dma_start3A_804, %dma_start3A_805, %dma_start3A_806] : memref<5x2x25x80xi32, #tpu.memory_space<hbm>> -> memref<1x2x25x80xi32, #tpu.memory_space<hbm>>
      %dma_start3A_808 = tpu.memref_squeeze %dma_start3A_807 : memref<1x2x25x80xi32, #tpu.memory_space<hbm>> -> memref<2x25x80xi32, #tpu.memory_space<hbm>>
      %dma_start3A_809 = arith.constant 0 : i32
      %dma_start3A_810 = arith.constant 0 : i32
      %dma_start3A_811 = arith.constant 0 : i32
      %dma_start3A_812 = tpu.memref_slice %arg6[%run_scoped3A_364, %dma_start3A_809, %dma_start3A_810, %dma_start3A_811] : memref<2x2x25x80xi32, #tpu.memory_space<vmem>> -> memref<1x2x25x80xi32, #tpu.memory_space<vmem>>
      %dma_start3A_813 = tpu.memref_squeeze %dma_start3A_812 : memref<1x2x25x80xi32, #tpu.memory_space<vmem>> -> memref<2x25x80xi32, #tpu.memory_space<vmem>>
      %dma_start3A_814 = arith.constant 0 : i32
      %dma_start3A_815 = arith.constant 0 : i32
      %dma_start3A_816 = arith.constant 0 : i32
      %dma_start3A_817 = arith.constant 0 : i32
      %dma_start3A_818 = tpu.memref_slice %arg3[%add3A, %dma_start3A_814, %dma_start3A_815, %dma_start3A_816, %dma_start3A_817] : memref<32x5x2x25x80xi32, #tpu.memory_space<hbm>> -> memref<1x5x2x25x80xi32, #tpu.memory_space<hbm>>
      %dma_start3A_819 = tpu.memref_squeeze %dma_start3A_818 : memref<1x5x2x25x80xi32, #tpu.memory_space<hbm>> -> memref<5x2x25x80xi32, #tpu.memory_space<hbm>>
      %dma_start3A_820 = arith.constant 0 : i32
      %dma_start3A_821 = arith.constant 0 : i32
      %dma_start3A_822 = arith.constant 0 : i32
      %dma_start3A_823 = tpu.memref_slice %dma_start3A_819[%run_scoped3A_363, %dma_start3A_820, %dma_start3A_821, %dma_start3A_822] : memref<5x2x25x80xi32, #tpu.memory_space<hbm>> -> memref<1x2x25x80xi32, #tpu.memory_space<hbm>>
      %dma_start3A_824 = tpu.memref_squeeze %dma_start3A_823 : memref<1x2x25x80xi32, #tpu.memory_space<hbm>> -> memref<2x25x80xi32, #tpu.memory_space<hbm>>
      tpu.enqueue_dma source(%dma_start3A_824 : memref<2x25x80xi32, #tpu.memory_space<hbm>>) target(%dma_start3A_813 : memref<2x25x80xi32, #tpu.memory_space<vmem>>) target_semaphore(%run_scoped3A_792 : memref<!tpu.dma_semaphore, #tpu.memory_space<semaphore_mem>>)
      %dma_wait3A_825 = arith.constant 0 : i32
      %dma_wait3A_826 = arith.constant 0 : i32
      %dma_wait3A_827 = arith.constant 0 : i32
      %dma_wait3A_828 = tpu.memref_slice %arg6[%run_scoped3A_364, %dma_wait3A_825, %dma_wait3A_826, %dma_wait3A_827] : memref<2x2x25x80xi32, #tpu.memory_space<vmem>> -> memref<1x2x25x80xi32, #tpu.memory_space<vmem>>
      %dma_wait3A_829 = tpu.memref_squeeze %dma_wait3A_828 : memref<1x2x25x80xi32, #tpu.memory_space<vmem>> -> memref<2x25x80xi32, #tpu.memory_space<vmem>>
      %dma_wait3A_830 = arith.constant 0 : i32
      %dma_wait3A_831 = arith.constant 0 : i32
      %dma_wait3A_832 = arith.constant 0 : i32
      %dma_wait3A_833 = arith.constant 0 : i32
      %dma_wait3A_834 = tpu.memref_slice %arg3[%add3A, %dma_wait3A_830, %dma_wait3A_831, %dma_wait3A_832, %dma_wait3A_833] : memref<32x5x2x25x80xi32, #tpu.memory_space<hbm>> -> memref<1x5x2x25x80xi32, #tpu.memory_space<hbm>>
      %dma_wait3A_835 = tpu.memref_squeeze %dma_wait3A_834 : memref<1x5x2x25x80xi32, #tpu.memory_space<hbm>> -> memref<5x2x25x80xi32, #tpu.memory_space<hbm>>
      %dma_wait3A_836 = arith.constant 0 : i32
      %dma_wait3A_837 = arith.constant 0 : i32
      %dma_wait3A_838 = arith.constant 0 : i32
      %dma_wait3A_839 = tpu.memref_slice %dma_wait3A_835[%run_scoped3A_363, %dma_wait3A_836, %dma_wait3A_837, %dma_wait3A_838] : memref<5x2x25x80xi32, #tpu.memory_space<hbm>> -> memref<1x2x25x80xi32, #tpu.memory_space<hbm>>
      %dma_wait3A_840 = tpu.memref_squeeze %dma_wait3A_839 : memref<1x2x25x80xi32, #tpu.memory_space<hbm>> -> memref<2x25x80xi32, #tpu.memory_space<hbm>>
      %dma_wait3A_841 = arith.constant 0 : i32
      %dma_wait3A_842 = arith.constant 0 : i32
      %dma_wait3A_843 = arith.constant 0 : i32
      %dma_wait3A_844 = tpu.memref_slice %arg6[%run_scoped3A_364, %dma_wait3A_841, %dma_wait3A_842, %dma_wait3A_843] : memref<2x2x25x80xi32, #tpu.memory_space<vmem>> -> memref<1x2x25x80xi32, #tpu.memory_space<vmem>>
      %dma_wait3A_845 = tpu.memref_squeeze %dma_wait3A_844 : memref<1x2x25x80xi32, #tpu.memory_space<vmem>> -> memref<2x25x80xi32, #tpu.memory_space<vmem>>
      %dma_wait3A_846 = arith.constant 0 : i32
      %dma_wait3A_847 = arith.constant 0 : i32
      %dma_wait3A_848 = arith.constant 0 : i32
      %dma_wait3A_849 = arith.constant 0 : i32
      %dma_wait3A_850 = tpu.memref_slice %arg3[%add3A, %dma_wait3A_846, %dma_wait3A_847, %dma_wait3A_848, %dma_wait3A_849] : memref<32x5x2x25x80xi32, #tpu.memory_space<hbm>> -> memref<1x5x2x25x80xi32, #tpu.memory_space<hbm>>
      %dma_wait3A_851 = tpu.memref_squeeze %dma_wait3A_850 : memref<1x5x2x25x80xi32, #tpu.memory_space<hbm>> -> memref<5x2x25x80xi32, #tpu.memory_space<hbm>>
      %dma_wait3A_852 = arith.constant 0 : i32
      %dma_wait3A_853 = arith.constant 0 : i32
      %dma_wait3A_854 = arith.constant 0 : i32
      %dma_wait3A_855 = tpu.memref_slice %dma_wait3A_851[%run_scoped3A_363, %dma_wait3A_852, %dma_wait3A_853, %dma_wait3A_854] : memref<5x2x25x80xi32, #tpu.memory_space<hbm>> -> memref<1x2x25x80xi32, #tpu.memory_space<hbm>>
      %dma_wait3A_856 = tpu.memref_squeeze %dma_wait3A_855 : memref<1x2x25x80xi32, #tpu.memory_space<hbm>> -> memref<2x25x80xi32, #tpu.memory_space<hbm>>
      tpu.wait_dma2 semaphore(%run_scoped3A_792 : memref<!tpu.dma_semaphore, #tpu.memory_space<semaphore_mem>>) src(%dma_wait3A_856 : memref<2x25x80xi32, #tpu.memory_space<hbm>>) dst(%dma_wait3A_845 : memref<2x25x80xi32, #tpu.memory_space<vmem>>)
      tpu.yield
    }) : () -> ()
    %scan3A_365 = arith.constant 0 : i32
    %scan3A_366 = arith.constant 0 : i32
    %scan3A_367 = arith.constant 11 : i32
    %scan3A_368 = arith.addi %scan3A_366, %scan3A_367 : i32
    %scan3A_369 = arith.constant 1 : i32
    scf.for %scan3A_792 = %scan3A_366 to %scan3A_368 step %scan3A_369  : i32 {
      %mul3A_793 = arith.constant 2 : i32
      %mul3A_794 = arith.muli %mul3A_793, %scan3A_792 : i32
      %dma_wait3A_795 = arith.constant 0 : i32
      %dma_wait3A_796 = arith.constant 0 : i32
      %dma_wait3A_797 = arith.constant 0 : i32
      %dma_wait3A_798 = arith.constant 0 : i32
      %dma_wait3A_799 = arith.constant 0 : i32
      %dma_wait3A_800 = arith.constant 0 : i32
      %dma_wait3A_801 = tpu.memref_slice %arg7[%dma_wait3A_798, %dma_wait3A_799, %dma_wait3A_800] : memref<2x80x128xf32, #tpu.memory_space<vmem>> -> memref<1x80x128xf32, #tpu.memory_space<vmem>>
      %dma_wait3A_802 = tpu.memref_squeeze %dma_wait3A_801 : memref<1x80x128xf32, #tpu.memory_space<vmem>> -> memref<80x128xf32, #tpu.memory_space<vmem>>
      %dma_wait3A_803 = arith.constant 0 : i32
      %dma_wait3A_804 = arith.constant 0 : i32
      %dma_wait3A_805 = arith.constant 0 : i32
      %dma_wait3A_806 = tpu.memref_slice %arg6[%dma_wait3A_795, %dma_wait3A_803, %dma_wait3A_804, %dma_wait3A_805] : memref<2x2x25x80xi32, #tpu.memory_space<vmem>> -> memref<1x2x25x80xi32, #tpu.memory_space<vmem>>
      %dma_wait3A_807 = tpu.memref_squeeze %dma_wait3A_806 : memref<1x2x25x80xi32, #tpu.memory_space<vmem>> -> memref<2x25x80xi32, #tpu.memory_space<vmem>>
      %dma_wait3A_808 = arith.constant 0 : i32
      %dma_wait3A_809 = arith.constant 0 : i32
      %dma_wait3A_810 = tpu.memref_slice %dma_wait3A_807[%dma_wait3A_796, %dma_wait3A_808, %dma_wait3A_809] : memref<2x25x80xi32, #tpu.memory_space<vmem>> -> memref<1x25x80xi32, #tpu.memory_space<vmem>>
      %dma_wait3A_811 = tpu.memref_squeeze %dma_wait3A_810 : memref<1x25x80xi32, #tpu.memory_space<vmem>> -> memref<25x80xi32, #tpu.memory_space<vmem>>
      %dma_wait3A_812 = arith.constant 0 : i32
      %dma_wait3A_813 = tpu.memref_slice %dma_wait3A_811[%dma_wait3A_797, %dma_wait3A_812] : memref<25x80xi32, #tpu.memory_space<vmem>> -> memref<1x80xi32, #tpu.memory_space<vmem>>
      %dma_wait3A_814 = tpu.memref_squeeze %dma_wait3A_813 : memref<1x80xi32, #tpu.memory_space<vmem>> -> memref<80xi32, #tpu.memory_space<vmem>>
      %dma_wait3A_815 = arith.constant 0 : i32
      %dma_wait3A_816 = arith.constant 0 : i32
      %dma_wait3A_817 = tpu.memref_slice %arg2[%dma_wait3A_815, %dma_wait3A_816] : memref<10000x128xf32, #tpu.memory_space<hbm>> -> memref<10000x128xf32, #tpu.memory_space<hbm>>
      tpu.wait_indirect_dma semaphore(%arg8 : memref<!tpu.dma_semaphore, #tpu.memory_space<semaphore_mem>>) src(%dma_wait3A_817 : memref<10000x128xf32, #tpu.memory_space<hbm>>) dst(%dma_wait3A_802 : memref<80x128xf32, #tpu.memory_space<vmem>>)
      %run_scoped3A_818 = arith.constant 0 : i32
      %run_scoped3A_819 = arith.constant 0 : i32
      %run_scoped3A_820 = arith.constant 1 : i32
      "tpu.region"() ({
        %run_scoped3A_897 = tpu.sem_alloc : memref<!tpu.dma_semaphore, #tpu.memory_space<semaphore_mem>>
        %dma_start3A_898 = arith.constant 0 : i32
        %dma_start3A_899 = arith.constant 0 : i32
        %dma_start3A_900 = tpu.memref_slice %arg7[%run_scoped3A_818, %dma_start3A_898, %dma_start3A_899] : memref<2x80x128xf32, #tpu.memory_space<vmem>> -> memref<1x80x128xf32, #tpu.memory_space<vmem>>
        %dma_start3A_901 = tpu.memref_squeeze %dma_start3A_900 : memref<1x80x128xf32, #tpu.memory_space<vmem>> -> memref<80x128xf32, #tpu.memory_space<vmem>>
        %dma_start3A_902 = arith.constant 0 : i32
        %dma_start3A_903 = arith.constant 0 : i32
        %dma_start3A_904 = arith.constant 0 : i32
        %dma_start3A_905 = tpu.memref_slice %arg6[%run_scoped3A_819, %dma_start3A_902, %dma_start3A_903, %dma_start3A_904] : memref<2x2x25x80xi32, #tpu.memory_space<vmem>> -> memref<1x2x25x80xi32, #tpu.memory_space<vmem>>
        %dma_start3A_906 = tpu.memref_squeeze %dma_start3A_905 : memref<1x2x25x80xi32, #tpu.memory_space<vmem>> -> memref<2x25x80xi32, #tpu.memory_space<vmem>>
        %dma_start3A_907 = arith.constant 0 : i32
        %dma_start3A_908 = arith.constant 0 : i32
        %dma_start3A_909 = tpu.memref_slice %dma_start3A_906[%run_scoped3A_820, %dma_start3A_907, %dma_start3A_908] : memref<2x25x80xi32, #tpu.memory_space<vmem>> -> memref<1x25x80xi32, #tpu.memory_space<vmem>>
        %dma_start3A_910 = tpu.memref_squeeze %dma_start3A_909 : memref<1x25x80xi32, #tpu.memory_space<vmem>> -> memref<25x80xi32, #tpu.memory_space<vmem>>
        %dma_start3A_911 = arith.constant 0 : i32
        %dma_start3A_912 = tpu.memref_slice %dma_start3A_910[%mul3A_794, %dma_start3A_911] : memref<25x80xi32, #tpu.memory_space<vmem>> -> memref<1x80xi32, #tpu.memory_space<vmem>>
        %dma_start3A_913 = tpu.memref_squeeze %dma_start3A_912 : memref<1x80xi32, #tpu.memory_space<vmem>> -> memref<80xi32, #tpu.memory_space<vmem>>
        %dma_start3A_914 = arith.constant 0 : i32
        %dma_start3A_915 = arith.constant 0 : i32
        %dma_start3A_916 = tpu.memref_slice %arg10[%dma_start3A_914, %dma_start3A_915] : memref<10240x128xf32, #tpu.memory_space<vmem_shared>> -> memref<10240x128xf32, #tpu.memory_space<vmem_shared>>
        tpu.enqueue_indirect_dma source(%dma_start3A_901 : memref<80x128xf32, #tpu.memory_space<vmem>>) target(%dma_start3A_916 : memref<10240x128xf32, #tpu.memory_space<vmem_shared>>) offsets(%dma_start3A_913 : memref<80xi32, #tpu.memory_space<vmem>>) semaphore(%run_scoped3A_897 : memref<!tpu.dma_semaphore, #tpu.memory_space<semaphore_mem>>) {add = true}
        %dma_wait3A_917 = arith.constant 0 : i32
        %dma_wait3A_918 = arith.constant 0 : i32
        %dma_wait3A_919 = tpu.memref_slice %arg7[%run_scoped3A_818, %dma_wait3A_917, %dma_wait3A_918] : memref<2x80x128xf32, #tpu.memory_space<vmem>> -> memref<1x80x128xf32, #tpu.memory_space<vmem>>
        %dma_wait3A_920 = tpu.memref_squeeze %dma_wait3A_919 : memref<1x80x128xf32, #tpu.memory_space<vmem>> -> memref<80x128xf32, #tpu.memory_space<vmem>>
        %dma_wait3A_921 = arith.constant 0 : i32
        %dma_wait3A_922 = arith.constant 0 : i32
        %dma_wait3A_923 = arith.constant 0 : i32
        %dma_wait3A_924 = tpu.memref_slice %arg6[%run_scoped3A_819, %dma_wait3A_921, %dma_wait3A_922, %dma_wait3A_923] : memref<2x2x25x80xi32, #tpu.memory_space<vmem>> -> memref<1x2x25x80xi32, #tpu.memory_space<vmem>>
        %dma_wait3A_925 = tpu.memref_squeeze %dma_wait3A_924 : memref<1x2x25x80xi32, #tpu.memory_space<vmem>> -> memref<2x25x80xi32, #tpu.memory_space<vmem>>
        %dma_wait3A_926 = arith.constant 0 : i32
        %dma_wait3A_927 = arith.constant 0 : i32
        %dma_wait3A_928 = tpu.memref_slice %dma_wait3A_925[%run_scoped3A_820, %dma_wait3A_926, %dma_wait3A_927] : memref<2x25x80xi32, #tpu.memory_space<vmem>> -> memref<1x25x80xi32, #tpu.memory_space<vmem>>
        %dma_wait3A_929 = tpu.memref_squeeze %dma_wait3A_928 : memref<1x25x80xi32, #tpu.memory_space<vmem>> -> memref<25x80xi32, #tpu.memory_space<vmem>>
        %dma_wait3A_930 = arith.constant 0 : i32
        %dma_wait3A_931 = tpu.memref_slice %dma_wait3A_929[%mul3A_794, %dma_wait3A_930] : memref<25x80xi32, #tpu.memory_space<vmem>> -> memref<1x80xi32, #tpu.memory_space<vmem>>
        %dma_wait3A_932 = tpu.memref_squeeze %dma_wait3A_931 : memref<1x80xi32, #tpu.memory_space<vmem>> -> memref<80xi32, #tpu.memory_space<vmem>>
        %dma_wait3A_933 = arith.constant 0 : i32
        %dma_wait3A_934 = arith.constant 0 : i32
        %dma_wait3A_935 = tpu.memref_slice %arg10[%dma_wait3A_933, %dma_wait3A_934] : memref<10240x128xf32, #tpu.memory_space<vmem_shared>> -> memref<10240x128xf32, #tpu.memory_space<vmem_shared>>
        tpu.wait_indirect_dma semaphore(%run_scoped3A_897 : memref<!tpu.dma_semaphore, #tpu.memory_space<semaphore_mem>>) src(%dma_wait3A_920 : memref<80x128xf32, #tpu.memory_space<vmem>>) dst(%dma_wait3A_935 : memref<10240x128xf32, #tpu.memory_space<vmem_shared>>)
        tpu.yield
      }) : () -> ()
      %add3A_821 = arith.constant 2 : i32
      %add3A_822 = arith.addi %mul3A_794, %add3A_821 : i32
      %dma_start3A_823 = arith.constant 0 : i32
      %dma_start3A_824 = arith.constant 0 : i32
      %dma_start3A_825 = arith.constant 0 : i32
      %dma_start3A_826 = arith.constant 0 : i32
      %dma_start3A_827 = arith.constant 0 : i32
      %dma_start3A_828 = tpu.memref_slice %arg7[%dma_start3A_825, %dma_start3A_826, %dma_start3A_827] : memref<2x80x128xf32, #tpu.memory_space<vmem>> -> memref<1x80x128xf32, #tpu.memory_space<vmem>>
      %dma_start3A_829 = tpu.memref_squeeze %dma_start3A_828 : memref<1x80x128xf32, #tpu.memory_space<vmem>> -> memref<80x128xf32, #tpu.memory_space<vmem>>
      %dma_start3A_830 = arith.constant 0 : i32
      %dma_start3A_831 = arith.constant 0 : i32
      %dma_start3A_832 = arith.constant 0 : i32
      %dma_start3A_833 = tpu.memref_slice %arg6[%dma_start3A_823, %dma_start3A_830, %dma_start3A_831, %dma_start3A_832] : memref<2x2x25x80xi32, #tpu.memory_space<vmem>> -> memref<1x2x25x80xi32, #tpu.memory_space<vmem>>
      %dma_start3A_834 = tpu.memref_squeeze %dma_start3A_833 : memref<1x2x25x80xi32, #tpu.memory_space<vmem>> -> memref<2x25x80xi32, #tpu.memory_space<vmem>>
      %dma_start3A_835 = arith.constant 0 : i32
      %dma_start3A_836 = arith.constant 0 : i32
      %dma_start3A_837 = tpu.memref_slice %dma_start3A_834[%dma_start3A_824, %dma_start3A_835, %dma_start3A_836] : memref<2x25x80xi32, #tpu.memory_space<vmem>> -> memref<1x25x80xi32, #tpu.memory_space<vmem>>
      %dma_start3A_838 = tpu.memref_squeeze %dma_start3A_837 : memref<1x25x80xi32, #tpu.memory_space<vmem>> -> memref<25x80xi32, #tpu.memory_space<vmem>>
      %dma_start3A_839 = arith.constant 0 : i32
      %dma_start3A_840 = tpu.memref_slice %dma_start3A_838[%add3A_822, %dma_start3A_839] : memref<25x80xi32, #tpu.memory_space<vmem>> -> memref<1x80xi32, #tpu.memory_space<vmem>>
      %dma_start3A_841 = tpu.memref_squeeze %dma_start3A_840 : memref<1x80xi32, #tpu.memory_space<vmem>> -> memref<80xi32, #tpu.memory_space<vmem>>
      %dma_start3A_842 = arith.constant 0 : i32
      %dma_start3A_843 = arith.constant 0 : i32
      %dma_start3A_844 = tpu.memref_slice %arg2[%dma_start3A_842, %dma_start3A_843] : memref<10000x128xf32, #tpu.memory_space<hbm>> -> memref<10000x128xf32, #tpu.memory_space<hbm>>
      tpu.enqueue_indirect_dma source(%dma_start3A_844 : memref<10000x128xf32, #tpu.memory_space<hbm>>) target(%dma_start3A_829 : memref<80x128xf32, #tpu.memory_space<vmem>>) offsets(%dma_start3A_841 : memref<80xi32, #tpu.memory_space<vmem>>) semaphore(%arg8 : memref<!tpu.dma_semaphore, #tpu.memory_space<semaphore_mem>>)
      %dma_wait3A_845 = arith.constant 0 : i32
      %dma_wait3A_846 = arith.constant 0 : i32
      %dma_wait3A_847 = arith.constant 0 : i32
      %dma_wait3A_848 = arith.constant 0 : i32
      %dma_wait3A_849 = arith.constant 0 : i32
      %dma_wait3A_850 = arith.constant 0 : i32
      %dma_wait3A_851 = tpu.memref_slice %arg7[%dma_wait3A_848, %dma_wait3A_849, %dma_wait3A_850] : memref<2x80x128xf32, #tpu.memory_space<vmem>> -> memref<1x80x128xf32, #tpu.memory_space<vmem>>
      %dma_wait3A_852 = tpu.memref_squeeze %dma_wait3A_851 : memref<1x80x128xf32, #tpu.memory_space<vmem>> -> memref<80x128xf32, #tpu.memory_space<vmem>>
      %dma_wait3A_853 = arith.constant 0 : i32
      %dma_wait3A_854 = arith.constant 0 : i32
      %dma_wait3A_855 = arith.constant 0 : i32
      %dma_wait3A_856 = tpu.memref_slice %arg6[%dma_wait3A_845, %dma_wait3A_853, %dma_wait3A_854, %dma_wait3A_855] : memref<2x2x25x80xi32, #tpu.memory_space<vmem>> -> memref<1x2x25x80xi32, #tpu.memory_space<vmem>>
      %dma_wait3A_857 = tpu.memref_squeeze %dma_wait3A_856 : memref<1x2x25x80xi32, #tpu.memory_space<vmem>> -> memref<2x25x80xi32, #tpu.memory_space<vmem>>
      %dma_wait3A_858 = arith.constant 0 : i32
      %dma_wait3A_859 = arith.constant 0 : i32
      %dma_wait3A_860 = tpu.memref_slice %dma_wait3A_857[%dma_wait3A_846, %dma_wait3A_858, %dma_wait3A_859] : memref<2x25x80xi32, #tpu.memory_space<vmem>> -> memref<1x25x80xi32, #tpu.memory_space<vmem>>
      %dma_wait3A_861 = tpu.memref_squeeze %dma_wait3A_860 : memref<1x25x80xi32, #tpu.memory_space<vmem>> -> memref<25x80xi32, #tpu.memory_space<vmem>>
      %dma_wait3A_862 = arith.constant 0 : i32
      %dma_wait3A_863 = tpu.memref_slice %dma_wait3A_861[%dma_wait3A_847, %dma_wait3A_862] : memref<25x80xi32, #tpu.memory_space<vmem>> -> memref<1x80xi32, #tpu.memory_space<vmem>>
      %dma_wait3A_864 = tpu.memref_squeeze %dma_wait3A_863 : memref<1x80xi32, #tpu.memory_space<vmem>> -> memref<80xi32, #tpu.memory_space<vmem>>
      %dma_wait3A_865 = arith.constant 0 : i32
      %dma_wait3A_866 = arith.constant 0 : i32
      %dma_wait3A_867 = tpu.memref_slice %arg2[%dma_wait3A_865, %dma_wait3A_866] : memref<10000x128xf32, #tpu.memory_space<hbm>> -> memref<10000x128xf32, #tpu.memory_space<hbm>>
      tpu.wait_indirect_dma semaphore(%arg9 : memref<!tpu.dma_semaphore, #tpu.memory_space<semaphore_mem>>) src(%dma_wait3A_867 : memref<10000x128xf32, #tpu.memory_space<hbm>>) dst(%dma_wait3A_852 : memref<80x128xf32, #tpu.memory_space<vmem>>)
      %add3A_868 = arith.constant 1 : i32
      %add3A_869 = arith.addi %mul3A_794, %add3A_868 : i32
      %run_scoped3A_870 = arith.constant 1 : i32
      %run_scoped3A_871 = arith.constant 0 : i32
      %run_scoped3A_872 = arith.constant 1 : i32
      "tpu.region"() ({
        %run_scoped3A_897 = tpu.sem_alloc : memref<!tpu.dma_semaphore, #tpu.memory_space<semaphore_mem>>
        %dma_start3A_898 = arith.constant 0 : i32
        %dma_start3A_899 = arith.constant 0 : i32
        %dma_start3A_900 = tpu.memref_slice %arg7[%run_scoped3A_870, %dma_start3A_898, %dma_start3A_899] : memref<2x80x128xf32, #tpu.memory_space<vmem>> -> memref<1x80x128xf32, #tpu.memory_space<vmem>>
        %dma_start3A_901 = tpu.memref_squeeze %dma_start3A_900 : memref<1x80x128xf32, #tpu.memory_space<vmem>> -> memref<80x128xf32, #tpu.memory_space<vmem>>
        %dma_start3A_902 = arith.constant 0 : i32
        %dma_start3A_903 = arith.constant 0 : i32
        %dma_start3A_904 = arith.constant 0 : i32
        %dma_start3A_905 = tpu.memref_slice %arg6[%run_scoped3A_871, %dma_start3A_902, %dma_start3A_903, %dma_start3A_904] : memref<2x2x25x80xi32, #tpu.memory_space<vmem>> -> memref<1x2x25x80xi32, #tpu.memory_space<vmem>>
        %dma_start3A_906 = tpu.memref_squeeze %dma_start3A_905 : memref<1x2x25x80xi32, #tpu.memory_space<vmem>> -> memref<2x25x80xi32, #tpu.memory_space<vmem>>
        %dma_start3A_907 = arith.constant 0 : i32
        %dma_start3A_908 = arith.constant 0 : i32
        %dma_start3A_909 = tpu.memref_slice %dma_start3A_906[%run_scoped3A_872, %dma_start3A_907, %dma_start3A_908] : memref<2x25x80xi32, #tpu.memory_space<vmem>> -> memref<1x25x80xi32, #tpu.memory_space<vmem>>
        %dma_start3A_910 = tpu.memref_squeeze %dma_start3A_909 : memref<1x25x80xi32, #tpu.memory_space<vmem>> -> memref<25x80xi32, #tpu.memory_space<vmem>>
        %dma_start3A_911 = arith.constant 0 : i32
        %dma_start3A_912 = tpu.memref_slice %dma_start3A_910[%add3A_869, %dma_start3A_911] : memref<25x80xi32, #tpu.memory_space<vmem>> -> memref<1x80xi32, #tpu.memory_space<vmem>>
        %dma_start3A_913 = tpu.memref_squeeze %dma_start3A_912 : memref<1x80xi32, #tpu.memory_space<vmem>> -> memref<80xi32, #tpu.memory_space<vmem>>
        %dma_start3A_914 = arith.constant 0 : i32
        %dma_start3A_915 = arith.constant 0 : i32
        %dma_start3A_916 = tpu.memref_slice %arg10[%dma_start3A_914, %dma_start3A_915] : memref<10240x128xf32, #tpu.memory_space<vmem_shared>> -> memref<10240x128xf32, #tpu.memory_space<vmem_shared>>
        tpu.enqueue_indirect_dma source(%dma_start3A_901 : memref<80x128xf32, #tpu.memory_space<vmem>>) target(%dma_start3A_916 : memref<10240x128xf32, #tpu.memory_space<vmem_shared>>) offsets(%dma_start3A_913 : memref<80xi32, #tpu.memory_space<vmem>>) semaphore(%run_scoped3A_897 : memref<!tpu.dma_semaphore, #tpu.memory_space<semaphore_mem>>) {add = true}
        %dma_wait3A_917 = arith.constant 0 : i32
        %dma_wait3A_918 = arith.constant 0 : i32
        %dma_wait3A_919 = tpu.memref_slice %arg7[%run_scoped3A_870, %dma_wait3A_917, %dma_wait3A_918] : memref<2x80x128xf32, #tpu.memory_space<vmem>> -> memref<1x80x128xf32, #tpu.memory_space<vmem>>
        %dma_wait3A_920 = tpu.memref_squeeze %dma_wait3A_919 : memref<1x80x128xf32, #tpu.memory_space<vmem>> -> memref<80x128xf32, #tpu.memory_space<vmem>>
        %dma_wait3A_921 = arith.constant 0 : i32
        %dma_wait3A_922 = arith.constant 0 : i32
        %dma_wait3A_923 = arith.constant 0 : i32
        %dma_wait3A_924 = tpu.memref_slice %arg6[%run_scoped3A_871, %dma_wait3A_921, %dma_wait3A_922, %dma_wait3A_923] : memref<2x2x25x80xi32, #tpu.memory_space<vmem>> -> memref<1x2x25x80xi32, #tpu.memory_space<vmem>>
        %dma_wait3A_925 = tpu.memref_squeeze %dma_wait3A_924 : memref<1x2x25x80xi32, #tpu.memory_space<vmem>> -> memref<2x25x80xi32, #tpu.memory_space<vmem>>
        %dma_wait3A_926 = arith.constant 0 : i32
        %dma_wait3A_927 = arith.constant 0 : i32
        %dma_wait3A_928 = tpu.memref_slice %dma_wait3A_925[%run_scoped3A_872, %dma_wait3A_926, %dma_wait3A_927] : memref<2x25x80xi32, #tpu.memory_space<vmem>> -> memref<1x25x80xi32, #tpu.memory_space<vmem>>
        %dma_wait3A_929 = tpu.memref_squeeze %dma_wait3A_928 : memref<1x25x80xi32, #tpu.memory_space<vmem>> -> memref<25x80xi32, #tpu.memory_space<vmem>>
        %dma_wait3A_930 = arith.constant 0 : i32
        %dma_wait3A_931 = tpu.memref_slice %dma_wait3A_929[%add3A_869, %dma_wait3A_930] : memref<25x80xi32, #tpu.memory_space<vmem>> -> memref<1x80xi32, #tpu.memory_space<vmem>>
        %dma_wait3A_932 = tpu.memref_squeeze %dma_wait3A_931 : memref<1x80xi32, #tpu.memory_space<vmem>> -> memref<80xi32, #tpu.memory_space<vmem>>
        %dma_wait3A_933 = arith.constant 0 : i32
        %dma_wait3A_934 = arith.constant 0 : i32
        %dma_wait3A_935 = tpu.memref_slice %arg10[%dma_wait3A_933, %dma_wait3A_934] : memref<10240x128xf32, #tpu.memory_space<vmem_shared>> -> memref<10240x128xf32, #tpu.memory_space<vmem_shared>>
        tpu.wait_indirect_dma semaphore(%run_scoped3A_897 : memref<!tpu.dma_semaphore, #tpu.memory_space<semaphore_mem>>) src(%dma_wait3A_920 : memref<80x128xf32, #tpu.memory_space<vmem>>) dst(%dma_wait3A_935 : memref<10240x128xf32, #tpu.memory_space<vmem_shared>>)
        tpu.yield
      }) : () -> ()
      %add3A_873 = arith.constant 3 : i32
      %add3A_874 = arith.addi %mul3A_794, %add3A_873 : i32
      %dma_start3A_875 = arith.constant 0 : i32
      %dma_start3A_876 = arith.constant 0 : i32
      %dma_start3A_877 = arith.constant 1 : i32
      %dma_start3A_878 = arith.constant 0 : i32
      %dma_start3A_879 = arith.constant 0 : i32
      %dma_start3A_880 = tpu.memref_slice %arg7[%dma_start3A_877, %dma_start3A_878, %dma_start3A_879] : memref<2x80x128xf32, #tpu.memory_space<vmem>> -> memref<1x80x128xf32, #tpu.memory_space<vmem>>
      %dma_start3A_881 = tpu.memref_squeeze %dma_start3A_880 : memref<1x80x128xf32, #tpu.memory_space<vmem>> -> memref<80x128xf32, #tpu.memory_space<vmem>>
      %dma_start3A_882 = arith.constant 0 : i32
      %dma_start3A_883 = arith.constant 0 : i32
      %dma_start3A_884 = arith.constant 0 : i32
      %dma_start3A_885 = tpu.memref_slice %arg6[%dma_start3A_875, %dma_start3A_882, %dma_start3A_883, %dma_start3A_884] : memref<2x2x25x80xi32, #tpu.memory_space<vmem>> -> memref<1x2x25x80xi32, #tpu.memory_space<vmem>>
      %dma_start3A_886 = tpu.memref_squeeze %dma_start3A_885 : memref<1x2x25x80xi32, #tpu.memory_space<vmem>> -> memref<2x25x80xi32, #tpu.memory_space<vmem>>
      %dma_start3A_887 = arith.constant 0 : i32
      %dma_start3A_888 = arith.constant 0 : i32
      %dma_start3A_889 = tpu.memref_slice %dma_start3A_886[%dma_start3A_876, %dma_start3A_887, %dma_start3A_888] : memref<2x25x80xi32, #tpu.memory_space<vmem>> -> memref<1x25x80xi32, #tpu.memory_space<vmem>>
      %dma_start3A_890 = tpu.memref_squeeze %dma_start3A_889 : memref<1x25x80xi32, #tpu.memory_space<vmem>> -> memref<25x80xi32, #tpu.memory_space<vmem>>
      %dma_start3A_891 = arith.constant 0 : i32
      %dma_start3A_892 = tpu.memref_slice %dma_start3A_890[%add3A_874, %dma_start3A_891] : memref<25x80xi32, #tpu.memory_space<vmem>> -> memref<1x80xi32, #tpu.memory_space<vmem>>
      %dma_start3A_893 = tpu.memref_squeeze %dma_start3A_892 : memref<1x80xi32, #tpu.memory_space<vmem>> -> memref<80xi32, #tpu.memory_space<vmem>>
      %dma_start3A_894 = arith.constant 0 : i32
      %dma_start3A_895 = arith.constant 0 : i32
      %dma_start3A_896 = tpu.memref_slice %arg2[%dma_start3A_894, %dma_start3A_895] : memref<10000x128xf32, #tpu.memory_space<hbm>> -> memref<10000x128xf32, #tpu.memory_space<hbm>>
      tpu.enqueue_indirect_dma source(%dma_start3A_896 : memref<10000x128xf32, #tpu.memory_space<hbm>>) target(%dma_start3A_881 : memref<80x128xf32, #tpu.memory_space<vmem>>) offsets(%dma_start3A_893 : memref<80xi32, #tpu.memory_space<vmem>>) semaphore(%arg9 : memref<!tpu.dma_semaphore, #tpu.memory_space<semaphore_mem>>)
    }
    %scan3A_370 = arith.constant 11 : i32
    %dma_wait3A_371 = arith.constant 0 : i32
    %dma_wait3A_372 = arith.constant 0 : i32
    %dma_wait3A_373 = arith.constant 0 : i32
    %dma_wait3A_374 = arith.constant 0 : i32
    %dma_wait3A_375 = arith.constant 0 : i32
    %dma_wait3A_376 = arith.constant 0 : i32
    %dma_wait3A_377 = tpu.memref_slice %arg7[%dma_wait3A_374, %dma_wait3A_375, %dma_wait3A_376] : memref<2x80x128xf32, #tpu.memory_space<vmem>> -> memref<1x80x128xf32, #tpu.memory_space<vmem>>
    %dma_wait3A_378 = tpu.memref_squeeze %dma_wait3A_377 : memref<1x80x128xf32, #tpu.memory_space<vmem>> -> memref<80x128xf32, #tpu.memory_space<vmem>>
    %dma_wait3A_379 = arith.constant 0 : i32
    %dma_wait3A_380 = arith.constant 0 : i32
    %dma_wait3A_381 = arith.constant 0 : i32
    %dma_wait3A_382 = tpu.memref_slice %arg6[%dma_wait3A_371, %dma_wait3A_379, %dma_wait3A_380, %dma_wait3A_381] : memref<2x2x25x80xi32, #tpu.memory_space<vmem>> -> memref<1x2x25x80xi32, #tpu.memory_space<vmem>>
    %dma_wait3A_383 = tpu.memref_squeeze %dma_wait3A_382 : memref<1x2x25x80xi32, #tpu.memory_space<vmem>> -> memref<2x25x80xi32, #tpu.memory_space<vmem>>
    %dma_wait3A_384 = arith.constant 0 : i32
    %dma_wait3A_385 = arith.constant 0 : i32
    %dma_wait3A_386 = tpu.memref_slice %dma_wait3A_383[%dma_wait3A_372, %dma_wait3A_384, %dma_wait3A_385] : memref<2x25x80xi32, #tpu.memory_space<vmem>> -> memref<1x25x80xi32, #tpu.memory_space<vmem>>
    %dma_wait3A_387 = tpu.memref_squeeze %dma_wait3A_386 : memref<1x25x80xi32, #tpu.memory_space<vmem>> -> memref<25x80xi32, #tpu.memory_space<vmem>>
    %dma_wait3A_388 = arith.constant 0 : i32
    %dma_wait3A_389 = tpu.memref_slice %dma_wait3A_387[%dma_wait3A_373, %dma_wait3A_388] : memref<25x80xi32, #tpu.memory_space<vmem>> -> memref<1x80xi32, #tpu.memory_space<vmem>>
    %dma_wait3A_390 = tpu.memref_squeeze %dma_wait3A_389 : memref<1x80xi32, #tpu.memory_space<vmem>> -> memref<80xi32, #tpu.memory_space<vmem>>
    %dma_wait3A_391 = arith.constant 0 : i32
    %dma_wait3A_392 = arith.constant 0 : i32
    %dma_wait3A_393 = tpu.memref_slice %arg2[%dma_wait3A_391, %dma_wait3A_392] : memref<10000x128xf32, #tpu.memory_space<hbm>> -> memref<10000x128xf32, #tpu.memory_space<hbm>>
    tpu.wait_indirect_dma semaphore(%arg8 : memref<!tpu.dma_semaphore, #tpu.memory_space<semaphore_mem>>) src(%dma_wait3A_393 : memref<10000x128xf32, #tpu.memory_space<hbm>>) dst(%dma_wait3A_378 : memref<80x128xf32, #tpu.memory_space<vmem>>)
    %run_scoped3A_394 = arith.constant 0 : i32
    %run_scoped3A_395 = arith.constant 0 : i32
    %run_scoped3A_396 = arith.constant 1 : i32
    %run_scoped3A_397 = arith.constant 22 : i32
    "tpu.region"() ({
      %run_scoped3A_792 = tpu.sem_alloc : memref<!tpu.dma_semaphore, #tpu.memory_space<semaphore_mem>>
      %dma_start3A_793 = arith.constant 0 : i32
      %dma_start3A_794 = arith.constant 0 : i32
      %dma_start3A_795 = tpu.memref_slice %arg7[%run_scoped3A_394, %dma_start3A_793, %dma_start3A_794] : memref<2x80x128xf32, #tpu.memory_space<vmem>> -> memref<1x80x128xf32, #tpu.memory_space<vmem>>
      %dma_start3A_796 = tpu.memref_squeeze %dma_start3A_795 : memref<1x80x128xf32, #tpu.memory_space<vmem>> -> memref<80x128xf32, #tpu.memory_space<vmem>>
      %dma_start3A_797 = arith.constant 0 : i32
      %dma_start3A_798 = arith.constant 0 : i32
      %dma_start3A_799 = arith.constant 0 : i32
      %dma_start3A_800 = tpu.memref_slice %arg6[%run_scoped3A_395, %dma_start3A_797, %dma_start3A_798, %dma_start3A_799] : memref<2x2x25x80xi32, #tpu.memory_space<vmem>> -> memref<1x2x25x80xi32, #tpu.memory_space<vmem>>
      %dma_start3A_801 = tpu.memref_squeeze %dma_start3A_800 : memref<1x2x25x80xi32, #tpu.memory_space<vmem>> -> memref<2x25x80xi32, #tpu.memory_space<vmem>>
      %dma_start3A_802 = arith.constant 0 : i32
      %dma_start3A_803 = arith.constant 0 : i32
      %dma_start3A_804 = tpu.memref_slice %dma_start3A_801[%run_scoped3A_396, %dma_start3A_802, %dma_start3A_803] : memref<2x25x80xi32, #tpu.memory_space<vmem>> -> memref<1x25x80xi32, #tpu.memory_space<vmem>>
      %dma_start3A_805 = tpu.memref_squeeze %dma_start3A_804 : memref<1x25x80xi32, #tpu.memory_space<vmem>> -> memref<25x80xi32, #tpu.memory_space<vmem>>
      %dma_start3A_806 = arith.constant 0 : i32
      %dma_start3A_807 = tpu.memref_slice %dma_start3A_805[%run_scoped3A_397, %dma_start3A_806] : memref<25x80xi32, #tpu.memory_space<vmem>> -> memref<1x80xi32, #tpu.memory_space<vmem>>
      %dma_start3A_808 = tpu.memref_squeeze %dma_start3A_807 : memref<1x80xi32, #tpu.memory_space<vmem>> -> memref<80xi32, #tpu.memory_space<vmem>>
      %dma_start3A_809 = arith.constant 0 : i32
      %dma_start3A_810 = arith.constant 0 : i32
      %dma_start3A_811 = tpu.memref_slice %arg10[%dma_start3A_809, %dma_start3A_810] : memref<10240x128xf32, #tpu.memory_space<vmem_shared>> -> memref<10240x128xf32, #tpu.memory_space<vmem_shared>>
      tpu.enqueue_indirect_dma source(%dma_start3A_796 : memref<80x128xf32, #tpu.memory_space<vmem>>) target(%dma_start3A_811 : memref<10240x128xf32, #tpu.memory_space<vmem_shared>>) offsets(%dma_start3A_808 : memref<80xi32, #tpu.memory_space<vmem>>) semaphore(%run_scoped3A_792 : memref<!tpu.dma_semaphore, #tpu.memory_space<semaphore_mem>>) {add = true}
      %dma_wait3A_812 = arith.constant 0 : i32
      %dma_wait3A_813 = arith.constant 0 : i32
      %dma_wait3A_814 = tpu.memref_slice %arg7[%run_scoped3A_394, %dma_wait3A_812, %dma_wait3A_813] : memref<2x80x128xf32, #tpu.memory_space<vmem>> -> memref<1x80x128xf32, #tpu.memory_space<vmem>>
      %dma_wait3A_815 = tpu.memref_squeeze %dma_wait3A_814 : memref<1x80x128xf32, #tpu.memory_space<vmem>> -> memref<80x128xf32, #tpu.memory_space<vmem>>
      %dma_wait3A_816 = arith.constant 0 : i32
      %dma_wait3A_817 = arith.constant 0 : i32
      %dma_wait3A_818 = arith.constant 0 : i32
      %dma_wait3A_819 = tpu.memref_slice %arg6[%run_scoped3A_395, %dma_wait3A_816, %dma_wait3A_817, %dma_wait3A_818] : memref<2x2x25x80xi32, #tpu.memory_space<vmem>> -> memref<1x2x25x80xi32, #tpu.memory_space<vmem>>
      %dma_wait3A_820 = tpu.memref_squeeze %dma_wait3A_819 : memref<1x2x25x80xi32, #tpu.memory_space<vmem>> -> memref<2x25x80xi32, #tpu.memory_space<vmem>>
      %dma_wait3A_821 = arith.constant 0 : i32
      %dma_wait3A_822 = arith.constant 0 : i32
      %dma_wait3A_823 = tpu.memref_slice %dma_wait3A_820[%run_scoped3A_396, %dma_wait3A_821, %dma_wait3A_822] : memref<2x25x80xi32, #tpu.memory_space<vmem>> -> memref<1x25x80xi32, #tpu.memory_space<vmem>>
      %dma_wait3A_824 = tpu.memref_squeeze %dma_wait3A_823 : memref<1x25x80xi32, #tpu.memory_space<vmem>> -> memref<25x80xi32, #tpu.memory_space<vmem>>
      %dma_wait3A_825 = arith.constant 0 : i32
      %dma_wait3A_826 = tpu.memref_slice %dma_wait3A_824[%run_scoped3A_397, %dma_wait3A_825] : memref<25x80xi32, #tpu.memory_space<vmem>> -> memref<1x80xi32, #tpu.memory_space<vmem>>
      %dma_wait3A_827 = tpu.memref_squeeze %dma_wait3A_826 : memref<1x80xi32, #tpu.memory_space<vmem>> -> memref<80xi32, #tpu.memory_space<vmem>>
      %dma_wait3A_828 = arith.constant 0 : i32
      %dma_wait3A_829 = arith.constant 0 : i32
      %dma_wait3A_830 = tpu.memref_slice %arg10[%dma_wait3A_828, %dma_wait3A_829] : memref<10240x128xf32, #tpu.memory_space<vmem_shared>> -> memref<10240x128xf32, #tpu.memory_space<vmem_shared>>
      tpu.wait_indirect_dma semaphore(%run_scoped3A_792 : memref<!tpu.dma_semaphore, #tpu.memory_space<semaphore_mem>>) src(%dma_wait3A_815 : memref<80x128xf32, #tpu.memory_space<vmem>>) dst(%dma_wait3A_830 : memref<10240x128xf32, #tpu.memory_space<vmem_shared>>)
      tpu.yield
    }) : () -> ()
    %dma_start3A_398 = arith.constant 0 : i32
    %dma_start3A_399 = arith.constant 0 : i32
    %dma_start3A_400 = arith.constant 24 : i32
    %dma_start3A_401 = arith.constant 0 : i32
    %dma_start3A_402 = arith.constant 0 : i32
    %dma_start3A_403 = arith.constant 0 : i32
    %dma_start3A_404 = tpu.memref_slice %arg7[%dma_start3A_401, %dma_start3A_402, %dma_start3A_403] : memref<2x80x128xf32, #tpu.memory_space<vmem>> -> memref<1x80x128xf32, #tpu.memory_space<vmem>>
    %dma_start3A_405 = tpu.memref_squeeze %dma_start3A_404 : memref<1x80x128xf32, #tpu.memory_space<vmem>> -> memref<80x128xf32, #tpu.memory_space<vmem>>
    %dma_start3A_406 = arith.constant 0 : i32
    %dma_start3A_407 = arith.constant 0 : i32
    %dma_start3A_408 = arith.constant 0 : i32
    %dma_start3A_409 = tpu.memref_slice %arg6[%dma_start3A_398, %dma_start3A_406, %dma_start3A_407, %dma_start3A_408] : memref<2x2x25x80xi32, #tpu.memory_space<vmem>> -> memref<1x2x25x80xi32, #tpu.memory_space<vmem>>
    %dma_start3A_410 = tpu.memref_squeeze %dma_start3A_409 : memref<1x2x25x80xi32, #tpu.memory_space<vmem>> -> memref<2x25x80xi32, #tpu.memory_space<vmem>>
    %dma_start3A_411 = arith.constant 0 : i32
    %dma_start3A_412 = arith.constant 0 : i32
    %dma_start3A_413 = tpu.memref_slice %dma_start3A_410[%dma_start3A_399, %dma_start3A_411, %dma_start3A_412] : memref<2x25x80xi32, #tpu.memory_space<vmem>> -> memref<1x25x80xi32, #tpu.memory_space<vmem>>
    %dma_start3A_414 = tpu.memref_squeeze %dma_start3A_413 : memref<1x25x80xi32, #tpu.memory_space<vmem>> -> memref<25x80xi32, #tpu.memory_space<vmem>>
    %dma_start3A_415 = arith.constant 0 : i32
    %dma_start3A_416 = tpu.memref_slice %dma_start3A_414[%dma_start3A_400, %dma_start3A_415] : memref<25x80xi32, #tpu.memory_space<vmem>> -> memref<1x80xi32, #tpu.memory_space<vmem>>
    %dma_start3A_417 = tpu.memref_squeeze %dma_start3A_416 : memref<1x80xi32, #tpu.memory_space<vmem>> -> memref<80xi32, #tpu.memory_space<vmem>>
    %dma_start3A_418 = arith.constant 0 : i32
    %dma_start3A_419 = arith.constant 0 : i32
    %dma_start3A_420 = tpu.memref_slice %arg2[%dma_start3A_418, %dma_start3A_419] : memref<10000x128xf32, #tpu.memory_space<hbm>> -> memref<10000x128xf32, #tpu.memory_space<hbm>>
    tpu.enqueue_indirect_dma source(%dma_start3A_420 : memref<10000x128xf32, #tpu.memory_space<hbm>>) target(%dma_start3A_405 : memref<80x128xf32, #tpu.memory_space<vmem>>) offsets(%dma_start3A_417 : memref<80xi32, #tpu.memory_space<vmem>>) semaphore(%arg8 : memref<!tpu.dma_semaphore, #tpu.memory_space<semaphore_mem>>)
    %dma_wait3A_421 = arith.constant 0 : i32
    %dma_wait3A_422 = arith.constant 0 : i32
    %dma_wait3A_423 = arith.constant 0 : i32
    %dma_wait3A_424 = arith.constant 0 : i32
    %dma_wait3A_425 = arith.constant 0 : i32
    %dma_wait3A_426 = arith.constant 0 : i32
    %dma_wait3A_427 = tpu.memref_slice %arg7[%dma_wait3A_424, %dma_wait3A_425, %dma_wait3A_426] : memref<2x80x128xf32, #tpu.memory_space<vmem>> -> memref<1x80x128xf32, #tpu.memory_space<vmem>>
    %dma_wait3A_428 = tpu.memref_squeeze %dma_wait3A_427 : memref<1x80x128xf32, #tpu.memory_space<vmem>> -> memref<80x128xf32, #tpu.memory_space<vmem>>
    %dma_wait3A_429 = arith.constant 0 : i32
    %dma_wait3A_430 = arith.constant 0 : i32
    %dma_wait3A_431 = arith.constant 0 : i32
    %dma_wait3A_432 = tpu.memref_slice %arg6[%dma_wait3A_421, %dma_wait3A_429, %dma_wait3A_430, %dma_wait3A_431] : memref<2x2x25x80xi32, #tpu.memory_space<vmem>> -> memref<1x2x25x80xi32, #tpu.memory_space<vmem>>
    %dma_wait3A_433 = tpu.memref_squeeze %dma_wait3A_432 : memref<1x2x25x80xi32, #tpu.memory_space<vmem>> -> memref<2x25x80xi32, #tpu.memory_space<vmem>>
    %dma_wait3A_434 = arith.constant 0 : i32
    %dma_wait3A_435 = arith.constant 0 : i32
    %dma_wait3A_436 = tpu.memref_slice %dma_wait3A_433[%dma_wait3A_422, %dma_wait3A_434, %dma_wait3A_435] : memref<2x25x80xi32, #tpu.memory_space<vmem>> -> memref<1x25x80xi32, #tpu.memory_space<vmem>>
    %dma_wait3A_437 = tpu.memref_squeeze %dma_wait3A_436 : memref<1x25x80xi32, #tpu.memory_space<vmem>> -> memref<25x80xi32, #tpu.memory_space<vmem>>
    %dma_wait3A_438 = arith.constant 0 : i32
    %dma_wait3A_439 = tpu.memref_slice %dma_wait3A_437[%dma_wait3A_423, %dma_wait3A_438] : memref<25x80xi32, #tpu.memory_space<vmem>> -> memref<1x80xi32, #tpu.memory_space<vmem>>
    %dma_wait3A_440 = tpu.memref_squeeze %dma_wait3A_439 : memref<1x80xi32, #tpu.memory_space<vmem>> -> memref<80xi32, #tpu.memory_space<vmem>>
    %dma_wait3A_441 = arith.constant 0 : i32
    %dma_wait3A_442 = arith.constant 0 : i32
    %dma_wait3A_443 = tpu.memref_slice %arg2[%dma_wait3A_441, %dma_wait3A_442] : memref<10000x128xf32, #tpu.memory_space<hbm>> -> memref<10000x128xf32, #tpu.memory_space<hbm>>
    tpu.wait_indirect_dma semaphore(%arg9 : memref<!tpu.dma_semaphore, #tpu.memory_space<semaphore_mem>>) src(%dma_wait3A_443 : memref<10000x128xf32, #tpu.memory_space<hbm>>) dst(%dma_wait3A_428 : memref<80x128xf32, #tpu.memory_space<vmem>>)
    %run_scoped3A_444 = arith.constant 1 : i32
    %run_scoped3A_445 = arith.constant 0 : i32
    %run_scoped3A_446 = arith.constant 1 : i32
    %run_scoped3A_447 = arith.constant 23 : i32
    "tpu.region"() ({
      %run_scoped3A_792 = tpu.sem_alloc : memref<!tpu.dma_semaphore, #tpu.memory_space<semaphore_mem>>
      %dma_start3A_793 = arith.constant 0 : i32
      %dma_start3A_794 = arith.constant 0 : i32
      %dma_start3A_795 = tpu.memref_slice %arg7[%run_scoped3A_444, %dma_start3A_793, %dma_start3A_794] : memref<2x80x128xf32, #tpu.memory_space<vmem>> -> memref<1x80x128xf32, #tpu.memory_space<vmem>>
      %dma_start3A_796 = tpu.memref_squeeze %dma_start3A_795 : memref<1x80x128xf32, #tpu.memory_space<vmem>> -> memref<80x128xf32, #tpu.memory_space<vmem>>
      %dma_start3A_797 = arith.constant 0 : i32
      %dma_start3A_798 = arith.constant 0 : i32
      %dma_start3A_799 = arith.constant 0 : i32
      %dma_start3A_800 = tpu.memref_slice %arg6[%run_scoped3A_445, %dma_start3A_797, %dma_start3A_798, %dma_start3A_799] : memref<2x2x25x80xi32, #tpu.memory_space<vmem>> -> memref<1x2x25x80xi32, #tpu.memory_space<vmem>>
      %dma_start3A_801 = tpu.memref_squeeze %dma_start3A_800 : memref<1x2x25x80xi32, #tpu.memory_space<vmem>> -> memref<2x25x80xi32, #tpu.memory_space<vmem>>
      %dma_start3A_802 = arith.constant 0 : i32
      %dma_start3A_803 = arith.constant 0 : i32
      %dma_start3A_804 = tpu.memref_slice %dma_start3A_801[%run_scoped3A_446, %dma_start3A_802, %dma_start3A_803] : memref<2x25x80xi32, #tpu.memory_space<vmem>> -> memref<1x25x80xi32, #tpu.memory_space<vmem>>
      %dma_start3A_805 = tpu.memref_squeeze %dma_start3A_804 : memref<1x25x80xi32, #tpu.memory_space<vmem>> -> memref<25x80xi32, #tpu.memory_space<vmem>>
      %dma_start3A_806 = arith.constant 0 : i32
      %dma_start3A_807 = tpu.memref_slice %dma_start3A_805[%run_scoped3A_447, %dma_start3A_806] : memref<25x80xi32, #tpu.memory_space<vmem>> -> memref<1x80xi32, #tpu.memory_space<vmem>>
      %dma_start3A_808 = tpu.memref_squeeze %dma_start3A_807 : memref<1x80xi32, #tpu.memory_space<vmem>> -> memref<80xi32, #tpu.memory_space<vmem>>
      %dma_start3A_809 = arith.constant 0 : i32
      %dma_start3A_810 = arith.constant 0 : i32
      %dma_start3A_811 = tpu.memref_slice %arg10[%dma_start3A_809, %dma_start3A_810] : memref<10240x128xf32, #tpu.memory_space<vmem_shared>> -> memref<10240x128xf32, #tpu.memory_space<vmem_shared>>
      tpu.enqueue_indirect_dma source(%dma_start3A_796 : memref<80x128xf32, #tpu.memory_space<vmem>>) target(%dma_start3A_811 : memref<10240x128xf32, #tpu.memory_space<vmem_shared>>) offsets(%dma_start3A_808 : memref<80xi32, #tpu.memory_space<vmem>>) semaphore(%run_scoped3A_792 : memref<!tpu.dma_semaphore, #tpu.memory_space<semaphore_mem>>) {add = true}
      %dma_wait3A_812 = arith.constant 0 : i32
      %dma_wait3A_813 = arith.constant 0 : i32
      %dma_wait3A_814 = tpu.memref_slice %arg7[%run_scoped3A_444, %dma_wait3A_812, %dma_wait3A_813] : memref<2x80x128xf32, #tpu.memory_space<vmem>> -> memref<1x80x128xf32, #tpu.memory_space<vmem>>
      %dma_wait3A_815 = tpu.memref_squeeze %dma_wait3A_814 : memref<1x80x128xf32, #tpu.memory_space<vmem>> -> memref<80x128xf32, #tpu.memory_space<vmem>>
      %dma_wait3A_816 = arith.constant 0 : i32
      %dma_wait3A_817 = arith.constant 0 : i32
      %dma_wait3A_818 = arith.constant 0 : i32
      %dma_wait3A_819 = tpu.memref_slice %arg6[%run_scoped3A_445, %dma_wait3A_816, %dma_wait3A_817, %dma_wait3A_818] : memref<2x2x25x80xi32, #tpu.memory_space<vmem>> -> memref<1x2x25x80xi32, #tpu.memory_space<vmem>>
      %dma_wait3A_820 = tpu.memref_squeeze %dma_wait3A_819 : memref<1x2x25x80xi32, #tpu.memory_space<vmem>> -> memref<2x25x80xi32, #tpu.memory_space<vmem>>
      %dma_wait3A_821 = arith.constant 0 : i32
      %dma_wait3A_822 = arith.constant 0 : i32
      %dma_wait3A_823 = tpu.memref_slice %dma_wait3A_820[%run_scoped3A_446, %dma_wait3A_821, %dma_wait3A_822] : memref<2x25x80xi32, #tpu.memory_space<vmem>> -> memref<1x25x80xi32, #tpu.memory_space<vmem>>
      %dma_wait3A_824 = tpu.memref_squeeze %dma_wait3A_823 : memref<1x25x80xi32, #tpu.memory_space<vmem>> -> memref<25x80xi32, #tpu.memory_space<vmem>>
      %dma_wait3A_825 = arith.constant 0 : i32
      %dma_wait3A_826 = tpu.memref_slice %dma_wait3A_824[%run_scoped3A_447, %dma_wait3A_825] : memref<25x80xi32, #tpu.memory_space<vmem>> -> memref<1x80xi32, #tpu.memory_space<vmem>>
      %dma_wait3A_827 = tpu.memref_squeeze %dma_wait3A_826 : memref<1x80xi32, #tpu.memory_space<vmem>> -> memref<80xi32, #tpu.memory_space<vmem>>
      %dma_wait3A_828 = arith.constant 0 : i32
      %dma_wait3A_829 = arith.constant 0 : i32
      %dma_wait3A_830 = tpu.memref_slice %arg10[%dma_wait3A_828, %dma_wait3A_829] : memref<10240x128xf32, #tpu.memory_space<vmem_shared>> -> memref<10240x128xf32, #tpu.memory_space<vmem_shared>>
      tpu.wait_indirect_dma semaphore(%run_scoped3A_792 : memref<!tpu.dma_semaphore, #tpu.memory_space<semaphore_mem>>) src(%dma_wait3A_815 : memref<80x128xf32, #tpu.memory_space<vmem>>) dst(%dma_wait3A_830 : memref<10240x128xf32, #tpu.memory_space<vmem_shared>>)
      tpu.yield
    }) : () -> ()
    %dma_start3A_448 = arith.constant 1 : i32
    %dma_start3A_449 = arith.constant 0 : i32
    %dma_start3A_450 = arith.constant 0 : i32
    %dma_start3A_451 = arith.constant 1 : i32
    %dma_start3A_452 = arith.constant 0 : i32
    %dma_start3A_453 = arith.constant 0 : i32
    %dma_start3A_454 = tpu.memref_slice %arg7[%dma_start3A_451, %dma_start3A_452, %dma_start3A_453] : memref<2x80x128xf32, #tpu.memory_space<vmem>> -> memref<1x80x128xf32, #tpu.memory_space<vmem>>
    %dma_start3A_455 = tpu.memref_squeeze %dma_start3A_454 : memref<1x80x128xf32, #tpu.memory_space<vmem>> -> memref<80x128xf32, #tpu.memory_space<vmem>>
    %dma_start3A_456 = arith.constant 0 : i32
    %dma_start3A_457 = arith.constant 0 : i32
    %dma_start3A_458 = arith.constant 0 : i32
    %dma_start3A_459 = tpu.memref_slice %arg6[%dma_start3A_448, %dma_start3A_456, %dma_start3A_457, %dma_start3A_458] : memref<2x2x25x80xi32, #tpu.memory_space<vmem>> -> memref<1x2x25x80xi32, #tpu.memory_space<vmem>>
    %dma_start3A_460 = tpu.memref_squeeze %dma_start3A_459 : memref<1x2x25x80xi32, #tpu.memory_space<vmem>> -> memref<2x25x80xi32, #tpu.memory_space<vmem>>
    %dma_start3A_461 = arith.constant 0 : i32
    %dma_start3A_462 = arith.constant 0 : i32
    %dma_start3A_463 = tpu.memref_slice %dma_start3A_460[%dma_start3A_449, %dma_start3A_461, %dma_start3A_462] : memref<2x25x80xi32, #tpu.memory_space<vmem>> -> memref<1x25x80xi32, #tpu.memory_space<vmem>>
    %dma_start3A_464 = tpu.memref_squeeze %dma_start3A_463 : memref<1x25x80xi32, #tpu.memory_space<vmem>> -> memref<25x80xi32, #tpu.memory_space<vmem>>
    %dma_start3A_465 = arith.constant 0 : i32
    %dma_start3A_466 = tpu.memref_slice %dma_start3A_464[%dma_start3A_450, %dma_start3A_465] : memref<25x80xi32, #tpu.memory_space<vmem>> -> memref<1x80xi32, #tpu.memory_space<vmem>>
    %dma_start3A_467 = tpu.memref_squeeze %dma_start3A_466 : memref<1x80xi32, #tpu.memory_space<vmem>> -> memref<80xi32, #tpu.memory_space<vmem>>
    %dma_start3A_468 = arith.constant 0 : i32
    %dma_start3A_469 = arith.constant 0 : i32
    %dma_start3A_470 = tpu.memref_slice %arg2[%dma_start3A_468, %dma_start3A_469] : memref<10000x128xf32, #tpu.memory_space<hbm>> -> memref<10000x128xf32, #tpu.memory_space<hbm>>
    tpu.enqueue_indirect_dma source(%dma_start3A_470 : memref<10000x128xf32, #tpu.memory_space<hbm>>) target(%dma_start3A_455 : memref<80x128xf32, #tpu.memory_space<vmem>>) offsets(%dma_start3A_467 : memref<80xi32, #tpu.memory_space<vmem>>) semaphore(%arg9 : memref<!tpu.dma_semaphore, #tpu.memory_space<semaphore_mem>>)
    %dma_wait3A_471 = arith.constant 0 : i32
    %dma_wait3A_472 = arith.constant 0 : i32
    %dma_wait3A_473 = arith.constant 0 : i32
    %dma_wait3A_474 = arith.constant 0 : i32
    %dma_wait3A_475 = arith.constant 0 : i32
    %dma_wait3A_476 = arith.constant 0 : i32
    %dma_wait3A_477 = tpu.memref_slice %arg7[%dma_wait3A_474, %dma_wait3A_475, %dma_wait3A_476] : memref<2x80x128xf32, #tpu.memory_space<vmem>> -> memref<1x80x128xf32, #tpu.memory_space<vmem>>
    %dma_wait3A_478 = tpu.memref_squeeze %dma_wait3A_477 : memref<1x80x128xf32, #tpu.memory_space<vmem>> -> memref<80x128xf32, #tpu.memory_space<vmem>>
    %dma_wait3A_479 = arith.constant 0 : i32
    %dma_wait3A_480 = arith.constant 0 : i32
    %dma_wait3A_481 = arith.constant 0 : i32
    %dma_wait3A_482 = tpu.memref_slice %arg6[%dma_wait3A_471, %dma_wait3A_479, %dma_wait3A_480, %dma_wait3A_481] : memref<2x2x25x80xi32, #tpu.memory_space<vmem>> -> memref<1x2x25x80xi32, #tpu.memory_space<vmem>>
    %dma_wait3A_483 = tpu.memref_squeeze %dma_wait3A_482 : memref<1x2x25x80xi32, #tpu.memory_space<vmem>> -> memref<2x25x80xi32, #tpu.memory_space<vmem>>
    %dma_wait3A_484 = arith.constant 0 : i32
    %dma_wait3A_485 = arith.constant 0 : i32
    %dma_wait3A_486 = tpu.memref_slice %dma_wait3A_483[%dma_wait3A_472, %dma_wait3A_484, %dma_wait3A_485] : memref<2x25x80xi32, #tpu.memory_space<vmem>> -> memref<1x25x80xi32, #tpu.memory_space<vmem>>
    %dma_wait3A_487 = tpu.memref_squeeze %dma_wait3A_486 : memref<1x25x80xi32, #tpu.memory_space<vmem>> -> memref<25x80xi32, #tpu.memory_space<vmem>>
    %dma_wait3A_488 = arith.constant 0 : i32
    %dma_wait3A_489 = tpu.memref_slice %dma_wait3A_487[%dma_wait3A_473, %dma_wait3A_488] : memref<25x80xi32, #tpu.memory_space<vmem>> -> memref<1x80xi32, #tpu.memory_space<vmem>>
    %dma_wait3A_490 = tpu.memref_squeeze %dma_wait3A_489 : memref<1x80xi32, #tpu.memory_space<vmem>> -> memref<80xi32, #tpu.memory_space<vmem>>
    %dma_wait3A_491 = arith.constant 0 : i32
    %dma_wait3A_492 = arith.constant 0 : i32
    %dma_wait3A_493 = tpu.memref_slice %arg2[%dma_wait3A_491, %dma_wait3A_492] : memref<10000x128xf32, #tpu.memory_space<hbm>> -> memref<10000x128xf32, #tpu.memory_space<hbm>>
    tpu.wait_indirect_dma semaphore(%arg8 : memref<!tpu.dma_semaphore, #tpu.memory_space<semaphore_mem>>) src(%dma_wait3A_493 : memref<10000x128xf32, #tpu.memory_space<hbm>>) dst(%dma_wait3A_478 : memref<80x128xf32, #tpu.memory_space<vmem>>)
    %run_scoped3A_494 = arith.constant 0 : i32
    %run_scoped3A_495 = arith.constant 0 : i32
    %run_scoped3A_496 = arith.constant 1 : i32
    %run_scoped3A_497 = arith.constant 24 : i32
    "tpu.region"() ({
      %run_scoped3A_792 = tpu.sem_alloc : memref<!tpu.dma_semaphore, #tpu.memory_space<semaphore_mem>>
      %dma_start3A_793 = arith.constant 0 : i32
      %dma_start3A_794 = arith.constant 0 : i32
      %dma_start3A_795 = tpu.memref_slice %arg7[%run_scoped3A_494, %dma_start3A_793, %dma_start3A_794] : memref<2x80x128xf32, #tpu.memory_space<vmem>> -> memref<1x80x128xf32, #tpu.memory_space<vmem>>
      %dma_start3A_796 = tpu.memref_squeeze %dma_start3A_795 : memref<1x80x128xf32, #tpu.memory_space<vmem>> -> memref<80x128xf32, #tpu.memory_space<vmem>>
      %dma_start3A_797 = arith.constant 0 : i32
      %dma_start3A_798 = arith.constant 0 : i32
      %dma_start3A_799 = arith.constant 0 : i32
      %dma_start3A_800 = tpu.memref_slice %arg6[%run_scoped3A_495, %dma_start3A_797, %dma_start3A_798, %dma_start3A_799] : memref<2x2x25x80xi32, #tpu.memory_space<vmem>> -> memref<1x2x25x80xi32, #tpu.memory_space<vmem>>
      %dma_start3A_801 = tpu.memref_squeeze %dma_start3A_800 : memref<1x2x25x80xi32, #tpu.memory_space<vmem>> -> memref<2x25x80xi32, #tpu.memory_space<vmem>>
      %dma_start3A_802 = arith.constant 0 : i32
      %dma_start3A_803 = arith.constant 0 : i32
      %dma_start3A_804 = tpu.memref_slice %dma_start3A_801[%run_scoped3A_496, %dma_start3A_802, %dma_start3A_803] : memref<2x25x80xi32, #tpu.memory_space<vmem>> -> memref<1x25x80xi32, #tpu.memory_space<vmem>>
      %dma_start3A_805 = tpu.memref_squeeze %dma_start3A_804 : memref<1x25x80xi32, #tpu.memory_space<vmem>> -> memref<25x80xi32, #tpu.memory_space<vmem>>
      %dma_start3A_806 = arith.constant 0 : i32
      %dma_start3A_807 = tpu.memref_slice %dma_start3A_805[%run_scoped3A_497, %dma_start3A_806] : memref<25x80xi32, #tpu.memory_space<vmem>> -> memref<1x80xi32, #tpu.memory_space<vmem>>
      %dma_start3A_808 = tpu.memref_squeeze %dma_start3A_807 : memref<1x80xi32, #tpu.memory_space<vmem>> -> memref<80xi32, #tpu.memory_space<vmem>>
      %dma_start3A_809 = arith.constant 0 : i32
      %dma_start3A_810 = arith.constant 0 : i32
      %dma_start3A_811 = tpu.memref_slice %arg10[%dma_start3A_809, %dma_start3A_810] : memref<10240x128xf32, #tpu.memory_space<vmem_shared>> -> memref<10240x128xf32, #tpu.memory_space<vmem_shared>>
      tpu.enqueue_indirect_dma source(%dma_start3A_796 : memref<80x128xf32, #tpu.memory_space<vmem>>) target(%dma_start3A_811 : memref<10240x128xf32, #tpu.memory_space<vmem_shared>>) offsets(%dma_start3A_808 : memref<80xi32, #tpu.memory_space<vmem>>) semaphore(%run_scoped3A_792 : memref<!tpu.dma_semaphore, #tpu.memory_space<semaphore_mem>>) {add = true}
      %dma_wait3A_812 = arith.constant 0 : i32
      %dma_wait3A_813 = arith.constant 0 : i32
      %dma_wait3A_814 = tpu.memref_slice %arg7[%run_scoped3A_494, %dma_wait3A_812, %dma_wait3A_813] : memref<2x80x128xf32, #tpu.memory_space<vmem>> -> memref<1x80x128xf32, #tpu.memory_space<vmem>>
      %dma_wait3A_815 = tpu.memref_squeeze %dma_wait3A_814 : memref<1x80x128xf32, #tpu.memory_space<vmem>> -> memref<80x128xf32, #tpu.memory_space<vmem>>
      %dma_wait3A_816 = arith.constant 0 : i32
      %dma_wait3A_817 = arith.constant 0 : i32
      %dma_wait3A_818 = arith.constant 0 : i32
      %dma_wait3A_819 = tpu.memref_slice %arg6[%run_scoped3A_495, %dma_wait3A_816, %dma_wait3A_817, %dma_wait3A_818] : memref<2x2x25x80xi32, #tpu.memory_space<vmem>> -> memref<1x2x25x80xi32, #tpu.memory_space<vmem>>
      %dma_wait3A_820 = tpu.memref_squeeze %dma_wait3A_819 : memref<1x2x25x80xi32, #tpu.memory_space<vmem>> -> memref<2x25x80xi32, #tpu.memory_space<vmem>>
      %dma_wait3A_821 = arith.constant 0 : i32
      %dma_wait3A_822 = arith.constant 0 : i32
      %dma_wait3A_823 = tpu.memref_slice %dma_wait3A_820[%run_scoped3A_496, %dma_wait3A_821, %dma_wait3A_822] : memref<2x25x80xi32, #tpu.memory_space<vmem>> -> memref<1x25x80xi32, #tpu.memory_space<vmem>>
      %dma_wait3A_824 = tpu.memref_squeeze %dma_wait3A_823 : memref<1x25x80xi32, #tpu.memory_space<vmem>> -> memref<25x80xi32, #tpu.memory_space<vmem>>
      %dma_wait3A_825 = arith.constant 0 : i32
      %dma_wait3A_826 = tpu.memref_slice %dma_wait3A_824[%run_scoped3A_497, %dma_wait3A_825] : memref<25x80xi32, #tpu.memory_space<vmem>> -> memref<1x80xi32, #tpu.memory_space<vmem>>
      %dma_wait3A_827 = tpu.memref_squeeze %dma_wait3A_826 : memref<1x80xi32, #tpu.memory_space<vmem>> -> memref<80xi32, #tpu.memory_space<vmem>>
      %dma_wait3A_828 = arith.constant 0 : i32
      %dma_wait3A_829 = arith.constant 0 : i32
      %dma_wait3A_830 = tpu.memref_slice %arg10[%dma_wait3A_828, %dma_wait3A_829] : memref<10240x128xf32, #tpu.memory_space<vmem_shared>> -> memref<10240x128xf32, #tpu.memory_space<vmem_shared>>
      tpu.wait_indirect_dma semaphore(%run_scoped3A_792 : memref<!tpu.dma_semaphore, #tpu.memory_space<semaphore_mem>>) src(%dma_wait3A_815 : memref<80x128xf32, #tpu.memory_space<vmem>>) dst(%dma_wait3A_830 : memref<10240x128xf32, #tpu.memory_space<vmem_shared>>)
      tpu.yield
    }) : () -> ()
    %dma_start3A_498 = arith.constant 1 : i32
    %dma_start3A_499 = arith.constant 0 : i32
    %dma_start3A_500 = arith.constant 1 : i32
    %dma_start3A_501 = arith.constant 0 : i32
    %dma_start3A_502 = arith.constant 0 : i32
    %dma_start3A_503 = arith.constant 0 : i32
    %dma_start3A_504 = tpu.memref_slice %arg7[%dma_start3A_501, %dma_start3A_502, %dma_start3A_503] : memref<2x80x128xf32, #tpu.memory_space<vmem>> -> memref<1x80x128xf32, #tpu.memory_space<vmem>>
    %dma_start3A_505 = tpu.memref_squeeze %dma_start3A_504 : memref<1x80x128xf32, #tpu.memory_space<vmem>> -> memref<80x128xf32, #tpu.memory_space<vmem>>
    %dma_start3A_506 = arith.constant 0 : i32
    %dma_start3A_507 = arith.constant 0 : i32
    %dma_start3A_508 = arith.constant 0 : i32
    %dma_start3A_509 = tpu.memref_slice %arg6[%dma_start3A_498, %dma_start3A_506, %dma_start3A_507, %dma_start3A_508] : memref<2x2x25x80xi32, #tpu.memory_space<vmem>> -> memref<1x2x25x80xi32, #tpu.memory_space<vmem>>
    %dma_start3A_510 = tpu.memref_squeeze %dma_start3A_509 : memref<1x2x25x80xi32, #tpu.memory_space<vmem>> -> memref<2x25x80xi32, #tpu.memory_space<vmem>>
    %dma_start3A_511 = arith.constant 0 : i32
    %dma_start3A_512 = arith.constant 0 : i32
    %dma_start3A_513 = tpu.memref_slice %dma_start3A_510[%dma_start3A_499, %dma_start3A_511, %dma_start3A_512] : memref<2x25x80xi32, #tpu.memory_space<vmem>> -> memref<1x25x80xi32, #tpu.memory_space<vmem>>
    %dma_start3A_514 = tpu.memref_squeeze %dma_start3A_513 : memref<1x25x80xi32, #tpu.memory_space<vmem>> -> memref<25x80xi32, #tpu.memory_space<vmem>>
    %dma_start3A_515 = arith.constant 0 : i32
    %dma_start3A_516 = tpu.memref_slice %dma_start3A_514[%dma_start3A_500, %dma_start3A_515] : memref<25x80xi32, #tpu.memory_space<vmem>> -> memref<1x80xi32, #tpu.memory_space<vmem>>
    %dma_start3A_517 = tpu.memref_squeeze %dma_start3A_516 : memref<1x80xi32, #tpu.memory_space<vmem>> -> memref<80xi32, #tpu.memory_space<vmem>>
    %dma_start3A_518 = arith.constant 0 : i32
    %dma_start3A_519 = arith.constant 0 : i32
    %dma_start3A_520 = tpu.memref_slice %arg2[%dma_start3A_518, %dma_start3A_519] : memref<10000x128xf32, #tpu.memory_space<hbm>> -> memref<10000x128xf32, #tpu.memory_space<hbm>>
    tpu.enqueue_indirect_dma source(%dma_start3A_520 : memref<10000x128xf32, #tpu.memory_space<hbm>>) target(%dma_start3A_505 : memref<80x128xf32, #tpu.memory_space<vmem>>) offsets(%dma_start3A_517 : memref<80xi32, #tpu.memory_space<vmem>>) semaphore(%arg8 : memref<!tpu.dma_semaphore, #tpu.memory_space<semaphore_mem>>)
    %run_scoped3A_521 = arith.constant 4 : i32
    %run_scoped3A_522 = arith.constant 0 : i32
    "tpu.region"() ({
      %run_scoped3A_792 = tpu.sem_alloc : memref<!tpu.dma_semaphore, #tpu.memory_space<semaphore_mem>>
      %dma_start3A_793 = arith.constant 0 : i32
      %dma_start3A_794 = arith.constant 0 : i32
      %dma_start3A_795 = arith.constant 0 : i32
      %dma_start3A_796 = tpu.memref_slice %arg6[%run_scoped3A_522, %dma_start3A_793, %dma_start3A_794, %dma_start3A_795] : memref<2x2x25x80xi32, #tpu.memory_space<vmem>> -> memref<1x2x25x80xi32, #tpu.memory_space<vmem>>
      %dma_start3A_797 = tpu.memref_squeeze %dma_start3A_796 : memref<1x2x25x80xi32, #tpu.memory_space<vmem>> -> memref<2x25x80xi32, #tpu.memory_space<vmem>>
      %dma_start3A_798 = arith.constant 0 : i32
      %dma_start3A_799 = arith.constant 0 : i32
      %dma_start3A_800 = arith.constant 0 : i32
      %dma_start3A_801 = arith.constant 0 : i32
      %dma_start3A_802 = tpu.memref_slice %arg3[%add3A, %dma_start3A_798, %dma_start3A_799, %dma_start3A_800, %dma_start3A_801] : memref<32x5x2x25x80xi32, #tpu.memory_space<hbm>> -> memref<1x5x2x25x80xi32, #tpu.memory_space<hbm>>
      %dma_start3A_803 = tpu.memref_squeeze %dma_start3A_802 : memref<1x5x2x25x80xi32, #tpu.memory_space<hbm>> -> memref<5x2x25x80xi32, #tpu.memory_space<hbm>>
      %dma_start3A_804 = arith.constant 0 : i32
      %dma_start3A_805 = arith.constant 0 : i32
      %dma_start3A_806 = arith.constant 0 : i32
      %dma_start3A_807 = tpu.memref_slice %dma_start3A_803[%run_scoped3A_521, %dma_start3A_804, %dma_start3A_805, %dma_start3A_806] : memref<5x2x25x80xi32, #tpu.memory_space<hbm>> -> memref<1x2x25x80xi32, #tpu.memory_space<hbm>>
      %dma_start3A_808 = tpu.memref_squeeze %dma_start3A_807 : memref<1x2x25x80xi32, #tpu.memory_space<hbm>> -> memref<2x25x80xi32, #tpu.memory_space<hbm>>
      %dma_start3A_809 = arith.constant 0 : i32
      %dma_start3A_810 = arith.constant 0 : i32
      %dma_start3A_811 = arith.constant 0 : i32
      %dma_start3A_812 = tpu.memref_slice %arg6[%run_scoped3A_522, %dma_start3A_809, %dma_start3A_810, %dma_start3A_811] : memref<2x2x25x80xi32, #tpu.memory_space<vmem>> -> memref<1x2x25x80xi32, #tpu.memory_space<vmem>>
      %dma_start3A_813 = tpu.memref_squeeze %dma_start3A_812 : memref<1x2x25x80xi32, #tpu.memory_space<vmem>> -> memref<2x25x80xi32, #tpu.memory_space<vmem>>
      %dma_start3A_814 = arith.constant 0 : i32
      %dma_start3A_815 = arith.constant 0 : i32
      %dma_start3A_816 = arith.constant 0 : i32
      %dma_start3A_817 = arith.constant 0 : i32
      %dma_start3A_818 = tpu.memref_slice %arg3[%add3A, %dma_start3A_814, %dma_start3A_815, %dma_start3A_816, %dma_start3A_817] : memref<32x5x2x25x80xi32, #tpu.memory_space<hbm>> -> memref<1x5x2x25x80xi32, #tpu.memory_space<hbm>>
      %dma_start3A_819 = tpu.memref_squeeze %dma_start3A_818 : memref<1x5x2x25x80xi32, #tpu.memory_space<hbm>> -> memref<5x2x25x80xi32, #tpu.memory_space<hbm>>
      %dma_start3A_820 = arith.constant 0 : i32
      %dma_start3A_821 = arith.constant 0 : i32
      %dma_start3A_822 = arith.constant 0 : i32
      %dma_start3A_823 = tpu.memref_slice %dma_start3A_819[%run_scoped3A_521, %dma_start3A_820, %dma_start3A_821, %dma_start3A_822] : memref<5x2x25x80xi32, #tpu.memory_space<hbm>> -> memref<1x2x25x80xi32, #tpu.memory_space<hbm>>
      %dma_start3A_824 = tpu.memref_squeeze %dma_start3A_823 : memref<1x2x25x80xi32, #tpu.memory_space<hbm>> -> memref<2x25x80xi32, #tpu.memory_space<hbm>>
      tpu.enqueue_dma source(%dma_start3A_824 : memref<2x25x80xi32, #tpu.memory_space<hbm>>) target(%dma_start3A_813 : memref<2x25x80xi32, #tpu.memory_space<vmem>>) target_semaphore(%run_scoped3A_792 : memref<!tpu.dma_semaphore, #tpu.memory_space<semaphore_mem>>)
      %dma_wait3A_825 = arith.constant 0 : i32
      %dma_wait3A_826 = arith.constant 0 : i32
      %dma_wait3A_827 = arith.constant 0 : i32
      %dma_wait3A_828 = tpu.memref_slice %arg6[%run_scoped3A_522, %dma_wait3A_825, %dma_wait3A_826, %dma_wait3A_827] : memref<2x2x25x80xi32, #tpu.memory_space<vmem>> -> memref<1x2x25x80xi32, #tpu.memory_space<vmem>>
      %dma_wait3A_829 = tpu.memref_squeeze %dma_wait3A_828 : memref<1x2x25x80xi32, #tpu.memory_space<vmem>> -> memref<2x25x80xi32, #tpu.memory_space<vmem>>
      %dma_wait3A_830 = arith.constant 0 : i32
      %dma_wait3A_831 = arith.constant 0 : i32
      %dma_wait3A_832 = arith.constant 0 : i32
      %dma_wait3A_833 = arith.constant 0 : i32
      %dma_wait3A_834 = tpu.memref_slice %arg3[%add3A, %dma_wait3A_830, %dma_wait3A_831, %dma_wait3A_832, %dma_wait3A_833] : memref<32x5x2x25x80xi32, #tpu.memory_space<hbm>> -> memref<1x5x2x25x80xi32, #tpu.memory_space<hbm>>
      %dma_wait3A_835 = tpu.memref_squeeze %dma_wait3A_834 : memref<1x5x2x25x80xi32, #tpu.memory_space<hbm>> -> memref<5x2x25x80xi32, #tpu.memory_space<hbm>>
      %dma_wait3A_836 = arith.constant 0 : i32
      %dma_wait3A_837 = arith.constant 0 : i32
      %dma_wait3A_838 = arith.constant 0 : i32
      %dma_wait3A_839 = tpu.memref_slice %dma_wait3A_835[%run_scoped3A_521, %dma_wait3A_836, %dma_wait3A_837, %dma_wait3A_838] : memref<5x2x25x80xi32, #tpu.memory_space<hbm>> -> memref<1x2x25x80xi32, #tpu.memory_space<hbm>>
      %dma_wait3A_840 = tpu.memref_squeeze %dma_wait3A_839 : memref<1x2x25x80xi32, #tpu.memory_space<hbm>> -> memref<2x25x80xi32, #tpu.memory_space<hbm>>
      %dma_wait3A_841 = arith.constant 0 : i32
      %dma_wait3A_842 = arith.constant 0 : i32
      %dma_wait3A_843 = arith.constant 0 : i32
      %dma_wait3A_844 = tpu.memref_slice %arg6[%run_scoped3A_522, %dma_wait3A_841, %dma_wait3A_842, %dma_wait3A_843] : memref<2x2x25x80xi32, #tpu.memory_space<vmem>> -> memref<1x2x25x80xi32, #tpu.memory_space<vmem>>
      %dma_wait3A_845 = tpu.memref_squeeze %dma_wait3A_844 : memref<1x2x25x80xi32, #tpu.memory_space<vmem>> -> memref<2x25x80xi32, #tpu.memory_space<vmem>>
      %dma_wait3A_846 = arith.constant 0 : i32
      %dma_wait3A_847 = arith.constant 0 : i32
      %dma_wait3A_848 = arith.constant 0 : i32
      %dma_wait3A_849 = arith.constant 0 : i32
      %dma_wait3A_850 = tpu.memref_slice %arg3[%add3A, %dma_wait3A_846, %dma_wait3A_847, %dma_wait3A_848, %dma_wait3A_849] : memref<32x5x2x25x80xi32, #tpu.memory_space<hbm>> -> memref<1x5x2x25x80xi32, #tpu.memory_space<hbm>>
      %dma_wait3A_851 = tpu.memref_squeeze %dma_wait3A_850 : memref<1x5x2x25x80xi32, #tpu.memory_space<hbm>> -> memref<5x2x25x80xi32, #tpu.memory_space<hbm>>
      %dma_wait3A_852 = arith.constant 0 : i32
      %dma_wait3A_853 = arith.constant 0 : i32
      %dma_wait3A_854 = arith.constant 0 : i32
      %dma_wait3A_855 = tpu.memref_slice %dma_wait3A_851[%run_scoped3A_521, %dma_wait3A_852, %dma_wait3A_853, %dma_wait3A_854] : memref<5x2x25x80xi32, #tpu.memory_space<hbm>> -> memref<1x2x25x80xi32, #tpu.memory_space<hbm>>
      %dma_wait3A_856 = tpu.memref_squeeze %dma_wait3A_855 : memref<1x2x25x80xi32, #tpu.memory_space<hbm>> -> memref<2x25x80xi32, #tpu.memory_space<hbm>>
      tpu.wait_dma2 semaphore(%run_scoped3A_792 : memref<!tpu.dma_semaphore, #tpu.memory_space<semaphore_mem>>) src(%dma_wait3A_856 : memref<2x25x80xi32, #tpu.memory_space<hbm>>) dst(%dma_wait3A_845 : memref<2x25x80xi32, #tpu.memory_space<vmem>>)
      tpu.yield
    }) : () -> ()
    %scan3A_523 = arith.constant 0 : i32
    %scan3A_524 = arith.constant 0 : i32
    %scan3A_525 = arith.constant 11 : i32
    %scan3A_526 = arith.addi %scan3A_524, %scan3A_525 : i32
    %scan3A_527 = arith.constant 1 : i32
    scf.for %scan3A_792 = %scan3A_524 to %scan3A_526 step %scan3A_527  : i32 {
      %mul3A_793 = arith.constant 2 : i32
      %mul3A_794 = arith.muli %mul3A_793, %scan3A_792 : i32
      %dma_wait3A_795 = arith.constant 0 : i32
      %dma_wait3A_796 = arith.constant 0 : i32
      %dma_wait3A_797 = arith.constant 0 : i32
      %dma_wait3A_798 = arith.constant 0 : i32
      %dma_wait3A_799 = arith.constant 0 : i32
      %dma_wait3A_800 = arith.constant 0 : i32
      %dma_wait3A_801 = tpu.memref_slice %arg7[%dma_wait3A_798, %dma_wait3A_799, %dma_wait3A_800] : memref<2x80x128xf32, #tpu.memory_space<vmem>> -> memref<1x80x128xf32, #tpu.memory_space<vmem>>
      %dma_wait3A_802 = tpu.memref_squeeze %dma_wait3A_801 : memref<1x80x128xf32, #tpu.memory_space<vmem>> -> memref<80x128xf32, #tpu.memory_space<vmem>>
      %dma_wait3A_803 = arith.constant 0 : i32
      %dma_wait3A_804 = arith.constant 0 : i32
      %dma_wait3A_805 = arith.constant 0 : i32
      %dma_wait3A_806 = tpu.memref_slice %arg6[%dma_wait3A_795, %dma_wait3A_803, %dma_wait3A_804, %dma_wait3A_805] : memref<2x2x25x80xi32, #tpu.memory_space<vmem>> -> memref<1x2x25x80xi32, #tpu.memory_space<vmem>>
      %dma_wait3A_807 = tpu.memref_squeeze %dma_wait3A_806 : memref<1x2x25x80xi32, #tpu.memory_space<vmem>> -> memref<2x25x80xi32, #tpu.memory_space<vmem>>
      %dma_wait3A_808 = arith.constant 0 : i32
      %dma_wait3A_809 = arith.constant 0 : i32
      %dma_wait3A_810 = tpu.memref_slice %dma_wait3A_807[%dma_wait3A_796, %dma_wait3A_808, %dma_wait3A_809] : memref<2x25x80xi32, #tpu.memory_space<vmem>> -> memref<1x25x80xi32, #tpu.memory_space<vmem>>
      %dma_wait3A_811 = tpu.memref_squeeze %dma_wait3A_810 : memref<1x25x80xi32, #tpu.memory_space<vmem>> -> memref<25x80xi32, #tpu.memory_space<vmem>>
      %dma_wait3A_812 = arith.constant 0 : i32
      %dma_wait3A_813 = tpu.memref_slice %dma_wait3A_811[%dma_wait3A_797, %dma_wait3A_812] : memref<25x80xi32, #tpu.memory_space<vmem>> -> memref<1x80xi32, #tpu.memory_space<vmem>>
      %dma_wait3A_814 = tpu.memref_squeeze %dma_wait3A_813 : memref<1x80xi32, #tpu.memory_space<vmem>> -> memref<80xi32, #tpu.memory_space<vmem>>
      %dma_wait3A_815 = arith.constant 0 : i32
      %dma_wait3A_816 = arith.constant 0 : i32
      %dma_wait3A_817 = tpu.memref_slice %arg2[%dma_wait3A_815, %dma_wait3A_816] : memref<10000x128xf32, #tpu.memory_space<hbm>> -> memref<10000x128xf32, #tpu.memory_space<hbm>>
      tpu.wait_indirect_dma semaphore(%arg9 : memref<!tpu.dma_semaphore, #tpu.memory_space<semaphore_mem>>) src(%dma_wait3A_817 : memref<10000x128xf32, #tpu.memory_space<hbm>>) dst(%dma_wait3A_802 : memref<80x128xf32, #tpu.memory_space<vmem>>)
      %run_scoped3A_818 = arith.constant 1 : i32
      %run_scoped3A_819 = arith.constant 1 : i32
      %run_scoped3A_820 = arith.constant 1 : i32
      "tpu.region"() ({
        %run_scoped3A_897 = tpu.sem_alloc : memref<!tpu.dma_semaphore, #tpu.memory_space<semaphore_mem>>
        %dma_start3A_898 = arith.constant 0 : i32
        %dma_start3A_899 = arith.constant 0 : i32
        %dma_start3A_900 = tpu.memref_slice %arg7[%run_scoped3A_818, %dma_start3A_898, %dma_start3A_899] : memref<2x80x128xf32, #tpu.memory_space<vmem>> -> memref<1x80x128xf32, #tpu.memory_space<vmem>>
        %dma_start3A_901 = tpu.memref_squeeze %dma_start3A_900 : memref<1x80x128xf32, #tpu.memory_space<vmem>> -> memref<80x128xf32, #tpu.memory_space<vmem>>
        %dma_start3A_902 = arith.constant 0 : i32
        %dma_start3A_903 = arith.constant 0 : i32
        %dma_start3A_904 = arith.constant 0 : i32
        %dma_start3A_905 = tpu.memref_slice %arg6[%run_scoped3A_819, %dma_start3A_902, %dma_start3A_903, %dma_start3A_904] : memref<2x2x25x80xi32, #tpu.memory_space<vmem>> -> memref<1x2x25x80xi32, #tpu.memory_space<vmem>>
        %dma_start3A_906 = tpu.memref_squeeze %dma_start3A_905 : memref<1x2x25x80xi32, #tpu.memory_space<vmem>> -> memref<2x25x80xi32, #tpu.memory_space<vmem>>
        %dma_start3A_907 = arith.constant 0 : i32
        %dma_start3A_908 = arith.constant 0 : i32
        %dma_start3A_909 = tpu.memref_slice %dma_start3A_906[%run_scoped3A_820, %dma_start3A_907, %dma_start3A_908] : memref<2x25x80xi32, #tpu.memory_space<vmem>> -> memref<1x25x80xi32, #tpu.memory_space<vmem>>
        %dma_start3A_910 = tpu.memref_squeeze %dma_start3A_909 : memref<1x25x80xi32, #tpu.memory_space<vmem>> -> memref<25x80xi32, #tpu.memory_space<vmem>>
        %dma_start3A_911 = arith.constant 0 : i32
        %dma_start3A_912 = tpu.memref_slice %dma_start3A_910[%mul3A_794, %dma_start3A_911] : memref<25x80xi32, #tpu.memory_space<vmem>> -> memref<1x80xi32, #tpu.memory_space<vmem>>
        %dma_start3A_913 = tpu.memref_squeeze %dma_start3A_912 : memref<1x80xi32, #tpu.memory_space<vmem>> -> memref<80xi32, #tpu.memory_space<vmem>>
        %dma_start3A_914 = arith.constant 0 : i32
        %dma_start3A_915 = arith.constant 0 : i32
        %dma_start3A_916 = tpu.memref_slice %arg10[%dma_start3A_914, %dma_start3A_915] : memref<10240x128xf32, #tpu.memory_space<vmem_shared>> -> memref<10240x128xf32, #tpu.memory_space<vmem_shared>>
        tpu.enqueue_indirect_dma source(%dma_start3A_901 : memref<80x128xf32, #tpu.memory_space<vmem>>) target(%dma_start3A_916 : memref<10240x128xf32, #tpu.memory_space<vmem_shared>>) offsets(%dma_start3A_913 : memref<80xi32, #tpu.memory_space<vmem>>) semaphore(%run_scoped3A_897 : memref<!tpu.dma_semaphore, #tpu.memory_space<semaphore_mem>>) {add = true}
        %dma_wait3A_917 = arith.constant 0 : i32
        %dma_wait3A_918 = arith.constant 0 : i32
        %dma_wait3A_919 = tpu.memref_slice %arg7[%run_scoped3A_818, %dma_wait3A_917, %dma_wait3A_918] : memref<2x80x128xf32, #tpu.memory_space<vmem>> -> memref<1x80x128xf32, #tpu.memory_space<vmem>>
        %dma_wait3A_920 = tpu.memref_squeeze %dma_wait3A_919 : memref<1x80x128xf32, #tpu.memory_space<vmem>> -> memref<80x128xf32, #tpu.memory_space<vmem>>
        %dma_wait3A_921 = arith.constant 0 : i32
        %dma_wait3A_922 = arith.constant 0 : i32
        %dma_wait3A_923 = arith.constant 0 : i32
        %dma_wait3A_924 = tpu.memref_slice %arg6[%run_scoped3A_819, %dma_wait3A_921, %dma_wait3A_922, %dma_wait3A_923] : memref<2x2x25x80xi32, #tpu.memory_space<vmem>> -> memref<1x2x25x80xi32, #tpu.memory_space<vmem>>
        %dma_wait3A_925 = tpu.memref_squeeze %dma_wait3A_924 : memref<1x2x25x80xi32, #tpu.memory_space<vmem>> -> memref<2x25x80xi32, #tpu.memory_space<vmem>>
        %dma_wait3A_926 = arith.constant 0 : i32
        %dma_wait3A_927 = arith.constant 0 : i32
        %dma_wait3A_928 = tpu.memref_slice %dma_wait3A_925[%run_scoped3A_820, %dma_wait3A_926, %dma_wait3A_927] : memref<2x25x80xi32, #tpu.memory_space<vmem>> -> memref<1x25x80xi32, #tpu.memory_space<vmem>>
        %dma_wait3A_929 = tpu.memref_squeeze %dma_wait3A_928 : memref<1x25x80xi32, #tpu.memory_space<vmem>> -> memref<25x80xi32, #tpu.memory_space<vmem>>
        %dma_wait3A_930 = arith.constant 0 : i32
        %dma_wait3A_931 = tpu.memref_slice %dma_wait3A_929[%mul3A_794, %dma_wait3A_930] : memref<25x80xi32, #tpu.memory_space<vmem>> -> memref<1x80xi32, #tpu.memory_space<vmem>>
        %dma_wait3A_932 = tpu.memref_squeeze %dma_wait3A_931 : memref<1x80xi32, #tpu.memory_space<vmem>> -> memref<80xi32, #tpu.memory_space<vmem>>
        %dma_wait3A_933 = arith.constant 0 : i32
        %dma_wait3A_934 = arith.constant 0 : i32
        %dma_wait3A_935 = tpu.memref_slice %arg10[%dma_wait3A_933, %dma_wait3A_934] : memref<10240x128xf32, #tpu.memory_space<vmem_shared>> -> memref<10240x128xf32, #tpu.memory_space<vmem_shared>>
        tpu.wait_indirect_dma semaphore(%run_scoped3A_897 : memref<!tpu.dma_semaphore, #tpu.memory_space<semaphore_mem>>) src(%dma_wait3A_920 : memref<80x128xf32, #tpu.memory_space<vmem>>) dst(%dma_wait3A_935 : memref<10240x128xf32, #tpu.memory_space<vmem_shared>>)
        tpu.yield
      }) : () -> ()
      %add3A_821 = arith.constant 2 : i32
      %add3A_822 = arith.addi %mul3A_794, %add3A_821 : i32
      %dma_start3A_823 = arith.constant 1 : i32
      %dma_start3A_824 = arith.constant 0 : i32
      %dma_start3A_825 = arith.constant 1 : i32
      %dma_start3A_826 = arith.constant 0 : i32
      %dma_start3A_827 = arith.constant 0 : i32
      %dma_start3A_828 = tpu.memref_slice %arg7[%dma_start3A_825, %dma_start3A_826, %dma_start3A_827] : memref<2x80x128xf32, #tpu.memory_space<vmem>> -> memref<1x80x128xf32, #tpu.memory_space<vmem>>
      %dma_start3A_829 = tpu.memref_squeeze %dma_start3A_828 : memref<1x80x128xf32, #tpu.memory_space<vmem>> -> memref<80x128xf32, #tpu.memory_space<vmem>>
      %dma_start3A_830 = arith.constant 0 : i32
      %dma_start3A_831 = arith.constant 0 : i32
      %dma_start3A_832 = arith.constant 0 : i32
      %dma_start3A_833 = tpu.memref_slice %arg6[%dma_start3A_823, %dma_start3A_830, %dma_start3A_831, %dma_start3A_832] : memref<2x2x25x80xi32, #tpu.memory_space<vmem>> -> memref<1x2x25x80xi32, #tpu.memory_space<vmem>>
      %dma_start3A_834 = tpu.memref_squeeze %dma_start3A_833 : memref<1x2x25x80xi32, #tpu.memory_space<vmem>> -> memref<2x25x80xi32, #tpu.memory_space<vmem>>
      %dma_start3A_835 = arith.constant 0 : i32
      %dma_start3A_836 = arith.constant 0 : i32
      %dma_start3A_837 = tpu.memref_slice %dma_start3A_834[%dma_start3A_824, %dma_start3A_835, %dma_start3A_836] : memref<2x25x80xi32, #tpu.memory_space<vmem>> -> memref<1x25x80xi32, #tpu.memory_space<vmem>>
      %dma_start3A_838 = tpu.memref_squeeze %dma_start3A_837 : memref<1x25x80xi32, #tpu.memory_space<vmem>> -> memref<25x80xi32, #tpu.memory_space<vmem>>
      %dma_start3A_839 = arith.constant 0 : i32
      %dma_start3A_840 = tpu.memref_slice %dma_start3A_838[%add3A_822, %dma_start3A_839] : memref<25x80xi32, #tpu.memory_space<vmem>> -> memref<1x80xi32, #tpu.memory_space<vmem>>
      %dma_start3A_841 = tpu.memref_squeeze %dma_start3A_840 : memref<1x80xi32, #tpu.memory_space<vmem>> -> memref<80xi32, #tpu.memory_space<vmem>>
      %dma_start3A_842 = arith.constant 0 : i32
      %dma_start3A_843 = arith.constant 0 : i32
      %dma_start3A_844 = tpu.memref_slice %arg2[%dma_start3A_842, %dma_start3A_843] : memref<10000x128xf32, #tpu.memory_space<hbm>> -> memref<10000x128xf32, #tpu.memory_space<hbm>>
      tpu.enqueue_indirect_dma source(%dma_start3A_844 : memref<10000x128xf32, #tpu.memory_space<hbm>>) target(%dma_start3A_829 : memref<80x128xf32, #tpu.memory_space<vmem>>) offsets(%dma_start3A_841 : memref<80xi32, #tpu.memory_space<vmem>>) semaphore(%arg9 : memref<!tpu.dma_semaphore, #tpu.memory_space<semaphore_mem>>)
      %dma_wait3A_845 = arith.constant 0 : i32
      %dma_wait3A_846 = arith.constant 0 : i32
      %dma_wait3A_847 = arith.constant 0 : i32
      %dma_wait3A_848 = arith.constant 0 : i32
      %dma_wait3A_849 = arith.constant 0 : i32
      %dma_wait3A_850 = arith.constant 0 : i32
      %dma_wait3A_851 = tpu.memref_slice %arg7[%dma_wait3A_848, %dma_wait3A_849, %dma_wait3A_850] : memref<2x80x128xf32, #tpu.memory_space<vmem>> -> memref<1x80x128xf32, #tpu.memory_space<vmem>>
      %dma_wait3A_852 = tpu.memref_squeeze %dma_wait3A_851 : memref<1x80x128xf32, #tpu.memory_space<vmem>> -> memref<80x128xf32, #tpu.memory_space<vmem>>
      %dma_wait3A_853 = arith.constant 0 : i32
      %dma_wait3A_854 = arith.constant 0 : i32
      %dma_wait3A_855 = arith.constant 0 : i32
      %dma_wait3A_856 = tpu.memref_slice %arg6[%dma_wait3A_845, %dma_wait3A_853, %dma_wait3A_854, %dma_wait3A_855] : memref<2x2x25x80xi32, #tpu.memory_space<vmem>> -> memref<1x2x25x80xi32, #tpu.memory_space<vmem>>
      %dma_wait3A_857 = tpu.memref_squeeze %dma_wait3A_856 : memref<1x2x25x80xi32, #tpu.memory_space<vmem>> -> memref<2x25x80xi32, #tpu.memory_space<vmem>>
      %dma_wait3A_858 = arith.constant 0 : i32
      %dma_wait3A_859 = arith.constant 0 : i32
      %dma_wait3A_860 = tpu.memref_slice %dma_wait3A_857[%dma_wait3A_846, %dma_wait3A_858, %dma_wait3A_859] : memref<2x25x80xi32, #tpu.memory_space<vmem>> -> memref<1x25x80xi32, #tpu.memory_space<vmem>>
      %dma_wait3A_861 = tpu.memref_squeeze %dma_wait3A_860 : memref<1x25x80xi32, #tpu.memory_space<vmem>> -> memref<25x80xi32, #tpu.memory_space<vmem>>
      %dma_wait3A_862 = arith.constant 0 : i32
      %dma_wait3A_863 = tpu.memref_slice %dma_wait3A_861[%dma_wait3A_847, %dma_wait3A_862] : memref<25x80xi32, #tpu.memory_space<vmem>> -> memref<1x80xi32, #tpu.memory_space<vmem>>
      %dma_wait3A_864 = tpu.memref_squeeze %dma_wait3A_863 : memref<1x80xi32, #tpu.memory_space<vmem>> -> memref<80xi32, #tpu.memory_space<vmem>>
      %dma_wait3A_865 = arith.constant 0 : i32
      %dma_wait3A_866 = arith.constant 0 : i32
      %dma_wait3A_867 = tpu.memref_slice %arg2[%dma_wait3A_865, %dma_wait3A_866] : memref<10000x128xf32, #tpu.memory_space<hbm>> -> memref<10000x128xf32, #tpu.memory_space<hbm>>
      tpu.wait_indirect_dma semaphore(%arg8 : memref<!tpu.dma_semaphore, #tpu.memory_space<semaphore_mem>>) src(%dma_wait3A_867 : memref<10000x128xf32, #tpu.memory_space<hbm>>) dst(%dma_wait3A_852 : memref<80x128xf32, #tpu.memory_space<vmem>>)
      %add3A_868 = arith.constant 1 : i32
      %add3A_869 = arith.addi %mul3A_794, %add3A_868 : i32
      %run_scoped3A_870 = arith.constant 0 : i32
      %run_scoped3A_871 = arith.constant 1 : i32
      %run_scoped3A_872 = arith.constant 1 : i32
      "tpu.region"() ({
        %run_scoped3A_897 = tpu.sem_alloc : memref<!tpu.dma_semaphore, #tpu.memory_space<semaphore_mem>>
        %dma_start3A_898 = arith.constant 0 : i32
        %dma_start3A_899 = arith.constant 0 : i32
        %dma_start3A_900 = tpu.memref_slice %arg7[%run_scoped3A_870, %dma_start3A_898, %dma_start3A_899] : memref<2x80x128xf32, #tpu.memory_space<vmem>> -> memref<1x80x128xf32, #tpu.memory_space<vmem>>
        %dma_start3A_901 = tpu.memref_squeeze %dma_start3A_900 : memref<1x80x128xf32, #tpu.memory_space<vmem>> -> memref<80x128xf32, #tpu.memory_space<vmem>>
        %dma_start3A_902 = arith.constant 0 : i32
        %dma_start3A_903 = arith.constant 0 : i32
        %dma_start3A_904 = arith.constant 0 : i32
        %dma_start3A_905 = tpu.memref_slice %arg6[%run_scoped3A_871, %dma_start3A_902, %dma_start3A_903, %dma_start3A_904] : memref<2x2x25x80xi32, #tpu.memory_space<vmem>> -> memref<1x2x25x80xi32, #tpu.memory_space<vmem>>
        %dma_start3A_906 = tpu.memref_squeeze %dma_start3A_905 : memref<1x2x25x80xi32, #tpu.memory_space<vmem>> -> memref<2x25x80xi32, #tpu.memory_space<vmem>>
        %dma_start3A_907 = arith.constant 0 : i32
        %dma_start3A_908 = arith.constant 0 : i32
        %dma_start3A_909 = tpu.memref_slice %dma_start3A_906[%run_scoped3A_872, %dma_start3A_907, %dma_start3A_908] : memref<2x25x80xi32, #tpu.memory_space<vmem>> -> memref<1x25x80xi32, #tpu.memory_space<vmem>>
        %dma_start3A_910 = tpu.memref_squeeze %dma_start3A_909 : memref<1x25x80xi32, #tpu.memory_space<vmem>> -> memref<25x80xi32, #tpu.memory_space<vmem>>
        %dma_start3A_911 = arith.constant 0 : i32
        %dma_start3A_912 = tpu.memref_slice %dma_start3A_910[%add3A_869, %dma_start3A_911] : memref<25x80xi32, #tpu.memory_space<vmem>> -> memref<1x80xi32, #tpu.memory_space<vmem>>
        %dma_start3A_913 = tpu.memref_squeeze %dma_start3A_912 : memref<1x80xi32, #tpu.memory_space<vmem>> -> memref<80xi32, #tpu.memory_space<vmem>>
        %dma_start3A_914 = arith.constant 0 : i32
        %dma_start3A_915 = arith.constant 0 : i32
        %dma_start3A_916 = tpu.memref_slice %arg10[%dma_start3A_914, %dma_start3A_915] : memref<10240x128xf32, #tpu.memory_space<vmem_shared>> -> memref<10240x128xf32, #tpu.memory_space<vmem_shared>>
        tpu.enqueue_indirect_dma source(%dma_start3A_901 : memref<80x128xf32, #tpu.memory_space<vmem>>) target(%dma_start3A_916 : memref<10240x128xf32, #tpu.memory_space<vmem_shared>>) offsets(%dma_start3A_913 : memref<80xi32, #tpu.memory_space<vmem>>) semaphore(%run_scoped3A_897 : memref<!tpu.dma_semaphore, #tpu.memory_space<semaphore_mem>>) {add = true}
        %dma_wait3A_917 = arith.constant 0 : i32
        %dma_wait3A_918 = arith.constant 0 : i32
        %dma_wait3A_919 = tpu.memref_slice %arg7[%run_scoped3A_870, %dma_wait3A_917, %dma_wait3A_918] : memref<2x80x128xf32, #tpu.memory_space<vmem>> -> memref<1x80x128xf32, #tpu.memory_space<vmem>>
        %dma_wait3A_920 = tpu.memref_squeeze %dma_wait3A_919 : memref<1x80x128xf32, #tpu.memory_space<vmem>> -> memref<80x128xf32, #tpu.memory_space<vmem>>
        %dma_wait3A_921 = arith.constant 0 : i32
        %dma_wait3A_922 = arith.constant 0 : i32
        %dma_wait3A_923 = arith.constant 0 : i32
        %dma_wait3A_924 = tpu.memref_slice %arg6[%run_scoped3A_871, %dma_wait3A_921, %dma_wait3A_922, %dma_wait3A_923] : memref<2x2x25x80xi32, #tpu.memory_space<vmem>> -> memref<1x2x25x80xi32, #tpu.memory_space<vmem>>
        %dma_wait3A_925 = tpu.memref_squeeze %dma_wait3A_924 : memref<1x2x25x80xi32, #tpu.memory_space<vmem>> -> memref<2x25x80xi32, #tpu.memory_space<vmem>>
        %dma_wait3A_926 = arith.constant 0 : i32
        %dma_wait3A_927 = arith.constant 0 : i32
        %dma_wait3A_928 = tpu.memref_slice %dma_wait3A_925[%run_scoped3A_872, %dma_wait3A_926, %dma_wait3A_927] : memref<2x25x80xi32, #tpu.memory_space<vmem>> -> memref<1x25x80xi32, #tpu.memory_space<vmem>>
        %dma_wait3A_929 = tpu.memref_squeeze %dma_wait3A_928 : memref<1x25x80xi32, #tpu.memory_space<vmem>> -> memref<25x80xi32, #tpu.memory_space<vmem>>
        %dma_wait3A_930 = arith.constant 0 : i32
        %dma_wait3A_931 = tpu.memref_slice %dma_wait3A_929[%add3A_869, %dma_wait3A_930] : memref<25x80xi32, #tpu.memory_space<vmem>> -> memref<1x80xi32, #tpu.memory_space<vmem>>
        %dma_wait3A_932 = tpu.memref_squeeze %dma_wait3A_931 : memref<1x80xi32, #tpu.memory_space<vmem>> -> memref<80xi32, #tpu.memory_space<vmem>>
        %dma_wait3A_933 = arith.constant 0 : i32
        %dma_wait3A_934 = arith.constant 0 : i32
        %dma_wait3A_935 = tpu.memref_slice %arg10[%dma_wait3A_933, %dma_wait3A_934] : memref<10240x128xf32, #tpu.memory_space<vmem_shared>> -> memref<10240x128xf32, #tpu.memory_space<vmem_shared>>
        tpu.wait_indirect_dma semaphore(%run_scoped3A_897 : memref<!tpu.dma_semaphore, #tpu.memory_space<semaphore_mem>>) src(%dma_wait3A_920 : memref<80x128xf32, #tpu.memory_space<vmem>>) dst(%dma_wait3A_935 : memref<10240x128xf32, #tpu.memory_space<vmem_shared>>)
        tpu.yield
      }) : () -> ()
      %add3A_873 = arith.constant 3 : i32
      %add3A_874 = arith.addi %mul3A_794, %add3A_873 : i32
      %dma_start3A_875 = arith.constant 1 : i32
      %dma_start3A_876 = arith.constant 0 : i32
      %dma_start3A_877 = arith.constant 0 : i32
      %dma_start3A_878 = arith.constant 0 : i32
      %dma_start3A_879 = arith.constant 0 : i32
      %dma_start3A_880 = tpu.memref_slice %arg7[%dma_start3A_877, %dma_start3A_878, %dma_start3A_879] : memref<2x80x128xf32, #tpu.memory_space<vmem>> -> memref<1x80x128xf32, #tpu.memory_space<vmem>>
      %dma_start3A_881 = tpu.memref_squeeze %dma_start3A_880 : memref<1x80x128xf32, #tpu.memory_space<vmem>> -> memref<80x128xf32, #tpu.memory_space<vmem>>
      %dma_start3A_882 = arith.constant 0 : i32
      %dma_start3A_883 = arith.constant 0 : i32
      %dma_start3A_884 = arith.constant 0 : i32
      %dma_start3A_885 = tpu.memref_slice %arg6[%dma_start3A_875, %dma_start3A_882, %dma_start3A_883, %dma_start3A_884] : memref<2x2x25x80xi32, #tpu.memory_space<vmem>> -> memref<1x2x25x80xi32, #tpu.memory_space<vmem>>
      %dma_start3A_886 = tpu.memref_squeeze %dma_start3A_885 : memref<1x2x25x80xi32, #tpu.memory_space<vmem>> -> memref<2x25x80xi32, #tpu.memory_space<vmem>>
      %dma_start3A_887 = arith.constant 0 : i32
      %dma_start3A_888 = arith.constant 0 : i32
      %dma_start3A_889 = tpu.memref_slice %dma_start3A_886[%dma_start3A_876, %dma_start3A_887, %dma_start3A_888] : memref<2x25x80xi32, #tpu.memory_space<vmem>> -> memref<1x25x80xi32, #tpu.memory_space<vmem>>
      %dma_start3A_890 = tpu.memref_squeeze %dma_start3A_889 : memref<1x25x80xi32, #tpu.memory_space<vmem>> -> memref<25x80xi32, #tpu.memory_space<vmem>>
      %dma_start3A_891 = arith.constant 0 : i32
      %dma_start3A_892 = tpu.memref_slice %dma_start3A_890[%add3A_874, %dma_start3A_891] : memref<25x80xi32, #tpu.memory_space<vmem>> -> memref<1x80xi32, #tpu.memory_space<vmem>>
      %dma_start3A_893 = tpu.memref_squeeze %dma_start3A_892 : memref<1x80xi32, #tpu.memory_space<vmem>> -> memref<80xi32, #tpu.memory_space<vmem>>
      %dma_start3A_894 = arith.constant 0 : i32
      %dma_start3A_895 = arith.constant 0 : i32
      %dma_start3A_896 = tpu.memref_slice %arg2[%dma_start3A_894, %dma_start3A_895] : memref<10000x128xf32, #tpu.memory_space<hbm>> -> memref<10000x128xf32, #tpu.memory_space<hbm>>
      tpu.enqueue_indirect_dma source(%dma_start3A_896 : memref<10000x128xf32, #tpu.memory_space<hbm>>) target(%dma_start3A_881 : memref<80x128xf32, #tpu.memory_space<vmem>>) offsets(%dma_start3A_893 : memref<80xi32, #tpu.memory_space<vmem>>) semaphore(%arg8 : memref<!tpu.dma_semaphore, #tpu.memory_space<semaphore_mem>>)
    }
    %scan3A_528 = arith.constant 11 : i32
    %dma_wait3A_529 = arith.constant 0 : i32
    %dma_wait3A_530 = arith.constant 0 : i32
    %dma_wait3A_531 = arith.constant 0 : i32
    %dma_wait3A_532 = arith.constant 0 : i32
    %dma_wait3A_533 = arith.constant 0 : i32
    %dma_wait3A_534 = arith.constant 0 : i32
    %dma_wait3A_535 = tpu.memref_slice %arg7[%dma_wait3A_532, %dma_wait3A_533, %dma_wait3A_534] : memref<2x80x128xf32, #tpu.memory_space<vmem>> -> memref<1x80x128xf32, #tpu.memory_space<vmem>>
    %dma_wait3A_536 = tpu.memref_squeeze %dma_wait3A_535 : memref<1x80x128xf32, #tpu.memory_space<vmem>> -> memref<80x128xf32, #tpu.memory_space<vmem>>
    %dma_wait3A_537 = arith.constant 0 : i32
    %dma_wait3A_538 = arith.constant 0 : i32
    %dma_wait3A_539 = arith.constant 0 : i32
    %dma_wait3A_540 = tpu.memref_slice %arg6[%dma_wait3A_529, %dma_wait3A_537, %dma_wait3A_538, %dma_wait3A_539] : memref<2x2x25x80xi32, #tpu.memory_space<vmem>> -> memref<1x2x25x80xi32, #tpu.memory_space<vmem>>
    %dma_wait3A_541 = tpu.memref_squeeze %dma_wait3A_540 : memref<1x2x25x80xi32, #tpu.memory_space<vmem>> -> memref<2x25x80xi32, #tpu.memory_space<vmem>>
    %dma_wait3A_542 = arith.constant 0 : i32
    %dma_wait3A_543 = arith.constant 0 : i32
    %dma_wait3A_544 = tpu.memref_slice %dma_wait3A_541[%dma_wait3A_530, %dma_wait3A_542, %dma_wait3A_543] : memref<2x25x80xi32, #tpu.memory_space<vmem>> -> memref<1x25x80xi32, #tpu.memory_space<vmem>>
    %dma_wait3A_545 = tpu.memref_squeeze %dma_wait3A_544 : memref<1x25x80xi32, #tpu.memory_space<vmem>> -> memref<25x80xi32, #tpu.memory_space<vmem>>
    %dma_wait3A_546 = arith.constant 0 : i32
    %dma_wait3A_547 = tpu.memref_slice %dma_wait3A_545[%dma_wait3A_531, %dma_wait3A_546] : memref<25x80xi32, #tpu.memory_space<vmem>> -> memref<1x80xi32, #tpu.memory_space<vmem>>
    %dma_wait3A_548 = tpu.memref_squeeze %dma_wait3A_547 : memref<1x80xi32, #tpu.memory_space<vmem>> -> memref<80xi32, #tpu.memory_space<vmem>>
    %dma_wait3A_549 = arith.constant 0 : i32
    %dma_wait3A_550 = arith.constant 0 : i32
    %dma_wait3A_551 = tpu.memref_slice %arg2[%dma_wait3A_549, %dma_wait3A_550] : memref<10000x128xf32, #tpu.memory_space<hbm>> -> memref<10000x128xf32, #tpu.memory_space<hbm>>
    tpu.wait_indirect_dma semaphore(%arg9 : memref<!tpu.dma_semaphore, #tpu.memory_space<semaphore_mem>>) src(%dma_wait3A_551 : memref<10000x128xf32, #tpu.memory_space<hbm>>) dst(%dma_wait3A_536 : memref<80x128xf32, #tpu.memory_space<vmem>>)
    %run_scoped3A_552 = arith.constant 1 : i32
    %run_scoped3A_553 = arith.constant 1 : i32
    %run_scoped3A_554 = arith.constant 1 : i32
    %run_scoped3A_555 = arith.constant 22 : i32
    "tpu.region"() ({
      %run_scoped3A_792 = tpu.sem_alloc : memref<!tpu.dma_semaphore, #tpu.memory_space<semaphore_mem>>
      %dma_start3A_793 = arith.constant 0 : i32
      %dma_start3A_794 = arith.constant 0 : i32
      %dma_start3A_795 = tpu.memref_slice %arg7[%run_scoped3A_552, %dma_start3A_793, %dma_start3A_794] : memref<2x80x128xf32, #tpu.memory_space<vmem>> -> memref<1x80x128xf32, #tpu.memory_space<vmem>>
      %dma_start3A_796 = tpu.memref_squeeze %dma_start3A_795 : memref<1x80x128xf32, #tpu.memory_space<vmem>> -> memref<80x128xf32, #tpu.memory_space<vmem>>
      %dma_start3A_797 = arith.constant 0 : i32
      %dma_start3A_798 = arith.constant 0 : i32
      %dma_start3A_799 = arith.constant 0 : i32
      %dma_start3A_800 = tpu.memref_slice %arg6[%run_scoped3A_553, %dma_start3A_797, %dma_start3A_798, %dma_start3A_799] : memref<2x2x25x80xi32, #tpu.memory_space<vmem>> -> memref<1x2x25x80xi32, #tpu.memory_space<vmem>>
      %dma_start3A_801 = tpu.memref_squeeze %dma_start3A_800 : memref<1x2x25x80xi32, #tpu.memory_space<vmem>> -> memref<2x25x80xi32, #tpu.memory_space<vmem>>
      %dma_start3A_802 = arith.constant 0 : i32
      %dma_start3A_803 = arith.constant 0 : i32
      %dma_start3A_804 = tpu.memref_slice %dma_start3A_801[%run_scoped3A_554, %dma_start3A_802, %dma_start3A_803] : memref<2x25x80xi32, #tpu.memory_space<vmem>> -> memref<1x25x80xi32, #tpu.memory_space<vmem>>
      %dma_start3A_805 = tpu.memref_squeeze %dma_start3A_804 : memref<1x25x80xi32, #tpu.memory_space<vmem>> -> memref<25x80xi32, #tpu.memory_space<vmem>>
      %dma_start3A_806 = arith.constant 0 : i32
      %dma_start3A_807 = tpu.memref_slice %dma_start3A_805[%run_scoped3A_555, %dma_start3A_806] : memref<25x80xi32, #tpu.memory_space<vmem>> -> memref<1x80xi32, #tpu.memory_space<vmem>>
      %dma_start3A_808 = tpu.memref_squeeze %dma_start3A_807 : memref<1x80xi32, #tpu.memory_space<vmem>> -> memref<80xi32, #tpu.memory_space<vmem>>
      %dma_start3A_809 = arith.constant 0 : i32
      %dma_start3A_810 = arith.constant 0 : i32
      %dma_start3A_811 = tpu.memref_slice %arg10[%dma_start3A_809, %dma_start3A_810] : memref<10240x128xf32, #tpu.memory_space<vmem_shared>> -> memref<10240x128xf32, #tpu.memory_space<vmem_shared>>
      tpu.enqueue_indirect_dma source(%dma_start3A_796 : memref<80x128xf32, #tpu.memory_space<vmem>>) target(%dma_start3A_811 : memref<10240x128xf32, #tpu.memory_space<vmem_shared>>) offsets(%dma_start3A_808 : memref<80xi32, #tpu.memory_space<vmem>>) semaphore(%run_scoped3A_792 : memref<!tpu.dma_semaphore, #tpu.memory_space<semaphore_mem>>) {add = true}
      %dma_wait3A_812 = arith.constant 0 : i32
      %dma_wait3A_813 = arith.constant 0 : i32
      %dma_wait3A_814 = tpu.memref_slice %arg7[%run_scoped3A_552, %dma_wait3A_812, %dma_wait3A_813] : memref<2x80x128xf32, #tpu.memory_space<vmem>> -> memref<1x80x128xf32, #tpu.memory_space<vmem>>
      %dma_wait3A_815 = tpu.memref_squeeze %dma_wait3A_814 : memref<1x80x128xf32, #tpu.memory_space<vmem>> -> memref<80x128xf32, #tpu.memory_space<vmem>>
      %dma_wait3A_816 = arith.constant 0 : i32
      %dma_wait3A_817 = arith.constant 0 : i32
      %dma_wait3A_818 = arith.constant 0 : i32
      %dma_wait3A_819 = tpu.memref_slice %arg6[%run_scoped3A_553, %dma_wait3A_816, %dma_wait3A_817, %dma_wait3A_818] : memref<2x2x25x80xi32, #tpu.memory_space<vmem>> -> memref<1x2x25x80xi32, #tpu.memory_space<vmem>>
      %dma_wait3A_820 = tpu.memref_squeeze %dma_wait3A_819 : memref<1x2x25x80xi32, #tpu.memory_space<vmem>> -> memref<2x25x80xi32, #tpu.memory_space<vmem>>
      %dma_wait3A_821 = arith.constant 0 : i32
      %dma_wait3A_822 = arith.constant 0 : i32
      %dma_wait3A_823 = tpu.memref_slice %dma_wait3A_820[%run_scoped3A_554, %dma_wait3A_821, %dma_wait3A_822] : memref<2x25x80xi32, #tpu.memory_space<vmem>> -> memref<1x25x80xi32, #tpu.memory_space<vmem>>
      %dma_wait3A_824 = tpu.memref_squeeze %dma_wait3A_823 : memref<1x25x80xi32, #tpu.memory_space<vmem>> -> memref<25x80xi32, #tpu.memory_space<vmem>>
      %dma_wait3A_825 = arith.constant 0 : i32
      %dma_wait3A_826 = tpu.memref_slice %dma_wait3A_824[%run_scoped3A_555, %dma_wait3A_825] : memref<25x80xi32, #tpu.memory_space<vmem>> -> memref<1x80xi32, #tpu.memory_space<vmem>>
      %dma_wait3A_827 = tpu.memref_squeeze %dma_wait3A_826 : memref<1x80xi32, #tpu.memory_space<vmem>> -> memref<80xi32, #tpu.memory_space<vmem>>
      %dma_wait3A_828 = arith.constant 0 : i32
      %dma_wait3A_829 = arith.constant 0 : i32
      %dma_wait3A_830 = tpu.memref_slice %arg10[%dma_wait3A_828, %dma_wait3A_829] : memref<10240x128xf32, #tpu.memory_space<vmem_shared>> -> memref<10240x128xf32, #tpu.memory_space<vmem_shared>>
      tpu.wait_indirect_dma semaphore(%run_scoped3A_792 : memref<!tpu.dma_semaphore, #tpu.memory_space<semaphore_mem>>) src(%dma_wait3A_815 : memref<80x128xf32, #tpu.memory_space<vmem>>) dst(%dma_wait3A_830 : memref<10240x128xf32, #tpu.memory_space<vmem_shared>>)
      tpu.yield
    }) : () -> ()
    %dma_start3A_556 = arith.constant 1 : i32
    %dma_start3A_557 = arith.constant 0 : i32
    %dma_start3A_558 = arith.constant 24 : i32
    %dma_start3A_559 = arith.constant 1 : i32
    %dma_start3A_560 = arith.constant 0 : i32
    %dma_start3A_561 = arith.constant 0 : i32
    %dma_start3A_562 = tpu.memref_slice %arg7[%dma_start3A_559, %dma_start3A_560, %dma_start3A_561] : memref<2x80x128xf32, #tpu.memory_space<vmem>> -> memref<1x80x128xf32, #tpu.memory_space<vmem>>
    %dma_start3A_563 = tpu.memref_squeeze %dma_start3A_562 : memref<1x80x128xf32, #tpu.memory_space<vmem>> -> memref<80x128xf32, #tpu.memory_space<vmem>>
    %dma_start3A_564 = arith.constant 0 : i32
    %dma_start3A_565 = arith.constant 0 : i32
    %dma_start3A_566 = arith.constant 0 : i32
    %dma_start3A_567 = tpu.memref_slice %arg6[%dma_start3A_556, %dma_start3A_564, %dma_start3A_565, %dma_start3A_566] : memref<2x2x25x80xi32, #tpu.memory_space<vmem>> -> memref<1x2x25x80xi32, #tpu.memory_space<vmem>>
    %dma_start3A_568 = tpu.memref_squeeze %dma_start3A_567 : memref<1x2x25x80xi32, #tpu.memory_space<vmem>> -> memref<2x25x80xi32, #tpu.memory_space<vmem>>
    %dma_start3A_569 = arith.constant 0 : i32
    %dma_start3A_570 = arith.constant 0 : i32
    %dma_start3A_571 = tpu.memref_slice %dma_start3A_568[%dma_start3A_557, %dma_start3A_569, %dma_start3A_570] : memref<2x25x80xi32, #tpu.memory_space<vmem>> -> memref<1x25x80xi32, #tpu.memory_space<vmem>>
    %dma_start3A_572 = tpu.memref_squeeze %dma_start3A_571 : memref<1x25x80xi32, #tpu.memory_space<vmem>> -> memref<25x80xi32, #tpu.memory_space<vmem>>
    %dma_start3A_573 = arith.constant 0 : i32
    %dma_start3A_574 = tpu.memref_slice %dma_start3A_572[%dma_start3A_558, %dma_start3A_573] : memref<25x80xi32, #tpu.memory_space<vmem>> -> memref<1x80xi32, #tpu.memory_space<vmem>>
    %dma_start3A_575 = tpu.memref_squeeze %dma_start3A_574 : memref<1x80xi32, #tpu.memory_space<vmem>> -> memref<80xi32, #tpu.memory_space<vmem>>
    %dma_start3A_576 = arith.constant 0 : i32
    %dma_start3A_577 = arith.constant 0 : i32
    %dma_start3A_578 = tpu.memref_slice %arg2[%dma_start3A_576, %dma_start3A_577] : memref<10000x128xf32, #tpu.memory_space<hbm>> -> memref<10000x128xf32, #tpu.memory_space<hbm>>
    tpu.enqueue_indirect_dma source(%dma_start3A_578 : memref<10000x128xf32, #tpu.memory_space<hbm>>) target(%dma_start3A_563 : memref<80x128xf32, #tpu.memory_space<vmem>>) offsets(%dma_start3A_575 : memref<80xi32, #tpu.memory_space<vmem>>) semaphore(%arg9 : memref<!tpu.dma_semaphore, #tpu.memory_space<semaphore_mem>>)
    %dma_wait3A_579 = arith.constant 0 : i32
    %dma_wait3A_580 = arith.constant 0 : i32
    %dma_wait3A_581 = arith.constant 0 : i32
    %dma_wait3A_582 = arith.constant 0 : i32
    %dma_wait3A_583 = arith.constant 0 : i32
    %dma_wait3A_584 = arith.constant 0 : i32
    %dma_wait3A_585 = tpu.memref_slice %arg7[%dma_wait3A_582, %dma_wait3A_583, %dma_wait3A_584] : memref<2x80x128xf32, #tpu.memory_space<vmem>> -> memref<1x80x128xf32, #tpu.memory_space<vmem>>
    %dma_wait3A_586 = tpu.memref_squeeze %dma_wait3A_585 : memref<1x80x128xf32, #tpu.memory_space<vmem>> -> memref<80x128xf32, #tpu.memory_space<vmem>>
    %dma_wait3A_587 = arith.constant 0 : i32
    %dma_wait3A_588 = arith.constant 0 : i32
    %dma_wait3A_589 = arith.constant 0 : i32
    %dma_wait3A_590 = tpu.memref_slice %arg6[%dma_wait3A_579, %dma_wait3A_587, %dma_wait3A_588, %dma_wait3A_589] : memref<2x2x25x80xi32, #tpu.memory_space<vmem>> -> memref<1x2x25x80xi32, #tpu.memory_space<vmem>>
    %dma_wait3A_591 = tpu.memref_squeeze %dma_wait3A_590 : memref<1x2x25x80xi32, #tpu.memory_space<vmem>> -> memref<2x25x80xi32, #tpu.memory_space<vmem>>
    %dma_wait3A_592 = arith.constant 0 : i32
    %dma_wait3A_593 = arith.constant 0 : i32
    %dma_wait3A_594 = tpu.memref_slice %dma_wait3A_591[%dma_wait3A_580, %dma_wait3A_592, %dma_wait3A_593] : memref<2x25x80xi32, #tpu.memory_space<vmem>> -> memref<1x25x80xi32, #tpu.memory_space<vmem>>
    %dma_wait3A_595 = tpu.memref_squeeze %dma_wait3A_594 : memref<1x25x80xi32, #tpu.memory_space<vmem>> -> memref<25x80xi32, #tpu.memory_space<vmem>>
    %dma_wait3A_596 = arith.constant 0 : i32
    %dma_wait3A_597 = tpu.memref_slice %dma_wait3A_595[%dma_wait3A_581, %dma_wait3A_596] : memref<25x80xi32, #tpu.memory_space<vmem>> -> memref<1x80xi32, #tpu.memory_space<vmem>>
    %dma_wait3A_598 = tpu.memref_squeeze %dma_wait3A_597 : memref<1x80xi32, #tpu.memory_space<vmem>> -> memref<80xi32, #tpu.memory_space<vmem>>
    %dma_wait3A_599 = arith.constant 0 : i32
    %dma_wait3A_600 = arith.constant 0 : i32
    %dma_wait3A_601 = tpu.memref_slice %arg2[%dma_wait3A_599, %dma_wait3A_600] : memref<10000x128xf32, #tpu.memory_space<hbm>> -> memref<10000x128xf32, #tpu.memory_space<hbm>>
    tpu.wait_indirect_dma semaphore(%arg8 : memref<!tpu.dma_semaphore, #tpu.memory_space<semaphore_mem>>) src(%dma_wait3A_601 : memref<10000x128xf32, #tpu.memory_space<hbm>>) dst(%dma_wait3A_586 : memref<80x128xf32, #tpu.memory_space<vmem>>)
    %run_scoped3A_602 = arith.constant 0 : i32
    %run_scoped3A_603 = arith.constant 1 : i32
    %run_scoped3A_604 = arith.constant 1 : i32
    %run_scoped3A_605 = arith.constant 23 : i32
    "tpu.region"() ({
      %run_scoped3A_792 = tpu.sem_alloc : memref<!tpu.dma_semaphore, #tpu.memory_space<semaphore_mem>>
      %dma_start3A_793 = arith.constant 0 : i32
      %dma_start3A_794 = arith.constant 0 : i32
      %dma_start3A_795 = tpu.memref_slice %arg7[%run_scoped3A_602, %dma_start3A_793, %dma_start3A_794] : memref<2x80x128xf32, #tpu.memory_space<vmem>> -> memref<1x80x128xf32, #tpu.memory_space<vmem>>
      %dma_start3A_796 = tpu.memref_squeeze %dma_start3A_795 : memref<1x80x128xf32, #tpu.memory_space<vmem>> -> memref<80x128xf32, #tpu.memory_space<vmem>>
      %dma_start3A_797 = arith.constant 0 : i32
      %dma_start3A_798 = arith.constant 0 : i32
      %dma_start3A_799 = arith.constant 0 : i32
      %dma_start3A_800 = tpu.memref_slice %arg6[%run_scoped3A_603, %dma_start3A_797, %dma_start3A_798, %dma_start3A_799] : memref<2x2x25x80xi32, #tpu.memory_space<vmem>> -> memref<1x2x25x80xi32, #tpu.memory_space<vmem>>
      %dma_start3A_801 = tpu.memref_squeeze %dma_start3A_800 : memref<1x2x25x80xi32, #tpu.memory_space<vmem>> -> memref<2x25x80xi32, #tpu.memory_space<vmem>>
      %dma_start3A_802 = arith.constant 0 : i32
      %dma_start3A_803 = arith.constant 0 : i32
      %dma_start3A_804 = tpu.memref_slice %dma_start3A_801[%run_scoped3A_604, %dma_start3A_802, %dma_start3A_803] : memref<2x25x80xi32, #tpu.memory_space<vmem>> -> memref<1x25x80xi32, #tpu.memory_space<vmem>>
      %dma_start3A_805 = tpu.memref_squeeze %dma_start3A_804 : memref<1x25x80xi32, #tpu.memory_space<vmem>> -> memref<25x80xi32, #tpu.memory_space<vmem>>
      %dma_start3A_806 = arith.constant 0 : i32
      %dma_start3A_807 = tpu.memref_slice %dma_start3A_805[%run_scoped3A_605, %dma_start3A_806] : memref<25x80xi32, #tpu.memory_space<vmem>> -> memref<1x80xi32, #tpu.memory_space<vmem>>
      %dma_start3A_808 = tpu.memref_squeeze %dma_start3A_807 : memref<1x80xi32, #tpu.memory_space<vmem>> -> memref<80xi32, #tpu.memory_space<vmem>>
      %dma_start3A_809 = arith.constant 0 : i32
      %dma_start3A_810 = arith.constant 0 : i32
      %dma_start3A_811 = tpu.memref_slice %arg10[%dma_start3A_809, %dma_start3A_810] : memref<10240x128xf32, #tpu.memory_space<vmem_shared>> -> memref<10240x128xf32, #tpu.memory_space<vmem_shared>>
      tpu.enqueue_indirect_dma source(%dma_start3A_796 : memref<80x128xf32, #tpu.memory_space<vmem>>) target(%dma_start3A_811 : memref<10240x128xf32, #tpu.memory_space<vmem_shared>>) offsets(%dma_start3A_808 : memref<80xi32, #tpu.memory_space<vmem>>) semaphore(%run_scoped3A_792 : memref<!tpu.dma_semaphore, #tpu.memory_space<semaphore_mem>>) {add = true}
      %dma_wait3A_812 = arith.constant 0 : i32
      %dma_wait3A_813 = arith.constant 0 : i32
      %dma_wait3A_814 = tpu.memref_slice %arg7[%run_scoped3A_602, %dma_wait3A_812, %dma_wait3A_813] : memref<2x80x128xf32, #tpu.memory_space<vmem>> -> memref<1x80x128xf32, #tpu.memory_space<vmem>>
      %dma_wait3A_815 = tpu.memref_squeeze %dma_wait3A_814 : memref<1x80x128xf32, #tpu.memory_space<vmem>> -> memref<80x128xf32, #tpu.memory_space<vmem>>
      %dma_wait3A_816 = arith.constant 0 : i32
      %dma_wait3A_817 = arith.constant 0 : i32
      %dma_wait3A_818 = arith.constant 0 : i32
      %dma_wait3A_819 = tpu.memref_slice %arg6[%run_scoped3A_603, %dma_wait3A_816, %dma_wait3A_817, %dma_wait3A_818] : memref<2x2x25x80xi32, #tpu.memory_space<vmem>> -> memref<1x2x25x80xi32, #tpu.memory_space<vmem>>
      %dma_wait3A_820 = tpu.memref_squeeze %dma_wait3A_819 : memref<1x2x25x80xi32, #tpu.memory_space<vmem>> -> memref<2x25x80xi32, #tpu.memory_space<vmem>>
      %dma_wait3A_821 = arith.constant 0 : i32
      %dma_wait3A_822 = arith.constant 0 : i32
      %dma_wait3A_823 = tpu.memref_slice %dma_wait3A_820[%run_scoped3A_604, %dma_wait3A_821, %dma_wait3A_822] : memref<2x25x80xi32, #tpu.memory_space<vmem>> -> memref<1x25x80xi32, #tpu.memory_space<vmem>>
      %dma_wait3A_824 = tpu.memref_squeeze %dma_wait3A_823 : memref<1x25x80xi32, #tpu.memory_space<vmem>> -> memref<25x80xi32, #tpu.memory_space<vmem>>
      %dma_wait3A_825 = arith.constant 0 : i32
      %dma_wait3A_826 = tpu.memref_slice %dma_wait3A_824[%run_scoped3A_605, %dma_wait3A_825] : memref<25x80xi32, #tpu.memory_space<vmem>> -> memref<1x80xi32, #tpu.memory_space<vmem>>
      %dma_wait3A_827 = tpu.memref_squeeze %dma_wait3A_826 : memref<1x80xi32, #tpu.memory_space<vmem>> -> memref<80xi32, #tpu.memory_space<vmem>>
      %dma_wait3A_828 = arith.constant 0 : i32
      %dma_wait3A_829 = arith.constant 0 : i32
      %dma_wait3A_830 = tpu.memref_slice %arg10[%dma_wait3A_828, %dma_wait3A_829] : memref<10240x128xf32, #tpu.memory_space<vmem_shared>> -> memref<10240x128xf32, #tpu.memory_space<vmem_shared>>
      tpu.wait_indirect_dma semaphore(%run_scoped3A_792 : memref<!tpu.dma_semaphore, #tpu.memory_space<semaphore_mem>>) src(%dma_wait3A_815 : memref<80x128xf32, #tpu.memory_space<vmem>>) dst(%dma_wait3A_830 : memref<10240x128xf32, #tpu.memory_space<vmem_shared>>)
      tpu.yield
    }) : () -> ()
    %dma_start3A_606 = arith.constant 0 : i32
    %dma_start3A_607 = arith.constant 0 : i32
    %dma_start3A_608 = arith.constant 0 : i32
    %dma_start3A_609 = arith.constant 0 : i32
    %dma_start3A_610 = arith.constant 0 : i32
    %dma_start3A_611 = arith.constant 0 : i32
    %dma_start3A_612 = tpu.memref_slice %arg7[%dma_start3A_609, %dma_start3A_610, %dma_start3A_611] : memref<2x80x128xf32, #tpu.memory_space<vmem>> -> memref<1x80x128xf32, #tpu.memory_space<vmem>>
    %dma_start3A_613 = tpu.memref_squeeze %dma_start3A_612 : memref<1x80x128xf32, #tpu.memory_space<vmem>> -> memref<80x128xf32, #tpu.memory_space<vmem>>
    %dma_start3A_614 = arith.constant 0 : i32
    %dma_start3A_615 = arith.constant 0 : i32
    %dma_start3A_616 = arith.constant 0 : i32
    %dma_start3A_617 = tpu.memref_slice %arg6[%dma_start3A_606, %dma_start3A_614, %dma_start3A_615, %dma_start3A_616] : memref<2x2x25x80xi32, #tpu.memory_space<vmem>> -> memref<1x2x25x80xi32, #tpu.memory_space<vmem>>
    %dma_start3A_618 = tpu.memref_squeeze %dma_start3A_617 : memref<1x2x25x80xi32, #tpu.memory_space<vmem>> -> memref<2x25x80xi32, #tpu.memory_space<vmem>>
    %dma_start3A_619 = arith.constant 0 : i32
    %dma_start3A_620 = arith.constant 0 : i32
    %dma_start3A_621 = tpu.memref_slice %dma_start3A_618[%dma_start3A_607, %dma_start3A_619, %dma_start3A_620] : memref<2x25x80xi32, #tpu.memory_space<vmem>> -> memref<1x25x80xi32, #tpu.memory_space<vmem>>
    %dma_start3A_622 = tpu.memref_squeeze %dma_start3A_621 : memref<1x25x80xi32, #tpu.memory_space<vmem>> -> memref<25x80xi32, #tpu.memory_space<vmem>>
    %dma_start3A_623 = arith.constant 0 : i32
    %dma_start3A_624 = tpu.memref_slice %dma_start3A_622[%dma_start3A_608, %dma_start3A_623] : memref<25x80xi32, #tpu.memory_space<vmem>> -> memref<1x80xi32, #tpu.memory_space<vmem>>
    %dma_start3A_625 = tpu.memref_squeeze %dma_start3A_624 : memref<1x80xi32, #tpu.memory_space<vmem>> -> memref<80xi32, #tpu.memory_space<vmem>>
    %dma_start3A_626 = arith.constant 0 : i32
    %dma_start3A_627 = arith.constant 0 : i32
    %dma_start3A_628 = tpu.memref_slice %arg2[%dma_start3A_626, %dma_start3A_627] : memref<10000x128xf32, #tpu.memory_space<hbm>> -> memref<10000x128xf32, #tpu.memory_space<hbm>>
    tpu.enqueue_indirect_dma source(%dma_start3A_628 : memref<10000x128xf32, #tpu.memory_space<hbm>>) target(%dma_start3A_613 : memref<80x128xf32, #tpu.memory_space<vmem>>) offsets(%dma_start3A_625 : memref<80xi32, #tpu.memory_space<vmem>>) semaphore(%arg8 : memref<!tpu.dma_semaphore, #tpu.memory_space<semaphore_mem>>)
    %dma_wait3A_629 = arith.constant 0 : i32
    %dma_wait3A_630 = arith.constant 0 : i32
    %dma_wait3A_631 = arith.constant 0 : i32
    %dma_wait3A_632 = arith.constant 0 : i32
    %dma_wait3A_633 = arith.constant 0 : i32
    %dma_wait3A_634 = arith.constant 0 : i32
    %dma_wait3A_635 = tpu.memref_slice %arg7[%dma_wait3A_632, %dma_wait3A_633, %dma_wait3A_634] : memref<2x80x128xf32, #tpu.memory_space<vmem>> -> memref<1x80x128xf32, #tpu.memory_space<vmem>>
    %dma_wait3A_636 = tpu.memref_squeeze %dma_wait3A_635 : memref<1x80x128xf32, #tpu.memory_space<vmem>> -> memref<80x128xf32, #tpu.memory_space<vmem>>
    %dma_wait3A_637 = arith.constant 0 : i32
    %dma_wait3A_638 = arith.constant 0 : i32
    %dma_wait3A_639 = arith.constant 0 : i32
    %dma_wait3A_640 = tpu.memref_slice %arg6[%dma_wait3A_629, %dma_wait3A_637, %dma_wait3A_638, %dma_wait3A_639] : memref<2x2x25x80xi32, #tpu.memory_space<vmem>> -> memref<1x2x25x80xi32, #tpu.memory_space<vmem>>
    %dma_wait3A_641 = tpu.memref_squeeze %dma_wait3A_640 : memref<1x2x25x80xi32, #tpu.memory_space<vmem>> -> memref<2x25x80xi32, #tpu.memory_space<vmem>>
    %dma_wait3A_642 = arith.constant 0 : i32
    %dma_wait3A_643 = arith.constant 0 : i32
    %dma_wait3A_644 = tpu.memref_slice %dma_wait3A_641[%dma_wait3A_630, %dma_wait3A_642, %dma_wait3A_643] : memref<2x25x80xi32, #tpu.memory_space<vmem>> -> memref<1x25x80xi32, #tpu.memory_space<vmem>>
    %dma_wait3A_645 = tpu.memref_squeeze %dma_wait3A_644 : memref<1x25x80xi32, #tpu.memory_space<vmem>> -> memref<25x80xi32, #tpu.memory_space<vmem>>
    %dma_wait3A_646 = arith.constant 0 : i32
    %dma_wait3A_647 = tpu.memref_slice %dma_wait3A_645[%dma_wait3A_631, %dma_wait3A_646] : memref<25x80xi32, #tpu.memory_space<vmem>> -> memref<1x80xi32, #tpu.memory_space<vmem>>
    %dma_wait3A_648 = tpu.memref_squeeze %dma_wait3A_647 : memref<1x80xi32, #tpu.memory_space<vmem>> -> memref<80xi32, #tpu.memory_space<vmem>>
    %dma_wait3A_649 = arith.constant 0 : i32
    %dma_wait3A_650 = arith.constant 0 : i32
    %dma_wait3A_651 = tpu.memref_slice %arg2[%dma_wait3A_649, %dma_wait3A_650] : memref<10000x128xf32, #tpu.memory_space<hbm>> -> memref<10000x128xf32, #tpu.memory_space<hbm>>
    tpu.wait_indirect_dma semaphore(%arg9 : memref<!tpu.dma_semaphore, #tpu.memory_space<semaphore_mem>>) src(%dma_wait3A_651 : memref<10000x128xf32, #tpu.memory_space<hbm>>) dst(%dma_wait3A_636 : memref<80x128xf32, #tpu.memory_space<vmem>>)
    %run_scoped3A_652 = arith.constant 1 : i32
    %run_scoped3A_653 = arith.constant 1 : i32
    %run_scoped3A_654 = arith.constant 1 : i32
    %run_scoped3A_655 = arith.constant 24 : i32
    "tpu.region"() ({
      %run_scoped3A_792 = tpu.sem_alloc : memref<!tpu.dma_semaphore, #tpu.memory_space<semaphore_mem>>
      %dma_start3A_793 = arith.constant 0 : i32
      %dma_start3A_794 = arith.constant 0 : i32
      %dma_start3A_795 = tpu.memref_slice %arg7[%run_scoped3A_652, %dma_start3A_793, %dma_start3A_794] : memref<2x80x128xf32, #tpu.memory_space<vmem>> -> memref<1x80x128xf32, #tpu.memory_space<vmem>>
      %dma_start3A_796 = tpu.memref_squeeze %dma_start3A_795 : memref<1x80x128xf32, #tpu.memory_space<vmem>> -> memref<80x128xf32, #tpu.memory_space<vmem>>
      %dma_start3A_797 = arith.constant 0 : i32
      %dma_start3A_798 = arith.constant 0 : i32
      %dma_start3A_799 = arith.constant 0 : i32
      %dma_start3A_800 = tpu.memref_slice %arg6[%run_scoped3A_653, %dma_start3A_797, %dma_start3A_798, %dma_start3A_799] : memref<2x2x25x80xi32, #tpu.memory_space<vmem>> -> memref<1x2x25x80xi32, #tpu.memory_space<vmem>>
      %dma_start3A_801 = tpu.memref_squeeze %dma_start3A_800 : memref<1x2x25x80xi32, #tpu.memory_space<vmem>> -> memref<2x25x80xi32, #tpu.memory_space<vmem>>
      %dma_start3A_802 = arith.constant 0 : i32
      %dma_start3A_803 = arith.constant 0 : i32
      %dma_start3A_804 = tpu.memref_slice %dma_start3A_801[%run_scoped3A_654, %dma_start3A_802, %dma_start3A_803] : memref<2x25x80xi32, #tpu.memory_space<vmem>> -> memref<1x25x80xi32, #tpu.memory_space<vmem>>
      %dma_start3A_805 = tpu.memref_squeeze %dma_start3A_804 : memref<1x25x80xi32, #tpu.memory_space<vmem>> -> memref<25x80xi32, #tpu.memory_space<vmem>>
      %dma_start3A_806 = arith.constant 0 : i32
      %dma_start3A_807 = tpu.memref_slice %dma_start3A_805[%run_scoped3A_655, %dma_start3A_806] : memref<25x80xi32, #tpu.memory_space<vmem>> -> memref<1x80xi32, #tpu.memory_space<vmem>>
      %dma_start3A_808 = tpu.memref_squeeze %dma_start3A_807 : memref<1x80xi32, #tpu.memory_space<vmem>> -> memref<80xi32, #tpu.memory_space<vmem>>
      %dma_start3A_809 = arith.constant 0 : i32
      %dma_start3A_810 = arith.constant 0 : i32
      %dma_start3A_811 = tpu.memref_slice %arg10[%dma_start3A_809, %dma_start3A_810] : memref<10240x128xf32, #tpu.memory_space<vmem_shared>> -> memref<10240x128xf32, #tpu.memory_space<vmem_shared>>
      tpu.enqueue_indirect_dma source(%dma_start3A_796 : memref<80x128xf32, #tpu.memory_space<vmem>>) target(%dma_start3A_811 : memref<10240x128xf32, #tpu.memory_space<vmem_shared>>) offsets(%dma_start3A_808 : memref<80xi32, #tpu.memory_space<vmem>>) semaphore(%run_scoped3A_792 : memref<!tpu.dma_semaphore, #tpu.memory_space<semaphore_mem>>) {add = true}
      %dma_wait3A_812 = arith.constant 0 : i32
      %dma_wait3A_813 = arith.constant 0 : i32
      %dma_wait3A_814 = tpu.memref_slice %arg7[%run_scoped3A_652, %dma_wait3A_812, %dma_wait3A_813] : memref<2x80x128xf32, #tpu.memory_space<vmem>> -> memref<1x80x128xf32, #tpu.memory_space<vmem>>
      %dma_wait3A_815 = tpu.memref_squeeze %dma_wait3A_814 : memref<1x80x128xf32, #tpu.memory_space<vmem>> -> memref<80x128xf32, #tpu.memory_space<vmem>>
      %dma_wait3A_816 = arith.constant 0 : i32
      %dma_wait3A_817 = arith.constant 0 : i32
      %dma_wait3A_818 = arith.constant 0 : i32
      %dma_wait3A_819 = tpu.memref_slice %arg6[%run_scoped3A_653, %dma_wait3A_816, %dma_wait3A_817, %dma_wait3A_818] : memref<2x2x25x80xi32, #tpu.memory_space<vmem>> -> memref<1x2x25x80xi32, #tpu.memory_space<vmem>>
      %dma_wait3A_820 = tpu.memref_squeeze %dma_wait3A_819 : memref<1x2x25x80xi32, #tpu.memory_space<vmem>> -> memref<2x25x80xi32, #tpu.memory_space<vmem>>
      %dma_wait3A_821 = arith.constant 0 : i32
      %dma_wait3A_822 = arith.constant 0 : i32
      %dma_wait3A_823 = tpu.memref_slice %dma_wait3A_820[%run_scoped3A_654, %dma_wait3A_821, %dma_wait3A_822] : memref<2x25x80xi32, #tpu.memory_space<vmem>> -> memref<1x25x80xi32, #tpu.memory_space<vmem>>
      %dma_wait3A_824 = tpu.memref_squeeze %dma_wait3A_823 : memref<1x25x80xi32, #tpu.memory_space<vmem>> -> memref<25x80xi32, #tpu.memory_space<vmem>>
      %dma_wait3A_825 = arith.constant 0 : i32
      %dma_wait3A_826 = tpu.memref_slice %dma_wait3A_824[%run_scoped3A_655, %dma_wait3A_825] : memref<25x80xi32, #tpu.memory_space<vmem>> -> memref<1x80xi32, #tpu.memory_space<vmem>>
      %dma_wait3A_827 = tpu.memref_squeeze %dma_wait3A_826 : memref<1x80xi32, #tpu.memory_space<vmem>> -> memref<80xi32, #tpu.memory_space<vmem>>
      %dma_wait3A_828 = arith.constant 0 : i32
      %dma_wait3A_829 = arith.constant 0 : i32
      %dma_wait3A_830 = tpu.memref_slice %arg10[%dma_wait3A_828, %dma_wait3A_829] : memref<10240x128xf32, #tpu.memory_space<vmem_shared>> -> memref<10240x128xf32, #tpu.memory_space<vmem_shared>>
      tpu.wait_indirect_dma semaphore(%run_scoped3A_792 : memref<!tpu.dma_semaphore, #tpu.memory_space<semaphore_mem>>) src(%dma_wait3A_815 : memref<80x128xf32, #tpu.memory_space<vmem>>) dst(%dma_wait3A_830 : memref<10240x128xf32, #tpu.memory_space<vmem_shared>>)
      tpu.yield
    }) : () -> ()
    %dma_start3A_656 = arith.constant 0 : i32
    %dma_start3A_657 = arith.constant 0 : i32
    %dma_start3A_658 = arith.constant 1 : i32
    %dma_start3A_659 = arith.constant 1 : i32
    %dma_start3A_660 = arith.constant 0 : i32
    %dma_start3A_661 = arith.constant 0 : i32
    %dma_start3A_662 = tpu.memref_slice %arg7[%dma_start3A_659, %dma_start3A_660, %dma_start3A_661] : memref<2x80x128xf32, #tpu.memory_space<vmem>> -> memref<1x80x128xf32, #tpu.memory_space<vmem>>
    %dma_start3A_663 = tpu.memref_squeeze %dma_start3A_662 : memref<1x80x128xf32, #tpu.memory_space<vmem>> -> memref<80x128xf32, #tpu.memory_space<vmem>>
    %dma_start3A_664 = arith.constant 0 : i32
    %dma_start3A_665 = arith.constant 0 : i32
    %dma_start3A_666 = arith.constant 0 : i32
    %dma_start3A_667 = tpu.memref_slice %arg6[%dma_start3A_656, %dma_start3A_664, %dma_start3A_665, %dma_start3A_666] : memref<2x2x25x80xi32, #tpu.memory_space<vmem>> -> memref<1x2x25x80xi32, #tpu.memory_space<vmem>>
    %dma_start3A_668 = tpu.memref_squeeze %dma_start3A_667 : memref<1x2x25x80xi32, #tpu.memory_space<vmem>> -> memref<2x25x80xi32, #tpu.memory_space<vmem>>
    %dma_start3A_669 = arith.constant 0 : i32
    %dma_start3A_670 = arith.constant 0 : i32
    %dma_start3A_671 = tpu.memref_slice %dma_start3A_668[%dma_start3A_657, %dma_start3A_669, %dma_start3A_670] : memref<2x25x80xi32, #tpu.memory_space<vmem>> -> memref<1x25x80xi32, #tpu.memory_space<vmem>>
    %dma_start3A_672 = tpu.memref_squeeze %dma_start3A_671 : memref<1x25x80xi32, #tpu.memory_space<vmem>> -> memref<25x80xi32, #tpu.memory_space<vmem>>
    %dma_start3A_673 = arith.constant 0 : i32
    %dma_start3A_674 = tpu.memref_slice %dma_start3A_672[%dma_start3A_658, %dma_start3A_673] : memref<25x80xi32, #tpu.memory_space<vmem>> -> memref<1x80xi32, #tpu.memory_space<vmem>>
    %dma_start3A_675 = tpu.memref_squeeze %dma_start3A_674 : memref<1x80xi32, #tpu.memory_space<vmem>> -> memref<80xi32, #tpu.memory_space<vmem>>
    %dma_start3A_676 = arith.constant 0 : i32
    %dma_start3A_677 = arith.constant 0 : i32
    %dma_start3A_678 = tpu.memref_slice %arg2[%dma_start3A_676, %dma_start3A_677] : memref<10000x128xf32, #tpu.memory_space<hbm>> -> memref<10000x128xf32, #tpu.memory_space<hbm>>
    tpu.enqueue_indirect_dma source(%dma_start3A_678 : memref<10000x128xf32, #tpu.memory_space<hbm>>) target(%dma_start3A_663 : memref<80x128xf32, #tpu.memory_space<vmem>>) offsets(%dma_start3A_675 : memref<80xi32, #tpu.memory_space<vmem>>) semaphore(%arg9 : memref<!tpu.dma_semaphore, #tpu.memory_space<semaphore_mem>>)
    %scan3A_679 = arith.constant 0 : i32
    %scan3A_680 = arith.constant 0 : i32
    %scan3A_681 = arith.constant 11 : i32
    %scan3A_682 = arith.addi %scan3A_680, %scan3A_681 : i32
    %scan3A_683 = arith.constant 1 : i32
    scf.for %scan3A_792 = %scan3A_680 to %scan3A_682 step %scan3A_683  : i32 {
      %mul3A_793 = arith.constant 2 : i32
      %mul3A_794 = arith.muli %mul3A_793, %scan3A_792 : i32
      %dma_wait3A_795 = arith.constant 0 : i32
      %dma_wait3A_796 = arith.constant 0 : i32
      %dma_wait3A_797 = arith.constant 0 : i32
      %dma_wait3A_798 = arith.constant 0 : i32
      %dma_wait3A_799 = arith.constant 0 : i32
      %dma_wait3A_800 = arith.constant 0 : i32
      %dma_wait3A_801 = tpu.memref_slice %arg7[%dma_wait3A_798, %dma_wait3A_799, %dma_wait3A_800] : memref<2x80x128xf32, #tpu.memory_space<vmem>> -> memref<1x80x128xf32, #tpu.memory_space<vmem>>
      %dma_wait3A_802 = tpu.memref_squeeze %dma_wait3A_801 : memref<1x80x128xf32, #tpu.memory_space<vmem>> -> memref<80x128xf32, #tpu.memory_space<vmem>>
      %dma_wait3A_803 = arith.constant 0 : i32
      %dma_wait3A_804 = arith.constant 0 : i32
      %dma_wait3A_805 = arith.constant 0 : i32
      %dma_wait3A_806 = tpu.memref_slice %arg6[%dma_wait3A_795, %dma_wait3A_803, %dma_wait3A_804, %dma_wait3A_805] : memref<2x2x25x80xi32, #tpu.memory_space<vmem>> -> memref<1x2x25x80xi32, #tpu.memory_space<vmem>>
      %dma_wait3A_807 = tpu.memref_squeeze %dma_wait3A_806 : memref<1x2x25x80xi32, #tpu.memory_space<vmem>> -> memref<2x25x80xi32, #tpu.memory_space<vmem>>
      %dma_wait3A_808 = arith.constant 0 : i32
      %dma_wait3A_809 = arith.constant 0 : i32
      %dma_wait3A_810 = tpu.memref_slice %dma_wait3A_807[%dma_wait3A_796, %dma_wait3A_808, %dma_wait3A_809] : memref<2x25x80xi32, #tpu.memory_space<vmem>> -> memref<1x25x80xi32, #tpu.memory_space<vmem>>
      %dma_wait3A_811 = tpu.memref_squeeze %dma_wait3A_810 : memref<1x25x80xi32, #tpu.memory_space<vmem>> -> memref<25x80xi32, #tpu.memory_space<vmem>>
      %dma_wait3A_812 = arith.constant 0 : i32
      %dma_wait3A_813 = tpu.memref_slice %dma_wait3A_811[%dma_wait3A_797, %dma_wait3A_812] : memref<25x80xi32, #tpu.memory_space<vmem>> -> memref<1x80xi32, #tpu.memory_space<vmem>>
      %dma_wait3A_814 = tpu.memref_squeeze %dma_wait3A_813 : memref<1x80xi32, #tpu.memory_space<vmem>> -> memref<80xi32, #tpu.memory_space<vmem>>
      %dma_wait3A_815 = arith.constant 0 : i32
      %dma_wait3A_816 = arith.constant 0 : i32
      %dma_wait3A_817 = tpu.memref_slice %arg2[%dma_wait3A_815, %dma_wait3A_816] : memref<10000x128xf32, #tpu.memory_space<hbm>> -> memref<10000x128xf32, #tpu.memory_space<hbm>>
      tpu.wait_indirect_dma semaphore(%arg8 : memref<!tpu.dma_semaphore, #tpu.memory_space<semaphore_mem>>) src(%dma_wait3A_817 : memref<10000x128xf32, #tpu.memory_space<hbm>>) dst(%dma_wait3A_802 : memref<80x128xf32, #tpu.memory_space<vmem>>)
      %run_scoped3A_818 = arith.constant 0 : i32
      %run_scoped3A_819 = arith.constant 0 : i32
      %run_scoped3A_820 = arith.constant 1 : i32
      "tpu.region"() ({
        %run_scoped3A_897 = tpu.sem_alloc : memref<!tpu.dma_semaphore, #tpu.memory_space<semaphore_mem>>
        %dma_start3A_898 = arith.constant 0 : i32
        %dma_start3A_899 = arith.constant 0 : i32
        %dma_start3A_900 = tpu.memref_slice %arg7[%run_scoped3A_818, %dma_start3A_898, %dma_start3A_899] : memref<2x80x128xf32, #tpu.memory_space<vmem>> -> memref<1x80x128xf32, #tpu.memory_space<vmem>>
        %dma_start3A_901 = tpu.memref_squeeze %dma_start3A_900 : memref<1x80x128xf32, #tpu.memory_space<vmem>> -> memref<80x128xf32, #tpu.memory_space<vmem>>
        %dma_start3A_902 = arith.constant 0 : i32
        %dma_start3A_903 = arith.constant 0 : i32
        %dma_start3A_904 = arith.constant 0 : i32
        %dma_start3A_905 = tpu.memref_slice %arg6[%run_scoped3A_819, %dma_start3A_902, %dma_start3A_903, %dma_start3A_904] : memref<2x2x25x80xi32, #tpu.memory_space<vmem>> -> memref<1x2x25x80xi32, #tpu.memory_space<vmem>>
        %dma_start3A_906 = tpu.memref_squeeze %dma_start3A_905 : memref<1x2x25x80xi32, #tpu.memory_space<vmem>> -> memref<2x25x80xi32, #tpu.memory_space<vmem>>
        %dma_start3A_907 = arith.constant 0 : i32
        %dma_start3A_908 = arith.constant 0 : i32
        %dma_start3A_909 = tpu.memref_slice %dma_start3A_906[%run_scoped3A_820, %dma_start3A_907, %dma_start3A_908] : memref<2x25x80xi32, #tpu.memory_space<vmem>> -> memref<1x25x80xi32, #tpu.memory_space<vmem>>
        %dma_start3A_910 = tpu.memref_squeeze %dma_start3A_909 : memref<1x25x80xi32, #tpu.memory_space<vmem>> -> memref<25x80xi32, #tpu.memory_space<vmem>>
        %dma_start3A_911 = arith.constant 0 : i32
        %dma_start3A_912 = tpu.memref_slice %dma_start3A_910[%mul3A_794, %dma_start3A_911] : memref<25x80xi32, #tpu.memory_space<vmem>> -> memref<1x80xi32, #tpu.memory_space<vmem>>
        %dma_start3A_913 = tpu.memref_squeeze %dma_start3A_912 : memref<1x80xi32, #tpu.memory_space<vmem>> -> memref<80xi32, #tpu.memory_space<vmem>>
        %dma_start3A_914 = arith.constant 0 : i32
        %dma_start3A_915 = arith.constant 0 : i32
        %dma_start3A_916 = tpu.memref_slice %arg10[%dma_start3A_914, %dma_start3A_915] : memref<10240x128xf32, #tpu.memory_space<vmem_shared>> -> memref<10240x128xf32, #tpu.memory_space<vmem_shared>>
        tpu.enqueue_indirect_dma source(%dma_start3A_901 : memref<80x128xf32, #tpu.memory_space<vmem>>) target(%dma_start3A_916 : memref<10240x128xf32, #tpu.memory_space<vmem_shared>>) offsets(%dma_start3A_913 : memref<80xi32, #tpu.memory_space<vmem>>) semaphore(%run_scoped3A_897 : memref<!tpu.dma_semaphore, #tpu.memory_space<semaphore_mem>>) {add = true}
        %dma_wait3A_917 = arith.constant 0 : i32
        %dma_wait3A_918 = arith.constant 0 : i32
        %dma_wait3A_919 = tpu.memref_slice %arg7[%run_scoped3A_818, %dma_wait3A_917, %dma_wait3A_918] : memref<2x80x128xf32, #tpu.memory_space<vmem>> -> memref<1x80x128xf32, #tpu.memory_space<vmem>>
        %dma_wait3A_920 = tpu.memref_squeeze %dma_wait3A_919 : memref<1x80x128xf32, #tpu.memory_space<vmem>> -> memref<80x128xf32, #tpu.memory_space<vmem>>
        %dma_wait3A_921 = arith.constant 0 : i32
        %dma_wait3A_922 = arith.constant 0 : i32
        %dma_wait3A_923 = arith.constant 0 : i32
        %dma_wait3A_924 = tpu.memref_slice %arg6[%run_scoped3A_819, %dma_wait3A_921, %dma_wait3A_922, %dma_wait3A_923] : memref<2x2x25x80xi32, #tpu.memory_space<vmem>> -> memref<1x2x25x80xi32, #tpu.memory_space<vmem>>
        %dma_wait3A_925 = tpu.memref_squeeze %dma_wait3A_924 : memref<1x2x25x80xi32, #tpu.memory_space<vmem>> -> memref<2x25x80xi32, #tpu.memory_space<vmem>>
        %dma_wait3A_926 = arith.constant 0 : i32
        %dma_wait3A_927 = arith.constant 0 : i32
        %dma_wait3A_928 = tpu.memref_slice %dma_wait3A_925[%run_scoped3A_820, %dma_wait3A_926, %dma_wait3A_927] : memref<2x25x80xi32, #tpu.memory_space<vmem>> -> memref<1x25x80xi32, #tpu.memory_space<vmem>>
        %dma_wait3A_929 = tpu.memref_squeeze %dma_wait3A_928 : memref<1x25x80xi32, #tpu.memory_space<vmem>> -> memref<25x80xi32, #tpu.memory_space<vmem>>
        %dma_wait3A_930 = arith.constant 0 : i32
        %dma_wait3A_931 = tpu.memref_slice %dma_wait3A_929[%mul3A_794, %dma_wait3A_930] : memref<25x80xi32, #tpu.memory_space<vmem>> -> memref<1x80xi32, #tpu.memory_space<vmem>>
        %dma_wait3A_932 = tpu.memref_squeeze %dma_wait3A_931 : memref<1x80xi32, #tpu.memory_space<vmem>> -> memref<80xi32, #tpu.memory_space<vmem>>
        %dma_wait3A_933 = arith.constant 0 : i32
        %dma_wait3A_934 = arith.constant 0 : i32
        %dma_wait3A_935 = tpu.memref_slice %arg10[%dma_wait3A_933, %dma_wait3A_934] : memref<10240x128xf32, #tpu.memory_space<vmem_shared>> -> memref<10240x128xf32, #tpu.memory_space<vmem_shared>>
        tpu.wait_indirect_dma semaphore(%run_scoped3A_897 : memref<!tpu.dma_semaphore, #tpu.memory_space<semaphore_mem>>) src(%dma_wait3A_920 : memref<80x128xf32, #tpu.memory_space<vmem>>) dst(%dma_wait3A_935 : memref<10240x128xf32, #tpu.memory_space<vmem_shared>>)
        tpu.yield
      }) : () -> ()
      %add3A_821 = arith.constant 2 : i32
      %add3A_822 = arith.addi %mul3A_794, %add3A_821 : i32
      %dma_start3A_823 = arith.constant 0 : i32
      %dma_start3A_824 = arith.constant 0 : i32
      %dma_start3A_825 = arith.constant 0 : i32
      %dma_start3A_826 = arith.constant 0 : i32
      %dma_start3A_827 = arith.constant 0 : i32
      %dma_start3A_828 = tpu.memref_slice %arg7[%dma_start3A_825, %dma_start3A_826, %dma_start3A_827] : memref<2x80x128xf32, #tpu.memory_space<vmem>> -> memref<1x80x128xf32, #tpu.memory_space<vmem>>
      %dma_start3A_829 = tpu.memref_squeeze %dma_start3A_828 : memref<1x80x128xf32, #tpu.memory_space<vmem>> -> memref<80x128xf32, #tpu.memory_space<vmem>>
      %dma_start3A_830 = arith.constant 0 : i32
      %dma_start3A_831 = arith.constant 0 : i32
      %dma_start3A_832 = arith.constant 0 : i32
      %dma_start3A_833 = tpu.memref_slice %arg6[%dma_start3A_823, %dma_start3A_830, %dma_start3A_831, %dma_start3A_832] : memref<2x2x25x80xi32, #tpu.memory_space<vmem>> -> memref<1x2x25x80xi32, #tpu.memory_space<vmem>>
      %dma_start3A_834 = tpu.memref_squeeze %dma_start3A_833 : memref<1x2x25x80xi32, #tpu.memory_space<vmem>> -> memref<2x25x80xi32, #tpu.memory_space<vmem>>
      %dma_start3A_835 = arith.constant 0 : i32
      %dma_start3A_836 = arith.constant 0 : i32
      %dma_start3A_837 = tpu.memref_slice %dma_start3A_834[%dma_start3A_824, %dma_start3A_835, %dma_start3A_836] : memref<2x25x80xi32, #tpu.memory_space<vmem>> -> memref<1x25x80xi32, #tpu.memory_space<vmem>>
      %dma_start3A_838 = tpu.memref_squeeze %dma_start3A_837 : memref<1x25x80xi32, #tpu.memory_space<vmem>> -> memref<25x80xi32, #tpu.memory_space<vmem>>
      %dma_start3A_839 = arith.constant 0 : i32
      %dma_start3A_840 = tpu.memref_slice %dma_start3A_838[%add3A_822, %dma_start3A_839] : memref<25x80xi32, #tpu.memory_space<vmem>> -> memref<1x80xi32, #tpu.memory_space<vmem>>
      %dma_start3A_841 = tpu.memref_squeeze %dma_start3A_840 : memref<1x80xi32, #tpu.memory_space<vmem>> -> memref<80xi32, #tpu.memory_space<vmem>>
      %dma_start3A_842 = arith.constant 0 : i32
      %dma_start3A_843 = arith.constant 0 : i32
      %dma_start3A_844 = tpu.memref_slice %arg2[%dma_start3A_842, %dma_start3A_843] : memref<10000x128xf32, #tpu.memory_space<hbm>> -> memref<10000x128xf32, #tpu.memory_space<hbm>>
      tpu.enqueue_indirect_dma source(%dma_start3A_844 : memref<10000x128xf32, #tpu.memory_space<hbm>>) target(%dma_start3A_829 : memref<80x128xf32, #tpu.memory_space<vmem>>) offsets(%dma_start3A_841 : memref<80xi32, #tpu.memory_space<vmem>>) semaphore(%arg8 : memref<!tpu.dma_semaphore, #tpu.memory_space<semaphore_mem>>)
      %dma_wait3A_845 = arith.constant 0 : i32
      %dma_wait3A_846 = arith.constant 0 : i32
      %dma_wait3A_847 = arith.constant 0 : i32
      %dma_wait3A_848 = arith.constant 0 : i32
      %dma_wait3A_849 = arith.constant 0 : i32
      %dma_wait3A_850 = arith.constant 0 : i32
      %dma_wait3A_851 = tpu.memref_slice %arg7[%dma_wait3A_848, %dma_wait3A_849, %dma_wait3A_850] : memref<2x80x128xf32, #tpu.memory_space<vmem>> -> memref<1x80x128xf32, #tpu.memory_space<vmem>>
      %dma_wait3A_852 = tpu.memref_squeeze %dma_wait3A_851 : memref<1x80x128xf32, #tpu.memory_space<vmem>> -> memref<80x128xf32, #tpu.memory_space<vmem>>
      %dma_wait3A_853 = arith.constant 0 : i32
      %dma_wait3A_854 = arith.constant 0 : i32
      %dma_wait3A_855 = arith.constant 0 : i32
      %dma_wait3A_856 = tpu.memref_slice %arg6[%dma_wait3A_845, %dma_wait3A_853, %dma_wait3A_854, %dma_wait3A_855] : memref<2x2x25x80xi32, #tpu.memory_space<vmem>> -> memref<1x2x25x80xi32, #tpu.memory_space<vmem>>
      %dma_wait3A_857 = tpu.memref_squeeze %dma_wait3A_856 : memref<1x2x25x80xi32, #tpu.memory_space<vmem>> -> memref<2x25x80xi32, #tpu.memory_space<vmem>>
      %dma_wait3A_858 = arith.constant 0 : i32
      %dma_wait3A_859 = arith.constant 0 : i32
      %dma_wait3A_860 = tpu.memref_slice %dma_wait3A_857[%dma_wait3A_846, %dma_wait3A_858, %dma_wait3A_859] : memref<2x25x80xi32, #tpu.memory_space<vmem>> -> memref<1x25x80xi32, #tpu.memory_space<vmem>>
      %dma_wait3A_861 = tpu.memref_squeeze %dma_wait3A_860 : memref<1x25x80xi32, #tpu.memory_space<vmem>> -> memref<25x80xi32, #tpu.memory_space<vmem>>
      %dma_wait3A_862 = arith.constant 0 : i32
      %dma_wait3A_863 = tpu.memref_slice %dma_wait3A_861[%dma_wait3A_847, %dma_wait3A_862] : memref<25x80xi32, #tpu.memory_space<vmem>> -> memref<1x80xi32, #tpu.memory_space<vmem>>
      %dma_wait3A_864 = tpu.memref_squeeze %dma_wait3A_863 : memref<1x80xi32, #tpu.memory_space<vmem>> -> memref<80xi32, #tpu.memory_space<vmem>>
      %dma_wait3A_865 = arith.constant 0 : i32
      %dma_wait3A_866 = arith.constant 0 : i32
      %dma_wait3A_867 = tpu.memref_slice %arg2[%dma_wait3A_865, %dma_wait3A_866] : memref<10000x128xf32, #tpu.memory_space<hbm>> -> memref<10000x128xf32, #tpu.memory_space<hbm>>
      tpu.wait_indirect_dma semaphore(%arg9 : memref<!tpu.dma_semaphore, #tpu.memory_space<semaphore_mem>>) src(%dma_wait3A_867 : memref<10000x128xf32, #tpu.memory_space<hbm>>) dst(%dma_wait3A_852 : memref<80x128xf32, #tpu.memory_space<vmem>>)
      %add3A_868 = arith.constant 1 : i32
      %add3A_869 = arith.addi %mul3A_794, %add3A_868 : i32
      %run_scoped3A_870 = arith.constant 1 : i32
      %run_scoped3A_871 = arith.constant 0 : i32
      %run_scoped3A_872 = arith.constant 1 : i32
      "tpu.region"() ({
        %run_scoped3A_897 = tpu.sem_alloc : memref<!tpu.dma_semaphore, #tpu.memory_space<semaphore_mem>>
        %dma_start3A_898 = arith.constant 0 : i32
        %dma_start3A_899 = arith.constant 0 : i32
        %dma_start3A_900 = tpu.memref_slice %arg7[%run_scoped3A_870, %dma_start3A_898, %dma_start3A_899] : memref<2x80x128xf32, #tpu.memory_space<vmem>> -> memref<1x80x128xf32, #tpu.memory_space<vmem>>
        %dma_start3A_901 = tpu.memref_squeeze %dma_start3A_900 : memref<1x80x128xf32, #tpu.memory_space<vmem>> -> memref<80x128xf32, #tpu.memory_space<vmem>>
        %dma_start3A_902 = arith.constant 0 : i32
        %dma_start3A_903 = arith.constant 0 : i32
        %dma_start3A_904 = arith.constant 0 : i32
        %dma_start3A_905 = tpu.memref_slice %arg6[%run_scoped3A_871, %dma_start3A_902, %dma_start3A_903, %dma_start3A_904] : memref<2x2x25x80xi32, #tpu.memory_space<vmem>> -> memref<1x2x25x80xi32, #tpu.memory_space<vmem>>
        %dma_start3A_906 = tpu.memref_squeeze %dma_start3A_905 : memref<1x2x25x80xi32, #tpu.memory_space<vmem>> -> memref<2x25x80xi32, #tpu.memory_space<vmem>>
        %dma_start3A_907 = arith.constant 0 : i32
        %dma_start3A_908 = arith.constant 0 : i32
        %dma_start3A_909 = tpu.memref_slice %dma_start3A_906[%run_scoped3A_872, %dma_start3A_907, %dma_start3A_908] : memref<2x25x80xi32, #tpu.memory_space<vmem>> -> memref<1x25x80xi32, #tpu.memory_space<vmem>>
        %dma_start3A_910 = tpu.memref_squeeze %dma_start3A_909 : memref<1x25x80xi32, #tpu.memory_space<vmem>> -> memref<25x80xi32, #tpu.memory_space<vmem>>
        %dma_start3A_911 = arith.constant 0 : i32
        %dma_start3A_912 = tpu.memref_slice %dma_start3A_910[%add3A_869, %dma_start3A_911] : memref<25x80xi32, #tpu.memory_space<vmem>> -> memref<1x80xi32, #tpu.memory_space<vmem>>
        %dma_start3A_913 = tpu.memref_squeeze %dma_start3A_912 : memref<1x80xi32, #tpu.memory_space<vmem>> -> memref<80xi32, #tpu.memory_space<vmem>>
        %dma_start3A_914 = arith.constant 0 : i32
        %dma_start3A_915 = arith.constant 0 : i32
        %dma_start3A_916 = tpu.memref_slice %arg10[%dma_start3A_914, %dma_start3A_915] : memref<10240x128xf32, #tpu.memory_space<vmem_shared>> -> memref<10240x128xf32, #tpu.memory_space<vmem_shared>>
        tpu.enqueue_indirect_dma source(%dma_start3A_901 : memref<80x128xf32, #tpu.memory_space<vmem>>) target(%dma_start3A_916 : memref<10240x128xf32, #tpu.memory_space<vmem_shared>>) offsets(%dma_start3A_913 : memref<80xi32, #tpu.memory_space<vmem>>) semaphore(%run_scoped3A_897 : memref<!tpu.dma_semaphore, #tpu.memory_space<semaphore_mem>>) {add = true}
        %dma_wait3A_917 = arith.constant 0 : i32
        %dma_wait3A_918 = arith.constant 0 : i32
        %dma_wait3A_919 = tpu.memref_slice %arg7[%run_scoped3A_870, %dma_wait3A_917, %dma_wait3A_918] : memref<2x80x128xf32, #tpu.memory_space<vmem>> -> memref<1x80x128xf32, #tpu.memory_space<vmem>>
        %dma_wait3A_920 = tpu.memref_squeeze %dma_wait3A_919 : memref<1x80x128xf32, #tpu.memory_space<vmem>> -> memref<80x128xf32, #tpu.memory_space<vmem>>
        %dma_wait3A_921 = arith.constant 0 : i32
        %dma_wait3A_922 = arith.constant 0 : i32
        %dma_wait3A_923 = arith.constant 0 : i32
        %dma_wait3A_924 = tpu.memref_slice %arg6[%run_scoped3A_871, %dma_wait3A_921, %dma_wait3A_922, %dma_wait3A_923] : memref<2x2x25x80xi32, #tpu.memory_space<vmem>> -> memref<1x2x25x80xi32, #tpu.memory_space<vmem>>
        %dma_wait3A_925 = tpu.memref_squeeze %dma_wait3A_924 : memref<1x2x25x80xi32, #tpu.memory_space<vmem>> -> memref<2x25x80xi32, #tpu.memory_space<vmem>>
        %dma_wait3A_926 = arith.constant 0 : i32
        %dma_wait3A_927 = arith.constant 0 : i32
        %dma_wait3A_928 = tpu.memref_slice %dma_wait3A_925[%run_scoped3A_872, %dma_wait3A_926, %dma_wait3A_927] : memref<2x25x80xi32, #tpu.memory_space<vmem>> -> memref<1x25x80xi32, #tpu.memory_space<vmem>>
        %dma_wait3A_929 = tpu.memref_squeeze %dma_wait3A_928 : memref<1x25x80xi32, #tpu.memory_space<vmem>> -> memref<25x80xi32, #tpu.memory_space<vmem>>
        %dma_wait3A_930 = arith.constant 0 : i32
        %dma_wait3A_931 = tpu.memref_slice %dma_wait3A_929[%add3A_869, %dma_wait3A_930] : memref<25x80xi32, #tpu.memory_space<vmem>> -> memref<1x80xi32, #tpu.memory_space<vmem>>
        %dma_wait3A_932 = tpu.memref_squeeze %dma_wait3A_931 : memref<1x80xi32, #tpu.memory_space<vmem>> -> memref<80xi32, #tpu.memory_space<vmem>>
        %dma_wait3A_933 = arith.constant 0 : i32
        %dma_wait3A_934 = arith.constant 0 : i32
        %dma_wait3A_935 = tpu.memref_slice %arg10[%dma_wait3A_933, %dma_wait3A_934] : memref<10240x128xf32, #tpu.memory_space<vmem_shared>> -> memref<10240x128xf32, #tpu.memory_space<vmem_shared>>
        tpu.wait_indirect_dma semaphore(%run_scoped3A_897 : memref<!tpu.dma_semaphore, #tpu.memory_space<semaphore_mem>>) src(%dma_wait3A_920 : memref<80x128xf32, #tpu.memory_space<vmem>>) dst(%dma_wait3A_935 : memref<10240x128xf32, #tpu.memory_space<vmem_shared>>)
        tpu.yield
      }) : () -> ()
      %add3A_873 = arith.constant 3 : i32
      %add3A_874 = arith.addi %mul3A_794, %add3A_873 : i32
      %dma_start3A_875 = arith.constant 0 : i32
      %dma_start3A_876 = arith.constant 0 : i32
      %dma_start3A_877 = arith.constant 1 : i32
      %dma_start3A_878 = arith.constant 0 : i32
      %dma_start3A_879 = arith.constant 0 : i32
      %dma_start3A_880 = tpu.memref_slice %arg7[%dma_start3A_877, %dma_start3A_878, %dma_start3A_879] : memref<2x80x128xf32, #tpu.memory_space<vmem>> -> memref<1x80x128xf32, #tpu.memory_space<vmem>>
      %dma_start3A_881 = tpu.memref_squeeze %dma_start3A_880 : memref<1x80x128xf32, #tpu.memory_space<vmem>> -> memref<80x128xf32, #tpu.memory_space<vmem>>
      %dma_start3A_882 = arith.constant 0 : i32
      %dma_start3A_883 = arith.constant 0 : i32
      %dma_start3A_884 = arith.constant 0 : i32
      %dma_start3A_885 = tpu.memref_slice %arg6[%dma_start3A_875, %dma_start3A_882, %dma_start3A_883, %dma_start3A_884] : memref<2x2x25x80xi32, #tpu.memory_space<vmem>> -> memref<1x2x25x80xi32, #tpu.memory_space<vmem>>
      %dma_start3A_886 = tpu.memref_squeeze %dma_start3A_885 : memref<1x2x25x80xi32, #tpu.memory_space<vmem>> -> memref<2x25x80xi32, #tpu.memory_space<vmem>>
      %dma_start3A_887 = arith.constant 0 : i32
      %dma_start3A_888 = arith.constant 0 : i32
      %dma_start3A_889 = tpu.memref_slice %dma_start3A_886[%dma_start3A_876, %dma_start3A_887, %dma_start3A_888] : memref<2x25x80xi32, #tpu.memory_space<vmem>> -> memref<1x25x80xi32, #tpu.memory_space<vmem>>
      %dma_start3A_890 = tpu.memref_squeeze %dma_start3A_889 : memref<1x25x80xi32, #tpu.memory_space<vmem>> -> memref<25x80xi32, #tpu.memory_space<vmem>>
      %dma_start3A_891 = arith.constant 0 : i32
      %dma_start3A_892 = tpu.memref_slice %dma_start3A_890[%add3A_874, %dma_start3A_891] : memref<25x80xi32, #tpu.memory_space<vmem>> -> memref<1x80xi32, #tpu.memory_space<vmem>>
      %dma_start3A_893 = tpu.memref_squeeze %dma_start3A_892 : memref<1x80xi32, #tpu.memory_space<vmem>> -> memref<80xi32, #tpu.memory_space<vmem>>
      %dma_start3A_894 = arith.constant 0 : i32
      %dma_start3A_895 = arith.constant 0 : i32
      %dma_start3A_896 = tpu.memref_slice %arg2[%dma_start3A_894, %dma_start3A_895] : memref<10000x128xf32, #tpu.memory_space<hbm>> -> memref<10000x128xf32, #tpu.memory_space<hbm>>
      tpu.enqueue_indirect_dma source(%dma_start3A_896 : memref<10000x128xf32, #tpu.memory_space<hbm>>) target(%dma_start3A_881 : memref<80x128xf32, #tpu.memory_space<vmem>>) offsets(%dma_start3A_893 : memref<80xi32, #tpu.memory_space<vmem>>) semaphore(%arg9 : memref<!tpu.dma_semaphore, #tpu.memory_space<semaphore_mem>>)
    }
    %scan3A_684 = arith.constant 11 : i32
    %dma_wait3A_685 = arith.constant 0 : i32
    %dma_wait3A_686 = arith.constant 0 : i32
    %dma_wait3A_687 = arith.constant 0 : i32
    %dma_wait3A_688 = arith.constant 0 : i32
    %dma_wait3A_689 = arith.constant 0 : i32
    %dma_wait3A_690 = arith.constant 0 : i32
    %dma_wait3A_691 = tpu.memref_slice %arg7[%dma_wait3A_688, %dma_wait3A_689, %dma_wait3A_690] : memref<2x80x128xf32, #tpu.memory_space<vmem>> -> memref<1x80x128xf32, #tpu.memory_space<vmem>>
    %dma_wait3A_692 = tpu.memref_squeeze %dma_wait3A_691 : memref<1x80x128xf32, #tpu.memory_space<vmem>> -> memref<80x128xf32, #tpu.memory_space<vmem>>
    %dma_wait3A_693 = arith.constant 0 : i32
    %dma_wait3A_694 = arith.constant 0 : i32
    %dma_wait3A_695 = arith.constant 0 : i32
    %dma_wait3A_696 = tpu.memref_slice %arg6[%dma_wait3A_685, %dma_wait3A_693, %dma_wait3A_694, %dma_wait3A_695] : memref<2x2x25x80xi32, #tpu.memory_space<vmem>> -> memref<1x2x25x80xi32, #tpu.memory_space<vmem>>
    %dma_wait3A_697 = tpu.memref_squeeze %dma_wait3A_696 : memref<1x2x25x80xi32, #tpu.memory_space<vmem>> -> memref<2x25x80xi32, #tpu.memory_space<vmem>>
    %dma_wait3A_698 = arith.constant 0 : i32
    %dma_wait3A_699 = arith.constant 0 : i32
    %dma_wait3A_700 = tpu.memref_slice %dma_wait3A_697[%dma_wait3A_686, %dma_wait3A_698, %dma_wait3A_699] : memref<2x25x80xi32, #tpu.memory_space<vmem>> -> memref<1x25x80xi32, #tpu.memory_space<vmem>>
    %dma_wait3A_701 = tpu.memref_squeeze %dma_wait3A_700 : memref<1x25x80xi32, #tpu.memory_space<vmem>> -> memref<25x80xi32, #tpu.memory_space<vmem>>
    %dma_wait3A_702 = arith.constant 0 : i32
    %dma_wait3A_703 = tpu.memref_slice %dma_wait3A_701[%dma_wait3A_687, %dma_wait3A_702] : memref<25x80xi32, #tpu.memory_space<vmem>> -> memref<1x80xi32, #tpu.memory_space<vmem>>
    %dma_wait3A_704 = tpu.memref_squeeze %dma_wait3A_703 : memref<1x80xi32, #tpu.memory_space<vmem>> -> memref<80xi32, #tpu.memory_space<vmem>>
    %dma_wait3A_705 = arith.constant 0 : i32
    %dma_wait3A_706 = arith.constant 0 : i32
    %dma_wait3A_707 = tpu.memref_slice %arg2[%dma_wait3A_705, %dma_wait3A_706] : memref<10000x128xf32, #tpu.memory_space<hbm>> -> memref<10000x128xf32, #tpu.memory_space<hbm>>
    tpu.wait_indirect_dma semaphore(%arg8 : memref<!tpu.dma_semaphore, #tpu.memory_space<semaphore_mem>>) src(%dma_wait3A_707 : memref<10000x128xf32, #tpu.memory_space<hbm>>) dst(%dma_wait3A_692 : memref<80x128xf32, #tpu.memory_space<vmem>>)
    %run_scoped3A_708 = arith.constant 0 : i32
    %run_scoped3A_709 = arith.constant 0 : i32
    %run_scoped3A_710 = arith.constant 1 : i32
    %run_scoped3A_711 = arith.constant 22 : i32
    "tpu.region"() ({
      %run_scoped3A_792 = tpu.sem_alloc : memref<!tpu.dma_semaphore, #tpu.memory_space<semaphore_mem>>
      %dma_start3A_793 = arith.constant 0 : i32
      %dma_start3A_794 = arith.constant 0 : i32
      %dma_start3A_795 = tpu.memref_slice %arg7[%run_scoped3A_708, %dma_start3A_793, %dma_start3A_794] : memref<2x80x128xf32, #tpu.memory_space<vmem>> -> memref<1x80x128xf32, #tpu.memory_space<vmem>>
      %dma_start3A_796 = tpu.memref_squeeze %dma_start3A_795 : memref<1x80x128xf32, #tpu.memory_space<vmem>> -> memref<80x128xf32, #tpu.memory_space<vmem>>
      %dma_start3A_797 = arith.constant 0 : i32
      %dma_start3A_798 = arith.constant 0 : i32
      %dma_start3A_799 = arith.constant 0 : i32
      %dma_start3A_800 = tpu.memref_slice %arg6[%run_scoped3A_709, %dma_start3A_797, %dma_start3A_798, %dma_start3A_799] : memref<2x2x25x80xi32, #tpu.memory_space<vmem>> -> memref<1x2x25x80xi32, #tpu.memory_space<vmem>>
      %dma_start3A_801 = tpu.memref_squeeze %dma_start3A_800 : memref<1x2x25x80xi32, #tpu.memory_space<vmem>> -> memref<2x25x80xi32, #tpu.memory_space<vmem>>
      %dma_start3A_802 = arith.constant 0 : i32
      %dma_start3A_803 = arith.constant 0 : i32
      %dma_start3A_804 = tpu.memref_slice %dma_start3A_801[%run_scoped3A_710, %dma_start3A_802, %dma_start3A_803] : memref<2x25x80xi32, #tpu.memory_space<vmem>> -> memref<1x25x80xi32, #tpu.memory_space<vmem>>
      %dma_start3A_805 = tpu.memref_squeeze %dma_start3A_804 : memref<1x25x80xi32, #tpu.memory_space<vmem>> -> memref<25x80xi32, #tpu.memory_space<vmem>>
      %dma_start3A_806 = arith.constant 0 : i32
      %dma_start3A_807 = tpu.memref_slice %dma_start3A_805[%run_scoped3A_711, %dma_start3A_806] : memref<25x80xi32, #tpu.memory_space<vmem>> -> memref<1x80xi32, #tpu.memory_space<vmem>>
      %dma_start3A_808 = tpu.memref_squeeze %dma_start3A_807 : memref<1x80xi32, #tpu.memory_space<vmem>> -> memref<80xi32, #tpu.memory_space<vmem>>
      %dma_start3A_809 = arith.constant 0 : i32
      %dma_start3A_810 = arith.constant 0 : i32
      %dma_start3A_811 = tpu.memref_slice %arg10[%dma_start3A_809, %dma_start3A_810] : memref<10240x128xf32, #tpu.memory_space<vmem_shared>> -> memref<10240x128xf32, #tpu.memory_space<vmem_shared>>
      tpu.enqueue_indirect_dma source(%dma_start3A_796 : memref<80x128xf32, #tpu.memory_space<vmem>>) target(%dma_start3A_811 : memref<10240x128xf32, #tpu.memory_space<vmem_shared>>) offsets(%dma_start3A_808 : memref<80xi32, #tpu.memory_space<vmem>>) semaphore(%run_scoped3A_792 : memref<!tpu.dma_semaphore, #tpu.memory_space<semaphore_mem>>) {add = true}
      %dma_wait3A_812 = arith.constant 0 : i32
      %dma_wait3A_813 = arith.constant 0 : i32
      %dma_wait3A_814 = tpu.memref_slice %arg7[%run_scoped3A_708, %dma_wait3A_812, %dma_wait3A_813] : memref<2x80x128xf32, #tpu.memory_space<vmem>> -> memref<1x80x128xf32, #tpu.memory_space<vmem>>
      %dma_wait3A_815 = tpu.memref_squeeze %dma_wait3A_814 : memref<1x80x128xf32, #tpu.memory_space<vmem>> -> memref<80x128xf32, #tpu.memory_space<vmem>>
      %dma_wait3A_816 = arith.constant 0 : i32
      %dma_wait3A_817 = arith.constant 0 : i32
      %dma_wait3A_818 = arith.constant 0 : i32
      %dma_wait3A_819 = tpu.memref_slice %arg6[%run_scoped3A_709, %dma_wait3A_816, %dma_wait3A_817, %dma_wait3A_818] : memref<2x2x25x80xi32, #tpu.memory_space<vmem>> -> memref<1x2x25x80xi32, #tpu.memory_space<vmem>>
      %dma_wait3A_820 = tpu.memref_squeeze %dma_wait3A_819 : memref<1x2x25x80xi32, #tpu.memory_space<vmem>> -> memref<2x25x80xi32, #tpu.memory_space<vmem>>
      %dma_wait3A_821 = arith.constant 0 : i32
      %dma_wait3A_822 = arith.constant 0 : i32
      %dma_wait3A_823 = tpu.memref_slice %dma_wait3A_820[%run_scoped3A_710, %dma_wait3A_821, %dma_wait3A_822] : memref<2x25x80xi32, #tpu.memory_space<vmem>> -> memref<1x25x80xi32, #tpu.memory_space<vmem>>
      %dma_wait3A_824 = tpu.memref_squeeze %dma_wait3A_823 : memref<1x25x80xi32, #tpu.memory_space<vmem>> -> memref<25x80xi32, #tpu.memory_space<vmem>>
      %dma_wait3A_825 = arith.constant 0 : i32
      %dma_wait3A_826 = tpu.memref_slice %dma_wait3A_824[%run_scoped3A_711, %dma_wait3A_825] : memref<25x80xi32, #tpu.memory_space<vmem>> -> memref<1x80xi32, #tpu.memory_space<vmem>>
      %dma_wait3A_827 = tpu.memref_squeeze %dma_wait3A_826 : memref<1x80xi32, #tpu.memory_space<vmem>> -> memref<80xi32, #tpu.memory_space<vmem>>
      %dma_wait3A_828 = arith.constant 0 : i32
      %dma_wait3A_829 = arith.constant 0 : i32
      %dma_wait3A_830 = tpu.memref_slice %arg10[%dma_wait3A_828, %dma_wait3A_829] : memref<10240x128xf32, #tpu.memory_space<vmem_shared>> -> memref<10240x128xf32, #tpu.memory_space<vmem_shared>>
      tpu.wait_indirect_dma semaphore(%run_scoped3A_792 : memref<!tpu.dma_semaphore, #tpu.memory_space<semaphore_mem>>) src(%dma_wait3A_815 : memref<80x128xf32, #tpu.memory_space<vmem>>) dst(%dma_wait3A_830 : memref<10240x128xf32, #tpu.memory_space<vmem_shared>>)
      tpu.yield
    }) : () -> ()
    %dma_start3A_712 = arith.constant 0 : i32
    %dma_start3A_713 = arith.constant 0 : i32
    %dma_start3A_714 = arith.constant 24 : i32
    %dma_start3A_715 = arith.constant 0 : i32
    %dma_start3A_716 = arith.constant 0 : i32
    %dma_start3A_717 = arith.constant 0 : i32
    %dma_start3A_718 = tpu.memref_slice %arg7[%dma_start3A_715, %dma_start3A_716, %dma_start3A_717] : memref<2x80x128xf32, #tpu.memory_space<vmem>> -> memref<1x80x128xf32, #tpu.memory_space<vmem>>
    %dma_start3A_719 = tpu.memref_squeeze %dma_start3A_718 : memref<1x80x128xf32, #tpu.memory_space<vmem>> -> memref<80x128xf32, #tpu.memory_space<vmem>>
    %dma_start3A_720 = arith.constant 0 : i32
    %dma_start3A_721 = arith.constant 0 : i32
    %dma_start3A_722 = arith.constant 0 : i32
    %dma_start3A_723 = tpu.memref_slice %arg6[%dma_start3A_712, %dma_start3A_720, %dma_start3A_721, %dma_start3A_722] : memref<2x2x25x80xi32, #tpu.memory_space<vmem>> -> memref<1x2x25x80xi32, #tpu.memory_space<vmem>>
    %dma_start3A_724 = tpu.memref_squeeze %dma_start3A_723 : memref<1x2x25x80xi32, #tpu.memory_space<vmem>> -> memref<2x25x80xi32, #tpu.memory_space<vmem>>
    %dma_start3A_725 = arith.constant 0 : i32
    %dma_start3A_726 = arith.constant 0 : i32
    %dma_start3A_727 = tpu.memref_slice %dma_start3A_724[%dma_start3A_713, %dma_start3A_725, %dma_start3A_726] : memref<2x25x80xi32, #tpu.memory_space<vmem>> -> memref<1x25x80xi32, #tpu.memory_space<vmem>>
    %dma_start3A_728 = tpu.memref_squeeze %dma_start3A_727 : memref<1x25x80xi32, #tpu.memory_space<vmem>> -> memref<25x80xi32, #tpu.memory_space<vmem>>
    %dma_start3A_729 = arith.constant 0 : i32
    %dma_start3A_730 = tpu.memref_slice %dma_start3A_728[%dma_start3A_714, %dma_start3A_729] : memref<25x80xi32, #tpu.memory_space<vmem>> -> memref<1x80xi32, #tpu.memory_space<vmem>>
    %dma_start3A_731 = tpu.memref_squeeze %dma_start3A_730 : memref<1x80xi32, #tpu.memory_space<vmem>> -> memref<80xi32, #tpu.memory_space<vmem>>
    %dma_start3A_732 = arith.constant 0 : i32
    %dma_start3A_733 = arith.constant 0 : i32
    %dma_start3A_734 = tpu.memref_slice %arg2[%dma_start3A_732, %dma_start3A_733] : memref<10000x128xf32, #tpu.memory_space<hbm>> -> memref<10000x128xf32, #tpu.memory_space<hbm>>
    tpu.enqueue_indirect_dma source(%dma_start3A_734 : memref<10000x128xf32, #tpu.memory_space<hbm>>) target(%dma_start3A_719 : memref<80x128xf32, #tpu.memory_space<vmem>>) offsets(%dma_start3A_731 : memref<80xi32, #tpu.memory_space<vmem>>) semaphore(%arg8 : memref<!tpu.dma_semaphore, #tpu.memory_space<semaphore_mem>>)
    %dma_wait3A_735 = arith.constant 0 : i32
    %dma_wait3A_736 = arith.constant 0 : i32
    %dma_wait3A_737 = arith.constant 0 : i32
    %dma_wait3A_738 = arith.constant 0 : i32
    %dma_wait3A_739 = arith.constant 0 : i32
    %dma_wait3A_740 = arith.constant 0 : i32
    %dma_wait3A_741 = tpu.memref_slice %arg7[%dma_wait3A_738, %dma_wait3A_739, %dma_wait3A_740] : memref<2x80x128xf32, #tpu.memory_space<vmem>> -> memref<1x80x128xf32, #tpu.memory_space<vmem>>
    %dma_wait3A_742 = tpu.memref_squeeze %dma_wait3A_741 : memref<1x80x128xf32, #tpu.memory_space<vmem>> -> memref<80x128xf32, #tpu.memory_space<vmem>>
    %dma_wait3A_743 = arith.constant 0 : i32
    %dma_wait3A_744 = arith.constant 0 : i32
    %dma_wait3A_745 = arith.constant 0 : i32
    %dma_wait3A_746 = tpu.memref_slice %arg6[%dma_wait3A_735, %dma_wait3A_743, %dma_wait3A_744, %dma_wait3A_745] : memref<2x2x25x80xi32, #tpu.memory_space<vmem>> -> memref<1x2x25x80xi32, #tpu.memory_space<vmem>>
    %dma_wait3A_747 = tpu.memref_squeeze %dma_wait3A_746 : memref<1x2x25x80xi32, #tpu.memory_space<vmem>> -> memref<2x25x80xi32, #tpu.memory_space<vmem>>
    %dma_wait3A_748 = arith.constant 0 : i32
    %dma_wait3A_749 = arith.constant 0 : i32
    %dma_wait3A_750 = tpu.memref_slice %dma_wait3A_747[%dma_wait3A_736, %dma_wait3A_748, %dma_wait3A_749] : memref<2x25x80xi32, #tpu.memory_space<vmem>> -> memref<1x25x80xi32, #tpu.memory_space<vmem>>
    %dma_wait3A_751 = tpu.memref_squeeze %dma_wait3A_750 : memref<1x25x80xi32, #tpu.memory_space<vmem>> -> memref<25x80xi32, #tpu.memory_space<vmem>>
    %dma_wait3A_752 = arith.constant 0 : i32
    %dma_wait3A_753 = tpu.memref_slice %dma_wait3A_751[%dma_wait3A_737, %dma_wait3A_752] : memref<25x80xi32, #tpu.memory_space<vmem>> -> memref<1x80xi32, #tpu.memory_space<vmem>>
    %dma_wait3A_754 = tpu.memref_squeeze %dma_wait3A_753 : memref<1x80xi32, #tpu.memory_space<vmem>> -> memref<80xi32, #tpu.memory_space<vmem>>
    %dma_wait3A_755 = arith.constant 0 : i32
    %dma_wait3A_756 = arith.constant 0 : i32
    %dma_wait3A_757 = tpu.memref_slice %arg2[%dma_wait3A_755, %dma_wait3A_756] : memref<10000x128xf32, #tpu.memory_space<hbm>> -> memref<10000x128xf32, #tpu.memory_space<hbm>>
    tpu.wait_indirect_dma semaphore(%arg9 : memref<!tpu.dma_semaphore, #tpu.memory_space<semaphore_mem>>) src(%dma_wait3A_757 : memref<10000x128xf32, #tpu.memory_space<hbm>>) dst(%dma_wait3A_742 : memref<80x128xf32, #tpu.memory_space<vmem>>)
    %run_scoped3A_758 = arith.constant 1 : i32
    %run_scoped3A_759 = arith.constant 0 : i32
    %run_scoped3A_760 = arith.constant 1 : i32
    %run_scoped3A_761 = arith.constant 23 : i32
    "tpu.region"() ({
      %run_scoped3A_792 = tpu.sem_alloc : memref<!tpu.dma_semaphore, #tpu.memory_space<semaphore_mem>>
      %dma_start3A_793 = arith.constant 0 : i32
      %dma_start3A_794 = arith.constant 0 : i32
      %dma_start3A_795 = tpu.memref_slice %arg7[%run_scoped3A_758, %dma_start3A_793, %dma_start3A_794] : memref<2x80x128xf32, #tpu.memory_space<vmem>> -> memref<1x80x128xf32, #tpu.memory_space<vmem>>
      %dma_start3A_796 = tpu.memref_squeeze %dma_start3A_795 : memref<1x80x128xf32, #tpu.memory_space<vmem>> -> memref<80x128xf32, #tpu.memory_space<vmem>>
      %dma_start3A_797 = arith.constant 0 : i32
      %dma_start3A_798 = arith.constant 0 : i32
      %dma_start3A_799 = arith.constant 0 : i32
      %dma_start3A_800 = tpu.memref_slice %arg6[%run_scoped3A_759, %dma_start3A_797, %dma_start3A_798, %dma_start3A_799] : memref<2x2x25x80xi32, #tpu.memory_space<vmem>> -> memref<1x2x25x80xi32, #tpu.memory_space<vmem>>
      %dma_start3A_801 = tpu.memref_squeeze %dma_start3A_800 : memref<1x2x25x80xi32, #tpu.memory_space<vmem>> -> memref<2x25x80xi32, #tpu.memory_space<vmem>>
      %dma_start3A_802 = arith.constant 0 : i32
      %dma_start3A_803 = arith.constant 0 : i32
      %dma_start3A_804 = tpu.memref_slice %dma_start3A_801[%run_scoped3A_760, %dma_start3A_802, %dma_start3A_803] : memref<2x25x80xi32, #tpu.memory_space<vmem>> -> memref<1x25x80xi32, #tpu.memory_space<vmem>>
      %dma_start3A_805 = tpu.memref_squeeze %dma_start3A_804 : memref<1x25x80xi32, #tpu.memory_space<vmem>> -> memref<25x80xi32, #tpu.memory_space<vmem>>
      %dma_start3A_806 = arith.constant 0 : i32
      %dma_start3A_807 = tpu.memref_slice %dma_start3A_805[%run_scoped3A_761, %dma_start3A_806] : memref<25x80xi32, #tpu.memory_space<vmem>> -> memref<1x80xi32, #tpu.memory_space<vmem>>
      %dma_start3A_808 = tpu.memref_squeeze %dma_start3A_807 : memref<1x80xi32, #tpu.memory_space<vmem>> -> memref<80xi32, #tpu.memory_space<vmem>>
      %dma_start3A_809 = arith.constant 0 : i32
      %dma_start3A_810 = arith.constant 0 : i32
      %dma_start3A_811 = tpu.memref_slice %arg10[%dma_start3A_809, %dma_start3A_810] : memref<10240x128xf32, #tpu.memory_space<vmem_shared>> -> memref<10240x128xf32, #tpu.memory_space<vmem_shared>>
      tpu.enqueue_indirect_dma source(%dma_start3A_796 : memref<80x128xf32, #tpu.memory_space<vmem>>) target(%dma_start3A_811 : memref<10240x128xf32, #tpu.memory_space<vmem_shared>>) offsets(%dma_start3A_808 : memref<80xi32, #tpu.memory_space<vmem>>) semaphore(%run_scoped3A_792 : memref<!tpu.dma_semaphore, #tpu.memory_space<semaphore_mem>>) {add = true}
      %dma_wait3A_812 = arith.constant 0 : i32
      %dma_wait3A_813 = arith.constant 0 : i32
      %dma_wait3A_814 = tpu.memref_slice %arg7[%run_scoped3A_758, %dma_wait3A_812, %dma_wait3A_813] : memref<2x80x128xf32, #tpu.memory_space<vmem>> -> memref<1x80x128xf32, #tpu.memory_space<vmem>>
      %dma_wait3A_815 = tpu.memref_squeeze %dma_wait3A_814 : memref<1x80x128xf32, #tpu.memory_space<vmem>> -> memref<80x128xf32, #tpu.memory_space<vmem>>
      %dma_wait3A_816 = arith.constant 0 : i32
      %dma_wait3A_817 = arith.constant 0 : i32
      %dma_wait3A_818 = arith.constant 0 : i32
      %dma_wait3A_819 = tpu.memref_slice %arg6[%run_scoped3A_759, %dma_wait3A_816, %dma_wait3A_817, %dma_wait3A_818] : memref<2x2x25x80xi32, #tpu.memory_space<vmem>> -> memref<1x2x25x80xi32, #tpu.memory_space<vmem>>
      %dma_wait3A_820 = tpu.memref_squeeze %dma_wait3A_819 : memref<1x2x25x80xi32, #tpu.memory_space<vmem>> -> memref<2x25x80xi32, #tpu.memory_space<vmem>>
      %dma_wait3A_821 = arith.constant 0 : i32
      %dma_wait3A_822 = arith.constant 0 : i32
      %dma_wait3A_823 = tpu.memref_slice %dma_wait3A_820[%run_scoped3A_760, %dma_wait3A_821, %dma_wait3A_822] : memref<2x25x80xi32, #tpu.memory_space<vmem>> -> memref<1x25x80xi32, #tpu.memory_space<vmem>>
      %dma_wait3A_824 = tpu.memref_squeeze %dma_wait3A_823 : memref<1x25x80xi32, #tpu.memory_space<vmem>> -> memref<25x80xi32, #tpu.memory_space<vmem>>
      %dma_wait3A_825 = arith.constant 0 : i32
      %dma_wait3A_826 = tpu.memref_slice %dma_wait3A_824[%run_scoped3A_761, %dma_wait3A_825] : memref<25x80xi32, #tpu.memory_space<vmem>> -> memref<1x80xi32, #tpu.memory_space<vmem>>
      %dma_wait3A_827 = tpu.memref_squeeze %dma_wait3A_826 : memref<1x80xi32, #tpu.memory_space<vmem>> -> memref<80xi32, #tpu.memory_space<vmem>>
      %dma_wait3A_828 = arith.constant 0 : i32
      %dma_wait3A_829 = arith.constant 0 : i32
      %dma_wait3A_830 = tpu.memref_slice %arg10[%dma_wait3A_828, %dma_wait3A_829] : memref<10240x128xf32, #tpu.memory_space<vmem_shared>> -> memref<10240x128xf32, #tpu.memory_space<vmem_shared>>
      tpu.wait_indirect_dma semaphore(%run_scoped3A_792 : memref<!tpu.dma_semaphore, #tpu.memory_space<semaphore_mem>>) src(%dma_wait3A_815 : memref<80x128xf32, #tpu.memory_space<vmem>>) dst(%dma_wait3A_830 : memref<10240x128xf32, #tpu.memory_space<vmem_shared>>)
      tpu.yield
    }) : () -> ()
    %dma_wait3A_762 = arith.constant 0 : i32
    %dma_wait3A_763 = arith.constant 0 : i32
    %dma_wait3A_764 = arith.constant 0 : i32
    %dma_wait3A_765 = arith.constant 0 : i32
    %dma_wait3A_766 = arith.constant 0 : i32
    %dma_wait3A_767 = arith.constant 0 : i32
    %dma_wait3A_768 = tpu.memref_slice %arg7[%dma_wait3A_765, %dma_wait3A_766, %dma_wait3A_767] : memref<2x80x128xf32, #tpu.memory_space<vmem>> -> memref<1x80x128xf32, #tpu.memory_space<vmem>>
    %dma_wait3A_769 = tpu.memref_squeeze %dma_wait3A_768 : memref<1x80x128xf32, #tpu.memory_space<vmem>> -> memref<80x128xf32, #tpu.memory_space<vmem>>
    %dma_wait3A_770 = arith.constant 0 : i32
    %dma_wait3A_771 = arith.constant 0 : i32
    %dma_wait3A_772 = arith.constant 0 : i32
    %dma_wait3A_773 = tpu.memref_slice %arg6[%dma_wait3A_762, %dma_wait3A_770, %dma_wait3A_771, %dma_wait3A_772] : memref<2x2x25x80xi32, #tpu.memory_space<vmem>> -> memref<1x2x25x80xi32, #tpu.memory_space<vmem>>
    %dma_wait3A_774 = tpu.memref_squeeze %dma_wait3A_773 : memref<1x2x25x80xi32, #tpu.memory_space<vmem>> -> memref<2x25x80xi32, #tpu.memory_space<vmem>>
    %dma_wait3A_775 = arith.constant 0 : i32
    %dma_wait3A_776 = arith.constant 0 : i32
    %dma_wait3A_777 = tpu.memref_slice %dma_wait3A_774[%dma_wait3A_763, %dma_wait3A_775, %dma_wait3A_776] : memref<2x25x80xi32, #tpu.memory_space<vmem>> -> memref<1x25x80xi32, #tpu.memory_space<vmem>>
    %dma_wait3A_778 = tpu.memref_squeeze %dma_wait3A_777 : memref<1x25x80xi32, #tpu.memory_space<vmem>> -> memref<25x80xi32, #tpu.memory_space<vmem>>
    %dma_wait3A_779 = arith.constant 0 : i32
    %dma_wait3A_780 = tpu.memref_slice %dma_wait3A_778[%dma_wait3A_764, %dma_wait3A_779] : memref<25x80xi32, #tpu.memory_space<vmem>> -> memref<1x80xi32, #tpu.memory_space<vmem>>
    %dma_wait3A_781 = tpu.memref_squeeze %dma_wait3A_780 : memref<1x80xi32, #tpu.memory_space<vmem>> -> memref<80xi32, #tpu.memory_space<vmem>>
    %dma_wait3A_782 = arith.constant 0 : i32
    %dma_wait3A_783 = arith.constant 0 : i32
    %dma_wait3A_784 = tpu.memref_slice %arg2[%dma_wait3A_782, %dma_wait3A_783] : memref<10000x128xf32, #tpu.memory_space<hbm>> -> memref<10000x128xf32, #tpu.memory_space<hbm>>
    tpu.wait_indirect_dma semaphore(%arg8 : memref<!tpu.dma_semaphore, #tpu.memory_space<semaphore_mem>>) src(%dma_wait3A_784 : memref<10000x128xf32, #tpu.memory_space<hbm>>) dst(%dma_wait3A_769 : memref<80x128xf32, #tpu.memory_space<vmem>>)
    %run_scoped3A_785 = arith.constant 0 : i32
    %run_scoped3A_786 = arith.constant 0 : i32
    %run_scoped3A_787 = arith.constant 1 : i32
    %run_scoped3A_788 = arith.constant 24 : i32
    "tpu.region"() ({
      %run_scoped3A_792 = tpu.sem_alloc : memref<!tpu.dma_semaphore, #tpu.memory_space<semaphore_mem>>
      %dma_start3A_793 = arith.constant 0 : i32
      %dma_start3A_794 = arith.constant 0 : i32
      %dma_start3A_795 = tpu.memref_slice %arg7[%run_scoped3A_785, %dma_start3A_793, %dma_start3A_794] : memref<2x80x128xf32, #tpu.memory_space<vmem>> -> memref<1x80x128xf32, #tpu.memory_space<vmem>>
      %dma_start3A_796 = tpu.memref_squeeze %dma_start3A_795 : memref<1x80x128xf32, #tpu.memory_space<vmem>> -> memref<80x128xf32, #tpu.memory_space<vmem>>
      %dma_start3A_797 = arith.constant 0 : i32
      %dma_start3A_798 = arith.constant 0 : i32
      %dma_start3A_799 = arith.constant 0 : i32
      %dma_start3A_800 = tpu.memref_slice %arg6[%run_scoped3A_786, %dma_start3A_797, %dma_start3A_798, %dma_start3A_799] : memref<2x2x25x80xi32, #tpu.memory_space<vmem>> -> memref<1x2x25x80xi32, #tpu.memory_space<vmem>>
      %dma_start3A_801 = tpu.memref_squeeze %dma_start3A_800 : memref<1x2x25x80xi32, #tpu.memory_space<vmem>> -> memref<2x25x80xi32, #tpu.memory_space<vmem>>
      %dma_start3A_802 = arith.constant 0 : i32
      %dma_start3A_803 = arith.constant 0 : i32
      %dma_start3A_804 = tpu.memref_slice %dma_start3A_801[%run_scoped3A_787, %dma_start3A_802, %dma_start3A_803] : memref<2x25x80xi32, #tpu.memory_space<vmem>> -> memref<1x25x80xi32, #tpu.memory_space<vmem>>
      %dma_start3A_805 = tpu.memref_squeeze %dma_start3A_804 : memref<1x25x80xi32, #tpu.memory_space<vmem>> -> memref<25x80xi32, #tpu.memory_space<vmem>>
      %dma_start3A_806 = arith.constant 0 : i32
      %dma_start3A_807 = tpu.memref_slice %dma_start3A_805[%run_scoped3A_788, %dma_start3A_806] : memref<25x80xi32, #tpu.memory_space<vmem>> -> memref<1x80xi32, #tpu.memory_space<vmem>>
      %dma_start3A_808 = tpu.memref_squeeze %dma_start3A_807 : memref<1x80xi32, #tpu.memory_space<vmem>> -> memref<80xi32, #tpu.memory_space<vmem>>
      %dma_start3A_809 = arith.constant 0 : i32
      %dma_start3A_810 = arith.constant 0 : i32
      %dma_start3A_811 = tpu.memref_slice %arg10[%dma_start3A_809, %dma_start3A_810] : memref<10240x128xf32, #tpu.memory_space<vmem_shared>> -> memref<10240x128xf32, #tpu.memory_space<vmem_shared>>
      tpu.enqueue_indirect_dma source(%dma_start3A_796 : memref<80x128xf32, #tpu.memory_space<vmem>>) target(%dma_start3A_811 : memref<10240x128xf32, #tpu.memory_space<vmem_shared>>) offsets(%dma_start3A_808 : memref<80xi32, #tpu.memory_space<vmem>>) semaphore(%run_scoped3A_792 : memref<!tpu.dma_semaphore, #tpu.memory_space<semaphore_mem>>) {add = true}
      %dma_wait3A_812 = arith.constant 0 : i32
      %dma_wait3A_813 = arith.constant 0 : i32
      %dma_wait3A_814 = tpu.memref_slice %arg7[%run_scoped3A_785, %dma_wait3A_812, %dma_wait3A_813] : memref<2x80x128xf32, #tpu.memory_space<vmem>> -> memref<1x80x128xf32, #tpu.memory_space<vmem>>
      %dma_wait3A_815 = tpu.memref_squeeze %dma_wait3A_814 : memref<1x80x128xf32, #tpu.memory_space<vmem>> -> memref<80x128xf32, #tpu.memory_space<vmem>>
      %dma_wait3A_816 = arith.constant 0 : i32
      %dma_wait3A_817 = arith.constant 0 : i32
      %dma_wait3A_818 = arith.constant 0 : i32
      %dma_wait3A_819 = tpu.memref_slice %arg6[%run_scoped3A_786, %dma_wait3A_816, %dma_wait3A_817, %dma_wait3A_818] : memref<2x2x25x80xi32, #tpu.memory_space<vmem>> -> memref<1x2x25x80xi32, #tpu.memory_space<vmem>>
      %dma_wait3A_820 = tpu.memref_squeeze %dma_wait3A_819 : memref<1x2x25x80xi32, #tpu.memory_space<vmem>> -> memref<2x25x80xi32, #tpu.memory_space<vmem>>
      %dma_wait3A_821 = arith.constant 0 : i32
      %dma_wait3A_822 = arith.constant 0 : i32
      %dma_wait3A_823 = tpu.memref_slice %dma_wait3A_820[%run_scoped3A_787, %dma_wait3A_821, %dma_wait3A_822] : memref<2x25x80xi32, #tpu.memory_space<vmem>> -> memref<1x25x80xi32, #tpu.memory_space<vmem>>
      %dma_wait3A_824 = tpu.memref_squeeze %dma_wait3A_823 : memref<1x25x80xi32, #tpu.memory_space<vmem>> -> memref<25x80xi32, #tpu.memory_space<vmem>>
      %dma_wait3A_825 = arith.constant 0 : i32
      %dma_wait3A_826 = tpu.memref_slice %dma_wait3A_824[%run_scoped3A_788, %dma_wait3A_825] : memref<25x80xi32, #tpu.memory_space<vmem>> -> memref<1x80xi32, #tpu.memory_space<vmem>>
      %dma_wait3A_827 = tpu.memref_squeeze %dma_wait3A_826 : memref<1x80xi32, #tpu.memory_space<vmem>> -> memref<80xi32, #tpu.memory_space<vmem>>
      %dma_wait3A_828 = arith.constant 0 : i32
      %dma_wait3A_829 = arith.constant 0 : i32
      %dma_wait3A_830 = tpu.memref_slice %arg10[%dma_wait3A_828, %dma_wait3A_829] : memref<10240x128xf32, #tpu.memory_space<vmem_shared>> -> memref<10240x128xf32, #tpu.memory_space<vmem_shared>>
      tpu.wait_indirect_dma semaphore(%run_scoped3A_792 : memref<!tpu.dma_semaphore, #tpu.memory_space<semaphore_mem>>) src(%dma_wait3A_815 : memref<80x128xf32, #tpu.memory_space<vmem>>) dst(%dma_wait3A_830 : memref<10240x128xf32, #tpu.memory_space<vmem_shared>>)
      tpu.yield
    }) : () -> ()
    %barrier3A_789 = arith.constant 0 : index
    tpu.barrier barrier_id(%barrier3A_789)
    %mul3A_790 = arith.constant 640 : i32
    %mul3A_791 = arith.muli %arg1, %mul3A_790 : i32
    "tpu.region"() ({
      %run_scoped3A_792 = tpu.sem_alloc : memref<!tpu.dma_semaphore, #tpu.memory_space<semaphore_mem>>
      %dma_start3A_793 = arith.constant 0 : i32
      %dma_start3A_794 = arith.constant 0 : i32
      %dma_start3A_795 = tpu.memref_slice %arg5[%arg0, %arg1, %dma_start3A_793, %dma_start3A_794] : memref<2x16x640x128xf32, #tpu.memory_space<hbm>> -> memref<1x1x640x128xf32, #tpu.memory_space<hbm>>
      %dma_start3A_796 = tpu.memref_squeeze %dma_start3A_795 : memref<1x1x640x128xf32, #tpu.memory_space<hbm>> -> memref<640x128xf32, #tpu.memory_space<hbm>>
      %dma_start3A_797 = arith.constant 0 : i32
      %dma_start3A_798 = tpu.memref_slice %arg10[%mul3A_791, %dma_start3A_797] : memref<10240x128xf32, #tpu.memory_space<vmem_shared>> -> memref<640x128xf32, #tpu.memory_space<vmem_shared>>
      tpu.enqueue_dma source(%dma_start3A_798 : memref<640x128xf32, #tpu.memory_space<vmem_shared>>) target(%dma_start3A_796 : memref<640x128xf32, #tpu.memory_space<hbm>>) target_semaphore(%run_scoped3A_792 : memref<!tpu.dma_semaphore, #tpu.memory_space<semaphore_mem>>)
      %dma_wait3A_799 = arith.constant 0 : i32
      %dma_wait3A_800 = arith.constant 0 : i32
      %dma_wait3A_801 = tpu.memref_slice %arg5[%arg0, %arg1, %dma_wait3A_799, %dma_wait3A_800] : memref<2x16x640x128xf32, #tpu.memory_space<hbm>> -> memref<1x1x640x128xf32, #tpu.memory_space<hbm>>
      %dma_wait3A_802 = tpu.memref_squeeze %dma_wait3A_801 : memref<1x1x640x128xf32, #tpu.memory_space<hbm>> -> memref<640x128xf32, #tpu.memory_space<hbm>>
      %dma_wait3A_803 = arith.constant 0 : i32
      %dma_wait3A_804 = tpu.memref_slice %arg10[%mul3A_791, %dma_wait3A_803] : memref<10240x128xf32, #tpu.memory_space<vmem_shared>> -> memref<640x128xf32, #tpu.memory_space<vmem_shared>>
      tpu.wait_dma2 semaphore(%run_scoped3A_792 : memref<!tpu.dma_semaphore, #tpu.memory_space<semaphore_mem>>) src(%dma_wait3A_804 : memref<640x128xf32, #tpu.memory_space<vmem_shared>>) dst(%dma_wait3A_802 : memref<640x128xf32, #tpu.memory_space<hbm>>)
      tpu.yield
    }) : () -> ()
    return
  }
}

module attributes {stable_mosaic.version = 14 : i64} {
  func.func @_tc_body(%arg0: i32, %arg1: memref<2000x128xf32, #tpu.memory_space<vmem>>, %arg2: memref<2x2000x128xf32, #tpu.memory_space<vmem>>, %arg3: memref<2000x1xf32, #tpu.memory_space<vmem>>, %arg4: memref<3x128x128xf32, #tpu.memory_space<vmem>>, %arg5: memref<3x8x128xf32, #tpu.memory_space<vmem>>, %arg6: memref<3x128x128xf32, #tpu.memory_space<vmem>>, %arg7: memref<3x8x128xf32, #tpu.memory_space<vmem>>, %arg8: memref<384x384xf32, #tpu.memory_space<vmem>>, %arg9: memref<8x384xf32, #tpu.memory_space<vmem>>, %arg10: memref<384x10xf32, #tpu.memory_space<vmem>>, %arg11: memref<8x10xf32, #tpu.memory_space<vmem>>, %arg12: memref<2000x128xf32, #tpu.memory_space<vmem>>, %arg13: memref<64x10xf32, #tpu.memory_space<vmem>>, %arg14: memref<64x384xf32, #tpu.memory_space<vmem>>) attributes {dimension_semantics = [#tpu.dimension_semantics<arbitrary>], iteration_bounds = array<i64: 5>, scalar_prefetch = 0 : i64, scratch_operands = 1 : i64, tpu.core_type = #tpu.core_type<tc>, window_params = [{transform_indices = @transform_0, window_bounds = array<i64: 2000, 128>}, {transform_indices = @transform_1, window_bounds = array<i64: 2, 2000, 128>}, {transform_indices = @transform_2, window_bounds = array<i64: 2000, 1>}, {pipeline_mode = #tpu.pipeline_mode<synchronous>, transform_indices = @transform_3, window_bounds = array<i64: 3, 128, 128>}, {pipeline_mode = #tpu.pipeline_mode<synchronous>, transform_indices = @transform_4, window_bounds = array<i64: 3, 8, 128>}, {pipeline_mode = #tpu.pipeline_mode<synchronous>, transform_indices = @transform_5, window_bounds = array<i64: 3, 128, 128>}, {pipeline_mode = #tpu.pipeline_mode<synchronous>, transform_indices = @transform_6, window_bounds = array<i64: 3, 8, 128>}, {pipeline_mode = #tpu.pipeline_mode<synchronous>, transform_indices = @transform_7, window_bounds = array<i64: 384, 384>}, {pipeline_mode = #tpu.pipeline_mode<synchronous>, transform_indices = @transform_8, window_bounds = array<i64: 8, 384>}, {pipeline_mode = #tpu.pipeline_mode<synchronous>, transform_indices = @transform_9, window_bounds = array<i64: 384, 10>}, {pipeline_mode = #tpu.pipeline_mode<synchronous>, transform_indices = @transform_10, window_bounds = array<i64: 8, 10>}, {transform_indices = @transform_11, window_bounds = array<i64: 2000, 128>}, {pipeline_mode = #tpu.pipeline_mode<synchronous>, transform_indices = @transform_12, window_bounds = array<i64: 64, 10>}]} {
    %eq3A = arith.constant 0 : i32
    %eq3A_0 = arith.cmpi eq, %arg0, %eq3A : i32
    %convert_element_type3A = arith.extui %eq3A_0 : i1 to i32
    %cond3A = arith.constant 0 : i32
    %cond3A_1 = arith.cmpi ne, %convert_element_type3A, %cond3A : i32
    scf.if %cond3A_1 {
      %broadcast_in_dim3A_162 = arith.constant 0.000000e+00 : f32
      %broadcast_in_dim3A_163 = vector.broadcast %broadcast_in_dim3A_162 : f32 to vector<64x384xf32>
      %swap3A_164 = arith.constant 0 : index
      %swap3A_165 = arith.constant 0 : index
      %swap3A_166 = vector.load %arg14[%swap3A_164, %swap3A_165] : memref<64x384xf32, #tpu.memory_space<vmem>>, vector<64x384xf32>
      tpu.vector_store %arg14[%swap3A_164, %swap3A_165], %broadcast_in_dim3A_163 {strides = array<i32>} : memref<64x384xf32, #tpu.memory_space<vmem>>, vector<64x384xf32>,
    } else {
    }
    %get3A = arith.constant 0 : index
    %get3A_2 = arith.constant 0 : index
    %get3A_3 = vector.load %arg1[%get3A, %get3A_2] : memref<2000x128xf32, #tpu.memory_space<vmem>>, vector<2000x128xf32>
    %get3A_4 = arith.constant 0 : index
    %get3A_5 = arith.constant 0 : index
    %get3A_6 = arith.constant 0 : index
    %get3A_7 = vector.load %arg2[%get3A_4, %get3A_5, %get3A_6] : memref<2x2000x128xf32, #tpu.memory_space<vmem>>, vector<1x2000x128xf32>
    %get3A_8 = vector.shape_cast %get3A_7 : vector<1x2000x128xf32> to vector<2000x128xf32>
    %add3A = arith.addf %get3A_3, %get3A_8 : vector<2000x128xf32>
    %get3A_9 = arith.constant 1 : index
    %get3A_10 = arith.constant 0 : index
    %get3A_11 = arith.constant 0 : index
    %get3A_12 = vector.load %arg2[%get3A_9, %get3A_10, %get3A_11] : memref<2x2000x128xf32, #tpu.memory_space<vmem>>, vector<1x2000x128xf32>
    %get3A_13 = vector.shape_cast %get3A_12 : vector<1x2000x128xf32> to vector<2000x128xf32>
    %add3A_14 = arith.addf %add3A, %get3A_13 : vector<2000x128xf32>
    %iota3A = tpu.iota {dimensions = array<i32: 1>} : vector<2000x64xi32>
    %convert_element_type3A_15 = arith.sitofp %iota3A : vector<2000x64xi32> to vector<2000x64xf32>
    %get3A_16 = arith.constant 0 : index
    %get3A_17 = arith.constant 0 : index
    %get3A_18 = vector.load %arg3[%get3A_16, %get3A_17] : memref<2000x1xf32, #tpu.memory_space<vmem>>, vector<2000x1xf32>
    %eq3A_19 = vector.broadcast %get3A_18 : vector<2000x1xf32> to vector<2000x64xf32>
    %eq3A_20 = arith.cmpf oeq, %eq3A_19, %convert_element_type3A_15 : vector<2000x64xf32>
    %convert_element_type3A_21 = arith.extui %eq3A_20 : vector<2000x64xi1> to vector<2000x64xi32>
    %convert_element_type3A_22 = arith.sitofp %convert_element_type3A_21 : vector<2000x64xi32> to vector<2000x64xf32>
    %get3A_23 = arith.constant 0 : index
    %get3A_24 = arith.constant 0 : index
    %get3A_25 = arith.constant 0 : index
    %get3A_26 = vector.load %arg4[%get3A_23, %get3A_24, %get3A_25] : memref<3x128x128xf32, #tpu.memory_space<vmem>>, vector<1x128x128xf32>
    %get3A_27 = vector.shape_cast %get3A_26 : vector<1x128x128xf32> to vector<128x128xf32>
    %dot_general3A = arith.constant dense<0.000000e+00> : vector<2000x128xf32>
    %dot_general3A_28 = tpu.matmul %add3A_14, %get3A_27, %dot_general3A {dimension_numbers = #tpu.dot_dimension_numbers<[1], [0], [0], [1], [0, 0, 1, 1], [], []>, transpose_lhs_hint = false} : vector<2000x128xf32>, vector<128x128xf32>, vector<2000x128xf32> -> vector<2000x128xf32>
    %get3A_29 = arith.constant 0 : index
    %get3A_30 = arith.constant 0 : index
    %get3A_31 = arith.constant 0 : index
    %get3A_32 = vector.load %arg5[%get3A_29, %get3A_30, %get3A_31] : memref<3x8x128xf32, #tpu.memory_space<vmem>>, vector<1x1x128xf32>
    %get3A_33 = vector.shape_cast %get3A_32 : vector<1x1x128xf32> to vector<128xf32>
    %broadcast_in_dim3A = vector.shape_cast %get3A_33 : vector<128xf32> to vector<1x128xf32>
    %add3A_34 = vector.broadcast %broadcast_in_dim3A : vector<1x128xf32> to vector<2000x128xf32>
    %add3A_35 = arith.addf %dot_general3A_28, %add3A_34 : vector<2000x128xf32>
    %max3A = arith.constant 0.000000e+00 : f32
    %max3A_36 = vector.broadcast %max3A : f32 to vector<2000x128xf32>
    %max3A_37 = arith.maximumf %add3A_35, %max3A_36 : vector<2000x128xf32>
    %get3A_38 = arith.constant 0 : index
    %get3A_39 = arith.constant 0 : index
    %get3A_40 = arith.constant 0 : index
    %get3A_41 = vector.load %arg6[%get3A_38, %get3A_39, %get3A_40] : memref<3x128x128xf32, #tpu.memory_space<vmem>>, vector<1x128x128xf32>
    %get3A_42 = vector.shape_cast %get3A_41 : vector<1x128x128xf32> to vector<128x128xf32>
    %dot_general3A_43 = arith.constant dense<0.000000e+00> : vector<2000x128xf32>
    %dot_general3A_44 = tpu.matmul %max3A_37, %get3A_42, %dot_general3A_43 {dimension_numbers = #tpu.dot_dimension_numbers<[1], [0], [0], [1], [0, 0, 1, 1], [], []>, transpose_lhs_hint = false} : vector<2000x128xf32>, vector<128x128xf32>, vector<2000x128xf32> -> vector<2000x128xf32>
    %get3A_45 = arith.constant 0 : index
    %get3A_46 = arith.constant 0 : index
    %get3A_47 = arith.constant 0 : index
    %get3A_48 = vector.load %arg7[%get3A_45, %get3A_46, %get3A_47] : memref<3x8x128xf32, #tpu.memory_space<vmem>>, vector<1x1x128xf32>
    %get3A_49 = vector.shape_cast %get3A_48 : vector<1x1x128xf32> to vector<128xf32>
    %broadcast_in_dim3A_50 = vector.shape_cast %get3A_49 : vector<128xf32> to vector<1x128xf32>
    %add3A_51 = vector.broadcast %broadcast_in_dim3A_50 : vector<1x128xf32> to vector<2000x128xf32>
    %add3A_52 = arith.addf %dot_general3A_44, %add3A_51 : vector<2000x128xf32>
    %max3A_53 = arith.constant 0.000000e+00 : f32
    %max3A_54 = vector.broadcast %max3A_53 : f32 to vector<2000x128xf32>
    %max3A_55 = arith.maximumf %add3A_52, %max3A_54 : vector<2000x128xf32>
    %dot_general3A_56 = arith.constant dense<0.000000e+00> : vector<64x128xf32>
    %dot_general3A_57 = tpu.matmul %convert_element_type3A_22, %max3A_55, %dot_general3A_56 {dimension_numbers = #tpu.dot_dimension_numbers<[0], [0], [1], [1], [0, 1, 1, 1], [], []>, transpose_lhs_hint = false} : vector<2000x64xf32>, vector<2000x128xf32>, vector<64x128xf32> -> vector<64x128xf32>
    %get3A_58 = arith.constant 0 : index
    %get3A_59 = arith.constant 0 : index
    %get3A_60 = vector.load %arg14[%get3A_58, %get3A_59] : memref<64x384xf32, #tpu.memory_space<vmem>>, vector<64x128xf32>
    %add3A_61 = arith.addf %get3A_60, %dot_general3A_57 : vector<64x128xf32>
    %swap3A = arith.constant 0 : index
    %swap3A_62 = arith.constant 0 : index
    %swap3A_63 = vector.load %arg14[%swap3A, %swap3A_62] : memref<64x384xf32, #tpu.memory_space<vmem>>, vector<64x128xf32>
    tpu.vector_store %arg14[%swap3A, %swap3A_62], %add3A_61 {strides = array<i32>} : memref<64x384xf32, #tpu.memory_space<vmem>>, vector<64x128xf32>,
    %get3A_64 = arith.constant 1 : index
    %get3A_65 = arith.constant 0 : index
    %get3A_66 = arith.constant 0 : index
    %get3A_67 = vector.load %arg4[%get3A_64, %get3A_65, %get3A_66] : memref<3x128x128xf32, #tpu.memory_space<vmem>>, vector<1x128x128xf32>
    %get3A_68 = vector.shape_cast %get3A_67 : vector<1x128x128xf32> to vector<128x128xf32>
    %dot_general3A_69 = arith.constant dense<0.000000e+00> : vector<2000x128xf32>
    %dot_general3A_70 = tpu.matmul %add3A_14, %get3A_68, %dot_general3A_69 {dimension_numbers = #tpu.dot_dimension_numbers<[1], [0], [0], [1], [0, 0, 1, 1], [], []>, transpose_lhs_hint = false} : vector<2000x128xf32>, vector<128x128xf32>, vector<2000x128xf32> -> vector<2000x128xf32>
    %get3A_71 = arith.constant 1 : index
    %get3A_72 = arith.constant 0 : index
    %get3A_73 = arith.constant 0 : index
    %get3A_74 = vector.load %arg5[%get3A_71, %get3A_72, %get3A_73] : memref<3x8x128xf32, #tpu.memory_space<vmem>>, vector<1x1x128xf32>
    %get3A_75 = vector.shape_cast %get3A_74 : vector<1x1x128xf32> to vector<128xf32>
    %broadcast_in_dim3A_76 = vector.shape_cast %get3A_75 : vector<128xf32> to vector<1x128xf32>
    %add3A_77 = vector.broadcast %broadcast_in_dim3A_76 : vector<1x128xf32> to vector<2000x128xf32>
    %add3A_78 = arith.addf %dot_general3A_70, %add3A_77 : vector<2000x128xf32>
    %max3A_79 = arith.constant 0.000000e+00 : f32
    %max3A_80 = vector.broadcast %max3A_79 : f32 to vector<2000x128xf32>
    %max3A_81 = arith.maximumf %add3A_78, %max3A_80 : vector<2000x128xf32>
    %get3A_82 = arith.constant 1 : index
    %get3A_83 = arith.constant 0 : index
    %get3A_84 = arith.constant 0 : index
    %get3A_85 = vector.load %arg6[%get3A_82, %get3A_83, %get3A_84] : memref<3x128x128xf32, #tpu.memory_space<vmem>>, vector<1x128x128xf32>
    %get3A_86 = vector.shape_cast %get3A_85 : vector<1x128x128xf32> to vector<128x128xf32>
    %dot_general3A_87 = arith.constant dense<0.000000e+00> : vector<2000x128xf32>
    %dot_general3A_88 = tpu.matmul %max3A_81, %get3A_86, %dot_general3A_87 {dimension_numbers = #tpu.dot_dimension_numbers<[1], [0], [0], [1], [0, 0, 1, 1], [], []>, transpose_lhs_hint = false} : vector<2000x128xf32>, vector<128x128xf32>, vector<2000x128xf32> -> vector<2000x128xf32>
    %get3A_89 = arith.constant 1 : index
    %get3A_90 = arith.constant 0 : index
    %get3A_91 = arith.constant 0 : index
    %get3A_92 = vector.load %arg7[%get3A_89, %get3A_90, %get3A_91] : memref<3x8x128xf32, #tpu.memory_space<vmem>>, vector<1x1x128xf32>
    %get3A_93 = vector.shape_cast %get3A_92 : vector<1x1x128xf32> to vector<128xf32>
    %broadcast_in_dim3A_94 = vector.shape_cast %get3A_93 : vector<128xf32> to vector<1x128xf32>
    %add3A_95 = vector.broadcast %broadcast_in_dim3A_94 : vector<1x128xf32> to vector<2000x128xf32>
    %add3A_96 = arith.addf %dot_general3A_88, %add3A_95 : vector<2000x128xf32>
    %max3A_97 = arith.constant 0.000000e+00 : f32
    %max3A_98 = vector.broadcast %max3A_97 : f32 to vector<2000x128xf32>
    %max3A_99 = arith.maximumf %add3A_96, %max3A_98 : vector<2000x128xf32>
    %dot_general3A_100 = arith.constant dense<0.000000e+00> : vector<64x128xf32>
    %dot_general3A_101 = tpu.matmul %convert_element_type3A_22, %max3A_99, %dot_general3A_100 {dimension_numbers = #tpu.dot_dimension_numbers<[0], [0], [1], [1], [0, 1, 1, 1], [], []>, transpose_lhs_hint = false} : vector<2000x64xf32>, vector<2000x128xf32>, vector<64x128xf32> -> vector<64x128xf32>
    %get3A_102 = arith.constant 0 : index
    %get3A_103 = arith.constant 128 : index
    %get3A_104 = vector.load %arg14[%get3A_102, %get3A_103] : memref<64x384xf32, #tpu.memory_space<vmem>>, vector<64x128xf32>
    %add3A_105 = arith.addf %get3A_104, %dot_general3A_101 : vector<64x128xf32>
    %swap3A_106 = arith.constant 0 : index
    %swap3A_107 = arith.constant 128 : index
    %swap3A_108 = vector.load %arg14[%swap3A_106, %swap3A_107] : memref<64x384xf32, #tpu.memory_space<vmem>>, vector<64x128xf32>
    tpu.vector_store %arg14[%swap3A_106, %swap3A_107], %add3A_105 {strides = array<i32>} : memref<64x384xf32, #tpu.memory_space<vmem>>, vector<64x128xf32>,
    %get3A_109 = arith.constant 2 : index
    %get3A_110 = arith.constant 0 : index
    %get3A_111 = arith.constant 0 : index
    %get3A_112 = vector.load %arg4[%get3A_109, %get3A_110, %get3A_111] : memref<3x128x128xf32, #tpu.memory_space<vmem>>, vector<1x128x128xf32>
    %get3A_113 = vector.shape_cast %get3A_112 : vector<1x128x128xf32> to vector<128x128xf32>
    %dot_general3A_114 = arith.constant dense<0.000000e+00> : vector<2000x128xf32>
    %dot_general3A_115 = tpu.matmul %add3A_14, %get3A_113, %dot_general3A_114 {dimension_numbers = #tpu.dot_dimension_numbers<[1], [0], [0], [1], [0, 0, 1, 1], [], []>, transpose_lhs_hint = false} : vector<2000x128xf32>, vector<128x128xf32>, vector<2000x128xf32> -> vector<2000x128xf32>
    %get3A_116 = arith.constant 2 : index
    %get3A_117 = arith.constant 0 : index
    %get3A_118 = arith.constant 0 : index
    %get3A_119 = vector.load %arg5[%get3A_116, %get3A_117, %get3A_118] : memref<3x8x128xf32, #tpu.memory_space<vmem>>, vector<1x1x128xf32>
    %get3A_120 = vector.shape_cast %get3A_119 : vector<1x1x128xf32> to vector<128xf32>
    %broadcast_in_dim3A_121 = vector.shape_cast %get3A_120 : vector<128xf32> to vector<1x128xf32>
    %add3A_122 = vector.broadcast %broadcast_in_dim3A_121 : vector<1x128xf32> to vector<2000x128xf32>
    %add3A_123 = arith.addf %dot_general3A_115, %add3A_122 : vector<2000x128xf32>
    %max3A_124 = arith.constant 0.000000e+00 : f32
    %max3A_125 = vector.broadcast %max3A_124 : f32 to vector<2000x128xf32>
    %max3A_126 = arith.maximumf %add3A_123, %max3A_125 : vector<2000x128xf32>
    %get3A_127 = arith.constant 2 : index
    %get3A_128 = arith.constant 0 : index
    %get3A_129 = arith.constant 0 : index
    %get3A_130 = vector.load %arg6[%get3A_127, %get3A_128, %get3A_129] : memref<3x128x128xf32, #tpu.memory_space<vmem>>, vector<1x128x128xf32>
    %get3A_131 = vector.shape_cast %get3A_130 : vector<1x128x128xf32> to vector<128x128xf32>
    %dot_general3A_132 = arith.constant dense<0.000000e+00> : vector<2000x128xf32>
    %dot_general3A_133 = tpu.matmul %max3A_126, %get3A_131, %dot_general3A_132 {dimension_numbers = #tpu.dot_dimension_numbers<[1], [0], [0], [1], [0, 0, 1, 1], [], []>, transpose_lhs_hint = false} : vector<2000x128xf32>, vector<128x128xf32>, vector<2000x128xf32> -> vector<2000x128xf32>
    %get3A_134 = arith.constant 2 : index
    %get3A_135 = arith.constant 0 : index
    %get3A_136 = arith.constant 0 : index
    %get3A_137 = vector.load %arg7[%get3A_134, %get3A_135, %get3A_136] : memref<3x8x128xf32, #tpu.memory_space<vmem>>, vector<1x1x128xf32>
    %get3A_138 = vector.shape_cast %get3A_137 : vector<1x1x128xf32> to vector<128xf32>
    %broadcast_in_dim3A_139 = vector.shape_cast %get3A_138 : vector<128xf32> to vector<1x128xf32>
    %add3A_140 = vector.broadcast %broadcast_in_dim3A_139 : vector<1x128xf32> to vector<2000x128xf32>
    %add3A_141 = arith.addf %dot_general3A_133, %add3A_140 : vector<2000x128xf32>
    %max3A_142 = arith.constant 0.000000e+00 : f32
    %max3A_143 = vector.broadcast %max3A_142 : f32 to vector<2000x128xf32>
    %max3A_144 = arith.maximumf %add3A_141, %max3A_143 : vector<2000x128xf32>
    %swap3A_145 = arith.constant 0 : index
    %swap3A_146 = arith.constant 0 : index
    %swap3A_147 = vector.load %arg12[%swap3A_145, %swap3A_146] : memref<2000x128xf32, #tpu.memory_space<vmem>>, vector<2000x128xf32>
    tpu.vector_store %arg12[%swap3A_145, %swap3A_146], %max3A_144 {strides = array<i32>} : memref<2000x128xf32, #tpu.memory_space<vmem>>, vector<2000x128xf32>,
    %dot_general3A_148 = arith.constant dense<0.000000e+00> : vector<64x128xf32>
    %dot_general3A_149 = tpu.matmul %convert_element_type3A_22, %max3A_144, %dot_general3A_148 {dimension_numbers = #tpu.dot_dimension_numbers<[0], [0], [1], [1], [0, 1, 1, 1], [], []>, transpose_lhs_hint = false} : vector<2000x64xf32>, vector<2000x128xf32>, vector<64x128xf32> -> vector<64x128xf32>
    %get3A_150 = arith.constant 0 : index
    %get3A_151 = arith.constant 256 : index
    %get3A_152 = vector.load %arg14[%get3A_150, %get3A_151] : memref<64x384xf32, #tpu.memory_space<vmem>>, vector<64x128xf32>
    %add3A_153 = arith.addf %get3A_152, %dot_general3A_149 : vector<64x128xf32>
    %swap3A_154 = arith.constant 0 : index
    %swap3A_155 = arith.constant 256 : index
    %swap3A_156 = vector.load %arg14[%swap3A_154, %swap3A_155] : memref<64x384xf32, #tpu.memory_space<vmem>>, vector<64x128xf32>
    tpu.vector_store %arg14[%swap3A_154, %swap3A_155], %add3A_153 {strides = array<i32>} : memref<64x384xf32, #tpu.memory_space<vmem>>, vector<64x128xf32>,
    %eq3A_157 = arith.constant 4 : i32
    %eq3A_158 = arith.cmpi eq, %arg0, %eq3A_157 : i32
    %convert_element_type3A_159 = arith.extui %eq3A_158 : i1 to i32
    %cond3A_160 = arith.constant 0 : i32
    %cond3A_161 = arith.cmpi ne, %convert_element_type3A_159, %cond3A_160 : i32
    scf.if %cond3A_161 {
      %get3A_162 = arith.constant 0 : index
      %get3A_163 = arith.constant 0 : index
      %get3A_164 = vector.load %arg14[%get3A_162, %get3A_163] : memref<64x384xf32, #tpu.memory_space<vmem>>, vector<64x384xf32>
      %get3A_165 = arith.constant 0 : index
      %get3A_166 = arith.constant 0 : index
      %get3A_167 = vector.load %arg8[%get3A_165, %get3A_166] : memref<384x384xf32, #tpu.memory_space<vmem>>, vector<384x384xf32>
      %dot_general3A_168 = arith.constant dense<0.000000e+00> : vector<64x384xf32>
      %dot_general3A_169 = tpu.matmul %get3A_164, %get3A_167, %dot_general3A_168 {dimension_numbers = #tpu.dot_dimension_numbers<[1], [0], [0], [1], [0, 0, 1, 1], [], []>, transpose_lhs_hint = false} : vector<64x384xf32>, vector<384x384xf32>, vector<64x384xf32> -> vector<64x384xf32>
      %get3A_170 = arith.constant 0 : index
      %get3A_171 = arith.constant 0 : index
      %get3A_172 = vector.load %arg9[%get3A_170, %get3A_171] : memref<8x384xf32, #tpu.memory_space<vmem>>, vector<1x384xf32>
      %get3A_173 = vector.shape_cast %get3A_172 : vector<1x384xf32> to vector<384xf32>
      %broadcast_in_dim3A_174 = vector.shape_cast %get3A_173 : vector<384xf32> to vector<1x384xf32>
      %add3A_175 = vector.broadcast %broadcast_in_dim3A_174 : vector<1x384xf32> to vector<64x384xf32>
      %add3A_176 = arith.addf %dot_general3A_169, %add3A_175 : vector<64x384xf32>
      %max3A_177 = arith.constant 0.000000e+00 : f32
      %max3A_178 = vector.broadcast %max3A_177 : f32 to vector<64x384xf32>
      %max3A_179 = arith.maximumf %add3A_176, %max3A_178 : vector<64x384xf32>
      %get3A_180 = arith.constant 0 : index
      %get3A_181 = arith.constant 0 : index
      %get3A_182 = vector.load %arg10[%get3A_180, %get3A_181] : memref<384x10xf32, #tpu.memory_space<vmem>>, vector<384x10xf32>
      %dot_general3A_183 = arith.constant dense<0.000000e+00> : vector<64x10xf32>
      %dot_general3A_184 = tpu.matmul %max3A_179, %get3A_182, %dot_general3A_183 {dimension_numbers = #tpu.dot_dimension_numbers<[1], [0], [0], [1], [0, 0, 1, 1], [], []>, transpose_lhs_hint = false} : vector<64x384xf32>, vector<384x10xf32>, vector<64x10xf32> -> vector<64x10xf32>
      %get3A_185 = arith.constant 0 : index
      %get3A_186 = arith.constant 0 : index
      %get3A_187 = vector.load %arg11[%get3A_185, %get3A_186] : memref<8x10xf32, #tpu.memory_space<vmem>>, vector<1x10xf32>
      %get3A_188 = vector.shape_cast %get3A_187 : vector<1x10xf32> to vector<10xf32>
      %broadcast_in_dim3A_189 = vector.shape_cast %get3A_188 : vector<10xf32> to vector<1x10xf32>
      %add3A_190 = vector.broadcast %broadcast_in_dim3A_189 : vector<1x10xf32> to vector<64x10xf32>
      %add3A_191 = arith.addf %dot_general3A_184, %add3A_190 : vector<64x10xf32>
      %reduce_max3A = arith.constant dense<0xFF800000> : vector<64xf32>
      %reduce_max3A_192 = vector.multi_reduction <maximumf>, %add3A_191, %reduce_max3A [1] : vector<64x10xf32> to vector<64xf32>
      %broadcast_in_dim3A_193 = vector.shape_cast %reduce_max3A_192 : vector<64xf32> to vector<64x1xf32>
      %sub3A = vector.broadcast %broadcast_in_dim3A_193 : vector<64x1xf32> to vector<64x10xf32>
      %sub3A_194 = arith.subf %add3A_191, %sub3A : vector<64x10xf32>
      %exp3A = math.exp %sub3A_194 : vector<64x10xf32>
      %reduce_sum3A = arith.constant dense<0.000000e+00> : vector<64xf32>
      %reduce_sum3A_195 = vector.multi_reduction <add>, %exp3A, %reduce_sum3A [1] : vector<64x10xf32> to vector<64xf32>
      %broadcast_in_dim3A_196 = vector.shape_cast %reduce_sum3A_195 : vector<64xf32> to vector<64x1xf32>
      %log3A = math.log %broadcast_in_dim3A_196 : vector<64x1xf32>
      %add3A_197 = arith.addf %log3A, %broadcast_in_dim3A_193 : vector<64x1xf32>
      %sub3A_198 = vector.broadcast %add3A_197 : vector<64x1xf32> to vector<64x10xf32>
      %sub3A_199 = arith.subf %add3A_191, %sub3A_198 : vector<64x10xf32>
      %swap3A_200 = arith.constant 0 : index
      %swap3A_201 = arith.constant 0 : index
      %swap3A_202 = vector.load %arg13[%swap3A_200, %swap3A_201] : memref<64x10xf32, #tpu.memory_space<vmem>>, vector<64x10xf32>
      tpu.vector_store %arg13[%swap3A_200, %swap3A_201], %sub3A_199 {strides = array<i32>} : memref<64x10xf32, #tpu.memory_space<vmem>>, vector<64x10xf32>,
    } else {
    }
    return
  }
  func.func @transform_0(%arg0: i32) -> (i32, i32) {
    %c0_i32 = arith.constant 0 : i32
    %c0_i32_0 = arith.constant 0 : i32
    return %arg0, %c0_i32 : i32, i32
  }
  func.func @transform_1(%arg0: i32) -> (i32, i32, i32) {
    %c0_i32 = arith.constant 0 : i32
    %c0_i32_0 = arith.constant 0 : i32
    %c0_i32_1 = arith.constant 0 : i32
    return %c0_i32, %arg0, %c0_i32_0 : i32, i32, i32
  }
  func.func @transform_2(%arg0: i32) -> (i32, i32) {
    %c0_i32 = arith.constant 0 : i32
    %c0_i32_0 = arith.constant 0 : i32
    return %arg0, %c0_i32 : i32, i32
  }
  func.func @transform_3(%arg0: i32) -> (i32, i32, i32) {
    %c0_i32 = arith.constant 0 : i32
    %c0_i32_0 = arith.constant 0 : i32
    %c0_i32_1 = arith.constant 0 : i32
    %c0_i32_2 = arith.constant 0 : i32
    return %c0_i32, %c0_i32_0, %c0_i32_1 : i32, i32, i32
  }
  func.func @transform_4(%arg0: i32) -> (i32, i32, i32) {
    %c0_i32 = arith.constant 0 : i32
    %c0_i32_0 = arith.constant 0 : i32
    %c0_i32_1 = arith.constant 0 : i32
    %c0_i32_2 = arith.constant 0 : i32
    return %c0_i32, %c0_i32_0, %c0_i32_1 : i32, i32, i32
  }
  func.func @transform_5(%arg0: i32) -> (i32, i32, i32) {
    %c0_i32 = arith.constant 0 : i32
    %c0_i32_0 = arith.constant 0 : i32
    %c0_i32_1 = arith.constant 0 : i32
    %c0_i32_2 = arith.constant 0 : i32
    return %c0_i32, %c0_i32_0, %c0_i32_1 : i32, i32, i32
  }
  func.func @transform_6(%arg0: i32) -> (i32, i32, i32) {
    %c0_i32 = arith.constant 0 : i32
    %c0_i32_0 = arith.constant 0 : i32
    %c0_i32_1 = arith.constant 0 : i32
    %c0_i32_2 = arith.constant 0 : i32
    return %c0_i32, %c0_i32_0, %c0_i32_1 : i32, i32, i32
  }
  func.func @transform_7(%arg0: i32) -> (i32, i32) {
    %c0_i32 = arith.constant 0 : i32
    %c0_i32_0 = arith.constant 0 : i32
    %c0_i32_1 = arith.constant 0 : i32
    return %c0_i32, %c0_i32_0 : i32, i32
  }
  func.func @transform_8(%arg0: i32) -> (i32, i32) {
    %c0_i32 = arith.constant 0 : i32
    %c0_i32_0 = arith.constant 0 : i32
    %c0_i32_1 = arith.constant 0 : i32
    return %c0_i32, %c0_i32_0 : i32, i32
  }
  func.func @transform_9(%arg0: i32) -> (i32, i32) {
    %c0_i32 = arith.constant 0 : i32
    %c0_i32_0 = arith.constant 0 : i32
    %c0_i32_1 = arith.constant 0 : i32
    return %c0_i32, %c0_i32_0 : i32, i32
  }
  func.func @transform_10(%arg0: i32) -> (i32, i32) {
    %c0_i32 = arith.constant 0 : i32
    %c0_i32_0 = arith.constant 0 : i32
    %c0_i32_1 = arith.constant 0 : i32
    return %c0_i32, %c0_i32_0 : i32, i32
  }
  func.func @transform_11(%arg0: i32) -> (i32, i32) {
    %c0_i32 = arith.constant 0 : i32
    %c0_i32_0 = arith.constant 0 : i32
    return %arg0, %c0_i32 : i32, i32
  }
  func.func @transform_12(%arg0: i32) -> (i32, i32) {
    %c0_i32 = arith.constant 0 : i32
    %c0_i32_0 = arith.constant 0 : i32
    %c0_i32_1 = arith.constant 0 : i32
    return %c0_i32, %c0_i32_0 : i32, i32
  }
}

</mosaic_0001>

<sc_bundles>
// kernel: kernel.4.cloned.1.call-start
scs
__scs_entry_jumppad:
0x0: {  	(pc) =	sbr.rel $0x88, $3  }
0x1: {  	(tag) =	ssettag $0x0;
	lr =	simm.s32 $0x1  }
0x2: {  	[smem:$0x3F82] =	sst lr;
	_ =	strace $0xD0000000  }
0x3: {  	_ = 	snop  }
0x4: {  	_ = 	snop  }
0x5: {  	_ = 	snop  }
0x6: {  	_ = 	snop  }
0x7: {  	_ = 	snop  }
__scs_overlays_trampoline_lowered:
0x8: {  	[smem:$0x3F91] =	sst s0  }
0x9: {  	[smem:$0x3F92] =	sst s1  }
0xa: {  	[smem:$0x3F93] =	sst s2  }
0xb: {  	[smem:$0x3F94] =	sst s3  }
0xc: {  	[smem:$0x3F95] =	sst s4  }
0xd: {  	[smem:$0x3F96] =	sst s5  }
0xe: {  	[smem:$0x3F97] =	sst s6  }
0xf: {  	[smem:$0x3F98] =	sst s7  }
0x10: {  	[smem:$0x3F99] =	sst s8  }
0x11: {  	[smem:$0x3F9A] =	sst s9;
	s0 =	simm.s32 @!p0 $0x0  }
0x12: {  	s1 =	sld [smem:$0x3F80];
	s0 =	simm.s32 @p0 $0x1  }
0x13: {  	[smem:$0x3F9B] =	sst s0;
	s0 =	simm.s32 @!p1 $0x0  }
0x14: {  	s2 =	sld [smem:$0x3F7F];
	s0 =	simm.s32 @p1 $0x1  }
0x15: {  	[smem:$0x3F9C] =	sst s0;
	s0 =	simm.s32 @!p2 $0x0  }
0x16: {  	s3 =	sld [smem:$0x3FDB];
	s0 =	simm.s32 @p2 $0x1  }
0x17: {  	s4 =	simm.s32 $0x1BF5;
	[smem:$0x3F9E] =	sst s0  }
0x18: {  	s0 =	sld [smem:$0x3F81];
	_ =	swait.ge [sflag:s4], $0x0  }
0x19: {  	s7 =	sld [smem:$0x3F82]  }
0x1a: {  	s8 =	sadd.s32 $0xFFFFE003, lr  }
0x1b: {  	s9 =	sadd.s32 $0xFFFFFEF7, lr;
	s5 =	simm.s32 $0xFFFFFFFF;
	p2 =	slt.u32 s8, $0xFFFFF086  }
0x1c: {  	p1 =	slt.u32 s9, $0xF7A;
	s5 =	simm.s32 @!p2 $0x0  }
0x1d: {  	s5 =	simm.s32 @p1 $0x1;
	p0 =	seq.s32 s7, s2  }
0x1e: {  	s7 =	smul.u32 @!p0 $0xF7A, s2;
	p2 =	seq.s32 @!p0 s5, $0x0  }
0x1f: {  	s9 =	smul.u32 $0xF7A, s1;
	s8 =	simm.s32 @!p0 $0x1BF5;
	p2 =	por !p2, p0  }
0x20: {  	[sflag:s8] =	ssyncset.s32 @!p0 $0xFFFFF086;
	s6 =	sadd.s32 @!p0 s3, s7;
	s7 =	simm.s32 @!p0 $0x108  }
0x21: {  	s3 =	sadd.s32 s3, s9;
	s6 =	sadd.s32 @!p0 $0x88, s6;
	s7 =	simm.s32 @p2 $0x1082  }
0x22: {  	[simem:s7], [sflag:s8] =	dma.local @!p0 [hbm:s6], $0xF7A  }
0x23: {  	s9 =	sor.u32 $0xD0000000, s2;
	s6 =	simm.s32 $0x108;
	_ =	swait.ge @!p0 [sflag:s8], $0x0  }
0x24: {  	s3 =	sadd.s32 $0x88, s3;
	s6 =	simm.s32 @!p1 $0x1082;
	[sflag:s4] =	ssyncset.s32 $0xFFFFF086  }
0x25: {  	[simem:s6], [sflag:s4] =	dma.local [hbm:s3], $0xF7A  }
0x26: {  	[smem:$0x3F82] =	sst s1;
	(tag) =	ssettag s2;
	_ =	strace s9  }
0x27: {  	s1 =	sld [smem:$0x3F92]  }
0x28: {  	s2 =	sld [smem:$0x3F93]  }
0x29: {  	s4 =	sld [smem:$0x3F95]  }
0x2a: {  	p0 =	seq.s32 s5, $0x0;
	s5 =	sld [smem:$0x3F96]  }
0x2b: {  	s6 =	sld [smem:$0x3F97]  }
0x2c: {  	s7 =	sld [smem:$0x3F98]  }
0x2d: {  	s3 =	simm.s32 $0x108;
	s8 =	sld [smem:$0x3F99]  }
0x2e: {  	s3 =	simm.s32 @!p0 $0x1082;
	s9 =	sld [smem:$0x3F9A]  }
0x2f: {  	lr =	sadd.s32 s0, s3;
	s0 =	sld [smem:$0x3F91]  }
0x30: {  	s3 =	sld [smem:$0x3F94]  }
0x31: {  	[smem:$0x3F9D] =	sst s10  }
0x32: {  	s10 =	sld [smem:$0x3F9B];
	_ =	sdelay $0x3  }
0x33: {  	p0 =	seq.s32 s10, $0x1;
	s10 =	sld [smem:$0x3F9D];
	_ =	sdelay $0x3  }
0x34: {  	[smem:$0x3F9D] =	sst s10  }
0x35: {  	s10 =	sld [smem:$0x3F9C];
	_ =	sdelay $0x3  }
0x36: {  	p1 =	seq.s32 s10, $0x1;
	s10 =	sld [smem:$0x3F9D];
	_ =	sdelay $0x3  }
0x37: {  	[smem:$0x3F9D] =	sst s10  }
0x38: {  	s10 =	sld [smem:$0x3F9E]  }
0x39: {  	_ = 	snop;
	(pc) =	sbr.ind lr, $3  }
0x3a: {  	_ = 	snop  }
0x3b: {  	_ = 	snop  }
0x3c: {  	p2 =	seq.s32 s10, $0x1;
	s10 =	sld [smem:$0x3F9D]  }
0x3d: {  	_ =	shalt  }
0x3e: {  	_ =	shalt  }
0x3f: {  	_ =	shalt  }
0x40: {  	_ =	shalt  }
0x41: {  	_ =	shalt  }
0x42: {  	_ =	shalt  }
0x43: {  	_ =	shalt  }
0x44: {  	_ =	shalt  }
0x45: {  	_ =	shalt  }
0x46: {  	_ =	shalt  }
0x47: {  	_ =	shalt  }
0x48: {  	_ =	shalt  }
0x49: {  	_ =	shalt  }
0x4a: {  	_ =	shalt  }
0x4b: {  	_ =	shalt  }
0x4c: {  	_ =	shalt  }
0x4d: {  	_ =	shalt  }
0x4e: {  	_ =	shalt  }
0x4f: {  	_ =	shalt  }
0x50: {  	_ =	shalt  }
0x51: {  	_ =	shalt  }
0x52: {  	_ =	shalt  }
0x53: {  	_ =	shalt  }
0x54: {  	_ =	shalt  }
0x55: {  	_ =	shalt  }
0x56: {  	_ =	shalt  }
0x57: {  	_ =	shalt  }
0x58: {  	_ =	shalt  }
0x59: {  	_ =	shalt  }
0x5a: {  	_ =	shalt  }
0x5b: {  	_ =	shalt  }
0x5c: {  	_ =	shalt  }
0x5d: {  	_ =	shalt  }
0x5e: {  	_ =	shalt  }
0x5f: {  	_ =	shalt  }
0x60: {  	_ =	shalt  }
0x61: {  	_ =	shalt  }
0x62: {  	_ =	shalt  }
0x63: {  	_ =	shalt  }
0x64: {  	_ =	shalt  }
0x65: {  	_ =	shalt  }
0x66: {  	_ =	shalt  }
0x67: {  	_ =	shalt  }
0x68: {  	_ =	shalt  }
0x69: {  	_ =	shalt  }
0x6a: {  	_ =	shalt  }
0x6b: {  	_ =	shalt  }
0x6c: {  	_ =	shalt  }
0x6d: {  	_ =	shalt  }
0x6e: {  	_ =	shalt  }
0x6f: {  	_ =	shalt  }
0x70: {  	_ =	shalt  }
0x71: {  	_ =	shalt  }
0x72: {  	_ =	shalt  }
0x73: {  	_ =	shalt  }
0x74: {  	_ =	shalt  }
0x75: {  	_ =	shalt  }
0x76: {  	_ =	shalt  }
0x77: {  	_ =	shalt  }
0x78: {  	_ =	shalt  }
0x79: {  	_ =	shalt  }
0x7a: {  	_ =	shalt  }
0x7b: {  	_ =	shalt  }
0x7c: {  	_ =	shalt  }
0x7d: {  	_ =	shalt  }
0x7e: {  	_ =	shalt  }
0x7f: {  	_ =	shalt  }
0x80: {  	_ =	shalt  }
0x81: {  	_ =	shalt  }
0x82: {  	_ =	shalt  }
0x83: {  	_ =	shalt  }
0x84: {  	_ =	shalt  }
0x85: {  	_ =	shalt  }
0x86: {  	_ =	shalt  }
0x87: {  	_ =	shalt  }
.Lfunc_end0:
.L_simem_size_0:
called_computation_lowered:
.L_overlay_start_0:
0x88: {  	s2 =	sld [smem:$0x3FD9]  }
0x89: {  	s3 =	sld [smem:$0x3FFE];
	_ =	sdelay $0x1  }
0x8a: {  	s1 =	srdreg.scid  }
0x8b: {  	s0 =	sand.u32 $0x1, s1  }
0x8c: {  	s14 =	sshll.u32 s0, $0xA;
	s2 =	sadd.s32 s3, s2  }
0x8d: {  	s2 =	sadd.s32 s2, s14  }
0x8e: {  	[smem:$0x3FA9] =	sst s2  }
0x8f: {  	_ = 	snop  }
0x90: {  	s2 =	sld [smem:$0x3FD0];
	_ =	sdelay $0x2  }
0x91: {  	s4 =	simm.s32 $0xA;
	s5 =	simm.s32 $0x10;
	s15 =	sld [smem:$0x3FC9]  }
0x92: {  	[smem:s5], [sflag:s4] =	dma.local [hbm:s2], $0x1  }
0x93: {  	_ =	swait.eq [sflag:s4], $0x1  }
0x94: {  	[sflag:s4] =	ssyncset.done $0x0  }
0x95: {  	[sflag:s4] =	ssyncadd.s32 $0xFFFFFFFF  }
0x96: {  	s16 =	sld [smem:$0x10];
	(tm) =	ssettm $0x1  }
0x97: {  	s17 =	sld [smem:$0x3FFB];
	_ =	sdelay $0x3  }
0x98: {  	_ =	strace s17  }
0x99: {  	s4 =	sld [smem:$0x3FFC];
	_ =	sdelay $0x3  }
0x9a: {  	_ =	strace s4  }
0x9b: {  	s4 =	sld [smem:$0x3FFD];
	_ =	sdelay $0x3  }
0x9c: {  	_ =	strace s4  }
0x9d: {  	_ =	strace $0x8FFFFFFF  }
0x9e: {  	s18 =	sld [smem:$0x3FDB];
	_ =	sdelay $0x1  }
0x9f: {  	s19 =	simm.s32 $_scs_section_size  }
0xa0: {  	s6 =	simm.s32 $_size__tile_overlayer_lowered;
	s7 =	simm.s32 $_tile_overlayer_lowered  }
0xa1: {  	s22 =	simm.s32 $0x1BFF;
	s21 =	sshll.u32 s7, $0x1;
	s4 =	sadd.s32 s19, s18  }
0xa2: {  	s8 =	simm.s32 $0x0;
	s20 =	sshll.u32 s6, $0x1;
	s6 =	sadd.s32 s21, s4  }
0xa3: {  	[timem:s8], [sflag:s22] =	dma.local [hbm:s6], s20  }
0xa4: {  	_ =	swait.ge [sflag:s22], s20  }
0xa5: {  	s5 =	ssub.s32 $0x0, s20;
	[sflag:s22] =	ssyncset.done $0x0  }
0xa6: {  	[sflag:s22] =	ssyncadd.s32 s5;
	_ =	sdelay $0x1  }
0xa7: {  	s23 =	simm.s32 $0x1B8B  }
0xa8: {  	_ =	swait.ge [sflag:s23], $0x1  }
0xa9: {  	[sflag:s23] =	ssyncset.done $0x0  }
0xaa: {  	s25 =	simm.s32 $0x1B8E;
	s24 =	sld [smem:$0x3FFE];
	[sflag:s23] =	ssyncadd.s32 $0xFFFFFFFF  }
0xab: {  	s26 =	simm.s32 $execute0_lowered;
	[smem:$0x3FD2] =	sst s25  }
0xac: {  	s6 =	sshll.u32 s26, $0x1;
	_ =	strace $0x80000046;
	[dreg:$0x1] =	wrdreg $0xFFFFFFFF  }
0xad: {  	s28 =	simm.s32 $_size_execute0_lowered;
	s4 =	sadd.s32 s4, s6;
	[dreg:$0x0] =	wrdreg $0x0  }
0xae: {  	s6 =	sshll.u32 s28, $0x1;
	[dreg:$0x2] =	wrdreg s4  }
0xaf: {  	[dreg:$0x3] =	wrdreg s6  }
0xb0: {  	[dreg:$0x4] =	wrdreg $0xC0  }
0xb1: {  	_ =	task [dreg:s8], $0x5FFFF  }
0xb2: {  	[dreg:$0x1] =	wrdreg $0xFFFFFFFF  }
0xb3: {  	[dreg:$0x0] =	wrdreg $0x60  }
0xb4: {  	[dreg:$0x2] =	wrdreg s15  }
0xb5: {  	[dreg:$0x3] =	wrdreg s24  }
0xb6: {  	[dreg:$0x4] =	wrdreg s16  }
0xb7: {  	[dreg:$0x5] =	wrdreg $0x90000  }
0xb8: {  	[dreg:$0x6] =	wrdreg $0x9  }
0xb9: {  	_ =	task.clear_ibuf [dreg:s8], $0x7FFFF;
	_ =	strace $0x90000046  }
0xba: {  	s29 =	simm.s32 $0x9;
	_ =	strace $0x80000048  }
0xbb: {  	_ =	swait.ge [sflag:s29], $0x1  }
0xbc: {  	[sflag:s29] =	ssyncadd.s32 $0xFFFFFFFF  }
0xbd: {  	_ =	strace $0x90000048  }
0xbe: {  	_ =	sfence  }
0xbf: {  	s30 =	sld [smem:$0x0];
	_ =	sdelay $0x2  }
0xc0: {  	s31 =	sshll.u32 s1, $0xD;
	s1 =	sshrl.u32 s1, $0x2  }
0xc1: {  	s3 =	sand.u32 $0x4000, s31;
	s1 =	sadd.s32 s1, s30  }
0xc2: {  	s0 =	sor.u32 s3, s0;
	s1 =	sshll.u32 s1, $0x11  }
0xc3: {  	s0 =	sor.u32 s1, s0  }
0xc4: {  	s0 =	sadd.s32 $0x8F2B, s0  }
0xc5: {  	[sflag:s0] =	ssyncadd.remote.s32 $0x1  }
0xc6: {  	_ =	sfence.sel $0xFFFF  }
0xc7: {  	[dreg:$0x0] =	wrdreg $0xFFFFFFFF;
	(pc) =	sbr.abs _section_cstart, $3  }
0xc8: {  	[dreg:$0x1] =	wrdreg $0xFFFFFFFF  }
0xc9: {  	_ =	task.clear_ibuf [dreg:s8], $0x2FFFF;
	_ =	strace $0x9FFFFFFF  }
0xca: {  	(tm) =	ssettm $0x7FFFFFFF  }
0xcb: {  	_ =	shalt  }
tec
execute0_lowered:
.L_overlay_start_1:
0x0: {  	(tag) =	ssettag $0x1  }
0x1: {  	s1 =	rddreg [dreg:$0x0]  }
0x2: {  	s0 =	rddreg [dreg:$0x1]  }
0x3: {  	s4 =	rddreg [dreg:$0x3]  }
0x4: {  	s2 =	srdreg.scid;
	s9 =	stileid.u32;
	s5 =	simm.s32 $0x0  }
0x5: {  	s14 =	simm.s32 $0x1000;
	s15 =	simm.s32 $0x3;
	s18 =	simm.s32 $0x50  }
0x6: {  	s19 =	simm.s32 $0x4000;
	s28 =	simm.s32 $0x1B00;
	s29 =	simm.s32 $0xC00  }
0x7: {  	s30 =	simm.s32 $0x1B80;
	s31 =	simm.s32 $0x1C00;
	s7 =	smul.u32 $0x14000, s9  }
0x8: {  	s2 =	sand.u32 $0x1, s2;
	s3 =	sshll.u32 s9, $0x1;
	s20 =	smul.u32 $0x50000, s9  }
0x9: {  	[smem:$0x7FF] =	sst s5;
	s25 =	sshll.u32 s9, $0x6;
	s6 =	smul.u32 $0x140000, s2  }
0xa: {  	s3 =	sor.u32 s2, s3;
	_ =	strace $0x80000047;
	s2 =	ssub.s32 $0x2, s2  }
0xb: {  	s16 =	sor.u32 $0x1C03, s25;
	s25 =	simm.s32 $0x1;
	s3 =	smul.u32 $0x1400, s3  }
0xc: {  	s8 =	sshrl.u32 s2, $0x1;
	s21 =	sshrl.u32 s20, $0x2;
	s20 =	simm.s32 $0x80  }
0xd: {  	s6 =	sadd.s32 s7, s6;
	s2 =	ssub.s32 s2, s8;
	s7 =	simm.s32 $0x3C00  }
0xe: {  	s8 =	simm.s32 $0x0;
	s3 =	sadd.s32 s3, s0;
	s6 =	sshrl.u32 s6, $0x3  }
0xf: {  	s23 =	smax.u32 s2, $0x1;
	s2 =	simm.s32 $0x3B00;
	s0 =	sadd.s32 s6, s0  }
0x10: {  	s22 =	sadd.s32 $0x5400, s3;
	s6 =	sadd.s32 s21, s4;
	[dreg:$0x7] =	wrdreg s23  }
0x11: {  	s24 =	sadd.s32 $0x5600, s3;
	s10 =	sadd.s32 $0x5800, s3;
	s11 =	sadd.s32 $0x5C00, s3  }
0x12: {  	s12 =	sadd.s32 $0x6000, s3;
	s13 =	sadd.s32 $0x6400, s3;
	s21 =	simm.s32 $0x6800  }
0x13: {  	s3 =	simm.s32 $0x2C00;
	[dreg:$0x5] =	wrdreg s22;
	s0 =	sadd.s32 $0x2D400, s0  }
0x14: {  	[dreg:$0x8] =	wrdreg s24;
	s17 =	sshrl.u32 s6, $0x3;
	s22 =	simm.s32 $0x2000  }
0x15: {  	s26 =	sadd.s32 $0x200, s10;
	s6 =	simm.s32 $0x3B80;
	[dreg:$0x6] =	wrdreg s0  }
0x16: {  	[dreg:$0x9] =	wrdreg s26;
	s26 =	simm.s32 $0x2;
	s0 =	simm.s32 $0x2080  }
.LBB2_1:
0x17: {  	s9 =	rddreg [dreg:$0x5]  }
0x18: {  	[tilespmem:s5], [sflag:$0x3] =	stream.linear.gather [hbm4b:s9+s5], $0xC80, $0x38;
	[tilespmem:$0x1D000] =	vst v63  }
0x19: {  	s24 =	rddreg [dreg:$0x8]  }
0x1a: {  	[tilespmem:s14], [sflag:$0x3] =	stream.linear.gather [hbm4b:s24+s5], $0xC80, $0x38;
	[tilespmem:$0x1D000] =	vst v63  }
0x1b: {  	_ =	swait.ge [sflag:s15], $0x1900  }
0x1c: {  	[sflag:s15] =	ssyncset.done $0x0  }
0x1d: {  	[sflag:s15] =	ssyncadd.s32 $0xFFFFE700  }
0x1e: {  	s23 =	rddreg [dreg:$0x2]  }
0x1f: {  	[spmem:s17], [sflag:s16] =	dma.local [hbm:s23], $0x2800  }
0x20: {  	_ =	swait.ge [sflag:s15], $0x2800  }
0x21: {  	[sflag:s15] =	ssyncset.done $0x0  }
0x22: {  	[sflag:s15] =	ssyncadd.s32 $0xFFFFD800  }
0x23: {  	[bflag:$0x0] =	sbarrier.arrive $0xFFFF  }
0x24: {  	[tilespmem:s19], [sflag:$0x1] =	stream.indirect.gather [hbm4b:s1+s18], $0x80, s5, s18, $0xb8;
	[tilespmem:$0x1D000] =	vst v63  }
0x25: {  	_ = 	snop  }
0x26: {  	[tilespmem:s21], [sflag:$0x2] =	stream.indirect.gather [hbm4b:s1+s18], $0x80, s20, s18, $0xb8;
	[tilespmem:$0x1D000] =	vst v63  }
0x27: {  	_ = 	snop  }
0x28: {  	[tilespmem:s22], [sflag:$0x3] =	stream.linear.gather [hbm4b:s10+s5], $0xC80, $0x38;
	[tilespmem:$0x1D000] =	vst v63  }
0x29: {  	s23 =	simm.s32 $0x3000;
	s24 =	rddreg [dreg:$0x9]  }
0x2a: {  	[tilespmem:s23], [sflag:$0x3] =	stream.linear.gather [hbm4b:s24+s5], $0xC80, $0x38;
	[tilespmem:$0x1D000] =	vst v63  }
0x2b: {  	_ =	swait.ge [sflag:s15], $0x1900  }
0x2c: {  	[sflag:s15] =	ssyncset.done $0x0  }
0x2d: {  	[sflag:s15] =	ssyncadd.s32 $0xFFFFE700  }
0x2e: {  	_ =	swait.ge [sflag:s25], $0x2800  }
0x2f: {  	[sflag:s25] =	ssyncset.done $0x0  }
0x30: {  	s24 =	simm.s32 $0x1000;
	[sflag:s25] =	ssyncadd.s32 $0xFFFFD800  }
0x31: {  	[spmem:s4] =	stream.indirect.scatter.add.f32 [tilespmem:s19], [sflag:$0x3], $0x80, s24, s18, $0xb8;
	[tilespmem:$0x1D000] =	vst v63  }
0x32: {  	_ =	swait.ge [sflag:s15], $0x2800  }
0x33: {  	[sflag:s15] =	ssyncset.done $0x0  }
0x34: {  	s23 =	simm.s32 $0x100;
	[sflag:s15] =	ssyncadd.s32 $0xFFFFD800  }
0x35: {  	[tilespmem:s19], [sflag:$0x1] =	stream.indirect.gather [hbm4b:s1+s18], $0x80, s23, s18, $0xb8;
	[tilespmem:$0x1D000] =	vst v63  }
0x36: {  	_ =	swait.ge [sflag:s26], $0x2800  }
0x37: {  	[sflag:s26] =	ssyncset.done $0x0  }
0x38: {  	s24 =	simm.s32 $0x1080;
	[sflag:s26] =	ssyncadd.s32 $0xFFFFD800  }
0x39: {  	[spmem:s4] =	stream.indirect.scatter.add.f32 [tilespmem:s21], [sflag:$0x3], $0x80, s24, s18, $0xb8;
	[tilespmem:$0x1D000] =	vst v63  }
0x3a: {  	_ =	swait.ge [sflag:s15], $0x2800  }
0x3b: {  	[sflag:s15] =	ssyncset.done $0x0  }
0x3c: {  	s9 =	simm.s32 $0xFFFFD800;
	s24 =	simm.s32 $0x180;
	[sflag:s15] =	ssyncadd.s32 $0xFFFFD800  }
.LBB2_2:
0x3d: {  	[tilespmem:s21], [sflag:$0x2] =	stream.indirect.gather [hbm4b:s1+s18], $0x80, s24, s18, $0xb8;
	[tilespmem:$0x1D000] =	vst v63  }
0x3e: {  	s24 =	smov.u32 s9  }
0x3f: {  	p0 =	sne.s32 s9, $0xFFFFFC00;
	s9 =	sadd.s32 $0x400, s9;
	_ =	swait.ge [sflag:s25], $0x2800  }
0x40: {  	s24 =	sshra.s32 s24, $0x2;
	[sflag:s25] =	ssyncset.done $0x0  }
0x41: {  	s23 =	sadd.s32 $0x1B00, s24;
	[sflag:s25] =	ssyncadd.s32 $0xFFFFD800  }
0x42: {  	[spmem:s4] =	stream.indirect.scatter.add.f32 [tilespmem:s19], [sflag:$0x3], $0x80, s23, s18, $0xb8;
	[tilespmem:$0x1D000] =	vst v63  }
0x43: {  	_ =	swait.ge [sflag:s15], $0x2800  }
0x44: {  	[sflag:s15] =	ssyncset.done $0x0  }
0x45: {  	s23 =	sadd.s32 $0xC00, s24;
	[sflag:s15] =	ssyncadd.s32 $0xFFFFD800  }
0x46: {  	[tilespmem:s19], [sflag:$0x1] =	stream.indirect.gather [hbm4b:s1+s18], $0x80, s23, s18, $0xb8;
	[tilespmem:$0x1D000] =	vst v63  }
0x47: {  	_ =	swait.ge [sflag:s26], $0x2800  }
0x48: {  	[sflag:s26] =	ssyncset.done $0x0  }
.Ltmp0:
0x49: {  	s23 =	sadd.s32 $0x1B80, s24;
	[sflag:s26] =	ssyncadd.s32 $0xFFFFD800;
	(pc) =	sbr.rel @p0 .LBB2_2-.Ltmp0, $4  }
0x4a: {  	[spmem:s4] =	stream.indirect.scatter.add.f32 [tilespmem:s21], [sflag:$0x3], $0x80, s23, s18, $0xb8;
	[tilespmem:$0x1D000] =	vst v63  }
0x4b: {  	_ =	swait.ge [sflag:s15], $0x2800  }
0x4c: {  	[sflag:s15] =	ssyncset.done $0x0  }
0x4d: {  	s24 =	sadd.s32 $0xC80, s24;
	[sflag:s15] =	ssyncadd.s32 $0xFFFFD800  }
0x4e: {  	[tilespmem:s21], [sflag:$0x2] =	stream.indirect.gather [hbm4b:s1+s18], $0x80, s24, s18, $0xb8;
	[tilespmem:$0x1D000] =	vst v63  }
0x4f: {  	_ =	swait.ge [sflag:s25], $0x2800  }
0x50: {  	[sflag:s25] =	ssyncset.done $0x0  }
0x51: {  	[sflag:s25] =	ssyncadd.s32 $0xFFFFD800  }
0x52: {  	[spmem:s4] =	stream.indirect.scatter.add.f32 [tilespmem:s19], [sflag:$0x3], $0x80, s28, s18, $0xb8;
	[tilespmem:$0x1D000] =	vst v63  }
0x53: {  	_ =	swait.ge [sflag:s15], $0x2800  }
0x54: {  	[sflag:s15] =	ssyncset.done $0x0  }
0x55: {  	[sflag:s15] =	ssyncadd.s32 $0xFFFFD800  }
0x56: {  	[tilespmem:s19], [sflag:$0x1] =	stream.indirect.gather [hbm4b:s1+s18], $0x80, s29, s18, $0xb8;
	[tilespmem:$0x1D000] =	vst v63  }
0x57: {  	_ =	swait.ge [sflag:s26], $0x2800  }
0x58: {  	[sflag:s26] =	ssyncset.done $0x0  }
0x59: {  	[sflag:s26] =	ssyncadd.s32 $0xFFFFD800  }
0x5a: {  	[spmem:s4] =	stream.indirect.scatter.add.f32 [tilespmem:s21], [sflag:$0x3], $0x80, s30, s18, $0xb8;
	[tilespmem:$0x1D000] =	vst v63  }
0x5b: {  	_ =	swait.ge [sflag:s15], $0x2800  }
0x5c: {  	[sflag:s15] =	ssyncset.done $0x0  }
0x5d: {  	[sflag:s15] =	ssyncadd.s32 $0xFFFFD800  }
0x5e: {  	[tilespmem:s21], [sflag:$0x2] =	stream.indirect.gather [hbm4b:s1+s18], $0x80, s22, s18, $0xb8;
	[tilespmem:$0x1D000] =	vst v63  }
0x5f: {  	_ =	swait.ge [sflag:s25], $0x2800  }
0x60: {  	[sflag:s25] =	ssyncset.done $0x0  }
0x61: {  	[sflag:s25] =	ssyncadd.s32 $0xFFFFD800  }
0x62: {  	[spmem:s4] =	stream.indirect.scatter.add.f32 [tilespmem:s19], [sflag:$0x3], $0x80, s31, s18, $0xb8;
	[tilespmem:$0x1D000] =	vst v63  }
0x63: {  	_ =	swait.ge [sflag:s15], $0x2800  }
0x64: {  	[sflag:s15] =	ssyncset.done $0x0  }
0x65: {  	[sflag:s15] =	ssyncadd.s32 $0xFFFFD800  }
0x66: {  	[tilespmem:s19], [sflag:$0x1] =	stream.indirect.gather [hbm4b:s1+s18], $0x80, s0, s18, $0xb8;
	[tilespmem:$0x1D000] =	vst v63  }
0x67: {  	_ = 	snop  }
0x68: {  	[tilespmem:s5], [sflag:$0x3] =	stream.linear.gather [hbm4b:s11+s5], $0xC80, $0x38;
	[tilespmem:$0x1D000] =	vst v63  }
0x69: {  	s9 =	sadd.s32 $0x200, s11  }
0x6a: {  	[tilespmem:s14], [sflag:$0x3] =	stream.linear.gather [hbm4b:s9+s5], $0xC80, $0x38;
	[tilespmem:$0x1D000] =	vst v63  }
0x6b: {  	_ =	swait.ge [sflag:s15], $0x1900  }
0x6c: {  	[sflag:s15] =	ssyncset.done $0x0  }
0x6d: {  	[sflag:s15] =	ssyncadd.s32 $0xFFFFE700  }
0x6e: {  	_ =	swait.ge [sflag:s26], $0x2800  }
0x6f: {  	[sflag:s26] =	ssyncset.done $0x0  }
0x70: {  	s24 =	simm.s32 $0x3000;
	[sflag:s26] =	ssyncadd.s32 $0xFFFFD800  }
0x71: {  	[spmem:s4] =	stream.indirect.scatter.add.f32 [tilespmem:s21], [sflag:$0x3], $0x80, s24, s18, $0xb8;
	[tilespmem:$0x1D000] =	vst v63  }
0x72: {  	_ =	swait.ge [sflag:s15], $0x2800  }
0x73: {  	[sflag:s15] =	ssyncset.done $0x0  }
0x74: {  	s23 =	simm.s32 $0x2100;
	[sflag:s15] =	ssyncadd.s32 $0xFFFFD800  }
0x75: {  	[tilespmem:s21], [sflag:$0x2] =	stream.indirect.gather [hbm4b:s1+s18], $0x80, s23, s18, $0xb8;
	[tilespmem:$0x1D000] =	vst v63  }
0x76: {  	_ =	swait.ge [sflag:s25], $0x2800  }
0x77: {  	[sflag:s25] =	ssyncset.done $0x0  }
0x78: {  	s24 =	simm.s32 $0x3080;
	[sflag:s25] =	ssyncadd.s32 $0xFFFFD800  }
0x79: {  	[spmem:s4] =	stream.indirect.scatter.add.f32 [tilespmem:s19], [sflag:$0x3], $0x80, s24, s18, $0xb8;
	[tilespmem:$0x1D000] =	vst v63  }
0x7a: {  	_ =	swait.ge [sflag:s15], $0x2800  }
0x7b: {  	[sflag:s15] =	ssyncset.done $0x0  }
0x7c: {  	s9 =	simm.s32 $0xFFFFD800;
	s24 =	simm.s32 $0x2180;
	[sflag:s15] =	ssyncadd.s32 $0xFFFFD800  }
.LBB2_4:
0x7d: {  	[tilespmem:s19], [sflag:$0x1] =	stream.indirect.gather [hbm4b:s1+s18], $0x80, s24, s18, $0xb8;
	[tilespmem:$0x1D000] =	vst v63  }
0x7e: {  	s23 =	smov.u32 s9  }
0x7f: {  	p0 =	sne.s32 s9, $0xFFFFFC00;
	s9 =	sadd.s32 $0x400, s9;
	_ =	swait.ge [sflag:s26], $0x2800  }
0x80: {  	s23 =	sshra.s32 s23, $0x2;
	[sflag:s26] =	ssyncset.done $0x0  }
0x81: {  	s24 =	sadd.s32 $0x3B00, s23;
	[sflag:s26] =	ssyncadd.s32 $0xFFFFD800  }
0x82: {  	[spmem:s4] =	stream.indirect.scatter.add.f32 [tilespmem:s21], [sflag:$0x3], $0x80, s24, s18, $0xb8;
	[tilespmem:$0x1D000] =	vst v63  }
0x83: {  	_ =	swait.ge [sflag:s15], $0x2800  }
0x84: {  	[sflag:s15] =	ssyncset.done $0x0  }
0x85: {  	s24 =	sadd.s32 $0x2C00, s23;
	[sflag:s15] =	ssyncadd.s32 $0xFFFFD800  }
0x86: {  	[tilespmem:s21], [sflag:$0x2] =	stream.indirect.gather [hbm4b:s1+s18], $0x80, s24, s18, $0xb8;
	[tilespmem:$0x1D000] =	vst v63  }
0x87: {  	_ =	swait.ge [sflag:s25], $0x2800  }
0x88: {  	[sflag:s25] =	ssyncset.done $0x0  }
.Ltmp1:
0x89: {  	s24 =	sadd.s32 $0x3B80, s23;
	[sflag:s25] =	ssyncadd.s32 $0xFFFFD800;
	(pc) =	sbr.rel @p0 .LBB2_4-.Ltmp1, $4  }
0x8a: {  	[spmem:s4] =	stream.indirect.scatter.add.f32 [tilespmem:s19], [sflag:$0x3], $0x80, s24, s18, $0xb8;
	[tilespmem:$0x1D000] =	vst v63  }
0x8b: {  	_ =	swait.ge [sflag:s15], $0x2800  }
0x8c: {  	[sflag:s15] =	ssyncset.done $0x0  }
0x8d: {  	s24 =	sadd.s32 $0x2C80, s23;
	[sflag:s15] =	ssyncadd.s32 $0xFFFFD800  }
0x8e: {  	[tilespmem:s19], [sflag:$0x1] =	stream.indirect.gather [hbm4b:s1+s18], $0x80, s24, s18, $0xb8;
	[tilespmem:$0x1D000] =	vst v63  }
0x8f: {  	_ =	swait.ge [sflag:s26], $0x2800  }
0x90: {  	[sflag:s26] =	ssyncset.done $0x0  }
0x91: {  	[sflag:s26] =	ssyncadd.s32 $0xFFFFD800  }
0x92: {  	[spmem:s4] =	stream.indirect.scatter.add.f32 [tilespmem:s21], [sflag:$0x3], $0x80, s2, s18, $0xb8;
	[tilespmem:$0x1D000] =	vst v63  }
0x93: {  	_ =	swait.ge [sflag:s15], $0x2800  }
0x94: {  	[sflag:s15] =	ssyncset.done $0x0  }
0x95: {  	[sflag:s15] =	ssyncadd.s32 $0xFFFFD800  }
0x96: {  	[tilespmem:s21], [sflag:$0x2] =	stream.indirect.gather [hbm4b:s1+s18], $0x80, s3, s18, $0xb8;
	[tilespmem:$0x1D000] =	vst v63  }
0x97: {  	_ =	swait.ge [sflag:s25], $0x2800  }
0x98: {  	[sflag:s25] =	ssyncset.done $0x0  }
0x99: {  	[sflag:s25] =	ssyncadd.s32 $0xFFFFD800  }
0x9a: {  	[spmem:s4] =	stream.indirect.scatter.add.f32 [tilespmem:s19], [sflag:$0x3], $0x80, s6, s18, $0xb8;
	[tilespmem:$0x1D000] =	vst v63  }
0x9b: {  	_ =	swait.ge [sflag:s15], $0x2800  }
0x9c: {  	[sflag:s15] =	ssyncset.done $0x0  }
0x9d: {  	[sflag:s15] =	ssyncadd.s32 $0xFFFFD800  }
0x9e: {  	[tilespmem:s19], [sflag:$0x1] =	stream.indirect.gather [hbm4b:s1+s18], $0x80, s5, s18, $0xb8;
	[tilespmem:$0x1D000] =	vst v63  }
0x9f: {  	_ =	swait.ge [sflag:s26], $0x2800  }
0xa0: {  	[sflag:s26] =	ssyncset.done $0x0  }
0xa1: {  	[sflag:s26] =	ssyncadd.s32 $0xFFFFD800  }
0xa2: {  	[spmem:s4] =	stream.indirect.scatter.add.f32 [tilespmem:s21], [sflag:$0x3], $0x80, s7, s18, $0xb8;
	[tilespmem:$0x1D000] =	vst v63  }
0xa3: {  	_ =	swait.ge [sflag:s15], $0x2800  }
0xa4: {  	[sflag:s15] =	ssyncset.done $0x0  }
0xa5: {  	[sflag:s15] =	ssyncadd.s32 $0xFFFFD800  }
0xa6: {  	[tilespmem:s21], [sflag:$0x2] =	stream.indirect.gather [hbm4b:s1+s18], $0x80, s20, s18, $0xb8;
	[tilespmem:$0x1D000] =	vst v63  }
0xa7: {  	_ = 	snop  }
0xa8: {  	[tilespmem:s22], [sflag:$0x3] =	stream.linear.gather [hbm4b:s12+s5], $0xC80, $0x38;
	[tilespmem:$0x1D000] =	vst v63  }
0xa9: {  	s9 =	sadd.s32 $0x200, s12;
	s23 =	simm.s32 $0x3000  }
0xaa: {  	[tilespmem:s23], [sflag:$0x3] =	stream.linear.gather [hbm4b:s9+s5], $0xC80, $0x38;
	[tilespmem:$0x1D000] =	vst v63  }
0xab: {  	_ =	swait.ge [sflag:s15], $0x1900  }
0xac: {  	[sflag:s15] =	ssyncset.done $0x0  }
0xad: {  	[sflag:s15] =	ssyncadd.s32 $0xFFFFE700  }
0xae: {  	_ =	swait.ge [sflag:s25], $0x2800  }
0xaf: {  	[sflag:s25] =	ssyncset.done $0x0  }
0xb0: {  	s24 =	simm.s32 $0x1000;
	[sflag:s25] =	ssyncadd.s32 $0xFFFFD800  }
0xb1: {  	[spmem:s4] =	stream.indirect.scatter.add.f32 [tilespmem:s19], [sflag:$0x3], $0x80, s24, s18, $0xb8;
	[tilespmem:$0x1D000] =	vst v63  }
0xb2: {  	_ =	swait.ge [sflag:s15], $0x2800  }
0xb3: {  	[sflag:s15] =	ssyncset.done $0x0  }
0xb4: {  	s23 =	simm.s32 $0x100;
	[sflag:s15] =	ssyncadd.s32 $0xFFFFD800  }
0xb5: {  	[tilespmem:s19], [sflag:$0x1] =	stream.indirect.gather [hbm4b:s1+s18], $0x80, s23, s18, $0xb8;
	[tilespmem:$0x1D000] =	vst v63  }
0xb6: {  	_ =	swait.ge [sflag:s26], $0x2800  }
0xb7: {  	[sflag:s26] =	ssyncset.done $0x0  }
0xb8: {  	s24 =	simm.s32 $0x1080;
	[sflag:s26] =	ssyncadd.s32 $0xFFFFD800  }
0xb9: {  	[spmem:s4] =	stream.indirect.scatter.add.f32 [tilespmem:s21], [sflag:$0x3], $0x80, s24, s18, $0xb8;
	[tilespmem:$0x1D000] =	vst v63  }
0xba: {  	_ =	swait.ge [sflag:s15], $0x2800  }
0xbb: {  	[sflag:s15] =	ssyncset.done $0x0  }
0xbc: {  	s9 =	simm.s32 $0xFFFFD800;
	s24 =	simm.s32 $0x180;
	[sflag:s15] =	ssyncadd.s32 $0xFFFFD800  }
.LBB2_6:
0xbd: {  	[tilespmem:s21], [sflag:$0x2] =	stream.indirect.gather [hbm4b:s1+s18], $0x80, s24, s18, $0xb8;
	[tilespmem:$0x1D000] =	vst v63  }
0xbe: {  	s23 =	smov.u32 s9  }
0xbf: {  	p0 =	sne.s32 s9, $0xFFFFFC00;
	s9 =	sadd.s32 $0x400, s9;
	_ =	swait.ge [sflag:s25], $0x2800  }
0xc0: {  	s23 =	sshra.s32 s23, $0x2;
	[sflag:s25] =	ssyncset.done $0x0  }
0xc1: {  	s24 =	sadd.s32 $0x1B00, s23;
	[sflag:s25] =	ssyncadd.s32 $0xFFFFD800  }
0xc2: {  	[spmem:s4] =	stream.indirect.scatter.add.f32 [tilespmem:s19], [sflag:$0x3], $0x80, s24, s18, $0xb8;
	[tilespmem:$0x1D000] =	vst v63  }
0xc3: {  	_ =	swait.ge [sflag:s15], $0x2800  }
0xc4: {  	[sflag:s15] =	ssyncset.done $0x0  }
0xc5: {  	s24 =	sadd.s32 $0xC00, s23;
	[sflag:s15] =	ssyncadd.s32 $0xFFFFD800  }
0xc6: {  	[tilespmem:s19], [sflag:$0x1] =	stream.indirect.gather [hbm4b:s1+s18], $0x80, s24, s18, $0xb8;
	[tilespmem:$0x1D000] =	vst v63  }
0xc7: {  	_ =	swait.ge [sflag:s26], $0x2800  }
0xc8: {  	[sflag:s26] =	ssyncset.done $0x0  }
.Ltmp2:
0xc9: {  	s24 =	sadd.s32 $0x1B80, s23;
	[sflag:s26] =	ssyncadd.s32 $0xFFFFD800;
	(pc) =	sbr.rel @p0 .LBB2_6-.Ltmp2, $4  }
0xca: {  	[spmem:s4] =	stream.indirect.scatter.add.f32 [tilespmem:s21], [sflag:$0x3], $0x80, s24, s18, $0xb8;
	[tilespmem:$0x1D000] =	vst v63  }
0xcb: {  	_ =	swait.ge [sflag:s15], $0x2800  }
0xcc: {  	[sflag:s15] =	ssyncset.done $0x0  }
0xcd: {  	s24 =	sadd.s32 $0xC80, s23;
	[sflag:s15] =	ssyncadd.s32 $0xFFFFD800  }
0xce: {  	[tilespmem:s21], [sflag:$0x2] =	stream.indirect.gather [hbm4b:s1+s18], $0x80, s24, s18, $0xb8;
	[tilespmem:$0x1D000] =	vst v63  }
0xcf: {  	_ =	swait.ge [sflag:s25], $0x2800  }
0xd0: {  	[sflag:s25] =	ssyncset.done $0x0  }
0xd1: {  	[sflag:s25] =	ssyncadd.s32 $0xFFFFD800  }
0xd2: {  	[spmem:s4] =	stream.indirect.scatter.add.f32 [tilespmem:s19], [sflag:$0x3], $0x80, s28, s18, $0xb8;
	[tilespmem:$0x1D000] =	vst v63  }
0xd3: {  	_ =	swait.ge [sflag:s15], $0x2800  }
0xd4: {  	[sflag:s15] =	ssyncset.done $0x0  }
0xd5: {  	[sflag:s15] =	ssyncadd.s32 $0xFFFFD800  }
0xd6: {  	[tilespmem:s19], [sflag:$0x1] =	stream.indirect.gather [hbm4b:s1+s18], $0x80, s29, s18, $0xb8;
	[tilespmem:$0x1D000] =	vst v63  }
0xd7: {  	_ =	swait.ge [sflag:s26], $0x2800  }
0xd8: {  	[sflag:s26] =	ssyncset.done $0x0  }
0xd9: {  	[sflag:s26] =	ssyncadd.s32 $0xFFFFD800  }
0xda: {  	[spmem:s4] =	stream.indirect.scatter.add.f32 [tilespmem:s21], [sflag:$0x3], $0x80, s30, s18, $0xb8;
	[tilespmem:$0x1D000] =	vst v63  }
0xdb: {  	_ =	swait.ge [sflag:s15], $0x2800  }
0xdc: {  	[sflag:s15] =	ssyncset.done $0x0  }
0xdd: {  	[sflag:s15] =	ssyncadd.s32 $0xFFFFD800  }
0xde: {  	[tilespmem:s21], [sflag:$0x2] =	stream.indirect.gather [hbm4b:s1+s18], $0x80, s22, s18, $0xb8;
	[tilespmem:$0x1D000] =	vst v63  }
0xdf: {  	_ =	swait.ge [sflag:s25], $0x2800  }
0xe0: {  	[sflag:s25] =	ssyncset.done $0x0  }
0xe1: {  	[sflag:s25] =	ssyncadd.s32 $0xFFFFD800  }
0xe2: {  	[spmem:s4] =	stream.indirect.scatter.add.f32 [tilespmem:s19], [sflag:$0x3], $0x80, s31, s18, $0xb8;
	[tilespmem:$0x1D000] =	vst v63  }
0xe3: {  	_ =	swait.ge [sflag:s15], $0x2800  }
0xe4: {  	[sflag:s15] =	ssyncset.done $0x0  }
0xe5: {  	[sflag:s15] =	ssyncadd.s32 $0xFFFFD800  }
0xe6: {  	[tilespmem:s19], [sflag:$0x1] =	stream.indirect.gather [hbm4b:s1+s18], $0x80, s0, s18, $0xb8;
	[tilespmem:$0x1D000] =	vst v63  }
0xe7: {  	_ = 	snop  }
0xe8: {  	[tilespmem:s5], [sflag:$0x3] =	stream.linear.gather [hbm4b:s13+s5], $0xC80, $0x38;
	[tilespmem:$0x1D000] =	vst v63  }
0xe9: {  	s9 =	sadd.s32 $0x200, s13  }
0xea: {  	[tilespmem:s14], [sflag:$0x3] =	stream.linear.gather [hbm4b:s9+s5], $0xC80, $0x38;
	[tilespmem:$0x1D000] =	vst v63  }
0xeb: {  	_ =	swait.ge [sflag:s15], $0x1900  }
0xec: {  	[sflag:s15] =	ssyncset.done $0x0  }
0xed: {  	[sflag:s15] =	ssyncadd.s32 $0xFFFFE700  }
0xee: {  	_ =	swait.ge [sflag:s26], $0x2800  }
0xef: {  	[sflag:s26] =	ssyncset.done $0x0  }
0xf0: {  	s24 =	simm.s32 $0x3000;
	[sflag:s26] =	ssyncadd.s32 $0xFFFFD800  }
0xf1: {  	[spmem:s4] =	stream.indirect.scatter.add.f32 [tilespmem:s21], [sflag:$0x3], $0x80, s24, s18, $0xb8;
	[tilespmem:$0x1D000] =	vst v63  }
0xf2: {  	_ =	swait.ge [sflag:s15], $0x2800  }
0xf3: {  	[sflag:s15] =	ssyncset.done $0x0  }
0xf4: {  	s23 =	simm.s32 $0x2100;
	[sflag:s15] =	ssyncadd.s32 $0xFFFFD800  }
0xf5: {  	[tilespmem:s21], [sflag:$0x2] =	stream.indirect.gather [hbm4b:s1+s18], $0x80, s23, s18, $0xb8;
	[tilespmem:$0x1D000] =	vst v63  }
0xf6: {  	_ =	swait.ge [sflag:s25], $0x2800  }
0xf7: {  	[sflag:s25] =	ssyncset.done $0x0  }
0xf8: {  	s24 =	simm.s32 $0x3080;
	[sflag:s25] =	ssyncadd.s32 $0xFFFFD800  }
0xf9: {  	[spmem:s4] =	stream.indirect.scatter.add.f32 [tilespmem:s19], [sflag:$0x3], $0x80, s24, s18, $0xb8;
	[tilespmem:$0x1D000] =	vst v63  }
0xfa: {  	_ =	swait.ge [sflag:s15], $0x2800  }
0xfb: {  	[sflag:s15] =	ssyncset.done $0x0  }
0xfc: {  	s9 =	simm.s32 $0xFFFFD800;
	s24 =	simm.s32 $0x2180;
	[sflag:s15] =	ssyncadd.s32 $0xFFFFD800  }
.LBB2_8:
0xfd: {  	[tilespmem:s19], [sflag:$0x1] =	stream.indirect.gather [hbm4b:s1+s18], $0x80, s24, s18, $0xb8;
	[tilespmem:$0x1D000] =	vst v63  }
0xfe: {  	s23 =	smov.u32 s9  }
0xff: {  	p0 =	sne.s32 s9, $0xFFFFFC00;
	s9 =	sadd.s32 $0x400, s9;
	_ =	swait.ge [sflag:s26], $0x2800  }
0x100: {  	s23 =	sshra.s32 s23, $0x2;
	[sflag:s26] =	ssyncset.done $0x0  }
0x101: {  	s24 =	sadd.s32 $0x3B00, s23;
	[sflag:s26] =	ssyncadd.s32 $0xFFFFD800  }
0x102: {  	[spmem:s4] =	stream.indirect.scatter.add.f32 [tilespmem:s21], [sflag:$0x3], $0x80, s24, s18, $0xb8;
	[tilespmem:$0x1D000] =	vst v63  }
0x103: {  	_ =	swait.ge [sflag:s15], $0x2800  }
0x104: {  	[sflag:s15] =	ssyncset.done $0x0  }
0x105: {  	s24 =	sadd.s32 $0x2C00, s23;
	[sflag:s15] =	ssyncadd.s32 $0xFFFFD800  }
0x106: {  	[tilespmem:s21], [sflag:$0x2] =	stream.indirect.gather [hbm4b:s1+s18], $0x80, s24, s18, $0xb8;
	[tilespmem:$0x1D000] =	vst v63  }
0x107: {  	_ =	swait.ge [sflag:s25], $0x2800  }
0x108: {  	[sflag:s25] =	ssyncset.done $0x0  }
.Ltmp3:
0x109: {  	s24 =	sadd.s32 $0x3B80, s23;
	[sflag:s25] =	ssyncadd.s32 $0xFFFFD800;
	(pc) =	sbr.rel @p0 .LBB2_8-.Ltmp3, $4  }
0x10a: {  	[spmem:s4] =	stream.indirect.scatter.add.f32 [tilespmem:s19], [sflag:$0x3], $0x80, s24, s18, $0xb8;
	[tilespmem:$0x1D000] =	vst v63  }
0x10b: {  	_ =	swait.ge [sflag:s15], $0x2800  }
0x10c: {  	[sflag:s15] =	ssyncset.done $0x0  }
0x10d: {  	s24 =	sadd.s32 $0x2C80, s23;
	[sflag:s15] =	ssyncadd.s32 $0xFFFFD800  }
0x10e: {  	[tilespmem:s19], [sflag:$0x1] =	stream.indirect.gather [hbm4b:s1+s18], $0x80, s24, s18, $0xb8;
	[tilespmem:$0x1D000] =	vst v63  }
0x10f: {  	_ =	swait.ge [sflag:s26], $0x2800  }
0x110: {  	[sflag:s26] =	ssyncset.done $0x0  }
0x111: {  	[sflag:s26] =	ssyncadd.s32 $0xFFFFD800  }
0x112: {  	[spmem:s4] =	stream.indirect.scatter.add.f32 [tilespmem:s21], [sflag:$0x3], $0x80, s2, s18, $0xb8;
	[tilespmem:$0x1D000] =	vst v63  }
0x113: {  	_ =	swait.ge [sflag:s15], $0x2800  }
0x114: {  	[sflag:s15] =	ssyncset.done $0x0  }
0x115: {  	[sflag:s15] =	ssyncadd.s32 $0xFFFFD800  }
0x116: {  	[tilespmem:s21], [sflag:$0x2] =	stream.indirect.gather [hbm4b:s1+s18], $0x80, s3, s18, $0xb8;
	[tilespmem:$0x1D000] =	vst v63  }
0x117: {  	_ =	swait.ge [sflag:s25], $0x2800  }
0x118: {  	[sflag:s25] =	ssyncset.done $0x0  }
0x119: {  	[sflag:s25] =	ssyncadd.s32 $0xFFFFD800  }
0x11a: {  	[spmem:s4] =	stream.indirect.scatter.add.f32 [tilespmem:s19], [sflag:$0x3], $0x80, s6, s18, $0xb8;
	[tilespmem:$0x1D000] =	vst v63  }
0x11b: {  	_ =	swait.ge [sflag:s15], $0x2800  }
0x11c: {  	[sflag:s15] =	ssyncset.done $0x0  }
0x11d: {  	[sflag:s15] =	ssyncadd.s32 $0xFFFFD800  }
0x11e: {  	[tilespmem:s19], [sflag:$0x1] =	stream.indirect.gather [hbm4b:s1+s18], $0x80, s5, s18, $0xb8;
	[tilespmem:$0x1D000] =	vst v63  }
0x11f: {  	_ =	swait.ge [sflag:s26], $0x2800  }
0x120: {  	[sflag:s26] =	ssyncset.done $0x0  }
0x121: {  	[sflag:s26] =	ssyncadd.s32 $0xFFFFD800  }
0x122: {  	[spmem:s4] =	stream.indirect.scatter.add.f32 [tilespmem:s21], [sflag:$0x3], $0x80, s7, s18, $0xb8;
	[tilespmem:$0x1D000] =	vst v63  }
0x123: {  	_ =	swait.ge [sflag:s15], $0x2800  }
0x124: {  	[sflag:s15] =	ssyncset.done $0x0  }
0x125: {  	[sflag:s15] =	ssyncadd.s32 $0xFFFFD800  }
0x126: {  	[tilespmem:s21], [sflag:$0x2] =	stream.indirect.gather [hbm4b:s1+s18], $0x80, s20, s18, $0xb8;
	[tilespmem:$0x1D000] =	vst v63  }
0x127: {  	_ =	swait.ge [sflag:s25], $0x2800  }
0x128: {  	[sflag:s25] =	ssyncset.done $0x0  }
0x129: {  	s9 =	simm.s32 $0x1000;
	[sflag:s25] =	ssyncadd.s32 $0xFFFFD800  }
0x12a: {  	[spmem:s4] =	stream.indirect.scatter.add.f32 [tilespmem:s19], [sflag:$0x3], $0x80, s9, s18, $0xb8;
	[tilespmem:$0x1D000] =	vst v63  }
0x12b: {  	_ =	swait.ge [sflag:s15], $0x2800  }
0x12c: {  	[sflag:s15] =	ssyncset.done $0x0  }
0x12d: {  	s23 =	simm.s32 $0x100;
	[sflag:s15] =	ssyncadd.s32 $0xFFFFD800  }
0x12e: {  	[tilespmem:s19], [sflag:$0x1] =	stream.indirect.gather [hbm4b:s1+s18], $0x80, s23, s18, $0xb8;
	[tilespmem:$0x1D000] =	vst v63  }
0x12f: {  	_ =	swait.ge [sflag:s26], $0x2800  }
0x130: {  	[sflag:s26] =	ssyncset.done $0x0  }
0x131: {  	s24 =	simm.s32 $0x1080;
	[sflag:s26] =	ssyncadd.s32 $0xFFFFD800  }
0x132: {  	[spmem:s4] =	stream.indirect.scatter.add.f32 [tilespmem:s21], [sflag:$0x3], $0x80, s24, s18, $0xb8;
	[tilespmem:$0x1D000] =	vst v63  }
0x133: {  	_ =	swait.ge [sflag:s15], $0x2800  }
0x134: {  	[sflag:s15] =	ssyncset.done $0x0  }
0x135: {  	s9 =	simm.s32 $0xFFFFD800;
	s24 =	simm.s32 $0x180;
	[sflag:s15] =	ssyncadd.s32 $0xFFFFD800  }
.LBB2_10:
0x136: {  	[tilespmem:s21], [sflag:$0x2] =	stream.indirect.gather [hbm4b:s1+s18], $0x80, s24, s18, $0xb8;
	[tilespmem:$0x1D000] =	vst v63  }
0x137: {  	s23 =	smov.u32 s9  }
0x138: {  	p0 =	sne.s32 s9, $0xFFFFFC00;
	s9 =	sadd.s32 $0x400, s9;
	_ =	swait.ge [sflag:s25], $0x2800  }
0x139: {  	s23 =	sshra.s32 s23, $0x2;
	[sflag:s25] =	ssyncset.done $0x0  }
0x13a: {  	s24 =	sadd.s32 $0x1B00, s23;
	[sflag:s25] =	ssyncadd.s32 $0xFFFFD800  }
0x13b: {  	[spmem:s4] =	stream.indirect.scatter.add.f32 [tilespmem:s19], [sflag:$0x3], $0x80, s24, s18, $0xb8;
	[tilespmem:$0x1D000] =	vst v63  }
0x13c: {  	_ =	swait.ge [sflag:s15], $0x2800  }
0x13d: {  	[sflag:s15] =	ssyncset.done $0x0  }
0x13e: {  	s24 =	sadd.s32 $0xC00, s23;
	[sflag:s15] =	ssyncadd.s32 $0xFFFFD800  }
0x13f: {  	[tilespmem:s19], [sflag:$0x1] =	stream.indirect.gather [hbm4b:s1+s18], $0x80, s24, s18, $0xb8;
	[tilespmem:$0x1D000] =	vst v63  }
0x140: {  	_ =	swait.ge [sflag:s26], $0x2800  }
0x141: {  	[sflag:s26] =	ssyncset.done $0x0  }
.Ltmp4:
0x142: {  	s24 =	sadd.s32 $0x1B80, s23;
	[sflag:s26] =	ssyncadd.s32 $0xFFFFD800;
	(pc) =	sbr.rel @p0 .LBB2_10-.Ltmp4, $4  }
0x143: {  	[spmem:s4] =	stream.indirect.scatter.add.f32 [tilespmem:s21], [sflag:$0x3], $0x80, s24, s18, $0xb8;
	[tilespmem:$0x1D000] =	vst v63  }
0x144: {  	_ =	swait.ge [sflag:s15], $0x2800  }
0x145: {  	[sflag:s15] =	ssyncset.done $0x0  }
0x146: {  	s24 =	sadd.s32 $0xC80, s23;
	[sflag:s15] =	ssyncadd.s32 $0xFFFFD800  }
0x147: {  	[tilespmem:s21], [sflag:$0x2] =	stream.indirect.gather [hbm4b:s1+s18], $0x80, s24, s18, $0xb8;
	[tilespmem:$0x1D000] =	vst v63  }
0x148: {  	_ =	swait.ge [sflag:s25], $0x2800  }
0x149: {  	[sflag:s25] =	ssyncset.done $0x0  }
0x14a: {  	[sflag:s25] =	ssyncadd.s32 $0xFFFFD800  }
0x14b: {  	[spmem:s4] =	stream.indirect.scatter.add.f32 [tilespmem:s19], [sflag:$0x3], $0x80, s28, s18, $0xb8;
	[tilespmem:$0x1D000] =	vst v63  }
0x14c: {  	_ =	swait.ge [sflag:s15], $0x2800  }
0x14d: {  	[sflag:s15] =	ssyncset.done $0x0  }
0x14e: {  	[sflag:s15] =	ssyncadd.s32 $0xFFFFD800  }
0x14f: {  	[tilespmem:s19], [sflag:$0x1] =	stream.indirect.gather [hbm4b:s1+s18], $0x80, s29, s18, $0xb8;
	[tilespmem:$0x1D000] =	vst v63  }
0x150: {  	_ =	swait.ge [sflag:s26], $0x2800  }
0x151: {  	[sflag:s26] =	ssyncset.done $0x0  }
0x152: {  	[sflag:s26] =	ssyncadd.s32 $0xFFFFD800  }
0x153: {  	[spmem:s4] =	stream.indirect.scatter.add.f32 [tilespmem:s21], [sflag:$0x3], $0x80, s30, s18, $0xb8;
	[tilespmem:$0x1D000] =	vst v63  }
0x154: {  	_ =	swait.ge [sflag:s15], $0x2800  }
0x155: {  	[sflag:s15] =	ssyncset.done $0x0  }
0x156: {  	[sflag:s15] =	ssyncadd.s32 $0xFFFFD800  }
0x157: {  	_ =	swait.ge [sflag:s25], $0x2800  }
0x158: {  	[sflag:s25] =	ssyncset.done $0x0  }
0x159: {  	[sflag:s25] =	ssyncadd.s32 $0xFFFFD800  }
0x15a: {  	[spmem:s4] =	stream.indirect.scatter.add.f32 [tilespmem:s19], [sflag:$0x3], $0x80, s31, s18, $0xb8;
	[tilespmem:$0x1D000] =	vst v63  }
0x15b: {  	_ =	swait.ge [sflag:s15], $0x2800  }
0x15c: {  	[sflag:s15] =	ssyncset.done $0x0  }
0x15d: {  	[sflag:s15] =	ssyncadd.s32 $0xFFFFD800  }
0x15e: {  	[bflag:$0x0] =	sbarrier.arrive $0xFFFF  }
0x15f: {  	s9 =	rddreg [dreg:$0x6]  }
0x160: {  	[hbm:s9], [sflag:s16] =	dma.local [spmem:s17], $0x2800  }
0x161: {  	_ =	swait.ge [sflag:s15], $0x2800  }
0x162: {  	s8 =	sadd.s32 $0x1, s8;
	s24 =	rddreg [dreg:$0x7]  }
0x163: {  	p0 =	sne.s32 s8, s24  }
.Ltmp5:
0x164: {  	_ = 	snop;
	(pc) =	sbr.rel @p0 .LBB2_1-.Ltmp5, $3  }
0x165: {  	_ =	sdelay $0x1  }
0x166: {  	[sflag:s15] =	ssyncset.done $0x0  }
0x167: {  	[sflag:s15] =	ssyncadd.s32 $0xFFFFD800  }
0x168: {  	_ =	sfence.sel $0x180000  }
0x169: {  	[bflag:$0x0] =	sbarrier.arrive $0xFFFF  }
0x16a: {  	_ =	strace $0x90000047  }
0x16b: {  	s0 =	stileid.u32;
	[bflag:$0x2] =	sbarrier.arrive $0xFFFF  }
0x16c: {  	p0 =	sne.s32 s0, $0x0;
	s0 =	rddreg [dreg:$0x4]  }
0x16d: {  	s0 =	sadd.s32 @!p0 $0x100000, s0  }
0x16e: {  	[sflag:s0] =	ssyncadd.tile.s32 @!p0 $0x1;
	_ =	shalt  }
.Lfunc_end2:
_tile_overlayer_lowered:
.L_overlay_start_2:
0x16f: {  	(tag) =	ssettag $0x2  }
0x170: {  	s0 =	rddreg [dreg:$0x0];
	s2 =	stileid.u32  }
0x171: {  	s1 =	rddreg [dreg:$0x1];
	p0 =	sne.s32 s2, $0x0  }
0x172: {  	s3 =	rddreg [dreg:$0x2];
	[bflag:$0x3] =	sbarrier.arrive $0xFFFF;
	s2 =	simm.s32 @!p0 $0x1C03  }
0x173: {  	[timem:s3], [sflag:s2] =	dma.local @!p0 [hbm:s0], s1  }
0x174: {  	s0 =	simm.s32 @!p0 $0x3  }
0x175: {  	_ =	swait.ge @!p0 [sflag:s0], s1  }
0x176: {  	s1 =	ssub.s32 @!p0 $0x0, s1;
	[sflag:s0] =	ssyncset.done @!p0 $0x0  }
0x177: {  	[sflag:s0] =	ssyncadd.s32 @!p0 s1  }
0x178: {  	[bflag:$0x3] =	sbarrier.arrive $0xFFFF  }
0x179: {  	_ =	shalt  }

</sc_bundles>
